<compile_context>
chip_gen: v7x
topology: tpu7x:2x2x1
jax: 0.10.2.dev20260603
libtpu: 0.0.44.dev20260713+nightly
codegen_flags: <defaults>
</compile_context>

<pallas_src>
import functools

import jax
import jax.numpy as jnp
import numpy as np
from jax import lax
from jax.experimental import pallas as pl
from jax.experimental.pallas import tpu as pltpu
from jax.experimental.pallas import tpu_sc as plsc

B = 256
G = 8192

_RAND_INDEX = [
    5316, 4114, 1207, 7361, 653, 7531, 2433, 2343, 6150, 5378, 552, 6130,
    7577, 475, 8140, 1810, 5707, 4994, 2883, 519, 3638, 651, 2316, 7875,
    3180, 1553, 7152, 539, 6428, 3383, 6405, 676, 1493, 2094, 3123, 2068,
    4910, 6066, 3921, 6125, 5895, 5700, 3735, 381, 7033, 4288, 3388, 6820,
    4899, 5645, 5780, 7899, 978, 371, 2040, 439, 2059, 5458, 1883, 3001,
    6937, 7942, 1824, 3720, 1667, 6521, 4404, 4704, 578, 3257, 3244, 3909,
    7155, 6189, 3748, 508, 3374, 5034, 1585, 5217, 5655, 1744, 7605, 5932,
    7601, 1848, 4952, 2104, 5544, 7166, 5215, 3733, 2878, 6840, 1171, 7129,
    3063, 1503, 7354, 5089, 4913, 3420, 4389, 5668, 5247, 6604, 2622, 4642,
    4761, 3225, 6011, 5119, 1315, 7868, 3393, 3683, 7557, 6408, 3934, 5731,
    1667, 832, 3330, 1091, 5474, 3284, 3278, 4998, 593, 1628, 3351, 2722,
    2722, 93, 2287, 6886, 857, 874, 2257, 2881, 6343, 7756, 7835, 3932,
    6546, 7590, 7467, 5891, 625, 2593, 3015, 1586, 1643, 6448, 8096, 1619,
    3758, 1169, 7563, 1434, 5166, 1620, 5910, 2643, 3726, 1755, 1359, 4639,
    408, 7471, 3879, 4468, 2788, 7393, 1302, 2575, 1902, 456, 2082, 7219,
    6916, 5221, 2806, 3591, 6527, 7302, 7621, 6264, 3756, 2197, 6509, 4269,
    5812, 1421, 7255, 6611, 3904, 6603, 1718, 5566, 5609, 2089, 7601, 5989,
    1247, 2352, 7874, 354, 6639, 609, 6761, 591, 2073, 6068, 6231, 7859,
    5117, 4210, 4043, 249, 6532, 6092, 497, 2219, 4336, 7533, 1568, 788,
    5468, 5684, 1149, 2249, 2463, 1753, 438, 3755, 2280, 6100, 3767, 7525,
    1525, 5568, 1568, 5114, 6289, 889, 7445, 2520, 3648, 5802, 7074, 225,
    7932, 1511, 5370, 2832,
]
_AOFF = np.asarray(_RAND_INDEX, dtype=np.int32) * 3
K = int(0.6 * G)
NC, NS, L = 2, 16, 16
NW = NC * NS
ROWS = B // NW
NCHUNK = G // L
NBINS = 256
HIST = L * NBINS

_mesh = plsc.VectorSubcoreMesh(
    core_axis_name="c", subcore_axis_name="s", num_cores=NC, num_subcores=NS
)


@functools.partial(
    pl.kernel,
    out_type=jax.ShapeDtypeStruct((B, G), jnp.int32),
    mesh=_mesh,
    scratch_types=[
        pltpu.VMEM((2 * G * 3,), jnp.float32),
        pltpu.VMEM((G,), jnp.int32),
        pltpu.VMEM((2 * G,), jnp.int32),
        pltpu.VMEM((HIST,), jnp.int32),
        pltpu.SMEM((B,), jnp.int32),
        pltpu.SemaphoreType.DMA,
        pltpu.SemaphoreType.DMA,
        pltpu.SemaphoreType.DMA,
    ],
    compiler_params=pltpu.CompilerParams(
        use_tc_tiling_on_sc=False, needs_layout_passes=False
    ),
)
def _mask_kernel(
    center_hbm, out_hbm, pts, bits, mask, hist, ivv, isem, osem0, osem1
):
    wid = lax.axis_index("s") * NC + lax.axis_index("c")
    zeros = jnp.zeros((L,), jnp.int32)
    ones = jnp.ones((L,), jnp.int32)
    lane = lax.iota(jnp.int32, L)
    lane_off = lane * NBINS
    stride3 = lane * 3

    for j in range(B):
        ivv[j] = jnp.int32(int(_AOFF[j]))

    @plsc.parallel_loop(0, HIST // L, unroll=8)
    def _clr(i):
        hist[pl.ds(i * L, L)] = zeros

    def scan_hist(r0):

        def grp(j, carry):
            tot, b_acc, below, hb = carry
            s = zeros
            for l in range(L):
                off = j * L
                v = hist[pl.ds(off + l * NBINS, L)]
                hist[pl.ds(off + l * NBINS, L)] = zeros
                s = s + v
            cum = plsc.cumsum(s) + tot
            le = cum <= r0
            cross = jnp.logical_and(cum - s <= r0, jnp.logical_not(le))
            b_acc = b_acc + jnp.sum(jnp.where(le, 1, 0))
            below = below + jnp.sum(jnp.where(le, s, 0))
            hb = hb + jnp.sum(jnp.where(cross, s, 0))
            tot = tot + jnp.sum(s)
            return (tot, b_acc, below, hb)

        _, b, below, hb = lax.fori_loop(0, NBINS // L, grp, (0, 0, 0, 0))
        return b, r0 - below, hb

    pltpu.sync_copy(center_hbm.at[wid * ROWS], pts.at[pl.ds(0, G * 3)])

    def row_body(i, c):
        row = wid * ROWS + i
        par = jnp.bitwise_and(i, 1)
        base = par * (G * 3)
        nbase = (1 - par) * (G * 3)
        obase = par * G

        @pl.when(i < ROWS - 1)
        def _prefetch():
            pltpu.async_copy(
                center_hbm.at[row + 1], pts.at[pl.ds(nbase, G * 3)], isem
            )

        iv = jnp.full((L,), ivv[row] + base, jnp.int32)
        ax = plsc.load_gather(pts, [iv])
        ay = plsc.load_gather(pts, [iv + 1])
        az = plsc.load_gather(pts, [iv + 2])

        @plsc.parallel_loop(0, NCHUNK, unroll=8)
        def pass_a(cc):
            i0 = base + cc * (3 * L) + stride3
            x = plsc.load_gather(pts, [i0])
            y = plsc.load_gather(pts, [i0 + 1])
            z = plsc.load_gather(pts, [i0 + 2])
            dx = x - ax
            dy = y - ay
            dz = z - az
            d2 = dx * dx + dy * dy + dz * dz
            bv = plsc.bitcast(d2, jnp.int32)
            bits[pl.ds(cc * L, L)] = bv
            bkt = lax.shift_right_logical(bv, 23)
            plsc.addupdate_scatter(hist, [lane_off + bkt], ones)

        b1, r0, _ = scan_hist(K - 1)

        def run_pass(hi_shift, lo_shift, width_mask, prefix):
            @plsc.parallel_loop(0, NCHUNK, unroll=8)
            def _p(cc):
                bv = bits[pl.ds(cc * L, L)]
                m = lax.shift_right_logical(bv, hi_shift) == prefix
                bkt = jnp.bitwise_and(
                    lax.shift_right_logical(bv, lo_shift), width_mask
                )
                plsc.addupdate_scatter(hist, [lane_off + bkt], ones, mask=m)

        run_pass(23, 15, 0xFF, b1)
        b2, r0, _ = scan_hist(r0)
        p2 = b1 * 256 + b2
        run_pass(15, 7, 0xFF, p2)
        b3, r0, _ = scan_hist(r0)
        p3 = p2 * 256 + b3
        run_pass(7, 0, 0x7F, p3)
        b4, r0, hb = scan_hist(r0)
        t = p3 * 128 + b4
        need = r0 + 1

        @pl.when(jnp.logical_and(i >= 2, par == 0))
        def _drain0():
            pltpu.make_async_copy(
                mask.at[pl.ds(0, G)], out_hbm.at[row], osem0
            ).wait()

        @pl.when(jnp.logical_and(i >= 2, par == 1))
        def _drain1():
            pltpu.make_async_copy(
                mask.at[pl.ds(G, G)], out_hbm.at[row], osem1
            ).wait()

        def pass_e_fast(_):
            @plsc.parallel_loop(0, NCHUNK, unroll=8)
            def body(cc):
                bv = bits[pl.ds(cc * L, L)]
                mask[pl.ds(obase + cc * L, L)] = jnp.where(bv <= t, 1, 0)

            return 0

        def pass_e_tie(_):
            def body(cc, cnt):
                bv = bits[pl.ds(cc * L, L)]
                lt = bv < t
                eq = bv == t
                eqi = jnp.where(eq, 1, 0)
                pc = plsc.cumsum(eqi) + cnt
                sel = jnp.logical_and(eq, pc <= need)
                mask[pl.ds(obase + cc * L, L)] = jnp.where(
                    jnp.logical_or(lt, sel), 1, 0
                )
                return cnt + jnp.sum(eqi)

            return lax.fori_loop(0, NCHUNK, body, 0, unroll=8)

        lax.cond(hb == need, pass_e_fast, pass_e_tie, 0)

        @pl.when(par == 0)
        def _out0():
            pltpu.async_copy(mask.at[pl.ds(0, G)], out_hbm.at[row], osem0)

        @pl.when(par == 1)
        def _out1():
            pltpu.async_copy(mask.at[pl.ds(G, G)], out_hbm.at[row], osem1)

        @pl.when(i < ROWS - 1)
        def _wait_in():
            pltpu.make_async_copy(
                center_hbm.at[row + 1], pts.at[pl.ds(nbase, G * 3)], isem
            ).wait()

        return c

    lax.fori_loop(0, ROWS, row_body, 0)

    pltpu.make_async_copy(
        mask.at[pl.ds(0, G)], out_hbm.at[wid * ROWS + ROWS - 2], osem0
    ).wait()
    pltpu.make_async_copy(
        mask.at[pl.ds(G, G)], out_hbm.at[wid * ROWS + ROWS - 1], osem1
    ).wait()


def kernel(center):
    b, g, _ = center.shape
    flat = center.reshape(b, g * 3)
    out = _mask_kernel(flat)
    return out.astype(jnp.bool_)

# --- scband reference (transcript-rebuilt; emitter-appended) ---
"""Pipeline reference for scband-mask-13168369730244 (READ-ONLY COPY).

The authoritative reference and input builder live on the scoring server;
editing this copy changes nothing except your own understanding.
"""

import jax, jax.numpy as jnp
import numpy as np

MASK_RATIO = 0.6
B, G = 256, 8192


def setup_inputs(seed: int = 0) -> dict:
    key = jax.random.key(seed)
    center = jax.random.normal(key, (B, G, 3), dtype=jnp.float32)
    return {"center": center}


def reference(center):
    # Faithful jax translation of Mask._mask_center_block (mask_type='block').
    # For each batch row: pick a random anchor point, compute L2 distance from the
    # anchor to every point, argsort ascending, mask the closest mask_num points.
    b, g, _ = center.shape
    mask_num = int(MASK_RATIO * g)
    # random.randint(0, points.size(1) - 1) per batch row -> jax.random.randint
    idx_key = jax.random.key(42)
    rand_index = jax.random.randint(idx_key, (b,), 0, g)

    def one_row(points, index):
        # points: (G, 3), index: scalar int
        anchor = points[index]  # (3,) -- gather
        # torch.norm(points[:, index].reshape(1,1,3) - points, p=2, dim=-1)
        dist = jnp.linalg.norm(anchor[None, :] - points, ord=2, axis=-1)  # (G,)
        order = jnp.argsort(dist)  # ascending, like torch.argsort(descending=False)
        mask = jnp.zeros((g,), dtype=jnp.float32)
        mask = mask.at[order[:mask_num]].set(1.0)  # scatter-overwrite
        return mask.astype(jnp.bool_)

    bool_masked_pos = jax.vmap(one_row)(center, rand_index)  # (B, G) bool
    return bool_masked_pos

if __name__ == "__main__":
    import jax
    _d = setup_inputs()
    print(jax.jit(kernel)(*tuple(_d.values())))

</pallas_src>

<mosaic_0001>
#map = affine_map<(d0, d1) -> (0, 0)>
module attributes {stable_mosaic.version = 14 : i64} {
  func.func @_mask_kernel(%arg0: i32, %arg1: i32, %arg2: memref<256x24576xf32, #tpu.memory_space<hbm>>, %arg3: memref<256x8192xi32, #tpu.memory_space<hbm>>, %arg4: memref<49152xf32, #tpu.memory_space<vmem>>, %arg5: memref<8192xi32, #tpu.memory_space<vmem>>, %arg6: memref<16384xi32, #tpu.memory_space<vmem>>, %arg7: memref<4096xi32, #tpu.memory_space<vmem>>, %arg8: memref<256xi32, #tpu.memory_space<smem>>, %arg9: memref<!tpu.dma_semaphore, #tpu.memory_space<semaphore_mem>>, %arg10: memref<!tpu.dma_semaphore, #tpu.memory_space<semaphore_mem>>, %arg11: memref<!tpu.dma_semaphore, #tpu.memory_space<semaphore_mem>>) attributes {dimension_semantics = [#tpu.dimension_semantics<core_parallel>, #tpu.dimension_semantics<subcore_parallel>], iteration_bounds = array<i64: 2, 16>, scalar_prefetch = 0 : i64, scratch_operands = 8 : i64, tpu.core_type = #tpu.core_type<sc_vector_subcore>, window_params = [{transform_indices = #map}, {transform_indices = #map}]} {
    %mul3A = arith.constant 2 : i32
    %mul3A_0 = arith.muli %arg1, %mul3A : i32
    %add3A = arith.addi %mul3A_0, %arg0 : i32
    %broadcast_in_dim3A = arith.constant 0 : i32
    %broadcast_in_dim3A_1 = vector.broadcast %broadcast_in_dim3A : i32 to vector<16xi32>
    %broadcast_in_dim3A_2 = arith.constant 1 : i32
    %broadcast_in_dim3A_3 = vector.broadcast %broadcast_in_dim3A_2 : i32 to vector<16xi32>
    %iota3A = tpu.iota {dimensions = array<i32: 0>} : vector<16xi32>
    %mul3A_4 = arith.constant 256 : i32
    %mul3A_5 = vector.broadcast %mul3A_4 : i32 to vector<16xi32>
    %mul3A_6 = arith.muli %iota3A, %mul3A_5 : vector<16xi32>
    %mul3A_7 = arith.constant 3 : i32
    %mul3A_8 = vector.broadcast %mul3A_7 : i32 to vector<16xi32>
    %mul3A_9 = arith.muli %iota3A, %mul3A_8 : vector<16xi32>
    %swap3A = arith.constant 15948 : i32
    %swap3A_10 = arith.constant 0 : i32
    %swap3A_11 = arith.index_cast %swap3A_10 : i32 to index
    %swap3A_12 = memref.load %arg8[%swap3A_11] : memref<256xi32, #tpu.memory_space<smem>>
    memref.store %swap3A, %arg8[%swap3A_11] : memref<256xi32, #tpu.memory_space<smem>>
    %swap3A_13 = arith.constant 12342 : i32
    %swap3A_14 = arith.constant 1 : i32
    %swap3A_15 = arith.index_cast %swap3A_14 : i32 to index
    %swap3A_16 = memref.load %arg8[%swap3A_15] : memref<256xi32, #tpu.memory_space<smem>>
    memref.store %swap3A_13, %arg8[%swap3A_15] : memref<256xi32, #tpu.memory_space<smem>>
    %swap3A_17 = arith.constant 3621 : i32
    %swap3A_18 = arith.constant 2 : i32
    %swap3A_19 = arith.index_cast %swap3A_18 : i32 to index
    %swap3A_20 = memref.load %arg8[%swap3A_19] : memref<256xi32, #tpu.memory_space<smem>>
    memref.store %swap3A_17, %arg8[%swap3A_19] : memref<256xi32, #tpu.memory_space<smem>>
    %swap3A_21 = arith.constant 22083 : i32
    %swap3A_22 = arith.constant 3 : i32
    %swap3A_23 = arith.index_cast %swap3A_22 : i32 to index
    %swap3A_24 = memref.load %arg8[%swap3A_23] : memref<256xi32, #tpu.memory_space<smem>>
    memref.store %swap3A_21, %arg8[%swap3A_23] : memref<256xi32, #tpu.memory_space<smem>>
    %swap3A_25 = arith.constant 1959 : i32
    %swap3A_26 = arith.constant 4 : i32
    %swap3A_27 = arith.index_cast %swap3A_26 : i32 to index
    %swap3A_28 = memref.load %arg8[%swap3A_27] : memref<256xi32, #tpu.memory_space<smem>>
    memref.store %swap3A_25, %arg8[%swap3A_27] : memref<256xi32, #tpu.memory_space<smem>>
    %swap3A_29 = arith.constant 22593 : i32
    %swap3A_30 = arith.constant 5 : i32
    %swap3A_31 = arith.index_cast %swap3A_30 : i32 to index
    %swap3A_32 = memref.load %arg8[%swap3A_31] : memref<256xi32, #tpu.memory_space<smem>>
    memref.store %swap3A_29, %arg8[%swap3A_31] : memref<256xi32, #tpu.memory_space<smem>>
    %swap3A_33 = arith.constant 7299 : i32
    %swap3A_34 = arith.constant 6 : i32
    %swap3A_35 = arith.index_cast %swap3A_34 : i32 to index
    %swap3A_36 = memref.load %arg8[%swap3A_35] : memref<256xi32, #tpu.memory_space<smem>>
    memref.store %swap3A_33, %arg8[%swap3A_35] : memref<256xi32, #tpu.memory_space<smem>>
    %swap3A_37 = arith.constant 7029 : i32
    %swap3A_38 = arith.constant 7 : i32
    %swap3A_39 = arith.index_cast %swap3A_38 : i32 to index
    %swap3A_40 = memref.load %arg8[%swap3A_39] : memref<256xi32, #tpu.memory_space<smem>>
    memref.store %swap3A_37, %arg8[%swap3A_39] : memref<256xi32, #tpu.memory_space<smem>>
    %swap3A_41 = arith.constant 18450 : i32
    %swap3A_42 = arith.constant 8 : i32
    %swap3A_43 = arith.index_cast %swap3A_42 : i32 to index
    %swap3A_44 = memref.load %arg8[%swap3A_43] : memref<256xi32, #tpu.memory_space<smem>>
    memref.store %swap3A_41, %arg8[%swap3A_43] : memref<256xi32, #tpu.memory_space<smem>>
    %swap3A_45 = arith.constant 16134 : i32
    %swap3A_46 = arith.constant 9 : i32
    %swap3A_47 = arith.index_cast %swap3A_46 : i32 to index
    %swap3A_48 = memref.load %arg8[%swap3A_47] : memref<256xi32, #tpu.memory_space<smem>>
    memref.store %swap3A_45, %arg8[%swap3A_47] : memref<256xi32, #tpu.memory_space<smem>>
    %swap3A_49 = arith.constant 1656 : i32
    %swap3A_50 = arith.constant 10 : i32
    %swap3A_51 = arith.index_cast %swap3A_50 : i32 to index
    %swap3A_52 = memref.load %arg8[%swap3A_51] : memref<256xi32, #tpu.memory_space<smem>>
    memref.store %swap3A_49, %arg8[%swap3A_51] : memref<256xi32, #tpu.memory_space<smem>>
    %swap3A_53 = arith.constant 18390 : i32
    %swap3A_54 = arith.constant 11 : i32
    %swap3A_55 = arith.index_cast %swap3A_54 : i32 to index
    %swap3A_56 = memref.load %arg8[%swap3A_55] : memref<256xi32, #tpu.memory_space<smem>>
    memref.store %swap3A_53, %arg8[%swap3A_55] : memref<256xi32, #tpu.memory_space<smem>>
    %swap3A_57 = arith.constant 22731 : i32
    %swap3A_58 = arith.constant 12 : i32
    %swap3A_59 = arith.index_cast %swap3A_58 : i32 to index
    %swap3A_60 = memref.load %arg8[%swap3A_59] : memref<256xi32, #tpu.memory_space<smem>>
    memref.store %swap3A_57, %arg8[%swap3A_59] : memref<256xi32, #tpu.memory_space<smem>>
    %swap3A_61 = arith.constant 1425 : i32
    %swap3A_62 = arith.constant 13 : i32
    %swap3A_63 = arith.index_cast %swap3A_62 : i32 to index
    %swap3A_64 = memref.load %arg8[%swap3A_63] : memref<256xi32, #tpu.memory_space<smem>>
    memref.store %swap3A_61, %arg8[%swap3A_63] : memref<256xi32, #tpu.memory_space<smem>>
    %swap3A_65 = arith.constant 24420 : i32
    %swap3A_66 = arith.constant 14 : i32
    %swap3A_67 = arith.index_cast %swap3A_66 : i32 to index
    %swap3A_68 = memref.load %arg8[%swap3A_67] : memref<256xi32, #tpu.memory_space<smem>>
    memref.store %swap3A_65, %arg8[%swap3A_67] : memref<256xi32, #tpu.memory_space<smem>>
    %swap3A_69 = arith.constant 5430 : i32
    %swap3A_70 = arith.constant 15 : i32
    %swap3A_71 = arith.index_cast %swap3A_70 : i32 to index
    %swap3A_72 = memref.load %arg8[%swap3A_71] : memref<256xi32, #tpu.memory_space<smem>>
    memref.store %swap3A_69, %arg8[%swap3A_71] : memref<256xi32, #tpu.memory_space<smem>>
    %swap3A_73 = arith.constant 17121 : i32
    %swap3A_74 = arith.constant 16 : i32
    %swap3A_75 = arith.index_cast %swap3A_74 : i32 to index
    %swap3A_76 = memref.load %arg8[%swap3A_75] : memref<256xi32, #tpu.memory_space<smem>>
    memref.store %swap3A_73, %arg8[%swap3A_75] : memref<256xi32, #tpu.memory_space<smem>>
    %swap3A_77 = arith.constant 14982 : i32
    %swap3A_78 = arith.constant 17 : i32
    %swap3A_79 = arith.index_cast %swap3A_78 : i32 to index
    %swap3A_80 = memref.load %arg8[%swap3A_79] : memref<256xi32, #tpu.memory_space<smem>>
    memref.store %swap3A_77, %arg8[%swap3A_79] : memref<256xi32, #tpu.memory_space<smem>>
    %swap3A_81 = arith.constant 8649 : i32
    %swap3A_82 = arith.constant 18 : i32
    %swap3A_83 = arith.index_cast %swap3A_82 : i32 to index
    %swap3A_84 = memref.load %arg8[%swap3A_83] : memref<256xi32, #tpu.memory_space<smem>>
    memref.store %swap3A_81, %arg8[%swap3A_83] : memref<256xi32, #tpu.memory_space<smem>>
    %swap3A_85 = arith.constant 1557 : i32
    %swap3A_86 = arith.constant 19 : i32
    %swap3A_87 = arith.index_cast %swap3A_86 : i32 to index
    %swap3A_88 = memref.load %arg8[%swap3A_87] : memref<256xi32, #tpu.memory_space<smem>>
    memref.store %swap3A_85, %arg8[%swap3A_87] : memref<256xi32, #tpu.memory_space<smem>>
    %swap3A_89 = arith.constant 10914 : i32
    %swap3A_90 = arith.constant 20 : i32
    %swap3A_91 = arith.index_cast %swap3A_90 : i32 to index
    %swap3A_92 = memref.load %arg8[%swap3A_91] : memref<256xi32, #tpu.memory_space<smem>>
    memref.store %swap3A_89, %arg8[%swap3A_91] : memref<256xi32, #tpu.memory_space<smem>>
    %swap3A_93 = arith.constant 1953 : i32
    %swap3A_94 = arith.constant 21 : i32
    %swap3A_95 = arith.index_cast %swap3A_94 : i32 to index
    %swap3A_96 = memref.load %arg8[%swap3A_95] : memref<256xi32, #tpu.memory_space<smem>>
    memref.store %swap3A_93, %arg8[%swap3A_95] : memref<256xi32, #tpu.memory_space<smem>>
    %swap3A_97 = arith.constant 6948 : i32
    %swap3A_98 = arith.constant 22 : i32
    %swap3A_99 = arith.index_cast %swap3A_98 : i32 to index
    %swap3A_100 = memref.load %arg8[%swap3A_99] : memref<256xi32, #tpu.memory_space<smem>>
    memref.store %swap3A_97, %arg8[%swap3A_99] : memref<256xi32, #tpu.memory_space<smem>>
    %swap3A_101 = arith.constant 23625 : i32
    %swap3A_102 = arith.constant 23 : i32
    %swap3A_103 = arith.index_cast %swap3A_102 : i32 to index
    %swap3A_104 = memref.load %arg8[%swap3A_103] : memref<256xi32, #tpu.memory_space<smem>>
    memref.store %swap3A_101, %arg8[%swap3A_103] : memref<256xi32, #tpu.memory_space<smem>>
    %swap3A_105 = arith.constant 9540 : i32
    %swap3A_106 = arith.constant 24 : i32
    %swap3A_107 = arith.index_cast %swap3A_106 : i32 to index
    %swap3A_108 = memref.load %arg8[%swap3A_107] : memref<256xi32, #tpu.memory_space<smem>>
    memref.store %swap3A_105, %arg8[%swap3A_107] : memref<256xi32, #tpu.memory_space<smem>>
    %swap3A_109 = arith.constant 4659 : i32
    %swap3A_110 = arith.constant 25 : i32
    %swap3A_111 = arith.index_cast %swap3A_110 : i32 to index
    %swap3A_112 = memref.load %arg8[%swap3A_111] : memref<256xi32, #tpu.memory_space<smem>>
    memref.store %swap3A_109, %arg8[%swap3A_111] : memref<256xi32, #tpu.memory_space<smem>>
    %swap3A_113 = arith.constant 21456 : i32
    %swap3A_114 = arith.constant 26 : i32
    %swap3A_115 = arith.index_cast %swap3A_114 : i32 to index
    %swap3A_116 = memref.load %arg8[%swap3A_115] : memref<256xi32, #tpu.memory_space<smem>>
    memref.store %swap3A_113, %arg8[%swap3A_115] : memref<256xi32, #tpu.memory_space<smem>>
    %swap3A_117 = arith.constant 1617 : i32
    %swap3A_118 = arith.constant 27 : i32
    %swap3A_119 = arith.index_cast %swap3A_118 : i32 to index
    %swap3A_120 = memref.load %arg8[%swap3A_119] : memref<256xi32, #tpu.memory_space<smem>>
    memref.store %swap3A_117, %arg8[%swap3A_119] : memref<256xi32, #tpu.memory_space<smem>>
    %swap3A_121 = arith.constant 19284 : i32
    %swap3A_122 = arith.constant 28 : i32
    %swap3A_123 = arith.index_cast %swap3A_122 : i32 to index
    %swap3A_124 = memref.load %arg8[%swap3A_123] : memref<256xi32, #tpu.memory_space<smem>>
    memref.store %swap3A_121, %arg8[%swap3A_123] : memref<256xi32, #tpu.memory_space<smem>>
    %swap3A_125 = arith.constant 10149 : i32
    %swap3A_126 = arith.constant 29 : i32
    %swap3A_127 = arith.index_cast %swap3A_126 : i32 to index
    %swap3A_128 = memref.load %arg8[%swap3A_127] : memref<256xi32, #tpu.memory_space<smem>>
    memref.store %swap3A_125, %arg8[%swap3A_127] : memref<256xi32, #tpu.memory_space<smem>>
    %swap3A_129 = arith.constant 19215 : i32
    %swap3A_130 = arith.constant 30 : i32
    %swap3A_131 = arith.index_cast %swap3A_130 : i32 to index
    %swap3A_132 = memref.load %arg8[%swap3A_131] : memref<256xi32, #tpu.memory_space<smem>>
    memref.store %swap3A_129, %arg8[%swap3A_131] : memref<256xi32, #tpu.memory_space<smem>>
    %swap3A_133 = arith.constant 2028 : i32
    %swap3A_134 = arith.constant 31 : i32
    %swap3A_135 = arith.index_cast %swap3A_134 : i32 to index
    %swap3A_136 = memref.load %arg8[%swap3A_135] : memref<256xi32, #tpu.memory_space<smem>>
    memref.store %swap3A_133, %arg8[%swap3A_135] : memref<256xi32, #tpu.memory_space<smem>>
    %swap3A_137 = arith.constant 4479 : i32
    %swap3A_138 = arith.constant 32 : i32
    %swap3A_139 = arith.index_cast %swap3A_138 : i32 to index
    %swap3A_140 = memref.load %arg8[%swap3A_139] : memref<256xi32, #tpu.memory_space<smem>>
    memref.store %swap3A_137, %arg8[%swap3A_139] : memref<256xi32, #tpu.memory_space<smem>>
    %swap3A_141 = arith.constant 6282 : i32
    %swap3A_142 = arith.constant 33 : i32
    %swap3A_143 = arith.index_cast %swap3A_142 : i32 to index
    %swap3A_144 = memref.load %arg8[%swap3A_143] : memref<256xi32, #tpu.memory_space<smem>>
    memref.store %swap3A_141, %arg8[%swap3A_143] : memref<256xi32, #tpu.memory_space<smem>>
    %swap3A_145 = arith.constant 9369 : i32
    %swap3A_146 = arith.constant 34 : i32
    %swap3A_147 = arith.index_cast %swap3A_146 : i32 to index
    %swap3A_148 = memref.load %arg8[%swap3A_147] : memref<256xi32, #tpu.memory_space<smem>>
    memref.store %swap3A_145, %arg8[%swap3A_147] : memref<256xi32, #tpu.memory_space<smem>>
    %swap3A_149 = arith.constant 6204 : i32
    %swap3A_150 = arith.constant 35 : i32
    %swap3A_151 = arith.index_cast %swap3A_150 : i32 to index
    %swap3A_152 = memref.load %arg8[%swap3A_151] : memref<256xi32, #tpu.memory_space<smem>>
    memref.store %swap3A_149, %arg8[%swap3A_151] : memref<256xi32, #tpu.memory_space<smem>>
    %swap3A_153 = arith.constant 14730 : i32
    %swap3A_154 = arith.constant 36 : i32
    %swap3A_155 = arith.index_cast %swap3A_154 : i32 to index
    %swap3A_156 = memref.load %arg8[%swap3A_155] : memref<256xi32, #tpu.memory_space<smem>>
    memref.store %swap3A_153, %arg8[%swap3A_155] : memref<256xi32, #tpu.memory_space<smem>>
    %swap3A_157 = arith.constant 18198 : i32
    %swap3A_158 = arith.constant 37 : i32
    %swap3A_159 = arith.index_cast %swap3A_158 : i32 to index
    %swap3A_160 = memref.load %arg8[%swap3A_159] : memref<256xi32, #tpu.memory_space<smem>>
    memref.store %swap3A_157, %arg8[%swap3A_159] : memref<256xi32, #tpu.memory_space<smem>>
    %swap3A_161 = arith.constant 11763 : i32
    %swap3A_162 = arith.constant 38 : i32
    %swap3A_163 = arith.index_cast %swap3A_162 : i32 to index
    %swap3A_164 = memref.load %arg8[%swap3A_163] : memref<256xi32, #tpu.memory_space<smem>>
    memref.store %swap3A_161, %arg8[%swap3A_163] : memref<256xi32, #tpu.memory_space<smem>>
    %swap3A_165 = arith.constant 18375 : i32
    %swap3A_166 = arith.constant 39 : i32
    %swap3A_167 = arith.index_cast %swap3A_166 : i32 to index
    %swap3A_168 = memref.load %arg8[%swap3A_167] : memref<256xi32, #tpu.memory_space<smem>>
    memref.store %swap3A_165, %arg8[%swap3A_167] : memref<256xi32, #tpu.memory_space<smem>>
    %swap3A_169 = arith.constant 17685 : i32
    %swap3A_170 = arith.constant 40 : i32
    %swap3A_171 = arith.index_cast %swap3A_170 : i32 to index
    %swap3A_172 = memref.load %arg8[%swap3A_171] : memref<256xi32, #tpu.memory_space<smem>>
    memref.store %swap3A_169, %arg8[%swap3A_171] : memref<256xi32, #tpu.memory_space<smem>>
    %swap3A_173 = arith.constant 17100 : i32
    %swap3A_174 = arith.constant 41 : i32
    %swap3A_175 = arith.index_cast %swap3A_174 : i32 to index
    %swap3A_176 = memref.load %arg8[%swap3A_175] : memref<256xi32, #tpu.memory_space<smem>>
    memref.store %swap3A_173, %arg8[%swap3A_175] : memref<256xi32, #tpu.memory_space<smem>>
    %swap3A_177 = arith.constant 11205 : i32
    %swap3A_178 = arith.constant 42 : i32
    %swap3A_179 = arith.index_cast %swap3A_178 : i32 to index
    %swap3A_180 = memref.load %arg8[%swap3A_179] : memref<256xi32, #tpu.memory_space<smem>>
    memref.store %swap3A_177, %arg8[%swap3A_179] : memref<256xi32, #tpu.memory_space<smem>>
    %swap3A_181 = arith.constant 1143 : i32
    %swap3A_182 = arith.constant 43 : i32
    %swap3A_183 = arith.index_cast %swap3A_182 : i32 to index
    %swap3A_184 = memref.load %arg8[%swap3A_183] : memref<256xi32, #tpu.memory_space<smem>>
    memref.store %swap3A_181, %arg8[%swap3A_183] : memref<256xi32, #tpu.memory_space<smem>>
    %swap3A_185 = arith.constant 21099 : i32
    %swap3A_186 = arith.constant 44 : i32
    %swap3A_187 = arith.index_cast %swap3A_186 : i32 to index
    %swap3A_188 = memref.load %arg8[%swap3A_187] : memref<256xi32, #tpu.memory_space<smem>>
    memref.store %swap3A_185, %arg8[%swap3A_187] : memref<256xi32, #tpu.memory_space<smem>>
    %swap3A_189 = arith.constant 12864 : i32
    %swap3A_190 = arith.constant 45 : i32
    %swap3A_191 = arith.index_cast %swap3A_190 : i32 to index
    %swap3A_192 = memref.load %arg8[%swap3A_191] : memref<256xi32, #tpu.memory_space<smem>>
    memref.store %swap3A_189, %arg8[%swap3A_191] : memref<256xi32, #tpu.memory_space<smem>>
    %swap3A_193 = arith.constant 10164 : i32
    %swap3A_194 = arith.constant 46 : i32
    %swap3A_195 = arith.index_cast %swap3A_194 : i32 to index
    %swap3A_196 = memref.load %arg8[%swap3A_195] : memref<256xi32, #tpu.memory_space<smem>>
    memref.store %swap3A_193, %arg8[%swap3A_195] : memref<256xi32, #tpu.memory_space<smem>>
    %swap3A_197 = arith.constant 20460 : i32
    %swap3A_198 = arith.constant 47 : i32
    %swap3A_199 = arith.index_cast %swap3A_198 : i32 to index
    %swap3A_200 = memref.load %arg8[%swap3A_199] : memref<256xi32, #tpu.memory_space<smem>>
    memref.store %swap3A_197, %arg8[%swap3A_199] : memref<256xi32, #tpu.memory_space<smem>>
    %swap3A_201 = arith.constant 14697 : i32
    %swap3A_202 = arith.constant 48 : i32
    %swap3A_203 = arith.index_cast %swap3A_202 : i32 to index
    %swap3A_204 = memref.load %arg8[%swap3A_203] : memref<256xi32, #tpu.memory_space<smem>>
    memref.store %swap3A_201, %arg8[%swap3A_203] : memref<256xi32, #tpu.memory_space<smem>>
    %swap3A_205 = arith.constant 16935 : i32
    %swap3A_206 = arith.constant 49 : i32
    %swap3A_207 = arith.index_cast %swap3A_206 : i32 to index
    %swap3A_208 = memref.load %arg8[%swap3A_207] : memref<256xi32, #tpu.memory_space<smem>>
    memref.store %swap3A_205, %arg8[%swap3A_207] : memref<256xi32, #tpu.memory_space<smem>>
    %swap3A_209 = arith.constant 17340 : i32
    %swap3A_210 = arith.constant 50 : i32
    %swap3A_211 = arith.index_cast %swap3A_210 : i32 to index
    %swap3A_212 = memref.load %arg8[%swap3A_211] : memref<256xi32, #tpu.memory_space<smem>>
    memref.store %swap3A_209, %arg8[%swap3A_211] : memref<256xi32, #tpu.memory_space<smem>>
    %swap3A_213 = arith.constant 23697 : i32
    %swap3A_214 = arith.constant 51 : i32
    %swap3A_215 = arith.index_cast %swap3A_214 : i32 to index
    %swap3A_216 = memref.load %arg8[%swap3A_215] : memref<256xi32, #tpu.memory_space<smem>>
    memref.store %swap3A_213, %arg8[%swap3A_215] : memref<256xi32, #tpu.memory_space<smem>>
    %swap3A_217 = arith.constant 2934 : i32
    %swap3A_218 = arith.constant 52 : i32
    %swap3A_219 = arith.index_cast %swap3A_218 : i32 to index
    %swap3A_220 = memref.load %arg8[%swap3A_219] : memref<256xi32, #tpu.memory_space<smem>>
    memref.store %swap3A_217, %arg8[%swap3A_219] : memref<256xi32, #tpu.memory_space<smem>>
    %swap3A_221 = arith.constant 1113 : i32
    %swap3A_222 = arith.constant 53 : i32
    %swap3A_223 = arith.index_cast %swap3A_222 : i32 to index
    %swap3A_224 = memref.load %arg8[%swap3A_223] : memref<256xi32, #tpu.memory_space<smem>>
    memref.store %swap3A_221, %arg8[%swap3A_223] : memref<256xi32, #tpu.memory_space<smem>>
    %swap3A_225 = arith.constant 6120 : i32
    %swap3A_226 = arith.constant 54 : i32
    %swap3A_227 = arith.index_cast %swap3A_226 : i32 to index
    %swap3A_228 = memref.load %arg8[%swap3A_227] : memref<256xi32, #tpu.memory_space<smem>>
    memref.store %swap3A_225, %arg8[%swap3A_227] : memref<256xi32, #tpu.memory_space<smem>>
    %swap3A_229 = arith.constant 1317 : i32
    %swap3A_230 = arith.constant 55 : i32
    %swap3A_231 = arith.index_cast %swap3A_230 : i32 to index
    %swap3A_232 = memref.load %arg8[%swap3A_231] : memref<256xi32, #tpu.memory_space<smem>>
    memref.store %swap3A_229, %arg8[%swap3A_231] : memref<256xi32, #tpu.memory_space<smem>>
    %swap3A_233 = arith.constant 6177 : i32
    %swap3A_234 = arith.constant 56 : i32
    %swap3A_235 = arith.index_cast %swap3A_234 : i32 to index
    %swap3A_236 = memref.load %arg8[%swap3A_235] : memref<256xi32, #tpu.memory_space<smem>>
    memref.store %swap3A_233, %arg8[%swap3A_235] : memref<256xi32, #tpu.memory_space<smem>>
    %swap3A_237 = arith.constant 16374 : i32
    %swap3A_238 = arith.constant 57 : i32
    %swap3A_239 = arith.index_cast %swap3A_238 : i32 to index
    %swap3A_240 = memref.load %arg8[%swap3A_239] : memref<256xi32, #tpu.memory_space<smem>>
    memref.store %swap3A_237, %arg8[%swap3A_239] : memref<256xi32, #tpu.memory_space<smem>>
    %swap3A_241 = arith.constant 5649 : i32
    %swap3A_242 = arith.constant 58 : i32
    %swap3A_243 = arith.index_cast %swap3A_242 : i32 to index
    %swap3A_244 = memref.load %arg8[%swap3A_243] : memref<256xi32, #tpu.memory_space<smem>>
    memref.store %swap3A_241, %arg8[%swap3A_243] : memref<256xi32, #tpu.memory_space<smem>>
    %swap3A_245 = arith.constant 9003 : i32
    %swap3A_246 = arith.constant 59 : i32
    %swap3A_247 = arith.index_cast %swap3A_246 : i32 to index
    %swap3A_248 = memref.load %arg8[%swap3A_247] : memref<256xi32, #tpu.memory_space<smem>>
    memref.store %swap3A_245, %arg8[%swap3A_247] : memref<256xi32, #tpu.memory_space<smem>>
    %swap3A_249 = arith.constant 20811 : i32
    %swap3A_250 = arith.constant 60 : i32
    %swap3A_251 = arith.index_cast %swap3A_250 : i32 to index
    %swap3A_252 = memref.load %arg8[%swap3A_251] : memref<256xi32, #tpu.memory_space<smem>>
    memref.store %swap3A_249, %arg8[%swap3A_251] : memref<256xi32, #tpu.memory_space<smem>>
    %swap3A_253 = arith.constant 23826 : i32
    %swap3A_254 = arith.constant 61 : i32
    %swap3A_255 = arith.index_cast %swap3A_254 : i32 to index
    %swap3A_256 = memref.load %arg8[%swap3A_255] : memref<256xi32, #tpu.memory_space<smem>>
    memref.store %swap3A_253, %arg8[%swap3A_255] : memref<256xi32, #tpu.memory_space<smem>>
    %swap3A_257 = arith.constant 5472 : i32
    %swap3A_258 = arith.constant 62 : i32
    %swap3A_259 = arith.index_cast %swap3A_258 : i32 to index
    %swap3A_260 = memref.load %arg8[%swap3A_259] : memref<256xi32, #tpu.memory_space<smem>>
    memref.store %swap3A_257, %arg8[%swap3A_259] : memref<256xi32, #tpu.memory_space<smem>>
    %swap3A_261 = arith.constant 11160 : i32
    %swap3A_262 = arith.constant 63 : i32
    %swap3A_263 = arith.index_cast %swap3A_262 : i32 to index
    %swap3A_264 = memref.load %arg8[%swap3A_263] : memref<256xi32, #tpu.memory_space<smem>>
    memref.store %swap3A_261, %arg8[%swap3A_263] : memref<256xi32, #tpu.memory_space<smem>>
    %swap3A_265 = arith.constant 5001 : i32
    %swap3A_266 = arith.constant 64 : i32
    %swap3A_267 = arith.index_cast %swap3A_266 : i32 to index
    %swap3A_268 = memref.load %arg8[%swap3A_267] : memref<256xi32, #tpu.memory_space<smem>>
    memref.store %swap3A_265, %arg8[%swap3A_267] : memref<256xi32, #tpu.memory_space<smem>>
    %swap3A_269 = arith.constant 19563 : i32
    %swap3A_270 = arith.constant 65 : i32
    %swap3A_271 = arith.index_cast %swap3A_270 : i32 to index
    %swap3A_272 = memref.load %arg8[%swap3A_271] : memref<256xi32, #tpu.memory_space<smem>>
    memref.store %swap3A_269, %arg8[%swap3A_271] : memref<256xi32, #tpu.memory_space<smem>>
    %swap3A_273 = arith.constant 13212 : i32
    %swap3A_274 = arith.constant 66 : i32
    %swap3A_275 = arith.index_cast %swap3A_274 : i32 to index
    %swap3A_276 = memref.load %arg8[%swap3A_275] : memref<256xi32, #tpu.memory_space<smem>>
    memref.store %swap3A_273, %arg8[%swap3A_275] : memref<256xi32, #tpu.memory_space<smem>>
    %swap3A_277 = arith.constant 14112 : i32
    %swap3A_278 = arith.constant 67 : i32
    %swap3A_279 = arith.index_cast %swap3A_278 : i32 to index
    %swap3A_280 = memref.load %arg8[%swap3A_279] : memref<256xi32, #tpu.memory_space<smem>>
    memref.store %swap3A_277, %arg8[%swap3A_279] : memref<256xi32, #tpu.memory_space<smem>>
    %swap3A_281 = arith.constant 1734 : i32
    %swap3A_282 = arith.constant 68 : i32
    %swap3A_283 = arith.index_cast %swap3A_282 : i32 to index
    %swap3A_284 = memref.load %arg8[%swap3A_283] : memref<256xi32, #tpu.memory_space<smem>>
    memref.store %swap3A_281, %arg8[%swap3A_283] : memref<256xi32, #tpu.memory_space<smem>>
    %swap3A_285 = arith.constant 9771 : i32
    %swap3A_286 = arith.constant 69 : i32
    %swap3A_287 = arith.index_cast %swap3A_286 : i32 to index
    %swap3A_288 = memref.load %arg8[%swap3A_287] : memref<256xi32, #tpu.memory_space<smem>>
    memref.store %swap3A_285, %arg8[%swap3A_287] : memref<256xi32, #tpu.memory_space<smem>>
    %swap3A_289 = arith.constant 9732 : i32
    %swap3A_290 = arith.constant 70 : i32
    %swap3A_291 = arith.index_cast %swap3A_290 : i32 to index
    %swap3A_292 = memref.load %arg8[%swap3A_291] : memref<256xi32, #tpu.memory_space<smem>>
    memref.store %swap3A_289, %arg8[%swap3A_291] : memref<256xi32, #tpu.memory_space<smem>>
    %swap3A_293 = arith.constant 11727 : i32
    %swap3A_294 = arith.constant 71 : i32
    %swap3A_295 = arith.index_cast %swap3A_294 : i32 to index
    %swap3A_296 = memref.load %arg8[%swap3A_295] : memref<256xi32, #tpu.memory_space<smem>>
    memref.store %swap3A_293, %arg8[%swap3A_295] : memref<256xi32, #tpu.memory_space<smem>>
    %swap3A_297 = arith.constant 21465 : i32
    %swap3A_298 = arith.constant 72 : i32
    %swap3A_299 = arith.index_cast %swap3A_298 : i32 to index
    %swap3A_300 = memref.load %arg8[%swap3A_299] : memref<256xi32, #tpu.memory_space<smem>>
    memref.store %swap3A_297, %arg8[%swap3A_299] : memref<256xi32, #tpu.memory_space<smem>>
    %swap3A_301 = arith.constant 18567 : i32
    %swap3A_302 = arith.constant 73 : i32
    %swap3A_303 = arith.index_cast %swap3A_302 : i32 to index
    %swap3A_304 = memref.load %arg8[%swap3A_303] : memref<256xi32, #tpu.memory_space<smem>>
    memref.store %swap3A_301, %arg8[%swap3A_303] : memref<256xi32, #tpu.memory_space<smem>>
    %swap3A_305 = arith.constant 11244 : i32
    %swap3A_306 = arith.constant 74 : i32
    %swap3A_307 = arith.index_cast %swap3A_306 : i32 to index
    %swap3A_308 = memref.load %arg8[%swap3A_307] : memref<256xi32, #tpu.memory_space<smem>>
    memref.store %swap3A_305, %arg8[%swap3A_307] : memref<256xi32, #tpu.memory_space<smem>>
    %swap3A_309 = arith.constant 1524 : i32
    %swap3A_310 = arith.constant 75 : i32
    %swap3A_311 = arith.index_cast %swap3A_310 : i32 to index
    %swap3A_312 = memref.load %arg8[%swap3A_311] : memref<256xi32, #tpu.memory_space<smem>>
    memref.store %swap3A_309, %arg8[%swap3A_311] : memref<256xi32, #tpu.memory_space<smem>>
    %swap3A_313 = arith.constant 10122 : i32
    %swap3A_314 = arith.constant 76 : i32
    %swap3A_315 = arith.index_cast %swap3A_314 : i32 to index
    %swap3A_316 = memref.load %arg8[%swap3A_315] : memref<256xi32, #tpu.memory_space<smem>>
    memref.store %swap3A_313, %arg8[%swap3A_315] : memref<256xi32, #tpu.memory_space<smem>>
    %swap3A_317 = arith.constant 15102 : i32
    %swap3A_318 = arith.constant 77 : i32
    %swap3A_319 = arith.index_cast %swap3A_318 : i32 to index
    %swap3A_320 = memref.load %arg8[%swap3A_319] : memref<256xi32, #tpu.memory_space<smem>>
    memref.store %swap3A_317, %arg8[%swap3A_319] : memref<256xi32, #tpu.memory_space<smem>>
    %swap3A_321 = arith.constant 4755 : i32
    %swap3A_322 = arith.constant 78 : i32
    %swap3A_323 = arith.index_cast %swap3A_322 : i32 to index
    %swap3A_324 = memref.load %arg8[%swap3A_323] : memref<256xi32, #tpu.memory_space<smem>>
    memref.store %swap3A_321, %arg8[%swap3A_323] : memref<256xi32, #tpu.memory_space<smem>>
    %swap3A_325 = arith.constant 15651 : i32
    %swap3A_326 = arith.constant 79 : i32
    %swap3A_327 = arith.index_cast %swap3A_326 : i32 to index
    %swap3A_328 = memref.load %arg8[%swap3A_327] : memref<256xi32, #tpu.memory_space<smem>>
    memref.store %swap3A_325, %arg8[%swap3A_327] : memref<256xi32, #tpu.memory_space<smem>>
    %swap3A_329 = arith.constant 16965 : i32
    %swap3A_330 = arith.constant 80 : i32
    %swap3A_331 = arith.index_cast %swap3A_330 : i32 to index
    %swap3A_332 = memref.load %arg8[%swap3A_331] : memref<256xi32, #tpu.memory_space<smem>>
    memref.store %swap3A_329, %arg8[%swap3A_331] : memref<256xi32, #tpu.memory_space<smem>>
    %swap3A_333 = arith.constant 5232 : i32
    %swap3A_334 = arith.constant 81 : i32
    %swap3A_335 = arith.index_cast %swap3A_334 : i32 to index
    %swap3A_336 = memref.load %arg8[%swap3A_335] : memref<256xi32, #tpu.memory_space<smem>>
    memref.store %swap3A_333, %arg8[%swap3A_335] : memref<256xi32, #tpu.memory_space<smem>>
    %swap3A_337 = arith.constant 22815 : i32
    %swap3A_338 = arith.constant 82 : i32
    %swap3A_339 = arith.index_cast %swap3A_338 : i32 to index
    %swap3A_340 = memref.load %arg8[%swap3A_339] : memref<256xi32, #tpu.memory_space<smem>>
    memref.store %swap3A_337, %arg8[%swap3A_339] : memref<256xi32, #tpu.memory_space<smem>>
    %swap3A_341 = arith.constant 17796 : i32
    %swap3A_342 = arith.constant 83 : i32
    %swap3A_343 = arith.index_cast %swap3A_342 : i32 to index
    %swap3A_344 = memref.load %arg8[%swap3A_343] : memref<256xi32, #tpu.memory_space<smem>>
    memref.store %swap3A_341, %arg8[%swap3A_343] : memref<256xi32, #tpu.memory_space<smem>>
    %swap3A_345 = arith.constant 22803 : i32
    %swap3A_346 = arith.constant 84 : i32
    %swap3A_347 = arith.index_cast %swap3A_346 : i32 to index
    %swap3A_348 = memref.load %arg8[%swap3A_347] : memref<256xi32, #tpu.memory_space<smem>>
    memref.store %swap3A_345, %arg8[%swap3A_347] : memref<256xi32, #tpu.memory_space<smem>>
    %swap3A_349 = arith.constant 5544 : i32
    %swap3A_350 = arith.constant 85 : i32
    %swap3A_351 = arith.index_cast %swap3A_350 : i32 to index
    %swap3A_352 = memref.load %arg8[%swap3A_351] : memref<256xi32, #tpu.memory_space<smem>>
    memref.store %swap3A_349, %arg8[%swap3A_351] : memref<256xi32, #tpu.memory_space<smem>>
    %swap3A_353 = arith.constant 14856 : i32
    %swap3A_354 = arith.constant 86 : i32
    %swap3A_355 = arith.index_cast %swap3A_354 : i32 to index
    %swap3A_356 = memref.load %arg8[%swap3A_355] : memref<256xi32, #tpu.memory_space<smem>>
    memref.store %swap3A_353, %arg8[%swap3A_355] : memref<256xi32, #tpu.memory_space<smem>>
    %swap3A_357 = arith.constant 6312 : i32
    %swap3A_358 = arith.constant 87 : i32
    %swap3A_359 = arith.index_cast %swap3A_358 : i32 to index
    %swap3A_360 = memref.load %arg8[%swap3A_359] : memref<256xi32, #tpu.memory_space<smem>>
    memref.store %swap3A_357, %arg8[%swap3A_359] : memref<256xi32, #tpu.memory_space<smem>>
    %swap3A_361 = arith.constant 16632 : i32
    %swap3A_362 = arith.constant 88 : i32
    %swap3A_363 = arith.index_cast %swap3A_362 : i32 to index
    %swap3A_364 = memref.load %arg8[%swap3A_363] : memref<256xi32, #tpu.memory_space<smem>>
    memref.store %swap3A_361, %arg8[%swap3A_363] : memref<256xi32, #tpu.memory_space<smem>>
    %swap3A_365 = arith.constant 21498 : i32
    %swap3A_366 = arith.constant 89 : i32
    %swap3A_367 = arith.index_cast %swap3A_366 : i32 to index
    %swap3A_368 = memref.load %arg8[%swap3A_367] : memref<256xi32, #tpu.memory_space<smem>>
    memref.store %swap3A_365, %arg8[%swap3A_367] : memref<256xi32, #tpu.memory_space<smem>>
    %swap3A_369 = arith.constant 15645 : i32
    %swap3A_370 = arith.constant 90 : i32
    %swap3A_371 = arith.index_cast %swap3A_370 : i32 to index
    %swap3A_372 = memref.load %arg8[%swap3A_371] : memref<256xi32, #tpu.memory_space<smem>>
    memref.store %swap3A_369, %arg8[%swap3A_371] : memref<256xi32, #tpu.memory_space<smem>>
    %swap3A_373 = arith.constant 11199 : i32
    %swap3A_374 = arith.constant 91 : i32
    %swap3A_375 = arith.index_cast %swap3A_374 : i32 to index
    %swap3A_376 = memref.load %arg8[%swap3A_375] : memref<256xi32, #tpu.memory_space<smem>>
    memref.store %swap3A_373, %arg8[%swap3A_375] : memref<256xi32, #tpu.memory_space<smem>>
    %swap3A_377 = arith.constant 8634 : i32
    %swap3A_378 = arith.constant 92 : i32
    %swap3A_379 = arith.index_cast %swap3A_378 : i32 to index
    %swap3A_380 = memref.load %arg8[%swap3A_379] : memref<256xi32, #tpu.memory_space<smem>>
    memref.store %swap3A_377, %arg8[%swap3A_379] : memref<256xi32, #tpu.memory_space<smem>>
    %swap3A_381 = arith.constant 20520 : i32
    %swap3A_382 = arith.constant 93 : i32
    %swap3A_383 = arith.index_cast %swap3A_382 : i32 to index
    %swap3A_384 = memref.load %arg8[%swap3A_383] : memref<256xi32, #tpu.memory_space<smem>>
    memref.store %swap3A_381, %arg8[%swap3A_383] : memref<256xi32, #tpu.memory_space<smem>>
    %swap3A_385 = arith.constant 3513 : i32
    %swap3A_386 = arith.constant 94 : i32
    %swap3A_387 = arith.index_cast %swap3A_386 : i32 to index
    %swap3A_388 = memref.load %arg8[%swap3A_387] : memref<256xi32, #tpu.memory_space<smem>>
    memref.store %swap3A_385, %arg8[%swap3A_387] : memref<256xi32, #tpu.memory_space<smem>>
    %swap3A_389 = arith.constant 21387 : i32
    %swap3A_390 = arith.constant 95 : i32
    %swap3A_391 = arith.index_cast %swap3A_390 : i32 to index
    %swap3A_392 = memref.load %arg8[%swap3A_391] : memref<256xi32, #tpu.memory_space<smem>>
    memref.store %swap3A_389, %arg8[%swap3A_391] : memref<256xi32, #tpu.memory_space<smem>>
    %swap3A_393 = arith.constant 9189 : i32
    %swap3A_394 = arith.constant 96 : i32
    %swap3A_395 = arith.index_cast %swap3A_394 : i32 to index
    %swap3A_396 = memref.load %arg8[%swap3A_395] : memref<256xi32, #tpu.memory_space<smem>>
    memref.store %swap3A_393, %arg8[%swap3A_395] : memref<256xi32, #tpu.memory_space<smem>>
    %swap3A_397 = arith.constant 4509 : i32
    %swap3A_398 = arith.constant 97 : i32
    %swap3A_399 = arith.index_cast %swap3A_398 : i32 to index
    %swap3A_400 = memref.load %arg8[%swap3A_399] : memref<256xi32, #tpu.memory_space<smem>>
    memref.store %swap3A_397, %arg8[%swap3A_399] : memref<256xi32, #tpu.memory_space<smem>>
    %swap3A_401 = arith.constant 22062 : i32
    %swap3A_402 = arith.constant 98 : i32
    %swap3A_403 = arith.index_cast %swap3A_402 : i32 to index
    %swap3A_404 = memref.load %arg8[%swap3A_403] : memref<256xi32, #tpu.memory_space<smem>>
    memref.store %swap3A_401, %arg8[%swap3A_403] : memref<256xi32, #tpu.memory_space<smem>>
    %swap3A_405 = arith.constant 15267 : i32
    %swap3A_406 = arith.constant 99 : i32
    %swap3A_407 = arith.index_cast %swap3A_406 : i32 to index
    %swap3A_408 = memref.load %arg8[%swap3A_407] : memref<256xi32, #tpu.memory_space<smem>>
    memref.store %swap3A_405, %arg8[%swap3A_407] : memref<256xi32, #tpu.memory_space<smem>>
    %swap3A_409 = arith.constant 14739 : i32
    %swap3A_410 = arith.constant 100 : i32
    %swap3A_411 = arith.index_cast %swap3A_410 : i32 to index
    %swap3A_412 = memref.load %arg8[%swap3A_411] : memref<256xi32, #tpu.memory_space<smem>>
    memref.store %swap3A_409, %arg8[%swap3A_411] : memref<256xi32, #tpu.memory_space<smem>>
    %swap3A_413 = arith.constant 10260 : i32
    %swap3A_414 = arith.constant 101 : i32
    %swap3A_415 = arith.index_cast %swap3A_414 : i32 to index
    %swap3A_416 = memref.load %arg8[%swap3A_415] : memref<256xi32, #tpu.memory_space<smem>>
    memref.store %swap3A_413, %arg8[%swap3A_415] : memref<256xi32, #tpu.memory_space<smem>>
    %swap3A_417 = arith.constant 13167 : i32
    %swap3A_418 = arith.constant 102 : i32
    %swap3A_419 = arith.index_cast %swap3A_418 : i32 to index
    %swap3A_420 = memref.load %arg8[%swap3A_419] : memref<256xi32, #tpu.memory_space<smem>>
    memref.store %swap3A_417, %arg8[%swap3A_419] : memref<256xi32, #tpu.memory_space<smem>>
    %swap3A_421 = arith.constant 17004 : i32
    %swap3A_422 = arith.constant 103 : i32
    %swap3A_423 = arith.index_cast %swap3A_422 : i32 to index
    %swap3A_424 = memref.load %arg8[%swap3A_423] : memref<256xi32, #tpu.memory_space<smem>>
    memref.store %swap3A_421, %arg8[%swap3A_423] : memref<256xi32, #tpu.memory_space<smem>>
    %swap3A_425 = arith.constant 15741 : i32
    %swap3A_426 = arith.constant 104 : i32
    %swap3A_427 = arith.index_cast %swap3A_426 : i32 to index
    %swap3A_428 = memref.load %arg8[%swap3A_427] : memref<256xi32, #tpu.memory_space<smem>>
    memref.store %swap3A_425, %arg8[%swap3A_427] : memref<256xi32, #tpu.memory_space<smem>>
    %swap3A_429 = arith.constant 19812 : i32
    %swap3A_430 = arith.constant 105 : i32
    %swap3A_431 = arith.index_cast %swap3A_430 : i32 to index
    %swap3A_432 = memref.load %arg8[%swap3A_431] : memref<256xi32, #tpu.memory_space<smem>>
    memref.store %swap3A_429, %arg8[%swap3A_431] : memref<256xi32, #tpu.memory_space<smem>>
    %swap3A_433 = arith.constant 7866 : i32
    %swap3A_434 = arith.constant 106 : i32
    %swap3A_435 = arith.index_cast %swap3A_434 : i32 to index
    %swap3A_436 = memref.load %arg8[%swap3A_435] : memref<256xi32, #tpu.memory_space<smem>>
    memref.store %swap3A_433, %arg8[%swap3A_435] : memref<256xi32, #tpu.memory_space<smem>>
    %swap3A_437 = arith.constant 13926 : i32
    %swap3A_438 = arith.constant 107 : i32
    %swap3A_439 = arith.index_cast %swap3A_438 : i32 to index
    %swap3A_440 = memref.load %arg8[%swap3A_439] : memref<256xi32, #tpu.memory_space<smem>>
    memref.store %swap3A_437, %arg8[%swap3A_439] : memref<256xi32, #tpu.memory_space<smem>>
    %swap3A_441 = arith.constant 14283 : i32
    %swap3A_442 = arith.constant 108 : i32
    %swap3A_443 = arith.index_cast %swap3A_442 : i32 to index
    %swap3A_444 = memref.load %arg8[%swap3A_443] : memref<256xi32, #tpu.memory_space<smem>>
    memref.store %swap3A_441, %arg8[%swap3A_443] : memref<256xi32, #tpu.memory_space<smem>>
    %swap3A_445 = arith.constant 9675 : i32
    %swap3A_446 = arith.constant 109 : i32
    %swap3A_447 = arith.index_cast %swap3A_446 : i32 to index
    %swap3A_448 = memref.load %arg8[%swap3A_447] : memref<256xi32, #tpu.memory_space<smem>>
    memref.store %swap3A_445, %arg8[%swap3A_447] : memref<256xi32, #tpu.memory_space<smem>>
    %swap3A_449 = arith.constant 18033 : i32
    %swap3A_450 = arith.constant 110 : i32
    %swap3A_451 = arith.index_cast %swap3A_450 : i32 to index
    %swap3A_452 = memref.load %arg8[%swap3A_451] : memref<256xi32, #tpu.memory_space<smem>>
    memref.store %swap3A_449, %arg8[%swap3A_451] : memref<256xi32, #tpu.memory_space<smem>>
    %swap3A_453 = arith.constant 15357 : i32
    %swap3A_454 = arith.constant 111 : i32
    %swap3A_455 = arith.index_cast %swap3A_454 : i32 to index
    %swap3A_456 = memref.load %arg8[%swap3A_455] : memref<256xi32, #tpu.memory_space<smem>>
    memref.store %swap3A_453, %arg8[%swap3A_455] : memref<256xi32, #tpu.memory_space<smem>>
    %swap3A_457 = arith.constant 3945 : i32
    %swap3A_458 = arith.constant 112 : i32
    %swap3A_459 = arith.index_cast %swap3A_458 : i32 to index
    %swap3A_460 = memref.load %arg8[%swap3A_459] : memref<256xi32, #tpu.memory_space<smem>>
    memref.store %swap3A_457, %arg8[%swap3A_459] : memref<256xi32, #tpu.memory_space<smem>>
    %swap3A_461 = arith.constant 23604 : i32
    %swap3A_462 = arith.constant 113 : i32
    %swap3A_463 = arith.index_cast %swap3A_462 : i32 to index
    %swap3A_464 = memref.load %arg8[%swap3A_463] : memref<256xi32, #tpu.memory_space<smem>>
    memref.store %swap3A_461, %arg8[%swap3A_463] : memref<256xi32, #tpu.memory_space<smem>>
    %swap3A_465 = arith.constant 10179 : i32
    %swap3A_466 = arith.constant 114 : i32
    %swap3A_467 = arith.index_cast %swap3A_466 : i32 to index
    %swap3A_468 = memref.load %arg8[%swap3A_467] : memref<256xi32, #tpu.memory_space<smem>>
    memref.store %swap3A_465, %arg8[%swap3A_467] : memref<256xi32, #tpu.memory_space<smem>>
    %swap3A_469 = arith.constant 11049 : i32
    %swap3A_470 = arith.constant 115 : i32
    %swap3A_471 = arith.index_cast %swap3A_470 : i32 to index
    %swap3A_472 = memref.load %arg8[%swap3A_471] : memref<256xi32, #tpu.memory_space<smem>>
    memref.store %swap3A_469, %arg8[%swap3A_471] : memref<256xi32, #tpu.memory_space<smem>>
    %swap3A_473 = arith.constant 22671 : i32
    %swap3A_474 = arith.constant 116 : i32
    %swap3A_475 = arith.index_cast %swap3A_474 : i32 to index
    %swap3A_476 = memref.load %arg8[%swap3A_475] : memref<256xi32, #tpu.memory_space<smem>>
    memref.store %swap3A_473, %arg8[%swap3A_475] : memref<256xi32, #tpu.memory_space<smem>>
    %swap3A_477 = arith.constant 19224 : i32
    %swap3A_478 = arith.constant 117 : i32
    %swap3A_479 = arith.index_cast %swap3A_478 : i32 to index
    %swap3A_480 = memref.load %arg8[%swap3A_479] : memref<256xi32, #tpu.memory_space<smem>>
    memref.store %swap3A_477, %arg8[%swap3A_479] : memref<256xi32, #tpu.memory_space<smem>>
    %swap3A_481 = arith.constant 11802 : i32
    %swap3A_482 = arith.constant 118 : i32
    %swap3A_483 = arith.index_cast %swap3A_482 : i32 to index
    %swap3A_484 = memref.load %arg8[%swap3A_483] : memref<256xi32, #tpu.memory_space<smem>>
    memref.store %swap3A_481, %arg8[%swap3A_483] : memref<256xi32, #tpu.memory_space<smem>>
    %swap3A_485 = arith.constant 17193 : i32
    %swap3A_486 = arith.constant 119 : i32
    %swap3A_487 = arith.index_cast %swap3A_486 : i32 to index
    %swap3A_488 = memref.load %arg8[%swap3A_487] : memref<256xi32, #tpu.memory_space<smem>>
    memref.store %swap3A_485, %arg8[%swap3A_487] : memref<256xi32, #tpu.memory_space<smem>>
    %swap3A_489 = arith.constant 5001 : i32
    %swap3A_490 = arith.constant 120 : i32
    %swap3A_491 = arith.index_cast %swap3A_490 : i32 to index
    %swap3A_492 = memref.load %arg8[%swap3A_491] : memref<256xi32, #tpu.memory_space<smem>>
    memref.store %swap3A_489, %arg8[%swap3A_491] : memref<256xi32, #tpu.memory_space<smem>>
    %swap3A_493 = arith.constant 2496 : i32
    %swap3A_494 = arith.constant 121 : i32
    %swap3A_495 = arith.index_cast %swap3A_494 : i32 to index
    %swap3A_496 = memref.load %arg8[%swap3A_495] : memref<256xi32, #tpu.memory_space<smem>>
    memref.store %swap3A_493, %arg8[%swap3A_495] : memref<256xi32, #tpu.memory_space<smem>>
    %swap3A_497 = arith.constant 9990 : i32
    %swap3A_498 = arith.constant 122 : i32
    %swap3A_499 = arith.index_cast %swap3A_498 : i32 to index
    %swap3A_500 = memref.load %arg8[%swap3A_499] : memref<256xi32, #tpu.memory_space<smem>>
    memref.store %swap3A_497, %arg8[%swap3A_499] : memref<256xi32, #tpu.memory_space<smem>>
    %swap3A_501 = arith.constant 3273 : i32
    %swap3A_502 = arith.constant 123 : i32
    %swap3A_503 = arith.index_cast %swap3A_502 : i32 to index
    %swap3A_504 = memref.load %arg8[%swap3A_503] : memref<256xi32, #tpu.memory_space<smem>>
    memref.store %swap3A_501, %arg8[%swap3A_503] : memref<256xi32, #tpu.memory_space<smem>>
    %swap3A_505 = arith.constant 16422 : i32
    %swap3A_506 = arith.constant 124 : i32
    %swap3A_507 = arith.index_cast %swap3A_506 : i32 to index
    %swap3A_508 = memref.load %arg8[%swap3A_507] : memref<256xi32, #tpu.memory_space<smem>>
    memref.store %swap3A_505, %arg8[%swap3A_507] : memref<256xi32, #tpu.memory_space<smem>>
    %swap3A_509 = arith.constant 9852 : i32
    %swap3A_510 = arith.constant 125 : i32
    %swap3A_511 = arith.index_cast %swap3A_510 : i32 to index
    %swap3A_512 = memref.load %arg8[%swap3A_511] : memref<256xi32, #tpu.memory_space<smem>>
    memref.store %swap3A_509, %arg8[%swap3A_511] : memref<256xi32, #tpu.memory_space<smem>>
    %swap3A_513 = arith.constant 9834 : i32
    %swap3A_514 = arith.constant 126 : i32
    %swap3A_515 = arith.index_cast %swap3A_514 : i32 to index
    %swap3A_516 = memref.load %arg8[%swap3A_515] : memref<256xi32, #tpu.memory_space<smem>>
    memref.store %swap3A_513, %arg8[%swap3A_515] : memref<256xi32, #tpu.memory_space<smem>>
    %swap3A_517 = arith.constant 14994 : i32
    %swap3A_518 = arith.constant 127 : i32
    %swap3A_519 = arith.index_cast %swap3A_518 : i32 to index
    %swap3A_520 = memref.load %arg8[%swap3A_519] : memref<256xi32, #tpu.memory_space<smem>>
    memref.store %swap3A_517, %arg8[%swap3A_519] : memref<256xi32, #tpu.memory_space<smem>>
    %swap3A_521 = arith.constant 1779 : i32
    %swap3A_522 = arith.constant 128 : i32
    %swap3A_523 = arith.index_cast %swap3A_522 : i32 to index
    %swap3A_524 = memref.load %arg8[%swap3A_523] : memref<256xi32, #tpu.memory_space<smem>>
    memref.store %swap3A_521, %arg8[%swap3A_523] : memref<256xi32, #tpu.memory_space<smem>>
    %swap3A_525 = arith.constant 4884 : i32
    %swap3A_526 = arith.constant 129 : i32
    %swap3A_527 = arith.index_cast %swap3A_526 : i32 to index
    %swap3A_528 = memref.load %arg8[%swap3A_527] : memref<256xi32, #tpu.memory_space<smem>>
    memref.store %swap3A_525, %arg8[%swap3A_527] : memref<256xi32, #tpu.memory_space<smem>>
    %swap3A_529 = arith.constant 10053 : i32
    %swap3A_530 = arith.constant 130 : i32
    %swap3A_531 = arith.index_cast %swap3A_530 : i32 to index
    %swap3A_532 = memref.load %arg8[%swap3A_531] : memref<256xi32, #tpu.memory_space<smem>>
    memref.store %swap3A_529, %arg8[%swap3A_531] : memref<256xi32, #tpu.memory_space<smem>>
    %swap3A_533 = arith.constant 8166 : i32
    %swap3A_534 = arith.constant 131 : i32
    %swap3A_535 = arith.index_cast %swap3A_534 : i32 to index
    %swap3A_536 = memref.load %arg8[%swap3A_535] : memref<256xi32, #tpu.memory_space<smem>>
    memref.store %swap3A_533, %arg8[%swap3A_535] : memref<256xi32, #tpu.memory_space<smem>>
    %swap3A_537 = arith.constant 8166 : i32
    %swap3A_538 = arith.constant 132 : i32
    %swap3A_539 = arith.index_cast %swap3A_538 : i32 to index
    %swap3A_540 = memref.load %arg8[%swap3A_539] : memref<256xi32, #tpu.memory_space<smem>>
    memref.store %swap3A_537, %arg8[%swap3A_539] : memref<256xi32, #tpu.memory_space<smem>>
    %swap3A_541 = arith.constant 279 : i32
    %swap3A_542 = arith.constant 133 : i32
    %swap3A_543 = arith.index_cast %swap3A_542 : i32 to index
    %swap3A_544 = memref.load %arg8[%swap3A_543] : memref<256xi32, #tpu.memory_space<smem>>
    memref.store %swap3A_541, %arg8[%swap3A_543] : memref<256xi32, #tpu.memory_space<smem>>
    %swap3A_545 = arith.constant 6861 : i32
    %swap3A_546 = arith.constant 134 : i32
    %swap3A_547 = arith.index_cast %swap3A_546 : i32 to index
    %swap3A_548 = memref.load %arg8[%swap3A_547] : memref<256xi32, #tpu.memory_space<smem>>
    memref.store %swap3A_545, %arg8[%swap3A_547] : memref<256xi32, #tpu.memory_space<smem>>
    %swap3A_549 = arith.constant 20658 : i32
    %swap3A_550 = arith.constant 135 : i32
    %swap3A_551 = arith.index_cast %swap3A_550 : i32 to index
    %swap3A_552 = memref.load %arg8[%swap3A_551] : memref<256xi32, #tpu.memory_space<smem>>
    memref.store %swap3A_549, %arg8[%swap3A_551] : memref<256xi32, #tpu.memory_space<smem>>
    %swap3A_553 = arith.constant 2571 : i32
    %swap3A_554 = arith.constant 136 : i32
    %swap3A_555 = arith.index_cast %swap3A_554 : i32 to index
    %swap3A_556 = memref.load %arg8[%swap3A_555] : memref<256xi32, #tpu.memory_space<smem>>
    memref.store %swap3A_553, %arg8[%swap3A_555] : memref<256xi32, #tpu.memory_space<smem>>
    %swap3A_557 = arith.constant 2622 : i32
    %swap3A_558 = arith.constant 137 : i32
    %swap3A_559 = arith.index_cast %swap3A_558 : i32 to index
    %swap3A_560 = memref.load %arg8[%swap3A_559] : memref<256xi32, #tpu.memory_space<smem>>
    memref.store %swap3A_557, %arg8[%swap3A_559] : memref<256xi32, #tpu.memory_space<smem>>
    %swap3A_561 = arith.constant 6771 : i32
    %swap3A_562 = arith.constant 138 : i32
    %swap3A_563 = arith.index_cast %swap3A_562 : i32 to index
    %swap3A_564 = memref.load %arg8[%swap3A_563] : memref<256xi32, #tpu.memory_space<smem>>
    memref.store %swap3A_561, %arg8[%swap3A_563] : memref<256xi32, #tpu.memory_space<smem>>
    %swap3A_565 = arith.constant 8643 : i32
    %swap3A_566 = arith.constant 139 : i32
    %swap3A_567 = arith.index_cast %swap3A_566 : i32 to index
    %swap3A_568 = memref.load %arg8[%swap3A_567] : memref<256xi32, #tpu.memory_space<smem>>
    memref.store %swap3A_565, %arg8[%swap3A_567] : memref<256xi32, #tpu.memory_space<smem>>
    %swap3A_569 = arith.constant 19029 : i32
    %swap3A_570 = arith.constant 140 : i32
    %swap3A_571 = arith.index_cast %swap3A_570 : i32 to index
    %swap3A_572 = memref.load %arg8[%swap3A_571] : memref<256xi32, #tpu.memory_space<smem>>
    memref.store %swap3A_569, %arg8[%swap3A_571] : memref<256xi32, #tpu.memory_space<smem>>
    %swap3A_573 = arith.constant 23268 : i32
    %swap3A_574 = arith.constant 141 : i32
    %swap3A_575 = arith.index_cast %swap3A_574 : i32 to index
    %swap3A_576 = memref.load %arg8[%swap3A_575] : memref<256xi32, #tpu.memory_space<smem>>
    memref.store %swap3A_573, %arg8[%swap3A_575] : memref<256xi32, #tpu.memory_space<smem>>
    %swap3A_577 = arith.constant 23505 : i32
    %swap3A_578 = arith.constant 142 : i32
    %swap3A_579 = arith.index_cast %swap3A_578 : i32 to index
    %swap3A_580 = memref.load %arg8[%swap3A_579] : memref<256xi32, #tpu.memory_space<smem>>
    memref.store %swap3A_577, %arg8[%swap3A_579] : memref<256xi32, #tpu.memory_space<smem>>
    %swap3A_581 = arith.constant 11796 : i32
    %swap3A_582 = arith.constant 143 : i32
    %swap3A_583 = arith.index_cast %swap3A_582 : i32 to index
    %swap3A_584 = memref.load %arg8[%swap3A_583] : memref<256xi32, #tpu.memory_space<smem>>
    memref.store %swap3A_581, %arg8[%swap3A_583] : memref<256xi32, #tpu.memory_space<smem>>
    %swap3A_585 = arith.constant 19638 : i32
    %swap3A_586 = arith.constant 144 : i32
    %swap3A_587 = arith.index_cast %swap3A_586 : i32 to index
    %swap3A_588 = memref.load %arg8[%swap3A_587] : memref<256xi32, #tpu.memory_space<smem>>
    memref.store %swap3A_585, %arg8[%swap3A_587] : memref<256xi32, #tpu.memory_space<smem>>
    %swap3A_589 = arith.constant 22770 : i32
    %swap3A_590 = arith.constant 145 : i32
    %swap3A_591 = arith.index_cast %swap3A_590 : i32 to index
    %swap3A_592 = memref.load %arg8[%swap3A_591] : memref<256xi32, #tpu.memory_space<smem>>
    memref.store %swap3A_589, %arg8[%swap3A_591] : memref<256xi32, #tpu.memory_space<smem>>
    %swap3A_593 = arith.constant 22401 : i32
    %swap3A_594 = arith.constant 146 : i32
    %swap3A_595 = arith.index_cast %swap3A_594 : i32 to index
    %swap3A_596 = memref.load %arg8[%swap3A_595] : memref<256xi32, #tpu.memory_space<smem>>
    memref.store %swap3A_593, %arg8[%swap3A_595] : memref<256xi32, #tpu.memory_space<smem>>
    %swap3A_597 = arith.constant 17673 : i32
    %swap3A_598 = arith.constant 147 : i32
    %swap3A_599 = arith.index_cast %swap3A_598 : i32 to index
    %swap3A_600 = memref.load %arg8[%swap3A_599] : memref<256xi32, #tpu.memory_space<smem>>
    memref.store %swap3A_597, %arg8[%swap3A_599] : memref<256xi32, #tpu.memory_space<smem>>
    %swap3A_601 = arith.constant 1875 : i32
    %swap3A_602 = arith.constant 148 : i32
    %swap3A_603 = arith.index_cast %swap3A_602 : i32 to index
    %swap3A_604 = memref.load %arg8[%swap3A_603] : memref<256xi32, #tpu.memory_space<smem>>
    memref.store %swap3A_601, %arg8[%swap3A_603] : memref<256xi32, #tpu.memory_space<smem>>
    %swap3A_605 = arith.constant 7779 : i32
    %swap3A_606 = arith.constant 149 : i32
    %swap3A_607 = arith.index_cast %swap3A_606 : i32 to index
    %swap3A_608 = memref.load %arg8[%swap3A_607] : memref<256xi32, #tpu.memory_space<smem>>
    memref.store %swap3A_605, %arg8[%swap3A_607] : memref<256xi32, #tpu.memory_space<smem>>
    %swap3A_609 = arith.constant 9045 : i32
    %swap3A_610 = arith.constant 150 : i32
    %swap3A_611 = arith.index_cast %swap3A_610 : i32 to index
    %swap3A_612 = memref.load %arg8[%swap3A_611] : memref<256xi32, #tpu.memory_space<smem>>
    memref.store %swap3A_609, %arg8[%swap3A_611] : memref<256xi32, #tpu.memory_space<smem>>
    %swap3A_613 = arith.constant 4758 : i32
    %swap3A_614 = arith.constant 151 : i32
    %swap3A_615 = arith.index_cast %swap3A_614 : i32 to index
    %swap3A_616 = memref.load %arg8[%swap3A_615] : memref<256xi32, #tpu.memory_space<smem>>
    memref.store %swap3A_613, %arg8[%swap3A_615] : memref<256xi32, #tpu.memory_space<smem>>
    %swap3A_617 = arith.constant 4929 : i32
    %swap3A_618 = arith.constant 152 : i32
    %swap3A_619 = arith.index_cast %swap3A_618 : i32 to index
    %swap3A_620 = memref.load %arg8[%swap3A_619] : memref<256xi32, #tpu.memory_space<smem>>
    memref.store %swap3A_617, %arg8[%swap3A_619] : memref<256xi32, #tpu.memory_space<smem>>
    %swap3A_621 = arith.constant 19344 : i32
    %swap3A_622 = arith.constant 153 : i32
    %swap3A_623 = arith.index_cast %swap3A_622 : i32 to index
    %swap3A_624 = memref.load %arg8[%swap3A_623] : memref<256xi32, #tpu.memory_space<smem>>
    memref.store %swap3A_621, %arg8[%swap3A_623] : memref<256xi32, #tpu.memory_space<smem>>
    %swap3A_625 = arith.constant 24288 : i32
    %swap3A_626 = arith.constant 154 : i32
    %swap3A_627 = arith.index_cast %swap3A_626 : i32 to index
    %swap3A_628 = memref.load %arg8[%swap3A_627] : memref<256xi32, #tpu.memory_space<smem>>
    memref.store %swap3A_625, %arg8[%swap3A_627] : memref<256xi32, #tpu.memory_space<smem>>
    %swap3A_629 = arith.constant 4857 : i32
    %swap3A_630 = arith.constant 155 : i32
    %swap3A_631 = arith.index_cast %swap3A_630 : i32 to index
    %swap3A_632 = memref.load %arg8[%swap3A_631] : memref<256xi32, #tpu.memory_space<smem>>
    memref.store %swap3A_629, %arg8[%swap3A_631] : memref<256xi32, #tpu.memory_space<smem>>
    %swap3A_633 = arith.constant 11274 : i32
    %swap3A_634 = arith.constant 156 : i32
    %swap3A_635 = arith.index_cast %swap3A_634 : i32 to index
    %swap3A_636 = memref.load %arg8[%swap3A_635] : memref<256xi32, #tpu.memory_space<smem>>
    memref.store %swap3A_633, %arg8[%swap3A_635] : memref<256xi32, #tpu.memory_space<smem>>
    %swap3A_637 = arith.constant 3507 : i32
    %swap3A_638 = arith.constant 157 : i32
    %swap3A_639 = arith.index_cast %swap3A_638 : i32 to index
    %swap3A_640 = memref.load %arg8[%swap3A_639] : memref<256xi32, #tpu.memory_space<smem>>
    memref.store %swap3A_637, %arg8[%swap3A_639] : memref<256xi32, #tpu.memory_space<smem>>
    %swap3A_641 = arith.constant 22689 : i32
    %swap3A_642 = arith.constant 158 : i32
    %swap3A_643 = arith.index_cast %swap3A_642 : i32 to index
    %swap3A_644 = memref.load %arg8[%swap3A_643] : memref<256xi32, #tpu.memory_space<smem>>
    memref.store %swap3A_641, %arg8[%swap3A_643] : memref<256xi32, #tpu.memory_space<smem>>
    %swap3A_645 = arith.constant 4302 : i32
    %swap3A_646 = arith.constant 159 : i32
    %swap3A_647 = arith.index_cast %swap3A_646 : i32 to index
    %swap3A_648 = memref.load %arg8[%swap3A_647] : memref<256xi32, #tpu.memory_space<smem>>
    memref.store %swap3A_645, %arg8[%swap3A_647] : memref<256xi32, #tpu.memory_space<smem>>
    %swap3A_649 = arith.constant 15498 : i32
    %swap3A_650 = arith.constant 160 : i32
    %swap3A_651 = arith.index_cast %swap3A_650 : i32 to index
    %swap3A_652 = memref.load %arg8[%swap3A_651] : memref<256xi32, #tpu.memory_space<smem>>
    memref.store %swap3A_649, %arg8[%swap3A_651] : memref<256xi32, #tpu.memory_space<smem>>
    %swap3A_653 = arith.constant 4860 : i32
    %swap3A_654 = arith.constant 161 : i32
    %swap3A_655 = arith.index_cast %swap3A_654 : i32 to index
    %swap3A_656 = memref.load %arg8[%swap3A_655] : memref<256xi32, #tpu.memory_space<smem>>
    memref.store %swap3A_653, %arg8[%swap3A_655] : memref<256xi32, #tpu.memory_space<smem>>
    %swap3A_657 = arith.constant 17730 : i32
    %swap3A_658 = arith.constant 162 : i32
    %swap3A_659 = arith.index_cast %swap3A_658 : i32 to index
    %swap3A_660 = memref.load %arg8[%swap3A_659] : memref<256xi32, #tpu.memory_space<smem>>
    memref.store %swap3A_657, %arg8[%swap3A_659] : memref<256xi32, #tpu.memory_space<smem>>
    %swap3A_661 = arith.constant 7929 : i32
    %swap3A_662 = arith.constant 163 : i32
    %swap3A_663 = arith.index_cast %swap3A_662 : i32 to index
    %swap3A_664 = memref.load %arg8[%swap3A_663] : memref<256xi32, #tpu.memory_space<smem>>
    memref.store %swap3A_661, %arg8[%swap3A_663] : memref<256xi32, #tpu.memory_space<smem>>
    %swap3A_665 = arith.constant 11178 : i32
    %swap3A_666 = arith.constant 164 : i32
    %swap3A_667 = arith.index_cast %swap3A_666 : i32 to index
    %swap3A_668 = memref.load %arg8[%swap3A_667] : memref<256xi32, #tpu.memory_space<smem>>
    memref.store %swap3A_665, %arg8[%swap3A_667] : memref<256xi32, #tpu.memory_space<smem>>
    %swap3A_669 = arith.constant 5265 : i32
    %swap3A_670 = arith.constant 165 : i32
    %swap3A_671 = arith.index_cast %swap3A_670 : i32 to index
    %swap3A_672 = memref.load %arg8[%swap3A_671] : memref<256xi32, #tpu.memory_space<smem>>
    memref.store %swap3A_669, %arg8[%swap3A_671] : memref<256xi32, #tpu.memory_space<smem>>
    %swap3A_673 = arith.constant 4077 : i32
    %swap3A_674 = arith.constant 166 : i32
    %swap3A_675 = arith.index_cast %swap3A_674 : i32 to index
    %swap3A_676 = memref.load %arg8[%swap3A_675] : memref<256xi32, #tpu.memory_space<smem>>
    memref.store %swap3A_673, %arg8[%swap3A_675] : memref<256xi32, #tpu.memory_space<smem>>
    %swap3A_677 = arith.constant 13917 : i32
    %swap3A_678 = arith.constant 167 : i32
    %swap3A_679 = arith.index_cast %swap3A_678 : i32 to index
    %swap3A_680 = memref.load %arg8[%swap3A_679] : memref<256xi32, #tpu.memory_space<smem>>
    memref.store %swap3A_677, %arg8[%swap3A_679] : memref<256xi32, #tpu.memory_space<smem>>
    %swap3A_681 = arith.constant 1224 : i32
    %swap3A_682 = arith.constant 168 : i32
    %swap3A_683 = arith.index_cast %swap3A_682 : i32 to index
    %swap3A_684 = memref.load %arg8[%swap3A_683] : memref<256xi32, #tpu.memory_space<smem>>
    memref.store %swap3A_681, %arg8[%swap3A_683] : memref<256xi32, #tpu.memory_space<smem>>
    %swap3A_685 = arith.constant 22413 : i32
    %swap3A_686 = arith.constant 169 : i32
    %swap3A_687 = arith.index_cast %swap3A_686 : i32 to index
    %swap3A_688 = memref.load %arg8[%swap3A_687] : memref<256xi32, #tpu.memory_space<smem>>
    memref.store %swap3A_685, %arg8[%swap3A_687] : memref<256xi32, #tpu.memory_space<smem>>
    %swap3A_689 = arith.constant 11637 : i32
    %swap3A_690 = arith.constant 170 : i32
    %swap3A_691 = arith.index_cast %swap3A_690 : i32 to index
    %swap3A_692 = memref.load %arg8[%swap3A_691] : memref<256xi32, #tpu.memory_space<smem>>
    memref.store %swap3A_689, %arg8[%swap3A_691] : memref<256xi32, #tpu.memory_space<smem>>
    %swap3A_693 = arith.constant 13404 : i32
    %swap3A_694 = arith.constant 171 : i32
    %swap3A_695 = arith.index_cast %swap3A_694 : i32 to index
    %swap3A_696 = memref.load %arg8[%swap3A_695] : memref<256xi32, #tpu.memory_space<smem>>
    memref.store %swap3A_693, %arg8[%swap3A_695] : memref<256xi32, #tpu.memory_space<smem>>
    %swap3A_697 = arith.constant 8364 : i32
    %swap3A_698 = arith.constant 172 : i32
    %swap3A_699 = arith.index_cast %swap3A_698 : i32 to index
    %swap3A_700 = memref.load %arg8[%swap3A_699] : memref<256xi32, #tpu.memory_space<smem>>
    memref.store %swap3A_697, %arg8[%swap3A_699] : memref<256xi32, #tpu.memory_space<smem>>
    %swap3A_701 = arith.constant 22179 : i32
    %swap3A_702 = arith.constant 173 : i32
    %swap3A_703 = arith.index_cast %swap3A_702 : i32 to index
    %swap3A_704 = memref.load %arg8[%swap3A_703] : memref<256xi32, #tpu.memory_space<smem>>
    memref.store %swap3A_701, %arg8[%swap3A_703] : memref<256xi32, #tpu.memory_space<smem>>
    %swap3A_705 = arith.constant 3906 : i32
    %swap3A_706 = arith.constant 174 : i32
    %swap3A_707 = arith.index_cast %swap3A_706 : i32 to index
    %swap3A_708 = memref.load %arg8[%swap3A_707] : memref<256xi32, #tpu.memory_space<smem>>
    memref.store %swap3A_705, %arg8[%swap3A_707] : memref<256xi32, #tpu.memory_space<smem>>
    %swap3A_709 = arith.constant 7725 : i32
    %swap3A_710 = arith.constant 175 : i32
    %swap3A_711 = arith.index_cast %swap3A_710 : i32 to index
    %swap3A_712 = memref.load %arg8[%swap3A_711] : memref<256xi32, #tpu.memory_space<smem>>
    memref.store %swap3A_709, %arg8[%swap3A_711] : memref<256xi32, #tpu.memory_space<smem>>
    %swap3A_713 = arith.constant 5706 : i32
    %swap3A_714 = arith.constant 176 : i32
    %swap3A_715 = arith.index_cast %swap3A_714 : i32 to index
    %swap3A_716 = memref.load %arg8[%swap3A_715] : memref<256xi32, #tpu.memory_space<smem>>
    memref.store %swap3A_713, %arg8[%swap3A_715] : memref<256xi32, #tpu.memory_space<smem>>
    %swap3A_717 = arith.constant 1368 : i32
    %swap3A_718 = arith.constant 177 : i32
    %swap3A_719 = arith.index_cast %swap3A_718 : i32 to index
    %swap3A_720 = memref.load %arg8[%swap3A_719] : memref<256xi32, #tpu.memory_space<smem>>
    memref.store %swap3A_717, %arg8[%swap3A_719] : memref<256xi32, #tpu.memory_space<smem>>
    %swap3A_721 = arith.constant 6246 : i32
    %swap3A_722 = arith.constant 178 : i32
    %swap3A_723 = arith.index_cast %swap3A_722 : i32 to index
    %swap3A_724 = memref.load %arg8[%swap3A_723] : memref<256xi32, #tpu.memory_space<smem>>
    memref.store %swap3A_721, %arg8[%swap3A_723] : memref<256xi32, #tpu.memory_space<smem>>
    %swap3A_725 = arith.constant 21657 : i32
    %swap3A_726 = arith.constant 179 : i32
    %swap3A_727 = arith.index_cast %swap3A_726 : i32 to index
    %swap3A_728 = memref.load %arg8[%swap3A_727] : memref<256xi32, #tpu.memory_space<smem>>
    memref.store %swap3A_725, %arg8[%swap3A_727] : memref<256xi32, #tpu.memory_space<smem>>
    %swap3A_729 = arith.constant 20748 : i32
    %swap3A_730 = arith.constant 180 : i32
    %swap3A_731 = arith.index_cast %swap3A_730 : i32 to index
    %swap3A_732 = memref.load %arg8[%swap3A_731] : memref<256xi32, #tpu.memory_space<smem>>
    memref.store %swap3A_729, %arg8[%swap3A_731] : memref<256xi32, #tpu.memory_space<smem>>
    %swap3A_733 = arith.constant 15663 : i32
    %swap3A_734 = arith.constant 181 : i32
    %swap3A_735 = arith.index_cast %swap3A_734 : i32 to index
    %swap3A_736 = memref.load %arg8[%swap3A_735] : memref<256xi32, #tpu.memory_space<smem>>
    memref.store %swap3A_733, %arg8[%swap3A_735] : memref<256xi32, #tpu.memory_space<smem>>
    %swap3A_737 = arith.constant 8418 : i32
    %swap3A_738 = arith.constant 182 : i32
    %swap3A_739 = arith.index_cast %swap3A_738 : i32 to index
    %swap3A_740 = memref.load %arg8[%swap3A_739] : memref<256xi32, #tpu.memory_space<smem>>
    memref.store %swap3A_737, %arg8[%swap3A_739] : memref<256xi32, #tpu.memory_space<smem>>
    %swap3A_741 = arith.constant 10773 : i32
    %swap3A_742 = arith.constant 183 : i32
    %swap3A_743 = arith.index_cast %swap3A_742 : i32 to index
    %swap3A_744 = memref.load %arg8[%swap3A_743] : memref<256xi32, #tpu.memory_space<smem>>
    memref.store %swap3A_741, %arg8[%swap3A_743] : memref<256xi32, #tpu.memory_space<smem>>
    %swap3A_745 = arith.constant 19581 : i32
    %swap3A_746 = arith.constant 184 : i32
    %swap3A_747 = arith.index_cast %swap3A_746 : i32 to index
    %swap3A_748 = memref.load %arg8[%swap3A_747] : memref<256xi32, #tpu.memory_space<smem>>
    memref.store %swap3A_745, %arg8[%swap3A_747] : memref<256xi32, #tpu.memory_space<smem>>
    %swap3A_749 = arith.constant 21906 : i32
    %swap3A_750 = arith.constant 185 : i32
    %swap3A_751 = arith.index_cast %swap3A_750 : i32 to index
    %swap3A_752 = memref.load %arg8[%swap3A_751] : memref<256xi32, #tpu.memory_space<smem>>
    memref.store %swap3A_749, %arg8[%swap3A_751] : memref<256xi32, #tpu.memory_space<smem>>
    %swap3A_753 = arith.constant 22863 : i32
    %swap3A_754 = arith.constant 186 : i32
    %swap3A_755 = arith.index_cast %swap3A_754 : i32 to index
    %swap3A_756 = memref.load %arg8[%swap3A_755] : memref<256xi32, #tpu.memory_space<smem>>
    memref.store %swap3A_753, %arg8[%swap3A_755] : memref<256xi32, #tpu.memory_space<smem>>
    %swap3A_757 = arith.constant 18792 : i32
    %swap3A_758 = arith.constant 187 : i32
    %swap3A_759 = arith.index_cast %swap3A_758 : i32 to index
    %swap3A_760 = memref.load %arg8[%swap3A_759] : memref<256xi32, #tpu.memory_space<smem>>
    memref.store %swap3A_757, %arg8[%swap3A_759] : memref<256xi32, #tpu.memory_space<smem>>
    %swap3A_761 = arith.constant 11268 : i32
    %swap3A_762 = arith.constant 188 : i32
    %swap3A_763 = arith.index_cast %swap3A_762 : i32 to index
    %swap3A_764 = memref.load %arg8[%swap3A_763] : memref<256xi32, #tpu.memory_space<smem>>
    memref.store %swap3A_761, %arg8[%swap3A_763] : memref<256xi32, #tpu.memory_space<smem>>
    %swap3A_765 = arith.constant 6591 : i32
    %swap3A_766 = arith.constant 189 : i32
    %swap3A_767 = arith.index_cast %swap3A_766 : i32 to index
    %swap3A_768 = memref.load %arg8[%swap3A_767] : memref<256xi32, #tpu.memory_space<smem>>
    memref.store %swap3A_765, %arg8[%swap3A_767] : memref<256xi32, #tpu.memory_space<smem>>
    %swap3A_769 = arith.constant 19527 : i32
    %swap3A_770 = arith.constant 190 : i32
    %swap3A_771 = arith.index_cast %swap3A_770 : i32 to index
    %swap3A_772 = memref.load %arg8[%swap3A_771] : memref<256xi32, #tpu.memory_space<smem>>
    memref.store %swap3A_769, %arg8[%swap3A_771] : memref<256xi32, #tpu.memory_space<smem>>
    %swap3A_773 = arith.constant 12807 : i32
    %swap3A_774 = arith.constant 191 : i32
    %swap3A_775 = arith.index_cast %swap3A_774 : i32 to index
    %swap3A_776 = memref.load %arg8[%swap3A_775] : memref<256xi32, #tpu.memory_space<smem>>
    memref.store %swap3A_773, %arg8[%swap3A_775] : memref<256xi32, #tpu.memory_space<smem>>
    %swap3A_777 = arith.constant 17436 : i32
    %swap3A_778 = arith.constant 192 : i32
    %swap3A_779 = arith.index_cast %swap3A_778 : i32 to index
    %swap3A_780 = memref.load %arg8[%swap3A_779] : memref<256xi32, #tpu.memory_space<smem>>
    memref.store %swap3A_777, %arg8[%swap3A_779] : memref<256xi32, #tpu.memory_space<smem>>
    %swap3A_781 = arith.constant 4263 : i32
    %swap3A_782 = arith.constant 193 : i32
    %swap3A_783 = arith.index_cast %swap3A_782 : i32 to index
    %swap3A_784 = memref.load %arg8[%swap3A_783] : memref<256xi32, #tpu.memory_space<smem>>
    memref.store %swap3A_781, %arg8[%swap3A_783] : memref<256xi32, #tpu.memory_space<smem>>
    %swap3A_785 = arith.constant 21765 : i32
    %swap3A_786 = arith.constant 194 : i32
    %swap3A_787 = arith.index_cast %swap3A_786 : i32 to index
    %swap3A_788 = memref.load %arg8[%swap3A_787] : memref<256xi32, #tpu.memory_space<smem>>
    memref.store %swap3A_785, %arg8[%swap3A_787] : memref<256xi32, #tpu.memory_space<smem>>
    %swap3A_789 = arith.constant 19833 : i32
    %swap3A_790 = arith.constant 195 : i32
    %swap3A_791 = arith.index_cast %swap3A_790 : i32 to index
    %swap3A_792 = memref.load %arg8[%swap3A_791] : memref<256xi32, #tpu.memory_space<smem>>
    memref.store %swap3A_789, %arg8[%swap3A_791] : memref<256xi32, #tpu.memory_space<smem>>
    %swap3A_793 = arith.constant 11712 : i32
    %swap3A_794 = arith.constant 196 : i32
    %swap3A_795 = arith.index_cast %swap3A_794 : i32 to index
    %swap3A_796 = memref.load %arg8[%swap3A_795] : memref<256xi32, #tpu.memory_space<smem>>
    memref.store %swap3A_793, %arg8[%swap3A_795] : memref<256xi32, #tpu.memory_space<smem>>
    %swap3A_797 = arith.constant 19809 : i32
    %swap3A_798 = arith.constant 197 : i32
    %swap3A_799 = arith.index_cast %swap3A_798 : i32 to index
    %swap3A_800 = memref.load %arg8[%swap3A_799] : memref<256xi32, #tpu.memory_space<smem>>
    memref.store %swap3A_797, %arg8[%swap3A_799] : memref<256xi32, #tpu.memory_space<smem>>
    %swap3A_801 = arith.constant 5154 : i32
    %swap3A_802 = arith.constant 198 : i32
    %swap3A_803 = arith.index_cast %swap3A_802 : i32 to index
    %swap3A_804 = memref.load %arg8[%swap3A_803] : memref<256xi32, #tpu.memory_space<smem>>
    memref.store %swap3A_801, %arg8[%swap3A_803] : memref<256xi32, #tpu.memory_space<smem>>
    %swap3A_805 = arith.constant 16698 : i32
    %swap3A_806 = arith.constant 199 : i32
    %swap3A_807 = arith.index_cast %swap3A_806 : i32 to index
    %swap3A_808 = memref.load %arg8[%swap3A_807] : memref<256xi32, #tpu.memory_space<smem>>
    memref.store %swap3A_805, %arg8[%swap3A_807] : memref<256xi32, #tpu.memory_space<smem>>
    %swap3A_809 = arith.constant 16827 : i32
    %swap3A_810 = arith.constant 200 : i32
    %swap3A_811 = arith.index_cast %swap3A_810 : i32 to index
    %swap3A_812 = memref.load %arg8[%swap3A_811] : memref<256xi32, #tpu.memory_space<smem>>
    memref.store %swap3A_809, %arg8[%swap3A_811] : memref<256xi32, #tpu.memory_space<smem>>
    %swap3A_813 = arith.constant 6267 : i32
    %swap3A_814 = arith.constant 201 : i32
    %swap3A_815 = arith.index_cast %swap3A_814 : i32 to index
    %swap3A_816 = memref.load %arg8[%swap3A_815] : memref<256xi32, #tpu.memory_space<smem>>
    memref.store %swap3A_813, %arg8[%swap3A_815] : memref<256xi32, #tpu.memory_space<smem>>
    %swap3A_817 = arith.constant 22803 : i32
    %swap3A_818 = arith.constant 202 : i32
    %swap3A_819 = arith.index_cast %swap3A_818 : i32 to index
    %swap3A_820 = memref.load %arg8[%swap3A_819] : memref<256xi32, #tpu.memory_space<smem>>
    memref.store %swap3A_817, %arg8[%swap3A_819] : memref<256xi32, #tpu.memory_space<smem>>
    %swap3A_821 = arith.constant 17967 : i32
    %swap3A_822 = arith.constant 203 : i32
    %swap3A_823 = arith.index_cast %swap3A_822 : i32 to index
    %swap3A_824 = memref.load %arg8[%swap3A_823] : memref<256xi32, #tpu.memory_space<smem>>
    memref.store %swap3A_821, %arg8[%swap3A_823] : memref<256xi32, #tpu.memory_space<smem>>
    %swap3A_825 = arith.constant 3741 : i32
    %swap3A_826 = arith.constant 204 : i32
    %swap3A_827 = arith.index_cast %swap3A_826 : i32 to index
    %swap3A_828 = memref.load %arg8[%swap3A_827] : memref<256xi32, #tpu.memory_space<smem>>
    memref.store %swap3A_825, %arg8[%swap3A_827] : memref<256xi32, #tpu.memory_space<smem>>
    %swap3A_829 = arith.constant 7056 : i32
    %swap3A_830 = arith.constant 205 : i32
    %swap3A_831 = arith.index_cast %swap3A_830 : i32 to index
    %swap3A_832 = memref.load %arg8[%swap3A_831] : memref<256xi32, #tpu.memory_space<smem>>
    memref.store %swap3A_829, %arg8[%swap3A_831] : memref<256xi32, #tpu.memory_space<smem>>
    %swap3A_833 = arith.constant 23622 : i32
    %swap3A_834 = arith.constant 206 : i32
    %swap3A_835 = arith.index_cast %swap3A_834 : i32 to index
    %swap3A_836 = memref.load %arg8[%swap3A_835] : memref<256xi32, #tpu.memory_space<smem>>
    memref.store %swap3A_833, %arg8[%swap3A_835] : memref<256xi32, #tpu.memory_space<smem>>
    %swap3A_837 = arith.constant 1062 : i32
    %swap3A_838 = arith.constant 207 : i32
    %swap3A_839 = arith.index_cast %swap3A_838 : i32 to index
    %swap3A_840 = memref.load %arg8[%swap3A_839] : memref<256xi32, #tpu.memory_space<smem>>
    memref.store %swap3A_837, %arg8[%swap3A_839] : memref<256xi32, #tpu.memory_space<smem>>
    %swap3A_841 = arith.constant 19917 : i32
    %swap3A_842 = arith.constant 208 : i32
    %swap3A_843 = arith.index_cast %swap3A_842 : i32 to index
    %swap3A_844 = memref.load %arg8[%swap3A_843] : memref<256xi32, #tpu.memory_space<smem>>
    memref.store %swap3A_841, %arg8[%swap3A_843] : memref<256xi32, #tpu.memory_space<smem>>
    %swap3A_845 = arith.constant 1827 : i32
    %swap3A_846 = arith.constant 209 : i32
    %swap3A_847 = arith.index_cast %swap3A_846 : i32 to index
    %swap3A_848 = memref.load %arg8[%swap3A_847] : memref<256xi32, #tpu.memory_space<smem>>
    memref.store %swap3A_845, %arg8[%swap3A_847] : memref<256xi32, #tpu.memory_space<smem>>
    %swap3A_849 = arith.constant 20283 : i32
    %swap3A_850 = arith.constant 210 : i32
    %swap3A_851 = arith.index_cast %swap3A_850 : i32 to index
    %swap3A_852 = memref.load %arg8[%swap3A_851] : memref<256xi32, #tpu.memory_space<smem>>
    memref.store %swap3A_849, %arg8[%swap3A_851] : memref<256xi32, #tpu.memory_space<smem>>
    %swap3A_853 = arith.constant 1773 : i32
    %swap3A_854 = arith.constant 211 : i32
    %swap3A_855 = arith.index_cast %swap3A_854 : i32 to index
    %swap3A_856 = memref.load %arg8[%swap3A_855] : memref<256xi32, #tpu.memory_space<smem>>
    memref.store %swap3A_853, %arg8[%swap3A_855] : memref<256xi32, #tpu.memory_space<smem>>
    %swap3A_857 = arith.constant 6219 : i32
    %swap3A_858 = arith.constant 212 : i32
    %swap3A_859 = arith.index_cast %swap3A_858 : i32 to index
    %swap3A_860 = memref.load %arg8[%swap3A_859] : memref<256xi32, #tpu.memory_space<smem>>
    memref.store %swap3A_857, %arg8[%swap3A_859] : memref<256xi32, #tpu.memory_space<smem>>
    %swap3A_861 = arith.constant 18204 : i32
    %swap3A_862 = arith.constant 213 : i32
    %swap3A_863 = arith.index_cast %swap3A_862 : i32 to index
    %swap3A_864 = memref.load %arg8[%swap3A_863] : memref<256xi32, #tpu.memory_space<smem>>
    memref.store %swap3A_861, %arg8[%swap3A_863] : memref<256xi32, #tpu.memory_space<smem>>
    %swap3A_865 = arith.constant 18693 : i32
    %swap3A_866 = arith.constant 214 : i32
    %swap3A_867 = arith.index_cast %swap3A_866 : i32 to index
    %swap3A_868 = memref.load %arg8[%swap3A_867] : memref<256xi32, #tpu.memory_space<smem>>
    memref.store %swap3A_865, %arg8[%swap3A_867] : memref<256xi32, #tpu.memory_space<smem>>
    %swap3A_869 = arith.constant 23577 : i32
    %swap3A_870 = arith.constant 215 : i32
    %swap3A_871 = arith.index_cast %swap3A_870 : i32 to index
    %swap3A_872 = memref.load %arg8[%swap3A_871] : memref<256xi32, #tpu.memory_space<smem>>
    memref.store %swap3A_869, %arg8[%swap3A_871] : memref<256xi32, #tpu.memory_space<smem>>
    %swap3A_873 = arith.constant 15351 : i32
    %swap3A_874 = arith.constant 216 : i32
    %swap3A_875 = arith.index_cast %swap3A_874 : i32 to index
    %swap3A_876 = memref.load %arg8[%swap3A_875] : memref<256xi32, #tpu.memory_space<smem>>
    memref.store %swap3A_873, %arg8[%swap3A_875] : memref<256xi32, #tpu.memory_space<smem>>
    %swap3A_877 = arith.constant 12630 : i32
    %swap3A_878 = arith.constant 217 : i32
    %swap3A_879 = arith.index_cast %swap3A_878 : i32 to index
    %swap3A_880 = memref.load %arg8[%swap3A_879] : memref<256xi32, #tpu.memory_space<smem>>
    memref.store %swap3A_877, %arg8[%swap3A_879] : memref<256xi32, #tpu.memory_space<smem>>
    %swap3A_881 = arith.constant 12129 : i32
    %swap3A_882 = arith.constant 218 : i32
    %swap3A_883 = arith.index_cast %swap3A_882 : i32 to index
    %swap3A_884 = memref.load %arg8[%swap3A_883] : memref<256xi32, #tpu.memory_space<smem>>
    memref.store %swap3A_881, %arg8[%swap3A_883] : memref<256xi32, #tpu.memory_space<smem>>
    %swap3A_885 = arith.constant 747 : i32
    %swap3A_886 = arith.constant 219 : i32
    %swap3A_887 = arith.index_cast %swap3A_886 : i32 to index
    %swap3A_888 = memref.load %arg8[%swap3A_887] : memref<256xi32, #tpu.memory_space<smem>>
    memref.store %swap3A_885, %arg8[%swap3A_887] : memref<256xi32, #tpu.memory_space<smem>>
    %swap3A_889 = arith.constant 19596 : i32
    %swap3A_890 = arith.constant 220 : i32
    %swap3A_891 = arith.index_cast %swap3A_890 : i32 to index
    %swap3A_892 = memref.load %arg8[%swap3A_891] : memref<256xi32, #tpu.memory_space<smem>>
    memref.store %swap3A_889, %arg8[%swap3A_891] : memref<256xi32, #tpu.memory_space<smem>>
    %swap3A_893 = arith.constant 18276 : i32
    %swap3A_894 = arith.constant 221 : i32
    %swap3A_895 = arith.index_cast %swap3A_894 : i32 to index
    %swap3A_896 = memref.load %arg8[%swap3A_895] : memref<256xi32, #tpu.memory_space<smem>>
    memref.store %swap3A_893, %arg8[%swap3A_895] : memref<256xi32, #tpu.memory_space<smem>>
    %swap3A_897 = arith.constant 1491 : i32
    %swap3A_898 = arith.constant 222 : i32
    %swap3A_899 = arith.index_cast %swap3A_898 : i32 to index
    %swap3A_900 = memref.load %arg8[%swap3A_899] : memref<256xi32, #tpu.memory_space<smem>>
    memref.store %swap3A_897, %arg8[%swap3A_899] : memref<256xi32, #tpu.memory_space<smem>>
    %swap3A_901 = arith.constant 6657 : i32
    %swap3A_902 = arith.constant 223 : i32
    %swap3A_903 = arith.index_cast %swap3A_902 : i32 to index
    %swap3A_904 = memref.load %arg8[%swap3A_903] : memref<256xi32, #tpu.memory_space<smem>>
    memref.store %swap3A_901, %arg8[%swap3A_903] : memref<256xi32, #tpu.memory_space<smem>>
    %swap3A_905 = arith.constant 13008 : i32
    %swap3A_906 = arith.constant 224 : i32
    %swap3A_907 = arith.index_cast %swap3A_906 : i32 to index
    %swap3A_908 = memref.load %arg8[%swap3A_907] : memref<256xi32, #tpu.memory_space<smem>>
    memref.store %swap3A_905, %arg8[%swap3A_907] : memref<256xi32, #tpu.memory_space<smem>>
    %swap3A_909 = arith.constant 22599 : i32
    %swap3A_910 = arith.constant 225 : i32
    %swap3A_911 = arith.index_cast %swap3A_910 : i32 to index
    %swap3A_912 = memref.load %arg8[%swap3A_911] : memref<256xi32, #tpu.memory_space<smem>>
    memref.store %swap3A_909, %arg8[%swap3A_911] : memref<256xi32, #tpu.memory_space<smem>>
    %swap3A_913 = arith.constant 4704 : i32
    %swap3A_914 = arith.constant 226 : i32
    %swap3A_915 = arith.index_cast %swap3A_914 : i32 to index
    %swap3A_916 = memref.load %arg8[%swap3A_915] : memref<256xi32, #tpu.memory_space<smem>>
    memref.store %swap3A_913, %arg8[%swap3A_915] : memref<256xi32, #tpu.memory_space<smem>>
    %swap3A_917 = arith.constant 2364 : i32
    %swap3A_918 = arith.constant 227 : i32
    %swap3A_919 = arith.index_cast %swap3A_918 : i32 to index
    %swap3A_920 = memref.load %arg8[%swap3A_919] : memref<256xi32, #tpu.memory_space<smem>>
    memref.store %swap3A_917, %arg8[%swap3A_919] : memref<256xi32, #tpu.memory_space<smem>>
    %swap3A_921 = arith.constant 16404 : i32
    %swap3A_922 = arith.constant 228 : i32
    %swap3A_923 = arith.index_cast %swap3A_922 : i32 to index
    %swap3A_924 = memref.load %arg8[%swap3A_923] : memref<256xi32, #tpu.memory_space<smem>>
    memref.store %swap3A_921, %arg8[%swap3A_923] : memref<256xi32, #tpu.memory_space<smem>>
    %swap3A_925 = arith.constant 17052 : i32
    %swap3A_926 = arith.constant 229 : i32
    %swap3A_927 = arith.index_cast %swap3A_926 : i32 to index
    %swap3A_928 = memref.load %arg8[%swap3A_927] : memref<256xi32, #tpu.memory_space<smem>>
    memref.store %swap3A_925, %arg8[%swap3A_927] : memref<256xi32, #tpu.memory_space<smem>>
    %swap3A_929 = arith.constant 3447 : i32
    %swap3A_930 = arith.constant 230 : i32
    %swap3A_931 = arith.index_cast %swap3A_930 : i32 to index
    %swap3A_932 = memref.load %arg8[%swap3A_931] : memref<256xi32, #tpu.memory_space<smem>>
    memref.store %swap3A_929, %arg8[%swap3A_931] : memref<256xi32, #tpu.memory_space<smem>>
    %swap3A_933 = arith.constant 6747 : i32
    %swap3A_934 = arith.constant 231 : i32
    %swap3A_935 = arith.index_cast %swap3A_934 : i32 to index
    %swap3A_936 = memref.load %arg8[%swap3A_935] : memref<256xi32, #tpu.memory_space<smem>>
    memref.store %swap3A_933, %arg8[%swap3A_935] : memref<256xi32, #tpu.memory_space<smem>>
    %swap3A_937 = arith.constant 7389 : i32
    %swap3A_938 = arith.constant 232 : i32
    %swap3A_939 = arith.index_cast %swap3A_938 : i32 to index
    %swap3A_940 = memref.load %arg8[%swap3A_939] : memref<256xi32, #tpu.memory_space<smem>>
    memref.store %swap3A_937, %arg8[%swap3A_939] : memref<256xi32, #tpu.memory_space<smem>>
    %swap3A_941 = arith.constant 5259 : i32
    %swap3A_942 = arith.constant 233 : i32
    %swap3A_943 = arith.index_cast %swap3A_942 : i32 to index
    %swap3A_944 = memref.load %arg8[%swap3A_943] : memref<256xi32, #tpu.memory_space<smem>>
    memref.store %swap3A_941, %arg8[%swap3A_943] : memref<256xi32, #tpu.memory_space<smem>>
    %swap3A_945 = arith.constant 1314 : i32
    %swap3A_946 = arith.constant 234 : i32
    %swap3A_947 = arith.index_cast %swap3A_946 : i32 to index
    %swap3A_948 = memref.load %arg8[%swap3A_947] : memref<256xi32, #tpu.memory_space<smem>>
    memref.store %swap3A_945, %arg8[%swap3A_947] : memref<256xi32, #tpu.memory_space<smem>>
    %swap3A_949 = arith.constant 11265 : i32
    %swap3A_950 = arith.constant 235 : i32
    %swap3A_951 = arith.index_cast %swap3A_950 : i32 to index
    %swap3A_952 = memref.load %arg8[%swap3A_951] : memref<256xi32, #tpu.memory_space<smem>>
    memref.store %swap3A_949, %arg8[%swap3A_951] : memref<256xi32, #tpu.memory_space<smem>>
    %swap3A_953 = arith.constant 6840 : i32
    %swap3A_954 = arith.constant 236 : i32
    %swap3A_955 = arith.index_cast %swap3A_954 : i32 to index
    %swap3A_956 = memref.load %arg8[%swap3A_955] : memref<256xi32, #tpu.memory_space<smem>>
    memref.store %swap3A_953, %arg8[%swap3A_955] : memref<256xi32, #tpu.memory_space<smem>>
    %swap3A_957 = arith.constant 18300 : i32
    %swap3A_958 = arith.constant 237 : i32
    %swap3A_959 = arith.index_cast %swap3A_958 : i32 to index
    %swap3A_960 = memref.load %arg8[%swap3A_959] : memref<256xi32, #tpu.memory_space<smem>>
    memref.store %swap3A_957, %arg8[%swap3A_959] : memref<256xi32, #tpu.memory_space<smem>>
    %swap3A_961 = arith.constant 11301 : i32
    %swap3A_962 = arith.constant 238 : i32
    %swap3A_963 = arith.index_cast %swap3A_962 : i32 to index
    %swap3A_964 = memref.load %arg8[%swap3A_963] : memref<256xi32, #tpu.memory_space<smem>>
    memref.store %swap3A_961, %arg8[%swap3A_963] : memref<256xi32, #tpu.memory_space<smem>>
    %swap3A_965 = arith.constant 22575 : i32
    %swap3A_966 = arith.constant 239 : i32
    %swap3A_967 = arith.index_cast %swap3A_966 : i32 to index
    %swap3A_968 = memref.load %arg8[%swap3A_967] : memref<256xi32, #tpu.memory_space<smem>>
    memref.store %swap3A_965, %arg8[%swap3A_967] : memref<256xi32, #tpu.memory_space<smem>>
    %swap3A_969 = arith.constant 4575 : i32
    %swap3A_970 = arith.constant 240 : i32
    %swap3A_971 = arith.index_cast %swap3A_970 : i32 to index
    %swap3A_972 = memref.load %arg8[%swap3A_971] : memref<256xi32, #tpu.memory_space<smem>>
    memref.store %swap3A_969, %arg8[%swap3A_971] : memref<256xi32, #tpu.memory_space<smem>>
    %swap3A_973 = arith.constant 16704 : i32
    %swap3A_974 = arith.constant 241 : i32
    %swap3A_975 = arith.index_cast %swap3A_974 : i32 to index
    %swap3A_976 = memref.load %arg8[%swap3A_975] : memref<256xi32, #tpu.memory_space<smem>>
    memref.store %swap3A_973, %arg8[%swap3A_975] : memref<256xi32, #tpu.memory_space<smem>>
    %swap3A_977 = arith.constant 4704 : i32
    %swap3A_978 = arith.constant 242 : i32
    %swap3A_979 = arith.index_cast %swap3A_978 : i32 to index
    %swap3A_980 = memref.load %arg8[%swap3A_979] : memref<256xi32, #tpu.memory_space<smem>>
    memref.store %swap3A_977, %arg8[%swap3A_979] : memref<256xi32, #tpu.memory_space<smem>>
    %swap3A_981 = arith.constant 15342 : i32
    %swap3A_982 = arith.constant 243 : i32
    %swap3A_983 = arith.index_cast %swap3A_982 : i32 to index
    %swap3A_984 = memref.load %arg8[%swap3A_983] : memref<256xi32, #tpu.memory_space<smem>>
    memref.store %swap3A_981, %arg8[%swap3A_983] : memref<256xi32, #tpu.memory_space<smem>>
    %swap3A_985 = arith.constant 18867 : i32
    %swap3A_986 = arith.constant 244 : i32
    %swap3A_987 = arith.index_cast %swap3A_986 : i32 to index
    %swap3A_988 = memref.load %arg8[%swap3A_987] : memref<256xi32, #tpu.memory_space<smem>>
    memref.store %swap3A_985, %arg8[%swap3A_987] : memref<256xi32, #tpu.memory_space<smem>>
    %swap3A_989 = arith.constant 2667 : i32
    %swap3A_990 = arith.constant 245 : i32
    %swap3A_991 = arith.index_cast %swap3A_990 : i32 to index
    %swap3A_992 = memref.load %arg8[%swap3A_991] : memref<256xi32, #tpu.memory_space<smem>>
    memref.store %swap3A_989, %arg8[%swap3A_991] : memref<256xi32, #tpu.memory_space<smem>>
    %swap3A_993 = arith.constant 22335 : i32
    %swap3A_994 = arith.constant 246 : i32
    %swap3A_995 = arith.index_cast %swap3A_994 : i32 to index
    %swap3A_996 = memref.load %arg8[%swap3A_995] : memref<256xi32, #tpu.memory_space<smem>>
    memref.store %swap3A_993, %arg8[%swap3A_995] : memref<256xi32, #tpu.memory_space<smem>>
    %swap3A_997 = arith.constant 7560 : i32
    %swap3A_998 = arith.constant 247 : i32
    %swap3A_999 = arith.index_cast %swap3A_998 : i32 to index
    %swap3A_1000 = memref.load %arg8[%swap3A_999] : memref<256xi32, #tpu.memory_space<smem>>
    memref.store %swap3A_997, %arg8[%swap3A_999] : memref<256xi32, #tpu.memory_space<smem>>
    %swap3A_1001 = arith.constant 10944 : i32
    %swap3A_1002 = arith.constant 248 : i32
    %swap3A_1003 = arith.index_cast %swap3A_1002 : i32 to index
    %swap3A_1004 = memref.load %arg8[%swap3A_1003] : memref<256xi32, #tpu.memory_space<smem>>
    memref.store %swap3A_1001, %arg8[%swap3A_1003] : memref<256xi32, #tpu.memory_space<smem>>
    %swap3A_1005 = arith.constant 17406 : i32
    %swap3A_1006 = arith.constant 249 : i32
    %swap3A_1007 = arith.index_cast %swap3A_1006 : i32 to index
    %swap3A_1008 = memref.load %arg8[%swap3A_1007] : memref<256xi32, #tpu.memory_space<smem>>
    memref.store %swap3A_1005, %arg8[%swap3A_1007] : memref<256xi32, #tpu.memory_space<smem>>
    %swap3A_1009 = arith.constant 21222 : i32
    %swap3A_1010 = arith.constant 250 : i32
    %swap3A_1011 = arith.index_cast %swap3A_1010 : i32 to index
    %swap3A_1012 = memref.load %arg8[%swap3A_1011] : memref<256xi32, #tpu.memory_space<smem>>
    memref.store %swap3A_1009, %arg8[%swap3A_1011] : memref<256xi32, #tpu.memory_space<smem>>
    %swap3A_1013 = arith.constant 675 : i32
    %swap3A_1014 = arith.constant 251 : i32
    %swap3A_1015 = arith.index_cast %swap3A_1014 : i32 to index
    %swap3A_1016 = memref.load %arg8[%swap3A_1015] : memref<256xi32, #tpu.memory_space<smem>>
    memref.store %swap3A_1013, %arg8[%swap3A_1015] : memref<256xi32, #tpu.memory_space<smem>>
    %swap3A_1017 = arith.constant 23796 : i32
    %swap3A_1018 = arith.constant 252 : i32
    %swap3A_1019 = arith.index_cast %swap3A_1018 : i32 to index
    %swap3A_1020 = memref.load %arg8[%swap3A_1019] : memref<256xi32, #tpu.memory_space<smem>>
    memref.store %swap3A_1017, %arg8[%swap3A_1019] : memref<256xi32, #tpu.memory_space<smem>>
    %swap3A_1021 = arith.constant 4533 : i32
    %swap3A_1022 = arith.constant 253 : i32
    %swap3A_1023 = arith.index_cast %swap3A_1022 : i32 to index
    %swap3A_1024 = memref.load %arg8[%swap3A_1023] : memref<256xi32, #tpu.memory_space<smem>>
    memref.store %swap3A_1021, %arg8[%swap3A_1023] : memref<256xi32, #tpu.memory_space<smem>>
    %swap3A_1025 = arith.constant 16110 : i32
    %swap3A_1026 = arith.constant 254 : i32
    %swap3A_1027 = arith.index_cast %swap3A_1026 : i32 to index
    %swap3A_1028 = memref.load %arg8[%swap3A_1027] : memref<256xi32, #tpu.memory_space<smem>>
    memref.store %swap3A_1025, %arg8[%swap3A_1027] : memref<256xi32, #tpu.memory_space<smem>>
    %swap3A_1029 = arith.constant 8496 : i32
    %swap3A_1030 = arith.constant 255 : i32
    %swap3A_1031 = arith.index_cast %swap3A_1030 : i32 to index
    %swap3A_1032 = memref.load %arg8[%swap3A_1031] : memref<256xi32, #tpu.memory_space<smem>>
    memref.store %swap3A_1029, %arg8[%swap3A_1031] : memref<256xi32, #tpu.memory_space<smem>>
    %parallel_loop3A = arith.constant 0 : i32
    %parallel_loop3A_1033 = arith.constant 256 : i32
    %parallel_loop3A_1034 = arith.constant 1 : i32
    scf.for %parallel_loop3A_1072 = %parallel_loop3A to %parallel_loop3A_1033 step %parallel_loop3A_1034  : i32 {
      %parallel_loop3A_1073 = arith.constant 16 : i32
      %parallel_loop3A_1074 = arith.muli %parallel_loop3A_1072, %parallel_loop3A_1073 : i32
      %parallel_loop3A_1075 = arith.index_cast %parallel_loop3A_1074 : i32 to index
      %parallel_loop3A_1076 = tpu.vector_load %arg7[%parallel_loop3A_1075] {strides = array<i32>} : memref<4096xi32, #tpu.memory_space<vmem>>, vector<16xi32>,
      tpu.vector_store %arg7[%parallel_loop3A_1075], %broadcast_in_dim3A_1 {strides = array<i32>} : memref<4096xi32, #tpu.memory_space<vmem>>, vector<16xi32>,
    } {sc.loop_unroll_factor = 8 : i64, sc.parallel_access}
    %mul3A_1035 = arith.constant 8 : i32
    %mul3A_1036 = arith.muli %add3A, %mul3A_1035 : i32
    "tpu.region"() ({
      %run_scoped3A = tpu.sem_alloc : memref<!tpu.dma_semaphore, #tpu.memory_space<semaphore_mem>>
      %dma_start3A = arith.constant 0 : i32
      %dma_start3A_1072 = tpu.memref_slice %arg4[%dma_start3A] : memref<49152xf32, #tpu.memory_space<vmem>> -> memref<24576xf32, #tpu.memory_space<vmem>>
      %dma_start3A_1073 = arith.constant 0 : i32
      %dma_start3A_1074 = tpu.memref_slice %arg2[%mul3A_1036, %dma_start3A_1073] : memref<256x24576xf32, #tpu.memory_space<hbm>> -> memref<1x24576xf32, #tpu.memory_space<hbm>>
      %dma_start3A_1075 = tpu.memref_squeeze %dma_start3A_1074 : memref<1x24576xf32, #tpu.memory_space<hbm>> -> memref<24576xf32, #tpu.memory_space<hbm>>
      %dma_start3A_1076 = arith.constant 0 : i32
      %dma_start3A_1077 = tpu.memref_slice %arg4[%dma_start3A_1076] : memref<49152xf32, #tpu.memory_space<vmem>> -> memref<24576xf32, #tpu.memory_space<vmem>>
      %dma_start3A_1078 = arith.constant 0 : i32
      %dma_start3A_1079 = tpu.memref_slice %arg2[%mul3A_1036, %dma_start3A_1078] : memref<256x24576xf32, #tpu.memory_space<hbm>> -> memref<1x24576xf32, #tpu.memory_space<hbm>>
      %dma_start3A_1080 = tpu.memref_squeeze %dma_start3A_1079 : memref<1x24576xf32, #tpu.memory_space<hbm>> -> memref<24576xf32, #tpu.memory_space<hbm>>
      tpu.enqueue_dma source(%dma_start3A_1080 : memref<24576xf32, #tpu.memory_space<hbm>>) target(%dma_start3A_1077 : memref<24576xf32, #tpu.memory_space<vmem>>) target_semaphore(%run_scoped3A : memref<!tpu.dma_semaphore, #tpu.memory_space<semaphore_mem>>)
      %dma_wait3A_1081 = arith.constant 0 : i32
      %dma_wait3A_1082 = tpu.memref_slice %arg4[%dma_wait3A_1081] : memref<49152xf32, #tpu.memory_space<vmem>> -> memref<24576xf32, #tpu.memory_space<vmem>>
      %dma_wait3A_1083 = arith.constant 0 : i32
      %dma_wait3A_1084 = tpu.memref_slice %arg2[%mul3A_1036, %dma_wait3A_1083] : memref<256x24576xf32, #tpu.memory_space<hbm>> -> memref<1x24576xf32, #tpu.memory_space<hbm>>
      %dma_wait3A_1085 = tpu.memref_squeeze %dma_wait3A_1084 : memref<1x24576xf32, #tpu.memory_space<hbm>> -> memref<24576xf32, #tpu.memory_space<hbm>>
      %dma_wait3A_1086 = arith.constant 0 : i32
      %dma_wait3A_1087 = tpu.memref_slice %arg4[%dma_wait3A_1086] : memref<49152xf32, #tpu.memory_space<vmem>> -> memref<24576xf32, #tpu.memory_space<vmem>>
      %dma_wait3A_1088 = arith.constant 0 : i32
      %dma_wait3A_1089 = tpu.memref_slice %arg2[%mul3A_1036, %dma_wait3A_1088] : memref<256x24576xf32, #tpu.memory_space<hbm>> -> memref<1x24576xf32, #tpu.memory_space<hbm>>
      %dma_wait3A_1090 = tpu.memref_squeeze %dma_wait3A_1089 : memref<1x24576xf32, #tpu.memory_space<hbm>> -> memref<24576xf32, #tpu.memory_space<hbm>>
      tpu.wait_dma2 semaphore(%run_scoped3A : memref<!tpu.dma_semaphore, #tpu.memory_space<semaphore_mem>>) src(%dma_wait3A_1090 : memref<24576xf32, #tpu.memory_space<hbm>>) dst(%dma_wait3A_1087 : memref<24576xf32, #tpu.memory_space<vmem>>)
      tpu.yield
    }) : () -> ()
    %scan3A = arith.constant 0 : i32
    %scan3A_1037 = arith.constant 0 : i32
    %scan3A_1038 = arith.constant 8 : i32
    %scan3A_1039 = arith.addi %scan3A_1037, %scan3A_1038 : i32
    %scan3A_1040 = arith.constant 1 : i32
    scf.for %scan3A_1072 = %scan3A_1037 to %scan3A_1039 step %scan3A_1040  : i32 {
      %mul3A_1073 = arith.constant 8 : i32
      %mul3A_1074 = arith.muli %add3A, %mul3A_1073 : i32
      %add3A_1075 = arith.addi %mul3A_1074, %scan3A_1072 : i32
      %and3A = arith.constant 1 : i32
      %and3A_1076 = arith.andi %scan3A_1072, %and3A : i32
      %mul3A_1077 = arith.constant 24576 : i32
      %mul3A_1078 = arith.muli %and3A_1076, %mul3A_1077 : i32
      %sub3A_1079 = arith.constant 1 : i32
      %sub3A_1080 = arith.subi %sub3A_1079, %and3A_1076 : i32
      %mul3A_1081 = arith.constant 24576 : i32
      %mul3A_1082 = arith.muli %sub3A_1080, %mul3A_1081 : i32
      %mul3A_1083 = arith.constant 8192 : i32
      %mul3A_1084 = arith.muli %and3A_1076, %mul3A_1083 : i32
      %lt3A = arith.constant 7 : i32
      %lt3A_1085 = arith.cmpi slt, %scan3A_1072, %lt3A : i32
      %convert_element_type3A = arith.extui %lt3A_1085 : i1 to i32
      %cond3A = arith.constant 0 : i32
      %cond3A_1086 = arith.cmpi ne, %convert_element_type3A, %cond3A : i32
      scf.if %cond3A_1086 {
        %add3A_1201 = arith.constant 1 : i32
        %add3A_1202 = arith.addi %add3A_1075, %add3A_1201 : i32
        %dma_start3A = tpu.memref_slice %arg4[%mul3A_1082] : memref<49152xf32, #tpu.memory_space<vmem>> -> memref<24576xf32, #tpu.memory_space<vmem>>
        %dma_start3A_1203 = arith.constant 0 : i32
        %dma_start3A_1204 = tpu.memref_slice %arg2[%add3A_1202, %dma_start3A_1203] : memref<256x24576xf32, #tpu.memory_space<hbm>> -> memref<1x24576xf32, #tpu.memory_space<hbm>>
        %dma_start3A_1205 = tpu.memref_squeeze %dma_start3A_1204 : memref<1x24576xf32, #tpu.memory_space<hbm>> -> memref<24576xf32, #tpu.memory_space<hbm>>
        %dma_start3A_1206 = tpu.memref_slice %arg4[%mul3A_1082] : memref<49152xf32, #tpu.memory_space<vmem>> -> memref<24576xf32, #tpu.memory_space<vmem>>
        %dma_start3A_1207 = arith.constant 0 : i32
        %dma_start3A_1208 = tpu.memref_slice %arg2[%add3A_1202, %dma_start3A_1207] : memref<256x24576xf32, #tpu.memory_space<hbm>> -> memref<1x24576xf32, #tpu.memory_space<hbm>>
        %dma_start3A_1209 = tpu.memref_squeeze %dma_start3A_1208 : memref<1x24576xf32, #tpu.memory_space<hbm>> -> memref<24576xf32, #tpu.memory_space<hbm>>
        tpu.enqueue_dma source(%dma_start3A_1209 : memref<24576xf32, #tpu.memory_space<hbm>>) target(%dma_start3A_1206 : memref<24576xf32, #tpu.memory_space<vmem>>) target_semaphore(%arg9 : memref<!tpu.dma_semaphore, #tpu.memory_space<semaphore_mem>>)
      } else {
      }
      %get3A = arith.index_cast %add3A_1075 : i32 to index
      %get3A_1087 = memref.load %arg8[%get3A] : memref<256xi32, #tpu.memory_space<smem>>
      %add3A_1088 = arith.addi %get3A_1087, %mul3A_1078 : i32
      %broadcast_in_dim3A_1089 = vector.broadcast %add3A_1088 : i32 to vector<16xi32>
      %gather3A = tpu.vector_load_idx %arg4[%broadcast_in_dim3A_1089] : memref<49152xf32, #tpu.memory_space<vmem>>[vector<16xi32>], vector<16xf32>,
      %add3A_1090 = arith.constant 1 : i32
      %add3A_1091 = vector.broadcast %add3A_1090 : i32 to vector<16xi32>
      %add3A_1092 = arith.addi %broadcast_in_dim3A_1089, %add3A_1091 : vector<16xi32>
      %gather3A_1093 = tpu.vector_load_idx %arg4[%add3A_1092] : memref<49152xf32, #tpu.memory_space<vmem>>[vector<16xi32>], vector<16xf32>,
      %add3A_1094 = arith.constant 2 : i32
      %add3A_1095 = vector.broadcast %add3A_1094 : i32 to vector<16xi32>
      %add3A_1096 = arith.addi %broadcast_in_dim3A_1089, %add3A_1095 : vector<16xi32>
      %gather3A_1097 = tpu.vector_load_idx %arg4[%add3A_1096] : memref<49152xf32, #tpu.memory_space<vmem>>[vector<16xi32>], vector<16xf32>,
      %parallel_loop3A_1098 = arith.constant 0 : i32
      %parallel_loop3A_1099 = arith.constant 512 : i32
      %parallel_loop3A_1100 = arith.constant 1 : i32
      scf.for %parallel_loop3A_1201 = %parallel_loop3A_1098 to %parallel_loop3A_1099 step %parallel_loop3A_1100  : i32 {
        %parallel_loop3A_1202 = arith.constant 48 : i32
        %parallel_loop3A_1203 = arith.muli %parallel_loop3A_1201, %parallel_loop3A_1202 : i32
        %parallel_loop3A_1204 = arith.addi %mul3A_1078, %parallel_loop3A_1203 : i32
        %parallel_loop3A_1205 = vector.broadcast %parallel_loop3A_1204 : i32 to vector<16xi32>
        %parallel_loop3A_1206 = arith.addi %parallel_loop3A_1205, %mul3A_9 : vector<16xi32>
        %parallel_loop3A_1207 = tpu.vector_load_idx %arg4[%parallel_loop3A_1206] : memref<49152xf32, #tpu.memory_space<vmem>>[vector<16xi32>], vector<16xf32>,
        %parallel_loop3A_1208 = arith.constant 1 : i32
        %parallel_loop3A_1209 = vector.broadcast %parallel_loop3A_1208 : i32 to vector<16xi32>
        %parallel_loop3A_1210 = arith.addi %parallel_loop3A_1206, %parallel_loop3A_1209 : vector<16xi32>
        %parallel_loop3A_1211 = tpu.vector_load_idx %arg4[%parallel_loop3A_1210] : memref<49152xf32, #tpu.memory_space<vmem>>[vector<16xi32>], vector<16xf32>,
        %parallel_loop3A_1212 = arith.constant 2 : i32
        %parallel_loop3A_1213 = vector.broadcast %parallel_loop3A_1212 : i32 to vector<16xi32>
        %parallel_loop3A_1214 = arith.addi %parallel_loop3A_1206, %parallel_loop3A_1213 : vector<16xi32>
        %parallel_loop3A_1215 = tpu.vector_load_idx %arg4[%parallel_loop3A_1214] : memref<49152xf32, #tpu.memory_space<vmem>>[vector<16xi32>], vector<16xf32>,
        %parallel_loop3A_1216 = arith.subf %parallel_loop3A_1207, %gather3A : vector<16xf32>
        %parallel_loop3A_1217 = arith.subf %parallel_loop3A_1211, %gather3A_1093 : vector<16xf32>
        %parallel_loop3A_1218 = arith.subf %parallel_loop3A_1215, %gather3A_1097 : vector<16xf32>
        %parallel_loop3A_1219 = arith.mulf %parallel_loop3A_1216, %parallel_loop3A_1216 : vector<16xf32>
        %parallel_loop3A_1220 = arith.mulf %parallel_loop3A_1217, %parallel_loop3A_1217 : vector<16xf32>
        %parallel_loop3A_1221 = arith.addf %parallel_loop3A_1219, %parallel_loop3A_1220 : vector<16xf32>
        %parallel_loop3A_1222 = arith.mulf %parallel_loop3A_1218, %parallel_loop3A_1218 : vector<16xf32>
        %parallel_loop3A_1223 = arith.addf %parallel_loop3A_1221, %parallel_loop3A_1222 : vector<16xf32>
        %parallel_loop3A_1224 = vector.bitcast %parallel_loop3A_1223 : vector<16xf32> to vector<16xi32>
        %parallel_loop3A_1225 = arith.constant 16 : i32
        %parallel_loop3A_1226 = arith.muli %parallel_loop3A_1201, %parallel_loop3A_1225 : i32
        %parallel_loop3A_1227 = arith.index_cast %parallel_loop3A_1226 : i32 to index
        %parallel_loop3A_1228 = tpu.vector_load %arg5[%parallel_loop3A_1227] {strides = array<i32>} : memref<8192xi32, #tpu.memory_space<vmem>>, vector<16xi32>,
        tpu.vector_store %arg5[%parallel_loop3A_1227], %parallel_loop3A_1224 {strides = array<i32>} : memref<8192xi32, #tpu.memory_space<vmem>>, vector<16xi32>,
        %parallel_loop3A_1229 = arith.constant 23 : i32
        %parallel_loop3A_1230 = vector.broadcast %parallel_loop3A_1229 : i32 to vector<16xi32>
        %parallel_loop3A_1231 = arith.shrui %parallel_loop3A_1224, %parallel_loop3A_1230 : vector<16xi32>
        %parallel_loop3A_1232 = arith.addi %mul3A_6, %parallel_loop3A_1231 : vector<16xi32>
        tpu.vector_store_idx %arg7[%parallel_loop3A_1232], %broadcast_in_dim3A_3 {add = true} : memref<4096xi32, #tpu.memory_space<vmem>>[vector<16xi32>], vector<16xi32>,
      } {sc.loop_unroll_factor = 8 : i64, sc.parallel_access}
      %scan3A_1101 = arith.constant 0 : i32
      %scan3A_1102 = arith.constant 0 : i32
      %scan3A_1103 = arith.constant 0 : i32
      %scan3A_1104 = arith.constant 0 : i32
      %scan3A_1105 = arith.constant 0 : i32
      %scan3A_1106 = arith.constant 16 : i32
      %scan3A_1107 = arith.addi %scan3A_1105, %scan3A_1106 : i32
      %scan3A_1108 = arith.constant 1 : i32
      %scan3A_1109:4 = scf.for %scan3A_1201 = %scan3A_1105 to %scan3A_1107 step %scan3A_1108 iter_args(%scan3A_1202 = %scan3A_1101, %scan3A_1203 = %scan3A_1102, %scan3A_1204 = %scan3A_1103, %scan3A_1205 = %scan3A_1104) -> (i32, i32, i32, i32)  : i32 {
        %mul3A_1206 = arith.constant 16 : i32
        %mul3A_1207 = arith.muli %scan3A_1201, %mul3A_1206 : i32
        %add3A_1208 = arith.constant 0 : i32
        %add3A_1209 = arith.addi %mul3A_1207, %add3A_1208 : i32
        %get3A_1210 = arith.index_cast %add3A_1209 : i32 to index
        %get3A_1211 = tpu.vector_load %arg7[%get3A_1210] {strides = array<i32>} : memref<4096xi32, #tpu.memory_space<vmem>>, vector<16xi32>,
        %add3A_1212 = arith.constant 0 : i32
        %add3A_1213 = arith.addi %mul3A_1207, %add3A_1212 : i32
        %swap3A_1214 = arith.index_cast %add3A_1213 : i32 to index
        %swap3A_1215 = tpu.vector_load %arg7[%swap3A_1214] {strides = array<i32>} : memref<4096xi32, #tpu.memory_space<vmem>>, vector<16xi32>,
        tpu.vector_store %arg7[%swap3A_1214], %broadcast_in_dim3A_1 {strides = array<i32>} : memref<4096xi32, #tpu.memory_space<vmem>>, vector<16xi32>,
        %add3A_1216 = arith.addi %broadcast_in_dim3A_1, %get3A_1211 : vector<16xi32>
        %mul3A_1217 = arith.constant 16 : i32
        %mul3A_1218 = arith.muli %scan3A_1201, %mul3A_1217 : i32
        %add3A_1219 = arith.constant 256 : i32
        %add3A_1220 = arith.addi %mul3A_1218, %add3A_1219 : i32
        %get3A_1221 = arith.index_cast %add3A_1220 : i32 to index
        %get3A_1222 = tpu.vector_load %arg7[%get3A_1221] {strides = array<i32>} : memref<4096xi32, #tpu.memory_space<vmem>>, vector<16xi32>,
        %add3A_1223 = arith.constant 256 : i32
        %add3A_1224 = arith.addi %mul3A_1218, %add3A_1223 : i32
        %swap3A_1225 = arith.index_cast %add3A_1224 : i32 to index
        %swap3A_1226 = tpu.vector_load %arg7[%swap3A_1225] {strides = array<i32>} : memref<4096xi32, #tpu.memory_space<vmem>>, vector<16xi32>,
        tpu.vector_store %arg7[%swap3A_1225], %broadcast_in_dim3A_1 {strides = array<i32>} : memref<4096xi32, #tpu.memory_space<vmem>>, vector<16xi32>,
        %add3A_1227 = arith.addi %add3A_1216, %get3A_1222 : vector<16xi32>
        %mul3A_1228 = arith.constant 16 : i32
        %mul3A_1229 = arith.muli %scan3A_1201, %mul3A_1228 : i32
        %add3A_1230 = arith.constant 512 : i32
        %add3A_1231 = arith.addi %mul3A_1229, %add3A_1230 : i32
        %get3A_1232 = arith.index_cast %add3A_1231 : i32 to index
        %get3A_1233 = tpu.vector_load %arg7[%get3A_1232] {strides = array<i32>} : memref<4096xi32, #tpu.memory_space<vmem>>, vector<16xi32>,
        %add3A_1234 = arith.constant 512 : i32
        %add3A_1235 = arith.addi %mul3A_1229, %add3A_1234 : i32
        %swap3A_1236 = arith.index_cast %add3A_1235 : i32 to index
        %swap3A_1237 = tpu.vector_load %arg7[%swap3A_1236] {strides = array<i32>} : memref<4096xi32, #tpu.memory_space<vmem>>, vector<16xi32>,
        tpu.vector_store %arg7[%swap3A_1236], %broadcast_in_dim3A_1 {strides = array<i32>} : memref<4096xi32, #tpu.memory_space<vmem>>, vector<16xi32>,
        %add3A_1238 = arith.addi %add3A_1227, %get3A_1233 : vector<16xi32>
        %mul3A_1239 = arith.constant 16 : i32
        %mul3A_1240 = arith.muli %scan3A_1201, %mul3A_1239 : i32
        %add3A_1241 = arith.constant 768 : i32
        %add3A_1242 = arith.addi %mul3A_1240, %add3A_1241 : i32
        %get3A_1243 = arith.index_cast %add3A_1242 : i32 to index
        %get3A_1244 = tpu.vector_load %arg7[%get3A_1243] {strides = array<i32>} : memref<4096xi32, #tpu.memory_space<vmem>>, vector<16xi32>,
        %add3A_1245 = arith.constant 768 : i32
        %add3A_1246 = arith.addi %mul3A_1240, %add3A_1245 : i32
        %swap3A_1247 = arith.index_cast %add3A_1246 : i32 to index
        %swap3A_1248 = tpu.vector_load %arg7[%swap3A_1247] {strides = array<i32>} : memref<4096xi32, #tpu.memory_space<vmem>>, vector<16xi32>,
        tpu.vector_store %arg7[%swap3A_1247], %broadcast_in_dim3A_1 {strides = array<i32>} : memref<4096xi32, #tpu.memory_space<vmem>>, vector<16xi32>,
        %add3A_1249 = arith.addi %add3A_1238, %get3A_1244 : vector<16xi32>
        %mul3A_1250 = arith.constant 16 : i32
        %mul3A_1251 = arith.muli %scan3A_1201, %mul3A_1250 : i32
        %add3A_1252 = arith.constant 1024 : i32
        %add3A_1253 = arith.addi %mul3A_1251, %add3A_1252 : i32
        %get3A_1254 = arith.index_cast %add3A_1253 : i32 to index
        %get3A_1255 = tpu.vector_load %arg7[%get3A_1254] {strides = array<i32>} : memref<4096xi32, #tpu.memory_space<vmem>>, vector<16xi32>,
        %add3A_1256 = arith.constant 1024 : i32
        %add3A_1257 = arith.addi %mul3A_1251, %add3A_1256 : i32
        %swap3A_1258 = arith.index_cast %add3A_1257 : i32 to index
        %swap3A_1259 = tpu.vector_load %arg7[%swap3A_1258] {strides = array<i32>} : memref<4096xi32, #tpu.memory_space<vmem>>, vector<16xi32>,
        tpu.vector_store %arg7[%swap3A_1258], %broadcast_in_dim3A_1 {strides = array<i32>} : memref<4096xi32, #tpu.memory_space<vmem>>, vector<16xi32>,
        %add3A_1260 = arith.addi %add3A_1249, %get3A_1255 : vector<16xi32>
        %mul3A_1261 = arith.constant 16 : i32
        %mul3A_1262 = arith.muli %scan3A_1201, %mul3A_1261 : i32
        %add3A_1263 = arith.constant 1280 : i32
        %add3A_1264 = arith.addi %mul3A_1262, %add3A_1263 : i32
        %get3A_1265 = arith.index_cast %add3A_1264 : i32 to index
        %get3A_1266 = tpu.vector_load %arg7[%get3A_1265] {strides = array<i32>} : memref<4096xi32, #tpu.memory_space<vmem>>, vector<16xi32>,
        %add3A_1267 = arith.constant 1280 : i32
        %add3A_1268 = arith.addi %mul3A_1262, %add3A_1267 : i32
        %swap3A_1269 = arith.index_cast %add3A_1268 : i32 to index
        %swap3A_1270 = tpu.vector_load %arg7[%swap3A_1269] {strides = array<i32>} : memref<4096xi32, #tpu.memory_space<vmem>>, vector<16xi32>,
        tpu.vector_store %arg7[%swap3A_1269], %broadcast_in_dim3A_1 {strides = array<i32>} : memref<4096xi32, #tpu.memory_space<vmem>>, vector<16xi32>,
        %add3A_1271 = arith.addi %add3A_1260, %get3A_1266 : vector<16xi32>
        %mul3A_1272 = arith.constant 16 : i32
        %mul3A_1273 = arith.muli %scan3A_1201, %mul3A_1272 : i32
        %add3A_1274 = arith.constant 1536 : i32
        %add3A_1275 = arith.addi %mul3A_1273, %add3A_1274 : i32
        %get3A_1276 = arith.index_cast %add3A_1275 : i32 to index
        %get3A_1277 = tpu.vector_load %arg7[%get3A_1276] {strides = array<i32>} : memref<4096xi32, #tpu.memory_space<vmem>>, vector<16xi32>,
        %add3A_1278 = arith.constant 1536 : i32
        %add3A_1279 = arith.addi %mul3A_1273, %add3A_1278 : i32
        %swap3A_1280 = arith.index_cast %add3A_1279 : i32 to index
        %swap3A_1281 = tpu.vector_load %arg7[%swap3A_1280] {strides = array<i32>} : memref<4096xi32, #tpu.memory_space<vmem>>, vector<16xi32>,
        tpu.vector_store %arg7[%swap3A_1280], %broadcast_in_dim3A_1 {strides = array<i32>} : memref<4096xi32, #tpu.memory_space<vmem>>, vector<16xi32>,
        %add3A_1282 = arith.addi %add3A_1271, %get3A_1277 : vector<16xi32>
        %mul3A_1283 = arith.constant 16 : i32
        %mul3A_1284 = arith.muli %scan3A_1201, %mul3A_1283 : i32
        %add3A_1285 = arith.constant 1792 : i32
        %add3A_1286 = arith.addi %mul3A_1284, %add3A_1285 : i32
        %get3A_1287 = arith.index_cast %add3A_1286 : i32 to index
        %get3A_1288 = tpu.vector_load %arg7[%get3A_1287] {strides = array<i32>} : memref<4096xi32, #tpu.memory_space<vmem>>, vector<16xi32>,
        %add3A_1289 = arith.constant 1792 : i32
        %add3A_1290 = arith.addi %mul3A_1284, %add3A_1289 : i32
        %swap3A_1291 = arith.index_cast %add3A_1290 : i32 to index
        %swap3A_1292 = tpu.vector_load %arg7[%swap3A_1291] {strides = array<i32>} : memref<4096xi32, #tpu.memory_space<vmem>>, vector<16xi32>,
        tpu.vector_store %arg7[%swap3A_1291], %broadcast_in_dim3A_1 {strides = array<i32>} : memref<4096xi32, #tpu.memory_space<vmem>>, vector<16xi32>,
        %add3A_1293 = arith.addi %add3A_1282, %get3A_1288 : vector<16xi32>
        %mul3A_1294 = arith.constant 16 : i32
        %mul3A_1295 = arith.muli %scan3A_1201, %mul3A_1294 : i32
        %add3A_1296 = arith.constant 2048 : i32
        %add3A_1297 = arith.addi %mul3A_1295, %add3A_1296 : i32
        %get3A_1298 = arith.index_cast %add3A_1297 : i32 to index
        %get3A_1299 = tpu.vector_load %arg7[%get3A_1298] {strides = array<i32>} : memref<4096xi32, #tpu.memory_space<vmem>>, vector<16xi32>,
        %add3A_1300 = arith.constant 2048 : i32
        %add3A_1301 = arith.addi %mul3A_1295, %add3A_1300 : i32
        %swap3A_1302 = arith.index_cast %add3A_1301 : i32 to index
        %swap3A_1303 = tpu.vector_load %arg7[%swap3A_1302] {strides = array<i32>} : memref<4096xi32, #tpu.memory_space<vmem>>, vector<16xi32>,
        tpu.vector_store %arg7[%swap3A_1302], %broadcast_in_dim3A_1 {strides = array<i32>} : memref<4096xi32, #tpu.memory_space<vmem>>, vector<16xi32>,
        %add3A_1304 = arith.addi %add3A_1293, %get3A_1299 : vector<16xi32>
        %mul3A_1305 = arith.constant 16 : i32
        %mul3A_1306 = arith.muli %scan3A_1201, %mul3A_1305 : i32
        %add3A_1307 = arith.constant 2304 : i32
        %add3A_1308 = arith.addi %mul3A_1306, %add3A_1307 : i32
        %get3A_1309 = arith.index_cast %add3A_1308 : i32 to index
        %get3A_1310 = tpu.vector_load %arg7[%get3A_1309] {strides = array<i32>} : memref<4096xi32, #tpu.memory_space<vmem>>, vector<16xi32>,
        %add3A_1311 = arith.constant 2304 : i32
        %add3A_1312 = arith.addi %mul3A_1306, %add3A_1311 : i32
        %swap3A_1313 = arith.index_cast %add3A_1312 : i32 to index
        %swap3A_1314 = tpu.vector_load %arg7[%swap3A_1313] {strides = array<i32>} : memref<4096xi32, #tpu.memory_space<vmem>>, vector<16xi32>,
        tpu.vector_store %arg7[%swap3A_1313], %broadcast_in_dim3A_1 {strides = array<i32>} : memref<4096xi32, #tpu.memory_space<vmem>>, vector<16xi32>,
        %add3A_1315 = arith.addi %add3A_1304, %get3A_1310 : vector<16xi32>
        %mul3A_1316 = arith.constant 16 : i32
        %mul3A_1317 = arith.muli %scan3A_1201, %mul3A_1316 : i32
        %add3A_1318 = arith.constant 2560 : i32
        %add3A_1319 = arith.addi %mul3A_1317, %add3A_1318 : i32
        %get3A_1320 = arith.index_cast %add3A_1319 : i32 to index
        %get3A_1321 = tpu.vector_load %arg7[%get3A_1320] {strides = array<i32>} : memref<4096xi32, #tpu.memory_space<vmem>>, vector<16xi32>,
        %add3A_1322 = arith.constant 2560 : i32
        %add3A_1323 = arith.addi %mul3A_1317, %add3A_1322 : i32
        %swap3A_1324 = arith.index_cast %add3A_1323 : i32 to index
        %swap3A_1325 = tpu.vector_load %arg7[%swap3A_1324] {strides = array<i32>} : memref<4096xi32, #tpu.memory_space<vmem>>, vector<16xi32>,
        tpu.vector_store %arg7[%swap3A_1324], %broadcast_in_dim3A_1 {strides = array<i32>} : memref<4096xi32, #tpu.memory_space<vmem>>, vector<16xi32>,
        %add3A_1326 = arith.addi %add3A_1315, %get3A_1321 : vector<16xi32>
        %mul3A_1327 = arith.constant 16 : i32
        %mul3A_1328 = arith.muli %scan3A_1201, %mul3A_1327 : i32
        %add3A_1329 = arith.constant 2816 : i32
        %add3A_1330 = arith.addi %mul3A_1328, %add3A_1329 : i32
        %get3A_1331 = arith.index_cast %add3A_1330 : i32 to index
        %get3A_1332 = tpu.vector_load %arg7[%get3A_1331] {strides = array<i32>} : memref<4096xi32, #tpu.memory_space<vmem>>, vector<16xi32>,
        %add3A_1333 = arith.constant 2816 : i32
        %add3A_1334 = arith.addi %mul3A_1328, %add3A_1333 : i32
        %swap3A_1335 = arith.index_cast %add3A_1334 : i32 to index
        %swap3A_1336 = tpu.vector_load %arg7[%swap3A_1335] {strides = array<i32>} : memref<4096xi32, #tpu.memory_space<vmem>>, vector<16xi32>,
        tpu.vector_store %arg7[%swap3A_1335], %broadcast_in_dim3A_1 {strides = array<i32>} : memref<4096xi32, #tpu.memory_space<vmem>>, vector<16xi32>,
        %add3A_1337 = arith.addi %add3A_1326, %get3A_1332 : vector<16xi32>
        %mul3A_1338 = arith.constant 16 : i32
        %mul3A_1339 = arith.muli %scan3A_1201, %mul3A_1338 : i32
        %add3A_1340 = arith.constant 3072 : i32
        %add3A_1341 = arith.addi %mul3A_1339, %add3A_1340 : i32
        %get3A_1342 = arith.index_cast %add3A_1341 : i32 to index
        %get3A_1343 = tpu.vector_load %arg7[%get3A_1342] {strides = array<i32>} : memref<4096xi32, #tpu.memory_space<vmem>>, vector<16xi32>,
        %add3A_1344 = arith.constant 3072 : i32
        %add3A_1345 = arith.addi %mul3A_1339, %add3A_1344 : i32
        %swap3A_1346 = arith.index_cast %add3A_1345 : i32 to index
        %swap3A_1347 = tpu.vector_load %arg7[%swap3A_1346] {strides = array<i32>} : memref<4096xi32, #tpu.memory_space<vmem>>, vector<16xi32>,
        tpu.vector_store %arg7[%swap3A_1346], %broadcast_in_dim3A_1 {strides = array<i32>} : memref<4096xi32, #tpu.memory_space<vmem>>, vector<16xi32>,
        %add3A_1348 = arith.addi %add3A_1337, %get3A_1343 : vector<16xi32>
        %mul3A_1349 = arith.constant 16 : i32
        %mul3A_1350 = arith.muli %scan3A_1201, %mul3A_1349 : i32
        %add3A_1351 = arith.constant 3328 : i32
        %add3A_1352 = arith.addi %mul3A_1350, %add3A_1351 : i32
        %get3A_1353 = arith.index_cast %add3A_1352 : i32 to index
        %get3A_1354 = tpu.vector_load %arg7[%get3A_1353] {strides = array<i32>} : memref<4096xi32, #tpu.memory_space<vmem>>, vector<16xi32>,
        %add3A_1355 = arith.constant 3328 : i32
        %add3A_1356 = arith.addi %mul3A_1350, %add3A_1355 : i32
        %swap3A_1357 = arith.index_cast %add3A_1356 : i32 to index
        %swap3A_1358 = tpu.vector_load %arg7[%swap3A_1357] {strides = array<i32>} : memref<4096xi32, #tpu.memory_space<vmem>>, vector<16xi32>,
        tpu.vector_store %arg7[%swap3A_1357], %broadcast_in_dim3A_1 {strides = array<i32>} : memref<4096xi32, #tpu.memory_space<vmem>>, vector<16xi32>,
        %add3A_1359 = arith.addi %add3A_1348, %get3A_1354 : vector<16xi32>
        %mul3A_1360 = arith.constant 16 : i32
        %mul3A_1361 = arith.muli %scan3A_1201, %mul3A_1360 : i32
        %add3A_1362 = arith.constant 3584 : i32
        %add3A_1363 = arith.addi %mul3A_1361, %add3A_1362 : i32
        %get3A_1364 = arith.index_cast %add3A_1363 : i32 to index
        %get3A_1365 = tpu.vector_load %arg7[%get3A_1364] {strides = array<i32>} : memref<4096xi32, #tpu.memory_space<vmem>>, vector<16xi32>,
        %add3A_1366 = arith.constant 3584 : i32
        %add3A_1367 = arith.addi %mul3A_1361, %add3A_1366 : i32
        %swap3A_1368 = arith.index_cast %add3A_1367 : i32 to index
        %swap3A_1369 = tpu.vector_load %arg7[%swap3A_1368] {strides = array<i32>} : memref<4096xi32, #tpu.memory_space<vmem>>, vector<16xi32>,
        tpu.vector_store %arg7[%swap3A_1368], %broadcast_in_dim3A_1 {strides = array<i32>} : memref<4096xi32, #tpu.memory_space<vmem>>, vector<16xi32>,
        %add3A_1370 = arith.addi %add3A_1359, %get3A_1365 : vector<16xi32>
        %mul3A_1371 = arith.constant 16 : i32
        %mul3A_1372 = arith.muli %scan3A_1201, %mul3A_1371 : i32
        %add3A_1373 = arith.constant 3840 : i32
        %add3A_1374 = arith.addi %mul3A_1372, %add3A_1373 : i32
        %get3A_1375 = arith.index_cast %add3A_1374 : i32 to index
        %get3A_1376 = tpu.vector_load %arg7[%get3A_1375] {strides = array<i32>} : memref<4096xi32, #tpu.memory_space<vmem>>, vector<16xi32>,
        %add3A_1377 = arith.constant 3840 : i32
        %add3A_1378 = arith.addi %mul3A_1372, %add3A_1377 : i32
        %swap3A_1379 = arith.index_cast %add3A_1378 : i32 to index
        %swap3A_1380 = tpu.vector_load %arg7[%swap3A_1379] {strides = array<i32>} : memref<4096xi32, #tpu.memory_space<vmem>>, vector<16xi32>,
        tpu.vector_store %arg7[%swap3A_1379], %broadcast_in_dim3A_1 {strides = array<i32>} : memref<4096xi32, #tpu.memory_space<vmem>>, vector<16xi32>,
        %add3A_1381 = arith.addi %add3A_1370, %get3A_1376 : vector<16xi32>
        %broadcast_in_dim3A_1382 = arith.constant true
        %broadcast_in_dim3A_1383 = vector.broadcast %broadcast_in_dim3A_1382 : i1 to vector<16xi1>
        %masked_cumsum3A = tpu.scan <sum>, %add3A_1381 masked %broadcast_in_dim3A_1383 : vector<16xi32>, vector<16xi1> -> vector<16xi32>
        %add3A_1384 = vector.broadcast %scan3A_1202 : i32 to vector<16xi32>
        %add3A_1385 = arith.addi %masked_cumsum3A, %add3A_1384 : vector<16xi32>
        %le3A = arith.constant 4914 : i32
        %le3A_1386 = vector.broadcast %le3A : i32 to vector<16xi32>
        %le3A_1387 = arith.cmpi sle, %add3A_1385, %le3A_1386 : vector<16xi32>
        %sub3A_1388 = arith.subi %add3A_1385, %add3A_1381 : vector<16xi32>
        %le3A_1389 = arith.constant 4914 : i32
        %le3A_1390 = vector.broadcast %le3A_1389 : i32 to vector<16xi32>
        %le3A_1391 = arith.cmpi sle, %sub3A_1388, %le3A_1390 : vector<16xi32>
        %not3A = arith.constant dense<true> : vector<16xi1>
        %not3A_1392 = arith.xori %le3A_1387, %not3A : vector<16xi1>
        %and3A_1393 = arith.andi %le3A_1391, %not3A_1392 : vector<16xi1>
        %jit3A = arith.constant 1 : i32
        %jit3A_1394 = arith.constant 0 : i32
        %broadcast_in_dim3A_1395 = vector.broadcast %jit3A : i32 to vector<16xi32>
        %broadcast_in_dim3A_1396 = vector.broadcast %jit3A_1394 : i32 to vector<16xi32>
        %select_n3A = arith.select %le3A_1387, %broadcast_in_dim3A_1395, %broadcast_in_dim3A_1396 : vector<16xi1>, vector<16xi32>
        %reduce_sum3A = arith.constant true
        %reduce_sum3A_1397 = vector.broadcast %reduce_sum3A : i1 to vector<16xi1>
        %reduce_sum3A_1398 = tpu.scan <sum>, %select_n3A masked %reduce_sum3A_1397 : vector<16xi32>, vector<16xi1> -> vector<16xi32>
        %reduce_sum3A_1399 = vector.extract %reduce_sum3A_1398[15] : i32 from vector<16xi32>
        %add3A_1400 = arith.addi %scan3A_1203, %reduce_sum3A_1399 : i32
        %jit3A_1401 = arith.constant 0 : i32
        %broadcast_in_dim3A_1402 = vector.broadcast %jit3A_1401 : i32 to vector<16xi32>
        %select_n3A_1403 = arith.select %le3A_1387, %add3A_1381, %broadcast_in_dim3A_1402 : vector<16xi1>, vector<16xi32>
        %reduce_sum3A_1404 = arith.constant true
        %reduce_sum3A_1405 = vector.broadcast %reduce_sum3A_1404 : i1 to vector<16xi1>
        %reduce_sum3A_1406 = tpu.scan <sum>, %select_n3A_1403 masked %reduce_sum3A_1405 : vector<16xi32>, vector<16xi1> -> vector<16xi32>
        %reduce_sum3A_1407 = vector.extract %reduce_sum3A_1406[15] : i32 from vector<16xi32>
        %add3A_1408 = arith.addi %scan3A_1204, %reduce_sum3A_1407 : i32
        %jit3A_1409 = arith.constant 0 : i32
        %broadcast_in_dim3A_1410 = vector.broadcast %jit3A_1409 : i32 to vector<16xi32>
        %select_n3A_1411 = arith.select %and3A_1393, %add3A_1381, %broadcast_in_dim3A_1410 : vector<16xi1>, vector<16xi32>
        %reduce_sum3A_1412 = arith.constant true
        %reduce_sum3A_1413 = vector.broadcast %reduce_sum3A_1412 : i1 to vector<16xi1>
        %reduce_sum3A_1414 = tpu.scan <sum>, %select_n3A_1411 masked %reduce_sum3A_1413 : vector<16xi32>, vector<16xi1> -> vector<16xi32>
        %reduce_sum3A_1415 = vector.extract %reduce_sum3A_1414[15] : i32 from vector<16xi32>
        %add3A_1416 = arith.addi %scan3A_1205, %reduce_sum3A_1415 : i32
        %reduce_sum3A_1417 = arith.constant true
        %reduce_sum3A_1418 = vector.broadcast %reduce_sum3A_1417 : i1 to vector<16xi1>
        %reduce_sum3A_1419 = tpu.scan <sum>, %add3A_1381 masked %reduce_sum3A_1418 : vector<16xi32>, vector<16xi1> -> vector<16xi32>
        %reduce_sum3A_1420 = vector.extract %reduce_sum3A_1419[15] : i32 from vector<16xi32>
        %add3A_1421 = arith.addi %scan3A_1202, %reduce_sum3A_1420 : i32
        scf.yield %add3A_1421, %add3A_1400, %add3A_1408, %add3A_1416 : i32, i32, i32, i32
      }
      %scan3A_1110 = arith.constant 16 : i32
      %sub3A_1111 = arith.constant 4914 : i32
      %sub3A_1112 = arith.subi %sub3A_1111, %scan3A_1109#2 : i32
      %parallel_loop3A_1113 = arith.constant 0 : i32
      %parallel_loop3A_1114 = arith.constant 512 : i32
      %parallel_loop3A_1115 = arith.constant 1 : i32
      scf.for %parallel_loop3A_1201 = %parallel_loop3A_1113 to %parallel_loop3A_1114 step %parallel_loop3A_1115  : i32 {
        %parallel_loop3A_1202 = arith.constant 16 : i32
        %parallel_loop3A_1203 = arith.muli %parallel_loop3A_1201, %parallel_loop3A_1202 : i32
        %parallel_loop3A_1204 = arith.index_cast %parallel_loop3A_1203 : i32 to index
        %parallel_loop3A_1205 = tpu.vector_load %arg5[%parallel_loop3A_1204] {strides = array<i32>} : memref<8192xi32, #tpu.memory_space<vmem>>, vector<16xi32>,
        %parallel_loop3A_1206 = arith.constant 23 : i32
        %parallel_loop3A_1207 = vector.broadcast %parallel_loop3A_1206 : i32 to vector<16xi32>
        %parallel_loop3A_1208 = arith.shrui %parallel_loop3A_1205, %parallel_loop3A_1207 : vector<16xi32>
        %parallel_loop3A_1209 = vector.broadcast %scan3A_1109#1 : i32 to vector<16xi32>
        %parallel_loop3A_1210 = arith.cmpi eq, %parallel_loop3A_1208, %parallel_loop3A_1209 : vector<16xi32>
        %parallel_loop3A_1211 = arith.constant 15 : i32
        %parallel_loop3A_1212 = vector.broadcast %parallel_loop3A_1211 : i32 to vector<16xi32>
        %parallel_loop3A_1213 = arith.shrui %parallel_loop3A_1205, %parallel_loop3A_1212 : vector<16xi32>
        %parallel_loop3A_1214 = arith.constant 255 : i32
        %parallel_loop3A_1215 = vector.broadcast %parallel_loop3A_1214 : i32 to vector<16xi32>
        %parallel_loop3A_1216 = arith.andi %parallel_loop3A_1213, %parallel_loop3A_1215 : vector<16xi32>
        %parallel_loop3A_1217 = arith.addi %mul3A_6, %parallel_loop3A_1216 : vector<16xi32>
        tpu.vector_store_idx %arg7[%parallel_loop3A_1217], %broadcast_in_dim3A_3 masked %parallel_loop3A_1210 {add = true} : memref<4096xi32, #tpu.memory_space<vmem>>[vector<16xi32>], vector<16xi32>, vector<16xi1>
      } {sc.loop_unroll_factor = 8 : i64, sc.parallel_access}
      %scan3A_1116 = arith.constant 0 : i32
      %scan3A_1117 = arith.constant 0 : i32
      %scan3A_1118 = arith.constant 0 : i32
      %scan3A_1119 = arith.constant 0 : i32
      %scan3A_1120 = arith.constant 0 : i32
      %scan3A_1121 = arith.constant 16 : i32
      %scan3A_1122 = arith.addi %scan3A_1120, %scan3A_1121 : i32
      %scan3A_1123 = arith.constant 1 : i32
      %scan3A_1124:4 = scf.for %scan3A_1201 = %scan3A_1120 to %scan3A_1122 step %scan3A_1123 iter_args(%scan3A_1202 = %scan3A_1116, %scan3A_1203 = %scan3A_1117, %scan3A_1204 = %scan3A_1118, %scan3A_1205 = %scan3A_1119) -> (i32, i32, i32, i32)  : i32 {
        %mul3A_1206 = arith.constant 16 : i32
        %mul3A_1207 = arith.muli %scan3A_1201, %mul3A_1206 : i32
        %add3A_1208 = arith.constant 0 : i32
        %add3A_1209 = arith.addi %mul3A_1207, %add3A_1208 : i32
        %get3A_1210 = arith.index_cast %add3A_1209 : i32 to index
        %get3A_1211 = tpu.vector_load %arg7[%get3A_1210] {strides = array<i32>} : memref<4096xi32, #tpu.memory_space<vmem>>, vector<16xi32>,
        %add3A_1212 = arith.constant 0 : i32
        %add3A_1213 = arith.addi %mul3A_1207, %add3A_1212 : i32
        %swap3A_1214 = arith.index_cast %add3A_1213 : i32 to index
        %swap3A_1215 = tpu.vector_load %arg7[%swap3A_1214] {strides = array<i32>} : memref<4096xi32, #tpu.memory_space<vmem>>, vector<16xi32>,
        tpu.vector_store %arg7[%swap3A_1214], %broadcast_in_dim3A_1 {strides = array<i32>} : memref<4096xi32, #tpu.memory_space<vmem>>, vector<16xi32>,
        %add3A_1216 = arith.addi %broadcast_in_dim3A_1, %get3A_1211 : vector<16xi32>
        %mul3A_1217 = arith.constant 16 : i32
        %mul3A_1218 = arith.muli %scan3A_1201, %mul3A_1217 : i32
        %add3A_1219 = arith.constant 256 : i32
        %add3A_1220 = arith.addi %mul3A_1218, %add3A_1219 : i32
        %get3A_1221 = arith.index_cast %add3A_1220 : i32 to index
        %get3A_1222 = tpu.vector_load %arg7[%get3A_1221] {strides = array<i32>} : memref<4096xi32, #tpu.memory_space<vmem>>, vector<16xi32>,
        %add3A_1223 = arith.constant 256 : i32
        %add3A_1224 = arith.addi %mul3A_1218, %add3A_1223 : i32
        %swap3A_1225 = arith.index_cast %add3A_1224 : i32 to index
        %swap3A_1226 = tpu.vector_load %arg7[%swap3A_1225] {strides = array<i32>} : memref<4096xi32, #tpu.memory_space<vmem>>, vector<16xi32>,
        tpu.vector_store %arg7[%swap3A_1225], %broadcast_in_dim3A_1 {strides = array<i32>} : memref<4096xi32, #tpu.memory_space<vmem>>, vector<16xi32>,
        %add3A_1227 = arith.addi %add3A_1216, %get3A_1222 : vector<16xi32>
        %mul3A_1228 = arith.constant 16 : i32
        %mul3A_1229 = arith.muli %scan3A_1201, %mul3A_1228 : i32
        %add3A_1230 = arith.constant 512 : i32
        %add3A_1231 = arith.addi %mul3A_1229, %add3A_1230 : i32
        %get3A_1232 = arith.index_cast %add3A_1231 : i32 to index
        %get3A_1233 = tpu.vector_load %arg7[%get3A_1232] {strides = array<i32>} : memref<4096xi32, #tpu.memory_space<vmem>>, vector<16xi32>,
        %add3A_1234 = arith.constant 512 : i32
        %add3A_1235 = arith.addi %mul3A_1229, %add3A_1234 : i32
        %swap3A_1236 = arith.index_cast %add3A_1235 : i32 to index
        %swap3A_1237 = tpu.vector_load %arg7[%swap3A_1236] {strides = array<i32>} : memref<4096xi32, #tpu.memory_space<vmem>>, vector<16xi32>,
        tpu.vector_store %arg7[%swap3A_1236], %broadcast_in_dim3A_1 {strides = array<i32>} : memref<4096xi32, #tpu.memory_space<vmem>>, vector<16xi32>,
        %add3A_1238 = arith.addi %add3A_1227, %get3A_1233 : vector<16xi32>
        %mul3A_1239 = arith.constant 16 : i32
        %mul3A_1240 = arith.muli %scan3A_1201, %mul3A_1239 : i32
        %add3A_1241 = arith.constant 768 : i32
        %add3A_1242 = arith.addi %mul3A_1240, %add3A_1241 : i32
        %get3A_1243 = arith.index_cast %add3A_1242 : i32 to index
        %get3A_1244 = tpu.vector_load %arg7[%get3A_1243] {strides = array<i32>} : memref<4096xi32, #tpu.memory_space<vmem>>, vector<16xi32>,
        %add3A_1245 = arith.constant 768 : i32
        %add3A_1246 = arith.addi %mul3A_1240, %add3A_1245 : i32
        %swap3A_1247 = arith.index_cast %add3A_1246 : i32 to index
        %swap3A_1248 = tpu.vector_load %arg7[%swap3A_1247] {strides = array<i32>} : memref<4096xi32, #tpu.memory_space<vmem>>, vector<16xi32>,
        tpu.vector_store %arg7[%swap3A_1247], %broadcast_in_dim3A_1 {strides = array<i32>} : memref<4096xi32, #tpu.memory_space<vmem>>, vector<16xi32>,
        %add3A_1249 = arith.addi %add3A_1238, %get3A_1244 : vector<16xi32>
        %mul3A_1250 = arith.constant 16 : i32
        %mul3A_1251 = arith.muli %scan3A_1201, %mul3A_1250 : i32
        %add3A_1252 = arith.constant 1024 : i32
        %add3A_1253 = arith.addi %mul3A_1251, %add3A_1252 : i32
        %get3A_1254 = arith.index_cast %add3A_1253 : i32 to index
        %get3A_1255 = tpu.vector_load %arg7[%get3A_1254] {strides = array<i32>} : memref<4096xi32, #tpu.memory_space<vmem>>, vector<16xi32>,
        %add3A_1256 = arith.constant 1024 : i32
        %add3A_1257 = arith.addi %mul3A_1251, %add3A_1256 : i32
        %swap3A_1258 = arith.index_cast %add3A_1257 : i32 to index
        %swap3A_1259 = tpu.vector_load %arg7[%swap3A_1258] {strides = array<i32>} : memref<4096xi32, #tpu.memory_space<vmem>>, vector<16xi32>,
        tpu.vector_store %arg7[%swap3A_1258], %broadcast_in_dim3A_1 {strides = array<i32>} : memref<4096xi32, #tpu.memory_space<vmem>>, vector<16xi32>,
        %add3A_1260 = arith.addi %add3A_1249, %get3A_1255 : vector<16xi32>
        %mul3A_1261 = arith.constant 16 : i32
        %mul3A_1262 = arith.muli %scan3A_1201, %mul3A_1261 : i32
        %add3A_1263 = arith.constant 1280 : i32
        %add3A_1264 = arith.addi %mul3A_1262, %add3A_1263 : i32
        %get3A_1265 = arith.index_cast %add3A_1264 : i32 to index
        %get3A_1266 = tpu.vector_load %arg7[%get3A_1265] {strides = array<i32>} : memref<4096xi32, #tpu.memory_space<vmem>>, vector<16xi32>,
        %add3A_1267 = arith.constant 1280 : i32
        %add3A_1268 = arith.addi %mul3A_1262, %add3A_1267 : i32
        %swap3A_1269 = arith.index_cast %add3A_1268 : i32 to index
        %swap3A_1270 = tpu.vector_load %arg7[%swap3A_1269] {strides = array<i32>} : memref<4096xi32, #tpu.memory_space<vmem>>, vector<16xi32>,
        tpu.vector_store %arg7[%swap3A_1269], %broadcast_in_dim3A_1 {strides = array<i32>} : memref<4096xi32, #tpu.memory_space<vmem>>, vector<16xi32>,
        %add3A_1271 = arith.addi %add3A_1260, %get3A_1266 : vector<16xi32>
        %mul3A_1272 = arith.constant 16 : i32
        %mul3A_1273 = arith.muli %scan3A_1201, %mul3A_1272 : i32
        %add3A_1274 = arith.constant 1536 : i32
        %add3A_1275 = arith.addi %mul3A_1273, %add3A_1274 : i32
        %get3A_1276 = arith.index_cast %add3A_1275 : i32 to index
        %get3A_1277 = tpu.vector_load %arg7[%get3A_1276] {strides = array<i32>} : memref<4096xi32, #tpu.memory_space<vmem>>, vector<16xi32>,
        %add3A_1278 = arith.constant 1536 : i32
        %add3A_1279 = arith.addi %mul3A_1273, %add3A_1278 : i32
        %swap3A_1280 = arith.index_cast %add3A_1279 : i32 to index
        %swap3A_1281 = tpu.vector_load %arg7[%swap3A_1280] {strides = array<i32>} : memref<4096xi32, #tpu.memory_space<vmem>>, vector<16xi32>,
        tpu.vector_store %arg7[%swap3A_1280], %broadcast_in_dim3A_1 {strides = array<i32>} : memref<4096xi32, #tpu.memory_space<vmem>>, vector<16xi32>,
        %add3A_1282 = arith.addi %add3A_1271, %get3A_1277 : vector<16xi32>
        %mul3A_1283 = arith.constant 16 : i32
        %mul3A_1284 = arith.muli %scan3A_1201, %mul3A_1283 : i32
        %add3A_1285 = arith.constant 1792 : i32
        %add3A_1286 = arith.addi %mul3A_1284, %add3A_1285 : i32
        %get3A_1287 = arith.index_cast %add3A_1286 : i32 to index
        %get3A_1288 = tpu.vector_load %arg7[%get3A_1287] {strides = array<i32>} : memref<4096xi32, #tpu.memory_space<vmem>>, vector<16xi32>,
        %add3A_1289 = arith.constant 1792 : i32
        %add3A_1290 = arith.addi %mul3A_1284, %add3A_1289 : i32
        %swap3A_1291 = arith.index_cast %add3A_1290 : i32 to index
        %swap3A_1292 = tpu.vector_load %arg7[%swap3A_1291] {strides = array<i32>} : memref<4096xi32, #tpu.memory_space<vmem>>, vector<16xi32>,
        tpu.vector_store %arg7[%swap3A_1291], %broadcast_in_dim3A_1 {strides = array<i32>} : memref<4096xi32, #tpu.memory_space<vmem>>, vector<16xi32>,
        %add3A_1293 = arith.addi %add3A_1282, %get3A_1288 : vector<16xi32>
        %mul3A_1294 = arith.constant 16 : i32
        %mul3A_1295 = arith.muli %scan3A_1201, %mul3A_1294 : i32
        %add3A_1296 = arith.constant 2048 : i32
        %add3A_1297 = arith.addi %mul3A_1295, %add3A_1296 : i32
        %get3A_1298 = arith.index_cast %add3A_1297 : i32 to index
        %get3A_1299 = tpu.vector_load %arg7[%get3A_1298] {strides = array<i32>} : memref<4096xi32, #tpu.memory_space<vmem>>, vector<16xi32>,
        %add3A_1300 = arith.constant 2048 : i32
        %add3A_1301 = arith.addi %mul3A_1295, %add3A_1300 : i32
        %swap3A_1302 = arith.index_cast %add3A_1301 : i32 to index
        %swap3A_1303 = tpu.vector_load %arg7[%swap3A_1302] {strides = array<i32>} : memref<4096xi32, #tpu.memory_space<vmem>>, vector<16xi32>,
        tpu.vector_store %arg7[%swap3A_1302], %broadcast_in_dim3A_1 {strides = array<i32>} : memref<4096xi32, #tpu.memory_space<vmem>>, vector<16xi32>,
        %add3A_1304 = arith.addi %add3A_1293, %get3A_1299 : vector<16xi32>
        %mul3A_1305 = arith.constant 16 : i32
        %mul3A_1306 = arith.muli %scan3A_1201, %mul3A_1305 : i32
        %add3A_1307 = arith.constant 2304 : i32
        %add3A_1308 = arith.addi %mul3A_1306, %add3A_1307 : i32
        %get3A_1309 = arith.index_cast %add3A_1308 : i32 to index
        %get3A_1310 = tpu.vector_load %arg7[%get3A_1309] {strides = array<i32>} : memref<4096xi32, #tpu.memory_space<vmem>>, vector<16xi32>,
        %add3A_1311 = arith.constant 2304 : i32
        %add3A_1312 = arith.addi %mul3A_1306, %add3A_1311 : i32
        %swap3A_1313 = arith.index_cast %add3A_1312 : i32 to index
        %swap3A_1314 = tpu.vector_load %arg7[%swap3A_1313] {strides = array<i32>} : memref<4096xi32, #tpu.memory_space<vmem>>, vector<16xi32>,
        tpu.vector_store %arg7[%swap3A_1313], %broadcast_in_dim3A_1 {strides = array<i32>} : memref<4096xi32, #tpu.memory_space<vmem>>, vector<16xi32>,
        %add3A_1315 = arith.addi %add3A_1304, %get3A_1310 : vector<16xi32>
        %mul3A_1316 = arith.constant 16 : i32
        %mul3A_1317 = arith.muli %scan3A_1201, %mul3A_1316 : i32
        %add3A_1318 = arith.constant 2560 : i32
        %add3A_1319 = arith.addi %mul3A_1317, %add3A_1318 : i32
        %get3A_1320 = arith.index_cast %add3A_1319 : i32 to index
        %get3A_1321 = tpu.vector_load %arg7[%get3A_1320] {strides = array<i32>} : memref<4096xi32, #tpu.memory_space<vmem>>, vector<16xi32>,
        %add3A_1322 = arith.constant 2560 : i32
        %add3A_1323 = arith.addi %mul3A_1317, %add3A_1322 : i32
        %swap3A_1324 = arith.index_cast %add3A_1323 : i32 to index
        %swap3A_1325 = tpu.vector_load %arg7[%swap3A_1324] {strides = array<i32>} : memref<4096xi32, #tpu.memory_space<vmem>>, vector<16xi32>,
        tpu.vector_store %arg7[%swap3A_1324], %broadcast_in_dim3A_1 {strides = array<i32>} : memref<4096xi32, #tpu.memory_space<vmem>>, vector<16xi32>,
        %add3A_1326 = arith.addi %add3A_1315, %get3A_1321 : vector<16xi32>
        %mul3A_1327 = arith.constant 16 : i32
        %mul3A_1328 = arith.muli %scan3A_1201, %mul3A_1327 : i32
        %add3A_1329 = arith.constant 2816 : i32
        %add3A_1330 = arith.addi %mul3A_1328, %add3A_1329 : i32
        %get3A_1331 = arith.index_cast %add3A_1330 : i32 to index
        %get3A_1332 = tpu.vector_load %arg7[%get3A_1331] {strides = array<i32>} : memref<4096xi32, #tpu.memory_space<vmem>>, vector<16xi32>,
        %add3A_1333 = arith.constant 2816 : i32
        %add3A_1334 = arith.addi %mul3A_1328, %add3A_1333 : i32
        %swap3A_1335 = arith.index_cast %add3A_1334 : i32 to index
        %swap3A_1336 = tpu.vector_load %arg7[%swap3A_1335] {strides = array<i32>} : memref<4096xi32, #tpu.memory_space<vmem>>, vector<16xi32>,
        tpu.vector_store %arg7[%swap3A_1335], %broadcast_in_dim3A_1 {strides = array<i32>} : memref<4096xi32, #tpu.memory_space<vmem>>, vector<16xi32>,
        %add3A_1337 = arith.addi %add3A_1326, %get3A_1332 : vector<16xi32>
        %mul3A_1338 = arith.constant 16 : i32
        %mul3A_1339 = arith.muli %scan3A_1201, %mul3A_1338 : i32
        %add3A_1340 = arith.constant 3072 : i32
        %add3A_1341 = arith.addi %mul3A_1339, %add3A_1340 : i32
        %get3A_1342 = arith.index_cast %add3A_1341 : i32 to index
        %get3A_1343 = tpu.vector_load %arg7[%get3A_1342] {strides = array<i32>} : memref<4096xi32, #tpu.memory_space<vmem>>, vector<16xi32>,
        %add3A_1344 = arith.constant 3072 : i32
        %add3A_1345 = arith.addi %mul3A_1339, %add3A_1344 : i32
        %swap3A_1346 = arith.index_cast %add3A_1345 : i32 to index
        %swap3A_1347 = tpu.vector_load %arg7[%swap3A_1346] {strides = array<i32>} : memref<4096xi32, #tpu.memory_space<vmem>>, vector<16xi32>,
        tpu.vector_store %arg7[%swap3A_1346], %broadcast_in_dim3A_1 {strides = array<i32>} : memref<4096xi32, #tpu.memory_space<vmem>>, vector<16xi32>,
        %add3A_1348 = arith.addi %add3A_1337, %get3A_1343 : vector<16xi32>
        %mul3A_1349 = arith.constant 16 : i32
        %mul3A_1350 = arith.muli %scan3A_1201, %mul3A_1349 : i32
        %add3A_1351 = arith.constant 3328 : i32
        %add3A_1352 = arith.addi %mul3A_1350, %add3A_1351 : i32
        %get3A_1353 = arith.index_cast %add3A_1352 : i32 to index
        %get3A_1354 = tpu.vector_load %arg7[%get3A_1353] {strides = array<i32>} : memref<4096xi32, #tpu.memory_space<vmem>>, vector<16xi32>,
        %add3A_1355 = arith.constant 3328 : i32
        %add3A_1356 = arith.addi %mul3A_1350, %add3A_1355 : i32
        %swap3A_1357 = arith.index_cast %add3A_1356 : i32 to index
        %swap3A_1358 = tpu.vector_load %arg7[%swap3A_1357] {strides = array<i32>} : memref<4096xi32, #tpu.memory_space<vmem>>, vector<16xi32>,
        tpu.vector_store %arg7[%swap3A_1357], %broadcast_in_dim3A_1 {strides = array<i32>} : memref<4096xi32, #tpu.memory_space<vmem>>, vector<16xi32>,
        %add3A_1359 = arith.addi %add3A_1348, %get3A_1354 : vector<16xi32>
        %mul3A_1360 = arith.constant 16 : i32
        %mul3A_1361 = arith.muli %scan3A_1201, %mul3A_1360 : i32
        %add3A_1362 = arith.constant 3584 : i32
        %add3A_1363 = arith.addi %mul3A_1361, %add3A_1362 : i32
        %get3A_1364 = arith.index_cast %add3A_1363 : i32 to index
        %get3A_1365 = tpu.vector_load %arg7[%get3A_1364] {strides = array<i32>} : memref<4096xi32, #tpu.memory_space<vmem>>, vector<16xi32>,
        %add3A_1366 = arith.constant 3584 : i32
        %add3A_1367 = arith.addi %mul3A_1361, %add3A_1366 : i32
        %swap3A_1368 = arith.index_cast %add3A_1367 : i32 to index
        %swap3A_1369 = tpu.vector_load %arg7[%swap3A_1368] {strides = array<i32>} : memref<4096xi32, #tpu.memory_space<vmem>>, vector<16xi32>,
        tpu.vector_store %arg7[%swap3A_1368], %broadcast_in_dim3A_1 {strides = array<i32>} : memref<4096xi32, #tpu.memory_space<vmem>>, vector<16xi32>,
        %add3A_1370 = arith.addi %add3A_1359, %get3A_1365 : vector<16xi32>
        %mul3A_1371 = arith.constant 16 : i32
        %mul3A_1372 = arith.muli %scan3A_1201, %mul3A_1371 : i32
        %add3A_1373 = arith.constant 3840 : i32
        %add3A_1374 = arith.addi %mul3A_1372, %add3A_1373 : i32
        %get3A_1375 = arith.index_cast %add3A_1374 : i32 to index
        %get3A_1376 = tpu.vector_load %arg7[%get3A_1375] {strides = array<i32>} : memref<4096xi32, #tpu.memory_space<vmem>>, vector<16xi32>,
        %add3A_1377 = arith.constant 3840 : i32
        %add3A_1378 = arith.addi %mul3A_1372, %add3A_1377 : i32
        %swap3A_1379 = arith.index_cast %add3A_1378 : i32 to index
        %swap3A_1380 = tpu.vector_load %arg7[%swap3A_1379] {strides = array<i32>} : memref<4096xi32, #tpu.memory_space<vmem>>, vector<16xi32>,
        tpu.vector_store %arg7[%swap3A_1379], %broadcast_in_dim3A_1 {strides = array<i32>} : memref<4096xi32, #tpu.memory_space<vmem>>, vector<16xi32>,
        %add3A_1381 = arith.addi %add3A_1370, %get3A_1376 : vector<16xi32>
        %broadcast_in_dim3A_1382 = arith.constant true
        %broadcast_in_dim3A_1383 = vector.broadcast %broadcast_in_dim3A_1382 : i1 to vector<16xi1>
        %masked_cumsum3A = tpu.scan <sum>, %add3A_1381 masked %broadcast_in_dim3A_1383 : vector<16xi32>, vector<16xi1> -> vector<16xi32>
        %add3A_1384 = vector.broadcast %scan3A_1202 : i32 to vector<16xi32>
        %add3A_1385 = arith.addi %masked_cumsum3A, %add3A_1384 : vector<16xi32>
        %le3A = vector.broadcast %sub3A_1112 : i32 to vector<16xi32>
        %le3A_1386 = arith.cmpi sle, %add3A_1385, %le3A : vector<16xi32>
        %sub3A_1387 = arith.subi %add3A_1385, %add3A_1381 : vector<16xi32>
        %le3A_1388 = vector.broadcast %sub3A_1112 : i32 to vector<16xi32>
        %le3A_1389 = arith.cmpi sle, %sub3A_1387, %le3A_1388 : vector<16xi32>
        %not3A = arith.constant dense<true> : vector<16xi1>
        %not3A_1390 = arith.xori %le3A_1386, %not3A : vector<16xi1>
        %and3A_1391 = arith.andi %le3A_1389, %not3A_1390 : vector<16xi1>
        %jit3A = arith.constant 1 : i32
        %jit3A_1392 = arith.constant 0 : i32
        %broadcast_in_dim3A_1393 = vector.broadcast %jit3A : i32 to vector<16xi32>
        %broadcast_in_dim3A_1394 = vector.broadcast %jit3A_1392 : i32 to vector<16xi32>
        %select_n3A = arith.select %le3A_1386, %broadcast_in_dim3A_1393, %broadcast_in_dim3A_1394 : vector<16xi1>, vector<16xi32>
        %reduce_sum3A = arith.constant true
        %reduce_sum3A_1395 = vector.broadcast %reduce_sum3A : i1 to vector<16xi1>
        %reduce_sum3A_1396 = tpu.scan <sum>, %select_n3A masked %reduce_sum3A_1395 : vector<16xi32>, vector<16xi1> -> vector<16xi32>
        %reduce_sum3A_1397 = vector.extract %reduce_sum3A_1396[15] : i32 from vector<16xi32>
        %add3A_1398 = arith.addi %scan3A_1203, %reduce_sum3A_1397 : i32
        %jit3A_1399 = arith.constant 0 : i32
        %broadcast_in_dim3A_1400 = vector.broadcast %jit3A_1399 : i32 to vector<16xi32>
        %select_n3A_1401 = arith.select %le3A_1386, %add3A_1381, %broadcast_in_dim3A_1400 : vector<16xi1>, vector<16xi32>
        %reduce_sum3A_1402 = arith.constant true
        %reduce_sum3A_1403 = vector.broadcast %reduce_sum3A_1402 : i1 to vector<16xi1>
        %reduce_sum3A_1404 = tpu.scan <sum>, %select_n3A_1401 masked %reduce_sum3A_1403 : vector<16xi32>, vector<16xi1> -> vector<16xi32>
        %reduce_sum3A_1405 = vector.extract %reduce_sum3A_1404[15] : i32 from vector<16xi32>
        %add3A_1406 = arith.addi %scan3A_1204, %reduce_sum3A_1405 : i32
        %jit3A_1407 = arith.constant 0 : i32
        %broadcast_in_dim3A_1408 = vector.broadcast %jit3A_1407 : i32 to vector<16xi32>
        %select_n3A_1409 = arith.select %and3A_1391, %add3A_1381, %broadcast_in_dim3A_1408 : vector<16xi1>, vector<16xi32>
        %reduce_sum3A_1410 = arith.constant true
        %reduce_sum3A_1411 = vector.broadcast %reduce_sum3A_1410 : i1 to vector<16xi1>
        %reduce_sum3A_1412 = tpu.scan <sum>, %select_n3A_1409 masked %reduce_sum3A_1411 : vector<16xi32>, vector<16xi1> -> vector<16xi32>
        %reduce_sum3A_1413 = vector.extract %reduce_sum3A_1412[15] : i32 from vector<16xi32>
        %add3A_1414 = arith.addi %scan3A_1205, %reduce_sum3A_1413 : i32
        %reduce_sum3A_1415 = arith.constant true
        %reduce_sum3A_1416 = vector.broadcast %reduce_sum3A_1415 : i1 to vector<16xi1>
        %reduce_sum3A_1417 = tpu.scan <sum>, %add3A_1381 masked %reduce_sum3A_1416 : vector<16xi32>, vector<16xi1> -> vector<16xi32>
        %reduce_sum3A_1418 = vector.extract %reduce_sum3A_1417[15] : i32 from vector<16xi32>
        %add3A_1419 = arith.addi %scan3A_1202, %reduce_sum3A_1418 : i32
        scf.yield %add3A_1419, %add3A_1398, %add3A_1406, %add3A_1414 : i32, i32, i32, i32
      }
      %scan3A_1125 = arith.constant 16 : i32
      %sub3A_1126 = arith.subi %sub3A_1112, %scan3A_1124#2 : i32
      %mul3A_1127 = arith.constant 256 : i32
      %mul3A_1128 = arith.muli %scan3A_1109#1, %mul3A_1127 : i32
      %add3A_1129 = arith.addi %mul3A_1128, %scan3A_1124#1 : i32
      %parallel_loop3A_1130 = arith.constant 0 : i32
      %parallel_loop3A_1131 = arith.constant 512 : i32
      %parallel_loop3A_1132 = arith.constant 1 : i32
      scf.for %parallel_loop3A_1201 = %parallel_loop3A_1130 to %parallel_loop3A_1131 step %parallel_loop3A_1132  : i32 {
        %parallel_loop3A_1202 = arith.constant 16 : i32
        %parallel_loop3A_1203 = arith.muli %parallel_loop3A_1201, %parallel_loop3A_1202 : i32
        %parallel_loop3A_1204 = arith.index_cast %parallel_loop3A_1203 : i32 to index
        %parallel_loop3A_1205 = tpu.vector_load %arg5[%parallel_loop3A_1204] {strides = array<i32>} : memref<8192xi32, #tpu.memory_space<vmem>>, vector<16xi32>,
        %parallel_loop3A_1206 = arith.constant 15 : i32
        %parallel_loop3A_1207 = vector.broadcast %parallel_loop3A_1206 : i32 to vector<16xi32>
        %parallel_loop3A_1208 = arith.shrui %parallel_loop3A_1205, %parallel_loop3A_1207 : vector<16xi32>
        %parallel_loop3A_1209 = vector.broadcast %add3A_1129 : i32 to vector<16xi32>
        %parallel_loop3A_1210 = arith.cmpi eq, %parallel_loop3A_1208, %parallel_loop3A_1209 : vector<16xi32>
        %parallel_loop3A_1211 = arith.constant 7 : i32
        %parallel_loop3A_1212 = vector.broadcast %parallel_loop3A_1211 : i32 to vector<16xi32>
        %parallel_loop3A_1213 = arith.shrui %parallel_loop3A_1205, %parallel_loop3A_1212 : vector<16xi32>
        %parallel_loop3A_1214 = arith.constant 255 : i32
        %parallel_loop3A_1215 = vector.broadcast %parallel_loop3A_1214 : i32 to vector<16xi32>
        %parallel_loop3A_1216 = arith.andi %parallel_loop3A_1213, %parallel_loop3A_1215 : vector<16xi32>
        %parallel_loop3A_1217 = arith.addi %mul3A_6, %parallel_loop3A_1216 : vector<16xi32>
        tpu.vector_store_idx %arg7[%parallel_loop3A_1217], %broadcast_in_dim3A_3 masked %parallel_loop3A_1210 {add = true} : memref<4096xi32, #tpu.memory_space<vmem>>[vector<16xi32>], vector<16xi32>, vector<16xi1>
      } {sc.loop_unroll_factor = 8 : i64, sc.parallel_access}
      %scan3A_1133 = arith.constant 0 : i32
      %scan3A_1134 = arith.constant 0 : i32
      %scan3A_1135 = arith.constant 0 : i32
      %scan3A_1136 = arith.constant 0 : i32
      %scan3A_1137 = arith.constant 0 : i32
      %scan3A_1138 = arith.constant 16 : i32
      %scan3A_1139 = arith.addi %scan3A_1137, %scan3A_1138 : i32
      %scan3A_1140 = arith.constant 1 : i32
      %scan3A_1141:4 = scf.for %scan3A_1201 = %scan3A_1137 to %scan3A_1139 step %scan3A_1140 iter_args(%scan3A_1202 = %scan3A_1133, %scan3A_1203 = %scan3A_1134, %scan3A_1204 = %scan3A_1135, %scan3A_1205 = %scan3A_1136) -> (i32, i32, i32, i32)  : i32 {
        %mul3A_1206 = arith.constant 16 : i32
        %mul3A_1207 = arith.muli %scan3A_1201, %mul3A_1206 : i32
        %add3A_1208 = arith.constant 0 : i32
        %add3A_1209 = arith.addi %mul3A_1207, %add3A_1208 : i32
        %get3A_1210 = arith.index_cast %add3A_1209 : i32 to index
        %get3A_1211 = tpu.vector_load %arg7[%get3A_1210] {strides = array<i32>} : memref<4096xi32, #tpu.memory_space<vmem>>, vector<16xi32>,
        %add3A_1212 = arith.constant 0 : i32
        %add3A_1213 = arith.addi %mul3A_1207, %add3A_1212 : i32
        %swap3A_1214 = arith.index_cast %add3A_1213 : i32 to index
        %swap3A_1215 = tpu.vector_load %arg7[%swap3A_1214] {strides = array<i32>} : memref<4096xi32, #tpu.memory_space<vmem>>, vector<16xi32>,
        tpu.vector_store %arg7[%swap3A_1214], %broadcast_in_dim3A_1 {strides = array<i32>} : memref<4096xi32, #tpu.memory_space<vmem>>, vector<16xi32>,
        %add3A_1216 = arith.addi %broadcast_in_dim3A_1, %get3A_1211 : vector<16xi32>
        %mul3A_1217 = arith.constant 16 : i32
        %mul3A_1218 = arith.muli %scan3A_1201, %mul3A_1217 : i32
        %add3A_1219 = arith.constant 256 : i32
        %add3A_1220 = arith.addi %mul3A_1218, %add3A_1219 : i32
        %get3A_1221 = arith.index_cast %add3A_1220 : i32 to index
        %get3A_1222 = tpu.vector_load %arg7[%get3A_1221] {strides = array<i32>} : memref<4096xi32, #tpu.memory_space<vmem>>, vector<16xi32>,
        %add3A_1223 = arith.constant 256 : i32
        %add3A_1224 = arith.addi %mul3A_1218, %add3A_1223 : i32
        %swap3A_1225 = arith.index_cast %add3A_1224 : i32 to index
        %swap3A_1226 = tpu.vector_load %arg7[%swap3A_1225] {strides = array<i32>} : memref<4096xi32, #tpu.memory_space<vmem>>, vector<16xi32>,
        tpu.vector_store %arg7[%swap3A_1225], %broadcast_in_dim3A_1 {strides = array<i32>} : memref<4096xi32, #tpu.memory_space<vmem>>, vector<16xi32>,
        %add3A_1227 = arith.addi %add3A_1216, %get3A_1222 : vector<16xi32>
        %mul3A_1228 = arith.constant 16 : i32
        %mul3A_1229 = arith.muli %scan3A_1201, %mul3A_1228 : i32
        %add3A_1230 = arith.constant 512 : i32
        %add3A_1231 = arith.addi %mul3A_1229, %add3A_1230 : i32
        %get3A_1232 = arith.index_cast %add3A_1231 : i32 to index
        %get3A_1233 = tpu.vector_load %arg7[%get3A_1232] {strides = array<i32>} : memref<4096xi32, #tpu.memory_space<vmem>>, vector<16xi32>,
        %add3A_1234 = arith.constant 512 : i32
        %add3A_1235 = arith.addi %mul3A_1229, %add3A_1234 : i32
        %swap3A_1236 = arith.index_cast %add3A_1235 : i32 to index
        %swap3A_1237 = tpu.vector_load %arg7[%swap3A_1236] {strides = array<i32>} : memref<4096xi32, #tpu.memory_space<vmem>>, vector<16xi32>,
        tpu.vector_store %arg7[%swap3A_1236], %broadcast_in_dim3A_1 {strides = array<i32>} : memref<4096xi32, #tpu.memory_space<vmem>>, vector<16xi32>,
        %add3A_1238 = arith.addi %add3A_1227, %get3A_1233 : vector<16xi32>
        %mul3A_1239 = arith.constant 16 : i32
        %mul3A_1240 = arith.muli %scan3A_1201, %mul3A_1239 : i32
        %add3A_1241 = arith.constant 768 : i32
        %add3A_1242 = arith.addi %mul3A_1240, %add3A_1241 : i32
        %get3A_1243 = arith.index_cast %add3A_1242 : i32 to index
        %get3A_1244 = tpu.vector_load %arg7[%get3A_1243] {strides = array<i32>} : memref<4096xi32, #tpu.memory_space<vmem>>, vector<16xi32>,
        %add3A_1245 = arith.constant 768 : i32
        %add3A_1246 = arith.addi %mul3A_1240, %add3A_1245 : i32
        %swap3A_1247 = arith.index_cast %add3A_1246 : i32 to index
        %swap3A_1248 = tpu.vector_load %arg7[%swap3A_1247] {strides = array<i32>} : memref<4096xi32, #tpu.memory_space<vmem>>, vector<16xi32>,
        tpu.vector_store %arg7[%swap3A_1247], %broadcast_in_dim3A_1 {strides = array<i32>} : memref<4096xi32, #tpu.memory_space<vmem>>, vector<16xi32>,
        %add3A_1249 = arith.addi %add3A_1238, %get3A_1244 : vector<16xi32>
        %mul3A_1250 = arith.constant 16 : i32
        %mul3A_1251 = arith.muli %scan3A_1201, %mul3A_1250 : i32
        %add3A_1252 = arith.constant 1024 : i32
        %add3A_1253 = arith.addi %mul3A_1251, %add3A_1252 : i32
        %get3A_1254 = arith.index_cast %add3A_1253 : i32 to index
        %get3A_1255 = tpu.vector_load %arg7[%get3A_1254] {strides = array<i32>} : memref<4096xi32, #tpu.memory_space<vmem>>, vector<16xi32>,
        %add3A_1256 = arith.constant 1024 : i32
        %add3A_1257 = arith.addi %mul3A_1251, %add3A_1256 : i32
        %swap3A_1258 = arith.index_cast %add3A_1257 : i32 to index
        %swap3A_1259 = tpu.vector_load %arg7[%swap3A_1258] {strides = array<i32>} : memref<4096xi32, #tpu.memory_space<vmem>>, vector<16xi32>,
        tpu.vector_store %arg7[%swap3A_1258], %broadcast_in_dim3A_1 {strides = array<i32>} : memref<4096xi32, #tpu.memory_space<vmem>>, vector<16xi32>,
        %add3A_1260 = arith.addi %add3A_1249, %get3A_1255 : vector<16xi32>
        %mul3A_1261 = arith.constant 16 : i32
        %mul3A_1262 = arith.muli %scan3A_1201, %mul3A_1261 : i32
        %add3A_1263 = arith.constant 1280 : i32
        %add3A_1264 = arith.addi %mul3A_1262, %add3A_1263 : i32
        %get3A_1265 = arith.index_cast %add3A_1264 : i32 to index
        %get3A_1266 = tpu.vector_load %arg7[%get3A_1265] {strides = array<i32>} : memref<4096xi32, #tpu.memory_space<vmem>>, vector<16xi32>,
        %add3A_1267 = arith.constant 1280 : i32
        %add3A_1268 = arith.addi %mul3A_1262, %add3A_1267 : i32
        %swap3A_1269 = arith.index_cast %add3A_1268 : i32 to index
        %swap3A_1270 = tpu.vector_load %arg7[%swap3A_1269] {strides = array<i32>} : memref<4096xi32, #tpu.memory_space<vmem>>, vector<16xi32>,
        tpu.vector_store %arg7[%swap3A_1269], %broadcast_in_dim3A_1 {strides = array<i32>} : memref<4096xi32, #tpu.memory_space<vmem>>, vector<16xi32>,
        %add3A_1271 = arith.addi %add3A_1260, %get3A_1266 : vector<16xi32>
        %mul3A_1272 = arith.constant 16 : i32
        %mul3A_1273 = arith.muli %scan3A_1201, %mul3A_1272 : i32
        %add3A_1274 = arith.constant 1536 : i32
        %add3A_1275 = arith.addi %mul3A_1273, %add3A_1274 : i32
        %get3A_1276 = arith.index_cast %add3A_1275 : i32 to index
        %get3A_1277 = tpu.vector_load %arg7[%get3A_1276] {strides = array<i32>} : memref<4096xi32, #tpu.memory_space<vmem>>, vector<16xi32>,
        %add3A_1278 = arith.constant 1536 : i32
        %add3A_1279 = arith.addi %mul3A_1273, %add3A_1278 : i32
        %swap3A_1280 = arith.index_cast %add3A_1279 : i32 to index
        %swap3A_1281 = tpu.vector_load %arg7[%swap3A_1280] {strides = array<i32>} : memref<4096xi32, #tpu.memory_space<vmem>>, vector<16xi32>,
        tpu.vector_store %arg7[%swap3A_1280], %broadcast_in_dim3A_1 {strides = array<i32>} : memref<4096xi32, #tpu.memory_space<vmem>>, vector<16xi32>,
        %add3A_1282 = arith.addi %add3A_1271, %get3A_1277 : vector<16xi32>
        %mul3A_1283 = arith.constant 16 : i32
        %mul3A_1284 = arith.muli %scan3A_1201, %mul3A_1283 : i32
        %add3A_1285 = arith.constant 1792 : i32
        %add3A_1286 = arith.addi %mul3A_1284, %add3A_1285 : i32
        %get3A_1287 = arith.index_cast %add3A_1286 : i32 to index
        %get3A_1288 = tpu.vector_load %arg7[%get3A_1287] {strides = array<i32>} : memref<4096xi32, #tpu.memory_space<vmem>>, vector<16xi32>,
        %add3A_1289 = arith.constant 1792 : i32
        %add3A_1290 = arith.addi %mul3A_1284, %add3A_1289 : i32
        %swap3A_1291 = arith.index_cast %add3A_1290 : i32 to index
        %swap3A_1292 = tpu.vector_load %arg7[%swap3A_1291] {strides = array<i32>} : memref<4096xi32, #tpu.memory_space<vmem>>, vector<16xi32>,
        tpu.vector_store %arg7[%swap3A_1291], %broadcast_in_dim3A_1 {strides = array<i32>} : memref<4096xi32, #tpu.memory_space<vmem>>, vector<16xi32>,
        %add3A_1293 = arith.addi %add3A_1282, %get3A_1288 : vector<16xi32>
        %mul3A_1294 = arith.constant 16 : i32
        %mul3A_1295 = arith.muli %scan3A_1201, %mul3A_1294 : i32
        %add3A_1296 = arith.constant 2048 : i32
        %add3A_1297 = arith.addi %mul3A_1295, %add3A_1296 : i32
        %get3A_1298 = arith.index_cast %add3A_1297 : i32 to index
        %get3A_1299 = tpu.vector_load %arg7[%get3A_1298] {strides = array<i32>} : memref<4096xi32, #tpu.memory_space<vmem>>, vector<16xi32>,
        %add3A_1300 = arith.constant 2048 : i32
        %add3A_1301 = arith.addi %mul3A_1295, %add3A_1300 : i32
        %swap3A_1302 = arith.index_cast %add3A_1301 : i32 to index
        %swap3A_1303 = tpu.vector_load %arg7[%swap3A_1302] {strides = array<i32>} : memref<4096xi32, #tpu.memory_space<vmem>>, vector<16xi32>,
        tpu.vector_store %arg7[%swap3A_1302], %broadcast_in_dim3A_1 {strides = array<i32>} : memref<4096xi32, #tpu.memory_space<vmem>>, vector<16xi32>,
        %add3A_1304 = arith.addi %add3A_1293, %get3A_1299 : vector<16xi32>
        %mul3A_1305 = arith.constant 16 : i32
        %mul3A_1306 = arith.muli %scan3A_1201, %mul3A_1305 : i32
        %add3A_1307 = arith.constant 2304 : i32
        %add3A_1308 = arith.addi %mul3A_1306, %add3A_1307 : i32
        %get3A_1309 = arith.index_cast %add3A_1308 : i32 to index
        %get3A_1310 = tpu.vector_load %arg7[%get3A_1309] {strides = array<i32>} : memref<4096xi32, #tpu.memory_space<vmem>>, vector<16xi32>,
        %add3A_1311 = arith.constant 2304 : i32
        %add3A_1312 = arith.addi %mul3A_1306, %add3A_1311 : i32
        %swap3A_1313 = arith.index_cast %add3A_1312 : i32 to index
        %swap3A_1314 = tpu.vector_load %arg7[%swap3A_1313] {strides = array<i32>} : memref<4096xi32, #tpu.memory_space<vmem>>, vector<16xi32>,
        tpu.vector_store %arg7[%swap3A_1313], %broadcast_in_dim3A_1 {strides = array<i32>} : memref<4096xi32, #tpu.memory_space<vmem>>, vector<16xi32>,
        %add3A_1315 = arith.addi %add3A_1304, %get3A_1310 : vector<16xi32>
        %mul3A_1316 = arith.constant 16 : i32
        %mul3A_1317 = arith.muli %scan3A_1201, %mul3A_1316 : i32
        %add3A_1318 = arith.constant 2560 : i32
        %add3A_1319 = arith.addi %mul3A_1317, %add3A_1318 : i32
        %get3A_1320 = arith.index_cast %add3A_1319 : i32 to index
        %get3A_1321 = tpu.vector_load %arg7[%get3A_1320] {strides = array<i32>} : memref<4096xi32, #tpu.memory_space<vmem>>, vector<16xi32>,
        %add3A_1322 = arith.constant 2560 : i32
        %add3A_1323 = arith.addi %mul3A_1317, %add3A_1322 : i32
        %swap3A_1324 = arith.index_cast %add3A_1323 : i32 to index
        %swap3A_1325 = tpu.vector_load %arg7[%swap3A_1324] {strides = array<i32>} : memref<4096xi32, #tpu.memory_space<vmem>>, vector<16xi32>,
        tpu.vector_store %arg7[%swap3A_1324], %broadcast_in_dim3A_1 {strides = array<i32>} : memref<4096xi32, #tpu.memory_space<vmem>>, vector<16xi32>,
        %add3A_1326 = arith.addi %add3A_1315, %get3A_1321 : vector<16xi32>
        %mul3A_1327 = arith.constant 16 : i32
        %mul3A_1328 = arith.muli %scan3A_1201, %mul3A_1327 : i32
        %add3A_1329 = arith.constant 2816 : i32
        %add3A_1330 = arith.addi %mul3A_1328, %add3A_1329 : i32
        %get3A_1331 = arith.index_cast %add3A_1330 : i32 to index
        %get3A_1332 = tpu.vector_load %arg7[%get3A_1331] {strides = array<i32>} : memref<4096xi32, #tpu.memory_space<vmem>>, vector<16xi32>,
        %add3A_1333 = arith.constant 2816 : i32
        %add3A_1334 = arith.addi %mul3A_1328, %add3A_1333 : i32
        %swap3A_1335 = arith.index_cast %add3A_1334 : i32 to index
        %swap3A_1336 = tpu.vector_load %arg7[%swap3A_1335] {strides = array<i32>} : memref<4096xi32, #tpu.memory_space<vmem>>, vector<16xi32>,
        tpu.vector_store %arg7[%swap3A_1335], %broadcast_in_dim3A_1 {strides = array<i32>} : memref<4096xi32, #tpu.memory_space<vmem>>, vector<16xi32>,
        %add3A_1337 = arith.addi %add3A_1326, %get3A_1332 : vector<16xi32>
        %mul3A_1338 = arith.constant 16 : i32
        %mul3A_1339 = arith.muli %scan3A_1201, %mul3A_1338 : i32
        %add3A_1340 = arith.constant 3072 : i32
        %add3A_1341 = arith.addi %mul3A_1339, %add3A_1340 : i32
        %get3A_1342 = arith.index_cast %add3A_1341 : i32 to index
        %get3A_1343 = tpu.vector_load %arg7[%get3A_1342] {strides = array<i32>} : memref<4096xi32, #tpu.memory_space<vmem>>, vector<16xi32>,
        %add3A_1344 = arith.constant 3072 : i32
        %add3A_1345 = arith.addi %mul3A_1339, %add3A_1344 : i32
        %swap3A_1346 = arith.index_cast %add3A_1345 : i32 to index
        %swap3A_1347 = tpu.vector_load %arg7[%swap3A_1346] {strides = array<i32>} : memref<4096xi32, #tpu.memory_space<vmem>>, vector<16xi32>,
        tpu.vector_store %arg7[%swap3A_1346], %broadcast_in_dim3A_1 {strides = array<i32>} : memref<4096xi32, #tpu.memory_space<vmem>>, vector<16xi32>,
        %add3A_1348 = arith.addi %add3A_1337, %get3A_1343 : vector<16xi32>
        %mul3A_1349 = arith.constant 16 : i32
        %mul3A_1350 = arith.muli %scan3A_1201, %mul3A_1349 : i32
        %add3A_1351 = arith.constant 3328 : i32
        %add3A_1352 = arith.addi %mul3A_1350, %add3A_1351 : i32
        %get3A_1353 = arith.index_cast %add3A_1352 : i32 to index
        %get3A_1354 = tpu.vector_load %arg7[%get3A_1353] {strides = array<i32>} : memref<4096xi32, #tpu.memory_space<vmem>>, vector<16xi32>,
        %add3A_1355 = arith.constant 3328 : i32
        %add3A_1356 = arith.addi %mul3A_1350, %add3A_1355 : i32
        %swap3A_1357 = arith.index_cast %add3A_1356 : i32 to index
        %swap3A_1358 = tpu.vector_load %arg7[%swap3A_1357] {strides = array<i32>} : memref<4096xi32, #tpu.memory_space<vmem>>, vector<16xi32>,
        tpu.vector_store %arg7[%swap3A_1357], %broadcast_in_dim3A_1 {strides = array<i32>} : memref<4096xi32, #tpu.memory_space<vmem>>, vector<16xi32>,
        %add3A_1359 = arith.addi %add3A_1348, %get3A_1354 : vector<16xi32>
        %mul3A_1360 = arith.constant 16 : i32
        %mul3A_1361 = arith.muli %scan3A_1201, %mul3A_1360 : i32
        %add3A_1362 = arith.constant 3584 : i32
        %add3A_1363 = arith.addi %mul3A_1361, %add3A_1362 : i32
        %get3A_1364 = arith.index_cast %add3A_1363 : i32 to index
        %get3A_1365 = tpu.vector_load %arg7[%get3A_1364] {strides = array<i32>} : memref<4096xi32, #tpu.memory_space<vmem>>, vector<16xi32>,
        %add3A_1366 = arith.constant 3584 : i32
        %add3A_1367 = arith.addi %mul3A_1361, %add3A_1366 : i32
        %swap3A_1368 = arith.index_cast %add3A_1367 : i32 to index
        %swap3A_1369 = tpu.vector_load %arg7[%swap3A_1368] {strides = array<i32>} : memref<4096xi32, #tpu.memory_space<vmem>>, vector<16xi32>,
        tpu.vector_store %arg7[%swap3A_1368], %broadcast_in_dim3A_1 {strides = array<i32>} : memref<4096xi32, #tpu.memory_space<vmem>>, vector<16xi32>,
        %add3A_1370 = arith.addi %add3A_1359, %get3A_1365 : vector<16xi32>
        %mul3A_1371 = arith.constant 16 : i32
        %mul3A_1372 = arith.muli %scan3A_1201, %mul3A_1371 : i32
        %add3A_1373 = arith.constant 3840 : i32
        %add3A_1374 = arith.addi %mul3A_1372, %add3A_1373 : i32
        %get3A_1375 = arith.index_cast %add3A_1374 : i32 to index
        %get3A_1376 = tpu.vector_load %arg7[%get3A_1375] {strides = array<i32>} : memref<4096xi32, #tpu.memory_space<vmem>>, vector<16xi32>,
        %add3A_1377 = arith.constant 3840 : i32
        %add3A_1378 = arith.addi %mul3A_1372, %add3A_1377 : i32
        %swap3A_1379 = arith.index_cast %add3A_1378 : i32 to index
        %swap3A_1380 = tpu.vector_load %arg7[%swap3A_1379] {strides = array<i32>} : memref<4096xi32, #tpu.memory_space<vmem>>, vector<16xi32>,
        tpu.vector_store %arg7[%swap3A_1379], %broadcast_in_dim3A_1 {strides = array<i32>} : memref<4096xi32, #tpu.memory_space<vmem>>, vector<16xi32>,
        %add3A_1381 = arith.addi %add3A_1370, %get3A_1376 : vector<16xi32>
        %broadcast_in_dim3A_1382 = arith.constant true
        %broadcast_in_dim3A_1383 = vector.broadcast %broadcast_in_dim3A_1382 : i1 to vector<16xi1>
        %masked_cumsum3A = tpu.scan <sum>, %add3A_1381 masked %broadcast_in_dim3A_1383 : vector<16xi32>, vector<16xi1> -> vector<16xi32>
        %add3A_1384 = vector.broadcast %scan3A_1202 : i32 to vector<16xi32>
        %add3A_1385 = arith.addi %masked_cumsum3A, %add3A_1384 : vector<16xi32>
        %le3A = vector.broadcast %sub3A_1126 : i32 to vector<16xi32>
        %le3A_1386 = arith.cmpi sle, %add3A_1385, %le3A : vector<16xi32>
        %sub3A_1387 = arith.subi %add3A_1385, %add3A_1381 : vector<16xi32>
        %le3A_1388 = vector.broadcast %sub3A_1126 : i32 to vector<16xi32>
        %le3A_1389 = arith.cmpi sle, %sub3A_1387, %le3A_1388 : vector<16xi32>
        %not3A = arith.constant dense<true> : vector<16xi1>
        %not3A_1390 = arith.xori %le3A_1386, %not3A : vector<16xi1>
        %and3A_1391 = arith.andi %le3A_1389, %not3A_1390 : vector<16xi1>
        %jit3A = arith.constant 1 : i32
        %jit3A_1392 = arith.constant 0 : i32
        %broadcast_in_dim3A_1393 = vector.broadcast %jit3A : i32 to vector<16xi32>
        %broadcast_in_dim3A_1394 = vector.broadcast %jit3A_1392 : i32 to vector<16xi32>
        %select_n3A = arith.select %le3A_1386, %broadcast_in_dim3A_1393, %broadcast_in_dim3A_1394 : vector<16xi1>, vector<16xi32>
        %reduce_sum3A = arith.constant true
        %reduce_sum3A_1395 = vector.broadcast %reduce_sum3A : i1 to vector<16xi1>
        %reduce_sum3A_1396 = tpu.scan <sum>, %select_n3A masked %reduce_sum3A_1395 : vector<16xi32>, vector<16xi1> -> vector<16xi32>
        %reduce_sum3A_1397 = vector.extract %reduce_sum3A_1396[15] : i32 from vector<16xi32>
        %add3A_1398 = arith.addi %scan3A_1203, %reduce_sum3A_1397 : i32
        %jit3A_1399 = arith.constant 0 : i32
        %broadcast_in_dim3A_1400 = vector.broadcast %jit3A_1399 : i32 to vector<16xi32>
        %select_n3A_1401 = arith.select %le3A_1386, %add3A_1381, %broadcast_in_dim3A_1400 : vector<16xi1>, vector<16xi32>
        %reduce_sum3A_1402 = arith.constant true
        %reduce_sum3A_1403 = vector.broadcast %reduce_sum3A_1402 : i1 to vector<16xi1>
        %reduce_sum3A_1404 = tpu.scan <sum>, %select_n3A_1401 masked %reduce_sum3A_1403 : vector<16xi32>, vector<16xi1> -> vector<16xi32>
        %reduce_sum3A_1405 = vector.extract %reduce_sum3A_1404[15] : i32 from vector<16xi32>
        %add3A_1406 = arith.addi %scan3A_1204, %reduce_sum3A_1405 : i32
        %jit3A_1407 = arith.constant 0 : i32
        %broadcast_in_dim3A_1408 = vector.broadcast %jit3A_1407 : i32 to vector<16xi32>
        %select_n3A_1409 = arith.select %and3A_1391, %add3A_1381, %broadcast_in_dim3A_1408 : vector<16xi1>, vector<16xi32>
        %reduce_sum3A_1410 = arith.constant true
        %reduce_sum3A_1411 = vector.broadcast %reduce_sum3A_1410 : i1 to vector<16xi1>
        %reduce_sum3A_1412 = tpu.scan <sum>, %select_n3A_1409 masked %reduce_sum3A_1411 : vector<16xi32>, vector<16xi1> -> vector<16xi32>
        %reduce_sum3A_1413 = vector.extract %reduce_sum3A_1412[15] : i32 from vector<16xi32>
        %add3A_1414 = arith.addi %scan3A_1205, %reduce_sum3A_1413 : i32
        %reduce_sum3A_1415 = arith.constant true
        %reduce_sum3A_1416 = vector.broadcast %reduce_sum3A_1415 : i1 to vector<16xi1>
        %reduce_sum3A_1417 = tpu.scan <sum>, %add3A_1381 masked %reduce_sum3A_1416 : vector<16xi32>, vector<16xi1> -> vector<16xi32>
        %reduce_sum3A_1418 = vector.extract %reduce_sum3A_1417[15] : i32 from vector<16xi32>
        %add3A_1419 = arith.addi %scan3A_1202, %reduce_sum3A_1418 : i32
        scf.yield %add3A_1419, %add3A_1398, %add3A_1406, %add3A_1414 : i32, i32, i32, i32
      }
      %scan3A_1142 = arith.constant 16 : i32
      %sub3A_1143 = arith.subi %sub3A_1126, %scan3A_1141#2 : i32
      %mul3A_1144 = arith.constant 256 : i32
      %mul3A_1145 = arith.muli %add3A_1129, %mul3A_1144 : i32
      %add3A_1146 = arith.addi %mul3A_1145, %scan3A_1141#1 : i32
      %parallel_loop3A_1147 = arith.constant 0 : i32
      %parallel_loop3A_1148 = arith.constant 512 : i32
      %parallel_loop3A_1149 = arith.constant 1 : i32
      scf.for %parallel_loop3A_1201 = %parallel_loop3A_1147 to %parallel_loop3A_1148 step %parallel_loop3A_1149  : i32 {
        %parallel_loop3A_1202 = arith.constant 16 : i32
        %parallel_loop3A_1203 = arith.muli %parallel_loop3A_1201, %parallel_loop3A_1202 : i32
        %parallel_loop3A_1204 = arith.index_cast %parallel_loop3A_1203 : i32 to index
        %parallel_loop3A_1205 = tpu.vector_load %arg5[%parallel_loop3A_1204] {strides = array<i32>} : memref<8192xi32, #tpu.memory_space<vmem>>, vector<16xi32>,
        %parallel_loop3A_1206 = arith.constant 7 : i32
        %parallel_loop3A_1207 = vector.broadcast %parallel_loop3A_1206 : i32 to vector<16xi32>
        %parallel_loop3A_1208 = arith.shrui %parallel_loop3A_1205, %parallel_loop3A_1207 : vector<16xi32>
        %parallel_loop3A_1209 = vector.broadcast %add3A_1146 : i32 to vector<16xi32>
        %parallel_loop3A_1210 = arith.cmpi eq, %parallel_loop3A_1208, %parallel_loop3A_1209 : vector<16xi32>
        %parallel_loop3A_1211 = arith.constant 0 : i32
        %parallel_loop3A_1212 = vector.broadcast %parallel_loop3A_1211 : i32 to vector<16xi32>
        %parallel_loop3A_1213 = arith.shrui %parallel_loop3A_1205, %parallel_loop3A_1212 : vector<16xi32>
        %parallel_loop3A_1214 = arith.constant 127 : i32
        %parallel_loop3A_1215 = vector.broadcast %parallel_loop3A_1214 : i32 to vector<16xi32>
        %parallel_loop3A_1216 = arith.andi %parallel_loop3A_1213, %parallel_loop3A_1215 : vector<16xi32>
        %parallel_loop3A_1217 = arith.addi %mul3A_6, %parallel_loop3A_1216 : vector<16xi32>
        tpu.vector_store_idx %arg7[%parallel_loop3A_1217], %broadcast_in_dim3A_3 masked %parallel_loop3A_1210 {add = true} : memref<4096xi32, #tpu.memory_space<vmem>>[vector<16xi32>], vector<16xi32>, vector<16xi1>
      } {sc.loop_unroll_factor = 8 : i64, sc.parallel_access}
      %scan3A_1150 = arith.constant 0 : i32
      %scan3A_1151 = arith.constant 0 : i32
      %scan3A_1152 = arith.constant 0 : i32
      %scan3A_1153 = arith.constant 0 : i32
      %scan3A_1154 = arith.constant 0 : i32
      %scan3A_1155 = arith.constant 16 : i32
      %scan3A_1156 = arith.addi %scan3A_1154, %scan3A_1155 : i32
      %scan3A_1157 = arith.constant 1 : i32
      %scan3A_1158:4 = scf.for %scan3A_1201 = %scan3A_1154 to %scan3A_1156 step %scan3A_1157 iter_args(%scan3A_1202 = %scan3A_1150, %scan3A_1203 = %scan3A_1151, %scan3A_1204 = %scan3A_1152, %scan3A_1205 = %scan3A_1153) -> (i32, i32, i32, i32)  : i32 {
        %mul3A_1206 = arith.constant 16 : i32
        %mul3A_1207 = arith.muli %scan3A_1201, %mul3A_1206 : i32
        %add3A_1208 = arith.constant 0 : i32
        %add3A_1209 = arith.addi %mul3A_1207, %add3A_1208 : i32
        %get3A_1210 = arith.index_cast %add3A_1209 : i32 to index
        %get3A_1211 = tpu.vector_load %arg7[%get3A_1210] {strides = array<i32>} : memref<4096xi32, #tpu.memory_space<vmem>>, vector<16xi32>,
        %add3A_1212 = arith.constant 0 : i32
        %add3A_1213 = arith.addi %mul3A_1207, %add3A_1212 : i32
        %swap3A_1214 = arith.index_cast %add3A_1213 : i32 to index
        %swap3A_1215 = tpu.vector_load %arg7[%swap3A_1214] {strides = array<i32>} : memref<4096xi32, #tpu.memory_space<vmem>>, vector<16xi32>,
        tpu.vector_store %arg7[%swap3A_1214], %broadcast_in_dim3A_1 {strides = array<i32>} : memref<4096xi32, #tpu.memory_space<vmem>>, vector<16xi32>,
        %add3A_1216 = arith.addi %broadcast_in_dim3A_1, %get3A_1211 : vector<16xi32>
        %mul3A_1217 = arith.constant 16 : i32
        %mul3A_1218 = arith.muli %scan3A_1201, %mul3A_1217 : i32
        %add3A_1219 = arith.constant 256 : i32
        %add3A_1220 = arith.addi %mul3A_1218, %add3A_1219 : i32
        %get3A_1221 = arith.index_cast %add3A_1220 : i32 to index
        %get3A_1222 = tpu.vector_load %arg7[%get3A_1221] {strides = array<i32>} : memref<4096xi32, #tpu.memory_space<vmem>>, vector<16xi32>,
        %add3A_1223 = arith.constant 256 : i32
        %add3A_1224 = arith.addi %mul3A_1218, %add3A_1223 : i32
        %swap3A_1225 = arith.index_cast %add3A_1224 : i32 to index
        %swap3A_1226 = tpu.vector_load %arg7[%swap3A_1225] {strides = array<i32>} : memref<4096xi32, #tpu.memory_space<vmem>>, vector<16xi32>,
        tpu.vector_store %arg7[%swap3A_1225], %broadcast_in_dim3A_1 {strides = array<i32>} : memref<4096xi32, #tpu.memory_space<vmem>>, vector<16xi32>,
        %add3A_1227 = arith.addi %add3A_1216, %get3A_1222 : vector<16xi32>
        %mul3A_1228 = arith.constant 16 : i32
        %mul3A_1229 = arith.muli %scan3A_1201, %mul3A_1228 : i32
        %add3A_1230 = arith.constant 512 : i32
        %add3A_1231 = arith.addi %mul3A_1229, %add3A_1230 : i32
        %get3A_1232 = arith.index_cast %add3A_1231 : i32 to index
        %get3A_1233 = tpu.vector_load %arg7[%get3A_1232] {strides = array<i32>} : memref<4096xi32, #tpu.memory_space<vmem>>, vector<16xi32>,
        %add3A_1234 = arith.constant 512 : i32
        %add3A_1235 = arith.addi %mul3A_1229, %add3A_1234 : i32
        %swap3A_1236 = arith.index_cast %add3A_1235 : i32 to index
        %swap3A_1237 = tpu.vector_load %arg7[%swap3A_1236] {strides = array<i32>} : memref<4096xi32, #tpu.memory_space<vmem>>, vector<16xi32>,
        tpu.vector_store %arg7[%swap3A_1236], %broadcast_in_dim3A_1 {strides = array<i32>} : memref<4096xi32, #tpu.memory_space<vmem>>, vector<16xi32>,
        %add3A_1238 = arith.addi %add3A_1227, %get3A_1233 : vector<16xi32>
        %mul3A_1239 = arith.constant 16 : i32
        %mul3A_1240 = arith.muli %scan3A_1201, %mul3A_1239 : i32
        %add3A_1241 = arith.constant 768 : i32
        %add3A_1242 = arith.addi %mul3A_1240, %add3A_1241 : i32
        %get3A_1243 = arith.index_cast %add3A_1242 : i32 to index
        %get3A_1244 = tpu.vector_load %arg7[%get3A_1243] {strides = array<i32>} : memref<4096xi32, #tpu.memory_space<vmem>>, vector<16xi32>,
        %add3A_1245 = arith.constant 768 : i32
        %add3A_1246 = arith.addi %mul3A_1240, %add3A_1245 : i32
        %swap3A_1247 = arith.index_cast %add3A_1246 : i32 to index
        %swap3A_1248 = tpu.vector_load %arg7[%swap3A_1247] {strides = array<i32>} : memref<4096xi32, #tpu.memory_space<vmem>>, vector<16xi32>,
        tpu.vector_store %arg7[%swap3A_1247], %broadcast_in_dim3A_1 {strides = array<i32>} : memref<4096xi32, #tpu.memory_space<vmem>>, vector<16xi32>,
        %add3A_1249 = arith.addi %add3A_1238, %get3A_1244 : vector<16xi32>
        %mul3A_1250 = arith.constant 16 : i32
        %mul3A_1251 = arith.muli %scan3A_1201, %mul3A_1250 : i32
        %add3A_1252 = arith.constant 1024 : i32
        %add3A_1253 = arith.addi %mul3A_1251, %add3A_1252 : i32
        %get3A_1254 = arith.index_cast %add3A_1253 : i32 to index
        %get3A_1255 = tpu.vector_load %arg7[%get3A_1254] {strides = array<i32>} : memref<4096xi32, #tpu.memory_space<vmem>>, vector<16xi32>,
        %add3A_1256 = arith.constant 1024 : i32
        %add3A_1257 = arith.addi %mul3A_1251, %add3A_1256 : i32
        %swap3A_1258 = arith.index_cast %add3A_1257 : i32 to index
        %swap3A_1259 = tpu.vector_load %arg7[%swap3A_1258] {strides = array<i32>} : memref<4096xi32, #tpu.memory_space<vmem>>, vector<16xi32>,
        tpu.vector_store %arg7[%swap3A_1258], %broadcast_in_dim3A_1 {strides = array<i32>} : memref<4096xi32, #tpu.memory_space<vmem>>, vector<16xi32>,
        %add3A_1260 = arith.addi %add3A_1249, %get3A_1255 : vector<16xi32>
        %mul3A_1261 = arith.constant 16 : i32
        %mul3A_1262 = arith.muli %scan3A_1201, %mul3A_1261 : i32
        %add3A_1263 = arith.constant 1280 : i32
        %add3A_1264 = arith.addi %mul3A_1262, %add3A_1263 : i32
        %get3A_1265 = arith.index_cast %add3A_1264 : i32 to index
        %get3A_1266 = tpu.vector_load %arg7[%get3A_1265] {strides = array<i32>} : memref<4096xi32, #tpu.memory_space<vmem>>, vector<16xi32>,
        %add3A_1267 = arith.constant 1280 : i32
        %add3A_1268 = arith.addi %mul3A_1262, %add3A_1267 : i32
        %swap3A_1269 = arith.index_cast %add3A_1268 : i32 to index
        %swap3A_1270 = tpu.vector_load %arg7[%swap3A_1269] {strides = array<i32>} : memref<4096xi32, #tpu.memory_space<vmem>>, vector<16xi32>,
        tpu.vector_store %arg7[%swap3A_1269], %broadcast_in_dim3A_1 {strides = array<i32>} : memref<4096xi32, #tpu.memory_space<vmem>>, vector<16xi32>,
        %add3A_1271 = arith.addi %add3A_1260, %get3A_1266 : vector<16xi32>
        %mul3A_1272 = arith.constant 16 : i32
        %mul3A_1273 = arith.muli %scan3A_1201, %mul3A_1272 : i32
        %add3A_1274 = arith.constant 1536 : i32
        %add3A_1275 = arith.addi %mul3A_1273, %add3A_1274 : i32
        %get3A_1276 = arith.index_cast %add3A_1275 : i32 to index
        %get3A_1277 = tpu.vector_load %arg7[%get3A_1276] {strides = array<i32>} : memref<4096xi32, #tpu.memory_space<vmem>>, vector<16xi32>,
        %add3A_1278 = arith.constant 1536 : i32
        %add3A_1279 = arith.addi %mul3A_1273, %add3A_1278 : i32
        %swap3A_1280 = arith.index_cast %add3A_1279 : i32 to index
        %swap3A_1281 = tpu.vector_load %arg7[%swap3A_1280] {strides = array<i32>} : memref<4096xi32, #tpu.memory_space<vmem>>, vector<16xi32>,
        tpu.vector_store %arg7[%swap3A_1280], %broadcast_in_dim3A_1 {strides = array<i32>} : memref<4096xi32, #tpu.memory_space<vmem>>, vector<16xi32>,
        %add3A_1282 = arith.addi %add3A_1271, %get3A_1277 : vector<16xi32>
        %mul3A_1283 = arith.constant 16 : i32
        %mul3A_1284 = arith.muli %scan3A_1201, %mul3A_1283 : i32
        %add3A_1285 = arith.constant 1792 : i32
        %add3A_1286 = arith.addi %mul3A_1284, %add3A_1285 : i32
        %get3A_1287 = arith.index_cast %add3A_1286 : i32 to index
        %get3A_1288 = tpu.vector_load %arg7[%get3A_1287] {strides = array<i32>} : memref<4096xi32, #tpu.memory_space<vmem>>, vector<16xi32>,
        %add3A_1289 = arith.constant 1792 : i32
        %add3A_1290 = arith.addi %mul3A_1284, %add3A_1289 : i32
        %swap3A_1291 = arith.index_cast %add3A_1290 : i32 to index
        %swap3A_1292 = tpu.vector_load %arg7[%swap3A_1291] {strides = array<i32>} : memref<4096xi32, #tpu.memory_space<vmem>>, vector<16xi32>,
        tpu.vector_store %arg7[%swap3A_1291], %broadcast_in_dim3A_1 {strides = array<i32>} : memref<4096xi32, #tpu.memory_space<vmem>>, vector<16xi32>,
        %add3A_1293 = arith.addi %add3A_1282, %get3A_1288 : vector<16xi32>
        %mul3A_1294 = arith.constant 16 : i32
        %mul3A_1295 = arith.muli %scan3A_1201, %mul3A_1294 : i32
        %add3A_1296 = arith.constant 2048 : i32
        %add3A_1297 = arith.addi %mul3A_1295, %add3A_1296 : i32
        %get3A_1298 = arith.index_cast %add3A_1297 : i32 to index
        %get3A_1299 = tpu.vector_load %arg7[%get3A_1298] {strides = array<i32>} : memref<4096xi32, #tpu.memory_space<vmem>>, vector<16xi32>,
        %add3A_1300 = arith.constant 2048 : i32
        %add3A_1301 = arith.addi %mul3A_1295, %add3A_1300 : i32
        %swap3A_1302 = arith.index_cast %add3A_1301 : i32 to index
        %swap3A_1303 = tpu.vector_load %arg7[%swap3A_1302] {strides = array<i32>} : memref<4096xi32, #tpu.memory_space<vmem>>, vector<16xi32>,
        tpu.vector_store %arg7[%swap3A_1302], %broadcast_in_dim3A_1 {strides = array<i32>} : memref<4096xi32, #tpu.memory_space<vmem>>, vector<16xi32>,
        %add3A_1304 = arith.addi %add3A_1293, %get3A_1299 : vector<16xi32>
        %mul3A_1305 = arith.constant 16 : i32
        %mul3A_1306 = arith.muli %scan3A_1201, %mul3A_1305 : i32
        %add3A_1307 = arith.constant 2304 : i32
        %add3A_1308 = arith.addi %mul3A_1306, %add3A_1307 : i32
        %get3A_1309 = arith.index_cast %add3A_1308 : i32 to index
        %get3A_1310 = tpu.vector_load %arg7[%get3A_1309] {strides = array<i32>} : memref<4096xi32, #tpu.memory_space<vmem>>, vector<16xi32>,
        %add3A_1311 = arith.constant 2304 : i32
        %add3A_1312 = arith.addi %mul3A_1306, %add3A_1311 : i32
        %swap3A_1313 = arith.index_cast %add3A_1312 : i32 to index
        %swap3A_1314 = tpu.vector_load %arg7[%swap3A_1313] {strides = array<i32>} : memref<4096xi32, #tpu.memory_space<vmem>>, vector<16xi32>,
        tpu.vector_store %arg7[%swap3A_1313], %broadcast_in_dim3A_1 {strides = array<i32>} : memref<4096xi32, #tpu.memory_space<vmem>>, vector<16xi32>,
        %add3A_1315 = arith.addi %add3A_1304, %get3A_1310 : vector<16xi32>
        %mul3A_1316 = arith.constant 16 : i32
        %mul3A_1317 = arith.muli %scan3A_1201, %mul3A_1316 : i32
        %add3A_1318 = arith.constant 2560 : i32
        %add3A_1319 = arith.addi %mul3A_1317, %add3A_1318 : i32
        %get3A_1320 = arith.index_cast %add3A_1319 : i32 to index
        %get3A_1321 = tpu.vector_load %arg7[%get3A_1320] {strides = array<i32>} : memref<4096xi32, #tpu.memory_space<vmem>>, vector<16xi32>,
        %add3A_1322 = arith.constant 2560 : i32
        %add3A_1323 = arith.addi %mul3A_1317, %add3A_1322 : i32
        %swap3A_1324 = arith.index_cast %add3A_1323 : i32 to index
        %swap3A_1325 = tpu.vector_load %arg7[%swap3A_1324] {strides = array<i32>} : memref<4096xi32, #tpu.memory_space<vmem>>, vector<16xi32>,
        tpu.vector_store %arg7[%swap3A_1324], %broadcast_in_dim3A_1 {strides = array<i32>} : memref<4096xi32, #tpu.memory_space<vmem>>, vector<16xi32>,
        %add3A_1326 = arith.addi %add3A_1315, %get3A_1321 : vector<16xi32>
        %mul3A_1327 = arith.constant 16 : i32
        %mul3A_1328 = arith.muli %scan3A_1201, %mul3A_1327 : i32
        %add3A_1329 = arith.constant 2816 : i32
        %add3A_1330 = arith.addi %mul3A_1328, %add3A_1329 : i32
        %get3A_1331 = arith.index_cast %add3A_1330 : i32 to index
        %get3A_1332 = tpu.vector_load %arg7[%get3A_1331] {strides = array<i32>} : memref<4096xi32, #tpu.memory_space<vmem>>, vector<16xi32>,
        %add3A_1333 = arith.constant 2816 : i32
        %add3A_1334 = arith.addi %mul3A_1328, %add3A_1333 : i32
        %swap3A_1335 = arith.index_cast %add3A_1334 : i32 to index
        %swap3A_1336 = tpu.vector_load %arg7[%swap3A_1335] {strides = array<i32>} : memref<4096xi32, #tpu.memory_space<vmem>>, vector<16xi32>,
        tpu.vector_store %arg7[%swap3A_1335], %broadcast_in_dim3A_1 {strides = array<i32>} : memref<4096xi32, #tpu.memory_space<vmem>>, vector<16xi32>,
        %add3A_1337 = arith.addi %add3A_1326, %get3A_1332 : vector<16xi32>
        %mul3A_1338 = arith.constant 16 : i32
        %mul3A_1339 = arith.muli %scan3A_1201, %mul3A_1338 : i32
        %add3A_1340 = arith.constant 3072 : i32
        %add3A_1341 = arith.addi %mul3A_1339, %add3A_1340 : i32
        %get3A_1342 = arith.index_cast %add3A_1341 : i32 to index
        %get3A_1343 = tpu.vector_load %arg7[%get3A_1342] {strides = array<i32>} : memref<4096xi32, #tpu.memory_space<vmem>>, vector<16xi32>,
        %add3A_1344 = arith.constant 3072 : i32
        %add3A_1345 = arith.addi %mul3A_1339, %add3A_1344 : i32
        %swap3A_1346 = arith.index_cast %add3A_1345 : i32 to index
        %swap3A_1347 = tpu.vector_load %arg7[%swap3A_1346] {strides = array<i32>} : memref<4096xi32, #tpu.memory_space<vmem>>, vector<16xi32>,
        tpu.vector_store %arg7[%swap3A_1346], %broadcast_in_dim3A_1 {strides = array<i32>} : memref<4096xi32, #tpu.memory_space<vmem>>, vector<16xi32>,
        %add3A_1348 = arith.addi %add3A_1337, %get3A_1343 : vector<16xi32>
        %mul3A_1349 = arith.constant 16 : i32
        %mul3A_1350 = arith.muli %scan3A_1201, %mul3A_1349 : i32
        %add3A_1351 = arith.constant 3328 : i32
        %add3A_1352 = arith.addi %mul3A_1350, %add3A_1351 : i32
        %get3A_1353 = arith.index_cast %add3A_1352 : i32 to index
        %get3A_1354 = tpu.vector_load %arg7[%get3A_1353] {strides = array<i32>} : memref<4096xi32, #tpu.memory_space<vmem>>, vector<16xi32>,
        %add3A_1355 = arith.constant 3328 : i32
        %add3A_1356 = arith.addi %mul3A_1350, %add3A_1355 : i32
        %swap3A_1357 = arith.index_cast %add3A_1356 : i32 to index
        %swap3A_1358 = tpu.vector_load %arg7[%swap3A_1357] {strides = array<i32>} : memref<4096xi32, #tpu.memory_space<vmem>>, vector<16xi32>,
        tpu.vector_store %arg7[%swap3A_1357], %broadcast_in_dim3A_1 {strides = array<i32>} : memref<4096xi32, #tpu.memory_space<vmem>>, vector<16xi32>,
        %add3A_1359 = arith.addi %add3A_1348, %get3A_1354 : vector<16xi32>
        %mul3A_1360 = arith.constant 16 : i32
        %mul3A_1361 = arith.muli %scan3A_1201, %mul3A_1360 : i32
        %add3A_1362 = arith.constant 3584 : i32
        %add3A_1363 = arith.addi %mul3A_1361, %add3A_1362 : i32
        %get3A_1364 = arith.index_cast %add3A_1363 : i32 to index
        %get3A_1365 = tpu.vector_load %arg7[%get3A_1364] {strides = array<i32>} : memref<4096xi32, #tpu.memory_space<vmem>>, vector<16xi32>,
        %add3A_1366 = arith.constant 3584 : i32
        %add3A_1367 = arith.addi %mul3A_1361, %add3A_1366 : i32
        %swap3A_1368 = arith.index_cast %add3A_1367 : i32 to index
        %swap3A_1369 = tpu.vector_load %arg7[%swap3A_1368] {strides = array<i32>} : memref<4096xi32, #tpu.memory_space<vmem>>, vector<16xi32>,
        tpu.vector_store %arg7[%swap3A_1368], %broadcast_in_dim3A_1 {strides = array<i32>} : memref<4096xi32, #tpu.memory_space<vmem>>, vector<16xi32>,
        %add3A_1370 = arith.addi %add3A_1359, %get3A_1365 : vector<16xi32>
        %mul3A_1371 = arith.constant 16 : i32
        %mul3A_1372 = arith.muli %scan3A_1201, %mul3A_1371 : i32
        %add3A_1373 = arith.constant 3840 : i32
        %add3A_1374 = arith.addi %mul3A_1372, %add3A_1373 : i32
        %get3A_1375 = arith.index_cast %add3A_1374 : i32 to index
        %get3A_1376 = tpu.vector_load %arg7[%get3A_1375] {strides = array<i32>} : memref<4096xi32, #tpu.memory_space<vmem>>, vector<16xi32>,
        %add3A_1377 = arith.constant 3840 : i32
        %add3A_1378 = arith.addi %mul3A_1372, %add3A_1377 : i32
        %swap3A_1379 = arith.index_cast %add3A_1378 : i32 to index
        %swap3A_1380 = tpu.vector_load %arg7[%swap3A_1379] {strides = array<i32>} : memref<4096xi32, #tpu.memory_space<vmem>>, vector<16xi32>,
        tpu.vector_store %arg7[%swap3A_1379], %broadcast_in_dim3A_1 {strides = array<i32>} : memref<4096xi32, #tpu.memory_space<vmem>>, vector<16xi32>,
        %add3A_1381 = arith.addi %add3A_1370, %get3A_1376 : vector<16xi32>
        %broadcast_in_dim3A_1382 = arith.constant true
        %broadcast_in_dim3A_1383 = vector.broadcast %broadcast_in_dim3A_1382 : i1 to vector<16xi1>
        %masked_cumsum3A = tpu.scan <sum>, %add3A_1381 masked %broadcast_in_dim3A_1383 : vector<16xi32>, vector<16xi1> -> vector<16xi32>
        %add3A_1384 = vector.broadcast %scan3A_1202 : i32 to vector<16xi32>
        %add3A_1385 = arith.addi %masked_cumsum3A, %add3A_1384 : vector<16xi32>
        %le3A = vector.broadcast %sub3A_1143 : i32 to vector<16xi32>
        %le3A_1386 = arith.cmpi sle, %add3A_1385, %le3A : vector<16xi32>
        %sub3A_1387 = arith.subi %add3A_1385, %add3A_1381 : vector<16xi32>
        %le3A_1388 = vector.broadcast %sub3A_1143 : i32 to vector<16xi32>
        %le3A_1389 = arith.cmpi sle, %sub3A_1387, %le3A_1388 : vector<16xi32>
        %not3A = arith.constant dense<true> : vector<16xi1>
        %not3A_1390 = arith.xori %le3A_1386, %not3A : vector<16xi1>
        %and3A_1391 = arith.andi %le3A_1389, %not3A_1390 : vector<16xi1>
        %jit3A = arith.constant 1 : i32
        %jit3A_1392 = arith.constant 0 : i32
        %broadcast_in_dim3A_1393 = vector.broadcast %jit3A : i32 to vector<16xi32>
        %broadcast_in_dim3A_1394 = vector.broadcast %jit3A_1392 : i32 to vector<16xi32>
        %select_n3A = arith.select %le3A_1386, %broadcast_in_dim3A_1393, %broadcast_in_dim3A_1394 : vector<16xi1>, vector<16xi32>
        %reduce_sum3A = arith.constant true
        %reduce_sum3A_1395 = vector.broadcast %reduce_sum3A : i1 to vector<16xi1>
        %reduce_sum3A_1396 = tpu.scan <sum>, %select_n3A masked %reduce_sum3A_1395 : vector<16xi32>, vector<16xi1> -> vector<16xi32>
        %reduce_sum3A_1397 = vector.extract %reduce_sum3A_1396[15] : i32 from vector<16xi32>
        %add3A_1398 = arith.addi %scan3A_1203, %reduce_sum3A_1397 : i32
        %jit3A_1399 = arith.constant 0 : i32
        %broadcast_in_dim3A_1400 = vector.broadcast %jit3A_1399 : i32 to vector<16xi32>
        %select_n3A_1401 = arith.select %le3A_1386, %add3A_1381, %broadcast_in_dim3A_1400 : vector<16xi1>, vector<16xi32>
        %reduce_sum3A_1402 = arith.constant true
        %reduce_sum3A_1403 = vector.broadcast %reduce_sum3A_1402 : i1 to vector<16xi1>
        %reduce_sum3A_1404 = tpu.scan <sum>, %select_n3A_1401 masked %reduce_sum3A_1403 : vector<16xi32>, vector<16xi1> -> vector<16xi32>
        %reduce_sum3A_1405 = vector.extract %reduce_sum3A_1404[15] : i32 from vector<16xi32>
        %add3A_1406 = arith.addi %scan3A_1204, %reduce_sum3A_1405 : i32
        %jit3A_1407 = arith.constant 0 : i32
        %broadcast_in_dim3A_1408 = vector.broadcast %jit3A_1407 : i32 to vector<16xi32>
        %select_n3A_1409 = arith.select %and3A_1391, %add3A_1381, %broadcast_in_dim3A_1408 : vector<16xi1>, vector<16xi32>
        %reduce_sum3A_1410 = arith.constant true
        %reduce_sum3A_1411 = vector.broadcast %reduce_sum3A_1410 : i1 to vector<16xi1>
        %reduce_sum3A_1412 = tpu.scan <sum>, %select_n3A_1409 masked %reduce_sum3A_1411 : vector<16xi32>, vector<16xi1> -> vector<16xi32>
        %reduce_sum3A_1413 = vector.extract %reduce_sum3A_1412[15] : i32 from vector<16xi32>
        %add3A_1414 = arith.addi %scan3A_1205, %reduce_sum3A_1413 : i32
        %reduce_sum3A_1415 = arith.constant true
        %reduce_sum3A_1416 = vector.broadcast %reduce_sum3A_1415 : i1 to vector<16xi1>
        %reduce_sum3A_1417 = tpu.scan <sum>, %add3A_1381 masked %reduce_sum3A_1416 : vector<16xi32>, vector<16xi1> -> vector<16xi32>
        %reduce_sum3A_1418 = vector.extract %reduce_sum3A_1417[15] : i32 from vector<16xi32>
        %add3A_1419 = arith.addi %scan3A_1202, %reduce_sum3A_1418 : i32
        scf.yield %add3A_1419, %add3A_1398, %add3A_1406, %add3A_1414 : i32, i32, i32, i32
      }
      %scan3A_1159 = arith.constant 16 : i32
      %sub3A_1160 = arith.subi %sub3A_1143, %scan3A_1158#2 : i32
      %mul3A_1161 = arith.constant 128 : i32
      %mul3A_1162 = arith.muli %add3A_1146, %mul3A_1161 : i32
      %add3A_1163 = arith.addi %mul3A_1162, %scan3A_1158#1 : i32
      %add3A_1164 = arith.constant 1 : i32
      %add3A_1165 = arith.addi %sub3A_1160, %add3A_1164 : i32
      %ge3A = arith.constant 2 : i32
      %ge3A_1166 = arith.cmpi sge, %scan3A_1072, %ge3A : i32
      %eq3A = arith.constant 0 : i32
      %eq3A_1167 = arith.cmpi eq, %and3A_1076, %eq3A : i32
      %and3A_1168 = arith.andi %ge3A_1166, %eq3A_1167 : i1
      %convert_element_type3A_1169 = arith.extui %and3A_1168 : i1 to i32
      %cond3A_1170 = arith.constant 0 : i32
      %cond3A_1171 = arith.cmpi ne, %convert_element_type3A_1169, %cond3A_1170 : i32
      scf.if %cond3A_1171 {
        %dma_wait3A_1201 = arith.constant 0 : i32
        %dma_wait3A_1202 = tpu.memref_slice %arg6[%dma_wait3A_1201] : memref<16384xi32, #tpu.memory_space<vmem>> -> memref<8192xi32, #tpu.memory_space<vmem>>
        %dma_wait3A_1203 = arith.constant 0 : i32
        %dma_wait3A_1204 = tpu.memref_slice %arg3[%add3A_1075, %dma_wait3A_1203] : memref<256x8192xi32, #tpu.memory_space<hbm>> -> memref<1x8192xi32, #tpu.memory_space<hbm>>
        %dma_wait3A_1205 = tpu.memref_squeeze %dma_wait3A_1204 : memref<1x8192xi32, #tpu.memory_space<hbm>> -> memref<8192xi32, #tpu.memory_space<hbm>>
        %dma_wait3A_1206 = arith.constant 0 : i32
        %dma_wait3A_1207 = tpu.memref_slice %arg3[%add3A_1075, %dma_wait3A_1206] : memref<256x8192xi32, #tpu.memory_space<hbm>> -> memref<1x8192xi32, #tpu.memory_space<hbm>>
        %dma_wait3A_1208 = tpu.memref_squeeze %dma_wait3A_1207 : memref<1x8192xi32, #tpu.memory_space<hbm>> -> memref<8192xi32, #tpu.memory_space<hbm>>
        %dma_wait3A_1209 = arith.constant 0 : i32
        %dma_wait3A_1210 = tpu.memref_slice %arg6[%dma_wait3A_1209] : memref<16384xi32, #tpu.memory_space<vmem>> -> memref<8192xi32, #tpu.memory_space<vmem>>
        tpu.wait_dma2 semaphore(%arg10 : memref<!tpu.dma_semaphore, #tpu.memory_space<semaphore_mem>>) src(%dma_wait3A_1210 : memref<8192xi32, #tpu.memory_space<vmem>>) dst(%dma_wait3A_1208 : memref<8192xi32, #tpu.memory_space<hbm>>)
      } else {
      }
      %ge3A_1172 = arith.constant 2 : i32
      %ge3A_1173 = arith.cmpi sge, %scan3A_1072, %ge3A_1172 : i32
      %eq3A_1174 = arith.constant 1 : i32
      %eq3A_1175 = arith.cmpi eq, %and3A_1076, %eq3A_1174 : i32
      %and3A_1176 = arith.andi %ge3A_1173, %eq3A_1175 : i1
      %convert_element_type3A_1177 = arith.extui %and3A_1176 : i1 to i32
      %cond3A_1178 = arith.constant 0 : i32
      %cond3A_1179 = arith.cmpi ne, %convert_element_type3A_1177, %cond3A_1178 : i32
      scf.if %cond3A_1179 {
        %dma_wait3A_1201 = arith.constant 8192 : i32
        %dma_wait3A_1202 = tpu.memref_slice %arg6[%dma_wait3A_1201] : memref<16384xi32, #tpu.memory_space<vmem>> -> memref<8192xi32, #tpu.memory_space<vmem>>
        %dma_wait3A_1203 = arith.constant 0 : i32
        %dma_wait3A_1204 = tpu.memref_slice %arg3[%add3A_1075, %dma_wait3A_1203] : memref<256x8192xi32, #tpu.memory_space<hbm>> -> memref<1x8192xi32, #tpu.memory_space<hbm>>
        %dma_wait3A_1205 = tpu.memref_squeeze %dma_wait3A_1204 : memref<1x8192xi32, #tpu.memory_space<hbm>> -> memref<8192xi32, #tpu.memory_space<hbm>>
        %dma_wait3A_1206 = arith.constant 0 : i32
        %dma_wait3A_1207 = tpu.memref_slice %arg3[%add3A_1075, %dma_wait3A_1206] : memref<256x8192xi32, #tpu.memory_space<hbm>> -> memref<1x8192xi32, #tpu.memory_space<hbm>>
        %dma_wait3A_1208 = tpu.memref_squeeze %dma_wait3A_1207 : memref<1x8192xi32, #tpu.memory_space<hbm>> -> memref<8192xi32, #tpu.memory_space<hbm>>
        %dma_wait3A_1209 = arith.constant 8192 : i32
        %dma_wait3A_1210 = tpu.memref_slice %arg6[%dma_wait3A_1209] : memref<16384xi32, #tpu.memory_space<vmem>> -> memref<8192xi32, #tpu.memory_space<vmem>>
        tpu.wait_dma2 semaphore(%arg11 : memref<!tpu.dma_semaphore, #tpu.memory_space<semaphore_mem>>) src(%dma_wait3A_1210 : memref<8192xi32, #tpu.memory_space<vmem>>) dst(%dma_wait3A_1208 : memref<8192xi32, #tpu.memory_space<hbm>>)
      } else {
      }
      %eq3A_1180 = arith.cmpi eq, %scan3A_1158#3, %add3A_1165 : i32
      %convert_element_type3A_1181 = arith.extui %eq3A_1180 : i1 to i32
      %cond3A_1182 = arith.constant 0 : i32
      %cond3A_1183 = arith.constant 0 : i32
      %cond3A_1184 = arith.cmpi ne, %convert_element_type3A_1181, %cond3A_1183 : i32
      %cond3A_1185 = scf.if %cond3A_1184 -> (i32) {
        %parallel_loop3A_1201 = arith.constant 0 : i32
        %parallel_loop3A_1202 = arith.constant 512 : i32
        %parallel_loop3A_1203 = arith.constant 1 : i32
        scf.for %parallel_loop3A_1205 = %parallel_loop3A_1201 to %parallel_loop3A_1202 step %parallel_loop3A_1203  : i32 {
          %parallel_loop3A_1206 = arith.constant 16 : i32
          %parallel_loop3A_1207 = arith.muli %parallel_loop3A_1205, %parallel_loop3A_1206 : i32
          %parallel_loop3A_1208 = arith.index_cast %parallel_loop3A_1207 : i32 to index
          %parallel_loop3A_1209 = tpu.vector_load %arg5[%parallel_loop3A_1208] {strides = array<i32>} : memref<8192xi32, #tpu.memory_space<vmem>>, vector<16xi32>,
          %parallel_loop3A_1210 = vector.broadcast %add3A_1163 : i32 to vector<16xi32>
          %parallel_loop3A_1211 = arith.cmpi sle, %parallel_loop3A_1209, %parallel_loop3A_1210 : vector<16xi32>
          %parallel_loop3A_1212 = arith.constant 1 : i32
          %parallel_loop3A_1213 = arith.constant 0 : i32
          %parallel_loop3A_1214 = vector.broadcast %parallel_loop3A_1212 : i32 to vector<16xi32>
          %parallel_loop3A_1215 = vector.broadcast %parallel_loop3A_1213 : i32 to vector<16xi32>
          %parallel_loop3A_1216 = arith.select %parallel_loop3A_1211, %parallel_loop3A_1214, %parallel_loop3A_1215 : vector<16xi1>, vector<16xi32>
          %parallel_loop3A_1217 = arith.constant 16 : i32
          %parallel_loop3A_1218 = arith.muli %parallel_loop3A_1205, %parallel_loop3A_1217 : i32
          %parallel_loop3A_1219 = arith.addi %mul3A_1084, %parallel_loop3A_1218 : i32
          %parallel_loop3A_1220 = arith.index_cast %parallel_loop3A_1219 : i32 to index
          %parallel_loop3A_1221 = tpu.vector_load %arg6[%parallel_loop3A_1220] {strides = array<i32>} : memref<16384xi32, #tpu.memory_space<vmem>>, vector<16xi32>,
          tpu.vector_store %arg6[%parallel_loop3A_1220], %parallel_loop3A_1216 {strides = array<i32>} : memref<16384xi32, #tpu.memory_space<vmem>>, vector<16xi32>,
        } {sc.loop_unroll_factor = 8 : i64, sc.parallel_access}
        %cond3A_1204 = arith.constant 0 : i32
        scf.yield %cond3A_1204 : i32
      } else {
        %scan3A_1201 = arith.constant 0 : i32
        %scan3A_1202 = arith.constant 0 : i32
        %scan3A_1203 = arith.constant 512 : i32
        %scan3A_1204 = arith.addi %scan3A_1202, %scan3A_1203 : i32
        %scan3A_1205 = arith.constant 8 : i32
        %scan3A_1206 = scf.for %scan3A_1208 = %scan3A_1202 to %scan3A_1204 step %scan3A_1205 iter_args(%scan3A_1209 = %scan3A_1201) -> (i32)  : i32 {
          %mul3A_1210 = arith.constant 16 : i32
          %mul3A_1211 = arith.muli %scan3A_1208, %mul3A_1210 : i32
          %get3A_1212 = arith.index_cast %mul3A_1211 : i32 to index
          %get3A_1213 = tpu.vector_load %arg5[%get3A_1212] {strides = array<i32>} : memref<8192xi32, #tpu.memory_space<vmem>>, vector<16xi32>,
          %lt3A_1214 = vector.broadcast %add3A_1163 : i32 to vector<16xi32>
          %lt3A_1215 = arith.cmpi slt, %get3A_1213, %lt3A_1214 : vector<16xi32>
          %eq3A_1216 = vector.broadcast %add3A_1163 : i32 to vector<16xi32>
          %eq3A_1217 = arith.cmpi eq, %get3A_1213, %eq3A_1216 : vector<16xi32>
          %jit3A = arith.constant 1 : i32
          %jit3A_1218 = arith.constant 0 : i32
          %broadcast_in_dim3A_1219 = vector.broadcast %jit3A : i32 to vector<16xi32>
          %broadcast_in_dim3A_1220 = vector.broadcast %jit3A_1218 : i32 to vector<16xi32>
          %select_n3A = arith.select %eq3A_1217, %broadcast_in_dim3A_1219, %broadcast_in_dim3A_1220 : vector<16xi1>, vector<16xi32>
          %broadcast_in_dim3A_1221 = arith.constant true
          %broadcast_in_dim3A_1222 = vector.broadcast %broadcast_in_dim3A_1221 : i1 to vector<16xi1>
          %masked_cumsum3A = tpu.scan <sum>, %select_n3A masked %broadcast_in_dim3A_1222 : vector<16xi32>, vector<16xi1> -> vector<16xi32>
          %add3A_1223 = vector.broadcast %scan3A_1209 : i32 to vector<16xi32>
          %add3A_1224 = arith.addi %masked_cumsum3A, %add3A_1223 : vector<16xi32>
          %le3A = vector.broadcast %add3A_1165 : i32 to vector<16xi32>
          %le3A_1225 = arith.cmpi sle, %add3A_1224, %le3A : vector<16xi32>
          %and3A_1226 = arith.andi %eq3A_1217, %le3A_1225 : vector<16xi1>
          %or3A = arith.ori %lt3A_1215, %and3A_1226 : vector<16xi1>
          %jit3A_1227 = arith.constant 1 : i32
          %jit3A_1228 = arith.constant 0 : i32
          %broadcast_in_dim3A_1229 = vector.broadcast %jit3A_1227 : i32 to vector<16xi32>
          %broadcast_in_dim3A_1230 = vector.broadcast %jit3A_1228 : i32 to vector<16xi32>
          %select_n3A_1231 = arith.select %or3A, %broadcast_in_dim3A_1229, %broadcast_in_dim3A_1230 : vector<16xi1>, vector<16xi32>
          %mul3A_1232 = arith.constant 16 : i32
          %mul3A_1233 = arith.muli %scan3A_1208, %mul3A_1232 : i32
          %add3A_1234 = arith.addi %mul3A_1084, %mul3A_1233 : i32
          %swap3A_1235 = arith.index_cast %add3A_1234 : i32 to index
          %swap3A_1236 = tpu.vector_load %arg6[%swap3A_1235] {strides = array<i32>} : memref<16384xi32, #tpu.memory_space<vmem>>, vector<16xi32>,
          tpu.vector_store %arg6[%swap3A_1235], %select_n3A_1231 {strides = array<i32>} : memref<16384xi32, #tpu.memory_space<vmem>>, vector<16xi32>,
          %reduce_sum3A = arith.constant true
          %reduce_sum3A_1237 = vector.broadcast %reduce_sum3A : i1 to vector<16xi1>
          %reduce_sum3A_1238 = tpu.scan <sum>, %select_n3A masked %reduce_sum3A_1237 : vector<16xi32>, vector<16xi1> -> vector<16xi32>
          %reduce_sum3A_1239 = vector.extract %reduce_sum3A_1238[15] : i32 from vector<16xi32>
          %add3A_1240 = arith.addi %scan3A_1209, %reduce_sum3A_1239 : i32
          %scan3A_1241 = arith.constant 1 : i32
          %scan3A_1242 = arith.addi %scan3A_1208, %scan3A_1241 : i32
          %mul3A_1243 = arith.constant 16 : i32
          %mul3A_1244 = arith.muli %scan3A_1242, %mul3A_1243 : i32
          %get3A_1245 = arith.index_cast %mul3A_1244 : i32 to index
          %get3A_1246 = tpu.vector_load %arg5[%get3A_1245] {strides = array<i32>} : memref<8192xi32, #tpu.memory_space<vmem>>, vector<16xi32>,
          %lt3A_1247 = vector.broadcast %add3A_1163 : i32 to vector<16xi32>
          %lt3A_1248 = arith.cmpi slt, %get3A_1246, %lt3A_1247 : vector<16xi32>
          %eq3A_1249 = vector.broadcast %add3A_1163 : i32 to vector<16xi32>
          %eq3A_1250 = arith.cmpi eq, %get3A_1246, %eq3A_1249 : vector<16xi32>
          %jit3A_1251 = arith.constant 1 : i32
          %jit3A_1252 = arith.constant 0 : i32
          %broadcast_in_dim3A_1253 = vector.broadcast %jit3A_1251 : i32 to vector<16xi32>
          %broadcast_in_dim3A_1254 = vector.broadcast %jit3A_1252 : i32 to vector<16xi32>
          %select_n3A_1255 = arith.select %eq3A_1250, %broadcast_in_dim3A_1253, %broadcast_in_dim3A_1254 : vector<16xi1>, vector<16xi32>
          %broadcast_in_dim3A_1256 = arith.constant true
          %broadcast_in_dim3A_1257 = vector.broadcast %broadcast_in_dim3A_1256 : i1 to vector<16xi1>
          %masked_cumsum3A_1258 = tpu.scan <sum>, %select_n3A_1255 masked %broadcast_in_dim3A_1257 : vector<16xi32>, vector<16xi1> -> vector<16xi32>
          %add3A_1259 = vector.broadcast %add3A_1240 : i32 to vector<16xi32>
          %add3A_1260 = arith.addi %masked_cumsum3A_1258, %add3A_1259 : vector<16xi32>
          %le3A_1261 = vector.broadcast %add3A_1165 : i32 to vector<16xi32>
          %le3A_1262 = arith.cmpi sle, %add3A_1260, %le3A_1261 : vector<16xi32>
          %and3A_1263 = arith.andi %eq3A_1250, %le3A_1262 : vector<16xi1>
          %or3A_1264 = arith.ori %lt3A_1248, %and3A_1263 : vector<16xi1>
          %jit3A_1265 = arith.constant 1 : i32
          %jit3A_1266 = arith.constant 0 : i32
          %broadcast_in_dim3A_1267 = vector.broadcast %jit3A_1265 : i32 to vector<16xi32>
          %broadcast_in_dim3A_1268 = vector.broadcast %jit3A_1266 : i32 to vector<16xi32>
          %select_n3A_1269 = arith.select %or3A_1264, %broadcast_in_dim3A_1267, %broadcast_in_dim3A_1268 : vector<16xi1>, vector<16xi32>
          %mul3A_1270 = arith.constant 16 : i32
          %mul3A_1271 = arith.muli %scan3A_1242, %mul3A_1270 : i32
          %add3A_1272 = arith.addi %mul3A_1084, %mul3A_1271 : i32
          %swap3A_1273 = arith.index_cast %add3A_1272 : i32 to index
          %swap3A_1274 = tpu.vector_load %arg6[%swap3A_1273] {strides = array<i32>} : memref<16384xi32, #tpu.memory_space<vmem>>, vector<16xi32>,
          tpu.vector_store %arg6[%swap3A_1273], %select_n3A_1269 {strides = array<i32>} : memref<16384xi32, #tpu.memory_space<vmem>>, vector<16xi32>,
          %reduce_sum3A_1275 = arith.constant true
          %reduce_sum3A_1276 = vector.broadcast %reduce_sum3A_1275 : i1 to vector<16xi1>
          %reduce_sum3A_1277 = tpu.scan <sum>, %select_n3A_1255 masked %reduce_sum3A_1276 : vector<16xi32>, vector<16xi1> -> vector<16xi32>
          %reduce_sum3A_1278 = vector.extract %reduce_sum3A_1277[15] : i32 from vector<16xi32>
          %add3A_1279 = arith.addi %add3A_1240, %reduce_sum3A_1278 : i32
          %scan3A_1280 = arith.constant 2 : i32
          %scan3A_1281 = arith.addi %scan3A_1208, %scan3A_1280 : i32
          %mul3A_1282 = arith.constant 16 : i32
          %mul3A_1283 = arith.muli %scan3A_1281, %mul3A_1282 : i32
          %get3A_1284 = arith.index_cast %mul3A_1283 : i32 to index
          %get3A_1285 = tpu.vector_load %arg5[%get3A_1284] {strides = array<i32>} : memref<8192xi32, #tpu.memory_space<vmem>>, vector<16xi32>,
          %lt3A_1286 = vector.broadcast %add3A_1163 : i32 to vector<16xi32>
          %lt3A_1287 = arith.cmpi slt, %get3A_1285, %lt3A_1286 : vector<16xi32>
          %eq3A_1288 = vector.broadcast %add3A_1163 : i32 to vector<16xi32>
          %eq3A_1289 = arith.cmpi eq, %get3A_1285, %eq3A_1288 : vector<16xi32>
          %jit3A_1290 = arith.constant 1 : i32
          %jit3A_1291 = arith.constant 0 : i32
          %broadcast_in_dim3A_1292 = vector.broadcast %jit3A_1290 : i32 to vector<16xi32>
          %broadcast_in_dim3A_1293 = vector.broadcast %jit3A_1291 : i32 to vector<16xi32>
          %select_n3A_1294 = arith.select %eq3A_1289, %broadcast_in_dim3A_1292, %broadcast_in_dim3A_1293 : vector<16xi1>, vector<16xi32>
          %broadcast_in_dim3A_1295 = arith.constant true
          %broadcast_in_dim3A_1296 = vector.broadcast %broadcast_in_dim3A_1295 : i1 to vector<16xi1>
          %masked_cumsum3A_1297 = tpu.scan <sum>, %select_n3A_1294 masked %broadcast_in_dim3A_1296 : vector<16xi32>, vector<16xi1> -> vector<16xi32>
          %add3A_1298 = vector.broadcast %add3A_1279 : i32 to vector<16xi32>
          %add3A_1299 = arith.addi %masked_cumsum3A_1297, %add3A_1298 : vector<16xi32>
          %le3A_1300 = vector.broadcast %add3A_1165 : i32 to vector<16xi32>
          %le3A_1301 = arith.cmpi sle, %add3A_1299, %le3A_1300 : vector<16xi32>
          %and3A_1302 = arith.andi %eq3A_1289, %le3A_1301 : vector<16xi1>
          %or3A_1303 = arith.ori %lt3A_1287, %and3A_1302 : vector<16xi1>
          %jit3A_1304 = arith.constant 1 : i32
          %jit3A_1305 = arith.constant 0 : i32
          %broadcast_in_dim3A_1306 = vector.broadcast %jit3A_1304 : i32 to vector<16xi32>
          %broadcast_in_dim3A_1307 = vector.broadcast %jit3A_1305 : i32 to vector<16xi32>
          %select_n3A_1308 = arith.select %or3A_1303, %broadcast_in_dim3A_1306, %broadcast_in_dim3A_1307 : vector<16xi1>, vector<16xi32>
          %mul3A_1309 = arith.constant 16 : i32
          %mul3A_1310 = arith.muli %scan3A_1281, %mul3A_1309 : i32
          %add3A_1311 = arith.addi %mul3A_1084, %mul3A_1310 : i32
          %swap3A_1312 = arith.index_cast %add3A_1311 : i32 to index
          %swap3A_1313 = tpu.vector_load %arg6[%swap3A_1312] {strides = array<i32>} : memref<16384xi32, #tpu.memory_space<vmem>>, vector<16xi32>,
          tpu.vector_store %arg6[%swap3A_1312], %select_n3A_1308 {strides = array<i32>} : memref<16384xi32, #tpu.memory_space<vmem>>, vector<16xi32>,
          %reduce_sum3A_1314 = arith.constant true
          %reduce_sum3A_1315 = vector.broadcast %reduce_sum3A_1314 : i1 to vector<16xi1>
          %reduce_sum3A_1316 = tpu.scan <sum>, %select_n3A_1294 masked %reduce_sum3A_1315 : vector<16xi32>, vector<16xi1> -> vector<16xi32>
          %reduce_sum3A_1317 = vector.extract %reduce_sum3A_1316[15] : i32 from vector<16xi32>
          %add3A_1318 = arith.addi %add3A_1279, %reduce_sum3A_1317 : i32
          %scan3A_1319 = arith.constant 3 : i32
          %scan3A_1320 = arith.addi %scan3A_1208, %scan3A_1319 : i32
          %mul3A_1321 = arith.constant 16 : i32
          %mul3A_1322 = arith.muli %scan3A_1320, %mul3A_1321 : i32
          %get3A_1323 = arith.index_cast %mul3A_1322 : i32 to index
          %get3A_1324 = tpu.vector_load %arg5[%get3A_1323] {strides = array<i32>} : memref<8192xi32, #tpu.memory_space<vmem>>, vector<16xi32>,
          %lt3A_1325 = vector.broadcast %add3A_1163 : i32 to vector<16xi32>
          %lt3A_1326 = arith.cmpi slt, %get3A_1324, %lt3A_1325 : vector<16xi32>
          %eq3A_1327 = vector.broadcast %add3A_1163 : i32 to vector<16xi32>
          %eq3A_1328 = arith.cmpi eq, %get3A_1324, %eq3A_1327 : vector<16xi32>
          %jit3A_1329 = arith.constant 1 : i32
          %jit3A_1330 = arith.constant 0 : i32
          %broadcast_in_dim3A_1331 = vector.broadcast %jit3A_1329 : i32 to vector<16xi32>
          %broadcast_in_dim3A_1332 = vector.broadcast %jit3A_1330 : i32 to vector<16xi32>
          %select_n3A_1333 = arith.select %eq3A_1328, %broadcast_in_dim3A_1331, %broadcast_in_dim3A_1332 : vector<16xi1>, vector<16xi32>
          %broadcast_in_dim3A_1334 = arith.constant true
          %broadcast_in_dim3A_1335 = vector.broadcast %broadcast_in_dim3A_1334 : i1 to vector<16xi1>
          %masked_cumsum3A_1336 = tpu.scan <sum>, %select_n3A_1333 masked %broadcast_in_dim3A_1335 : vector<16xi32>, vector<16xi1> -> vector<16xi32>
          %add3A_1337 = vector.broadcast %add3A_1318 : i32 to vector<16xi32>
          %add3A_1338 = arith.addi %masked_cumsum3A_1336, %add3A_1337 : vector<16xi32>
          %le3A_1339 = vector.broadcast %add3A_1165 : i32 to vector<16xi32>
          %le3A_1340 = arith.cmpi sle, %add3A_1338, %le3A_1339 : vector<16xi32>
          %and3A_1341 = arith.andi %eq3A_1328, %le3A_1340 : vector<16xi1>
          %or3A_1342 = arith.ori %lt3A_1326, %and3A_1341 : vector<16xi1>
          %jit3A_1343 = arith.constant 1 : i32
          %jit3A_1344 = arith.constant 0 : i32
          %broadcast_in_dim3A_1345 = vector.broadcast %jit3A_1343 : i32 to vector<16xi32>
          %broadcast_in_dim3A_1346 = vector.broadcast %jit3A_1344 : i32 to vector<16xi32>
          %select_n3A_1347 = arith.select %or3A_1342, %broadcast_in_dim3A_1345, %broadcast_in_dim3A_1346 : vector<16xi1>, vector<16xi32>
          %mul3A_1348 = arith.constant 16 : i32
          %mul3A_1349 = arith.muli %scan3A_1320, %mul3A_1348 : i32
          %add3A_1350 = arith.addi %mul3A_1084, %mul3A_1349 : i32
          %swap3A_1351 = arith.index_cast %add3A_1350 : i32 to index
          %swap3A_1352 = tpu.vector_load %arg6[%swap3A_1351] {strides = array<i32>} : memref<16384xi32, #tpu.memory_space<vmem>>, vector<16xi32>,
          tpu.vector_store %arg6[%swap3A_1351], %select_n3A_1347 {strides = array<i32>} : memref<16384xi32, #tpu.memory_space<vmem>>, vector<16xi32>,
          %reduce_sum3A_1353 = arith.constant true
          %reduce_sum3A_1354 = vector.broadcast %reduce_sum3A_1353 : i1 to vector<16xi1>
          %reduce_sum3A_1355 = tpu.scan <sum>, %select_n3A_1333 masked %reduce_sum3A_1354 : vector<16xi32>, vector<16xi1> -> vector<16xi32>
          %reduce_sum3A_1356 = vector.extract %reduce_sum3A_1355[15] : i32 from vector<16xi32>
          %add3A_1357 = arith.addi %add3A_1318, %reduce_sum3A_1356 : i32
          %scan3A_1358 = arith.constant 4 : i32
          %scan3A_1359 = arith.addi %scan3A_1208, %scan3A_1358 : i32
          %mul3A_1360 = arith.constant 16 : i32
          %mul3A_1361 = arith.muli %scan3A_1359, %mul3A_1360 : i32
          %get3A_1362 = arith.index_cast %mul3A_1361 : i32 to index
          %get3A_1363 = tpu.vector_load %arg5[%get3A_1362] {strides = array<i32>} : memref<8192xi32, #tpu.memory_space<vmem>>, vector<16xi32>,
          %lt3A_1364 = vector.broadcast %add3A_1163 : i32 to vector<16xi32>
          %lt3A_1365 = arith.cmpi slt, %get3A_1363, %lt3A_1364 : vector<16xi32>
          %eq3A_1366 = vector.broadcast %add3A_1163 : i32 to vector<16xi32>
          %eq3A_1367 = arith.cmpi eq, %get3A_1363, %eq3A_1366 : vector<16xi32>
          %jit3A_1368 = arith.constant 1 : i32
          %jit3A_1369 = arith.constant 0 : i32
          %broadcast_in_dim3A_1370 = vector.broadcast %jit3A_1368 : i32 to vector<16xi32>
          %broadcast_in_dim3A_1371 = vector.broadcast %jit3A_1369 : i32 to vector<16xi32>
          %select_n3A_1372 = arith.select %eq3A_1367, %broadcast_in_dim3A_1370, %broadcast_in_dim3A_1371 : vector<16xi1>, vector<16xi32>
          %broadcast_in_dim3A_1373 = arith.constant true
          %broadcast_in_dim3A_1374 = vector.broadcast %broadcast_in_dim3A_1373 : i1 to vector<16xi1>
          %masked_cumsum3A_1375 = tpu.scan <sum>, %select_n3A_1372 masked %broadcast_in_dim3A_1374 : vector<16xi32>, vector<16xi1> -> vector<16xi32>
          %add3A_1376 = vector.broadcast %add3A_1357 : i32 to vector<16xi32>
          %add3A_1377 = arith.addi %masked_cumsum3A_1375, %add3A_1376 : vector<16xi32>
          %le3A_1378 = vector.broadcast %add3A_1165 : i32 to vector<16xi32>
          %le3A_1379 = arith.cmpi sle, %add3A_1377, %le3A_1378 : vector<16xi32>
          %and3A_1380 = arith.andi %eq3A_1367, %le3A_1379 : vector<16xi1>
          %or3A_1381 = arith.ori %lt3A_1365, %and3A_1380 : vector<16xi1>
          %jit3A_1382 = arith.constant 1 : i32
          %jit3A_1383 = arith.constant 0 : i32
          %broadcast_in_dim3A_1384 = vector.broadcast %jit3A_1382 : i32 to vector<16xi32>
          %broadcast_in_dim3A_1385 = vector.broadcast %jit3A_1383 : i32 to vector<16xi32>
          %select_n3A_1386 = arith.select %or3A_1381, %broadcast_in_dim3A_1384, %broadcast_in_dim3A_1385 : vector<16xi1>, vector<16xi32>
          %mul3A_1387 = arith.constant 16 : i32
          %mul3A_1388 = arith.muli %scan3A_1359, %mul3A_1387 : i32
          %add3A_1389 = arith.addi %mul3A_1084, %mul3A_1388 : i32
          %swap3A_1390 = arith.index_cast %add3A_1389 : i32 to index
          %swap3A_1391 = tpu.vector_load %arg6[%swap3A_1390] {strides = array<i32>} : memref<16384xi32, #tpu.memory_space<vmem>>, vector<16xi32>,
          tpu.vector_store %arg6[%swap3A_1390], %select_n3A_1386 {strides = array<i32>} : memref<16384xi32, #tpu.memory_space<vmem>>, vector<16xi32>,
          %reduce_sum3A_1392 = arith.constant true
          %reduce_sum3A_1393 = vector.broadcast %reduce_sum3A_1392 : i1 to vector<16xi1>
          %reduce_sum3A_1394 = tpu.scan <sum>, %select_n3A_1372 masked %reduce_sum3A_1393 : vector<16xi32>, vector<16xi1> -> vector<16xi32>
          %reduce_sum3A_1395 = vector.extract %reduce_sum3A_1394[15] : i32 from vector<16xi32>
          %add3A_1396 = arith.addi %add3A_1357, %reduce_sum3A_1395 : i32
          %scan3A_1397 = arith.constant 5 : i32
          %scan3A_1398 = arith.addi %scan3A_1208, %scan3A_1397 : i32
          %mul3A_1399 = arith.constant 16 : i32
          %mul3A_1400 = arith.muli %scan3A_1398, %mul3A_1399 : i32
          %get3A_1401 = arith.index_cast %mul3A_1400 : i32 to index
          %get3A_1402 = tpu.vector_load %arg5[%get3A_1401] {strides = array<i32>} : memref<8192xi32, #tpu.memory_space<vmem>>, vector<16xi32>,
          %lt3A_1403 = vector.broadcast %add3A_1163 : i32 to vector<16xi32>
          %lt3A_1404 = arith.cmpi slt, %get3A_1402, %lt3A_1403 : vector<16xi32>
          %eq3A_1405 = vector.broadcast %add3A_1163 : i32 to vector<16xi32>
          %eq3A_1406 = arith.cmpi eq, %get3A_1402, %eq3A_1405 : vector<16xi32>
          %jit3A_1407 = arith.constant 1 : i32
          %jit3A_1408 = arith.constant 0 : i32
          %broadcast_in_dim3A_1409 = vector.broadcast %jit3A_1407 : i32 to vector<16xi32>
          %broadcast_in_dim3A_1410 = vector.broadcast %jit3A_1408 : i32 to vector<16xi32>
          %select_n3A_1411 = arith.select %eq3A_1406, %broadcast_in_dim3A_1409, %broadcast_in_dim3A_1410 : vector<16xi1>, vector<16xi32>
          %broadcast_in_dim3A_1412 = arith.constant true
          %broadcast_in_dim3A_1413 = vector.broadcast %broadcast_in_dim3A_1412 : i1 to vector<16xi1>
          %masked_cumsum3A_1414 = tpu.scan <sum>, %select_n3A_1411 masked %broadcast_in_dim3A_1413 : vector<16xi32>, vector<16xi1> -> vector<16xi32>
          %add3A_1415 = vector.broadcast %add3A_1396 : i32 to vector<16xi32>
          %add3A_1416 = arith.addi %masked_cumsum3A_1414, %add3A_1415 : vector<16xi32>
          %le3A_1417 = vector.broadcast %add3A_1165 : i32 to vector<16xi32>
          %le3A_1418 = arith.cmpi sle, %add3A_1416, %le3A_1417 : vector<16xi32>
          %and3A_1419 = arith.andi %eq3A_1406, %le3A_1418 : vector<16xi1>
          %or3A_1420 = arith.ori %lt3A_1404, %and3A_1419 : vector<16xi1>
          %jit3A_1421 = arith.constant 1 : i32
          %jit3A_1422 = arith.constant 0 : i32
          %broadcast_in_dim3A_1423 = vector.broadcast %jit3A_1421 : i32 to vector<16xi32>
          %broadcast_in_dim3A_1424 = vector.broadcast %jit3A_1422 : i32 to vector<16xi32>
          %select_n3A_1425 = arith.select %or3A_1420, %broadcast_in_dim3A_1423, %broadcast_in_dim3A_1424 : vector<16xi1>, vector<16xi32>
          %mul3A_1426 = arith.constant 16 : i32
          %mul3A_1427 = arith.muli %scan3A_1398, %mul3A_1426 : i32
          %add3A_1428 = arith.addi %mul3A_1084, %mul3A_1427 : i32
          %swap3A_1429 = arith.index_cast %add3A_1428 : i32 to index
          %swap3A_1430 = tpu.vector_load %arg6[%swap3A_1429] {strides = array<i32>} : memref<16384xi32, #tpu.memory_space<vmem>>, vector<16xi32>,
          tpu.vector_store %arg6[%swap3A_1429], %select_n3A_1425 {strides = array<i32>} : memref<16384xi32, #tpu.memory_space<vmem>>, vector<16xi32>,
          %reduce_sum3A_1431 = arith.constant true
          %reduce_sum3A_1432 = vector.broadcast %reduce_sum3A_1431 : i1 to vector<16xi1>
          %reduce_sum3A_1433 = tpu.scan <sum>, %select_n3A_1411 masked %reduce_sum3A_1432 : vector<16xi32>, vector<16xi1> -> vector<16xi32>
          %reduce_sum3A_1434 = vector.extract %reduce_sum3A_1433[15] : i32 from vector<16xi32>
          %add3A_1435 = arith.addi %add3A_1396, %reduce_sum3A_1434 : i32
          %scan3A_1436 = arith.constant 6 : i32
          %scan3A_1437 = arith.addi %scan3A_1208, %scan3A_1436 : i32
          %mul3A_1438 = arith.constant 16 : i32
          %mul3A_1439 = arith.muli %scan3A_1437, %mul3A_1438 : i32
          %get3A_1440 = arith.index_cast %mul3A_1439 : i32 to index
          %get3A_1441 = tpu.vector_load %arg5[%get3A_1440] {strides = array<i32>} : memref<8192xi32, #tpu.memory_space<vmem>>, vector<16xi32>,
          %lt3A_1442 = vector.broadcast %add3A_1163 : i32 to vector<16xi32>
          %lt3A_1443 = arith.cmpi slt, %get3A_1441, %lt3A_1442 : vector<16xi32>
          %eq3A_1444 = vector.broadcast %add3A_1163 : i32 to vector<16xi32>
          %eq3A_1445 = arith.cmpi eq, %get3A_1441, %eq3A_1444 : vector<16xi32>
          %jit3A_1446 = arith.constant 1 : i32
          %jit3A_1447 = arith.constant 0 : i32
          %broadcast_in_dim3A_1448 = vector.broadcast %jit3A_1446 : i32 to vector<16xi32>
          %broadcast_in_dim3A_1449 = vector.broadcast %jit3A_1447 : i32 to vector<16xi32>
          %select_n3A_1450 = arith.select %eq3A_1445, %broadcast_in_dim3A_1448, %broadcast_in_dim3A_1449 : vector<16xi1>, vector<16xi32>
          %broadcast_in_dim3A_1451 = arith.constant true
          %broadcast_in_dim3A_1452 = vector.broadcast %broadcast_in_dim3A_1451 : i1 to vector<16xi1>
          %masked_cumsum3A_1453 = tpu.scan <sum>, %select_n3A_1450 masked %broadcast_in_dim3A_1452 : vector<16xi32>, vector<16xi1> -> vector<16xi32>
          %add3A_1454 = vector.broadcast %add3A_1435 : i32 to vector<16xi32>
          %add3A_1455 = arith.addi %masked_cumsum3A_1453, %add3A_1454 : vector<16xi32>
          %le3A_1456 = vector.broadcast %add3A_1165 : i32 to vector<16xi32>
          %le3A_1457 = arith.cmpi sle, %add3A_1455, %le3A_1456 : vector<16xi32>
          %and3A_1458 = arith.andi %eq3A_1445, %le3A_1457 : vector<16xi1>
          %or3A_1459 = arith.ori %lt3A_1443, %and3A_1458 : vector<16xi1>
          %jit3A_1460 = arith.constant 1 : i32
          %jit3A_1461 = arith.constant 0 : i32
          %broadcast_in_dim3A_1462 = vector.broadcast %jit3A_1460 : i32 to vector<16xi32>
          %broadcast_in_dim3A_1463 = vector.broadcast %jit3A_1461 : i32 to vector<16xi32>
          %select_n3A_1464 = arith.select %or3A_1459, %broadcast_in_dim3A_1462, %broadcast_in_dim3A_1463 : vector<16xi1>, vector<16xi32>
          %mul3A_1465 = arith.constant 16 : i32
          %mul3A_1466 = arith.muli %scan3A_1437, %mul3A_1465 : i32
          %add3A_1467 = arith.addi %mul3A_1084, %mul3A_1466 : i32
          %swap3A_1468 = arith.index_cast %add3A_1467 : i32 to index
          %swap3A_1469 = tpu.vector_load %arg6[%swap3A_1468] {strides = array<i32>} : memref<16384xi32, #tpu.memory_space<vmem>>, vector<16xi32>,
          tpu.vector_store %arg6[%swap3A_1468], %select_n3A_1464 {strides = array<i32>} : memref<16384xi32, #tpu.memory_space<vmem>>, vector<16xi32>,
          %reduce_sum3A_1470 = arith.constant true
          %reduce_sum3A_1471 = vector.broadcast %reduce_sum3A_1470 : i1 to vector<16xi1>
          %reduce_sum3A_1472 = tpu.scan <sum>, %select_n3A_1450 masked %reduce_sum3A_1471 : vector<16xi32>, vector<16xi1> -> vector<16xi32>
          %reduce_sum3A_1473 = vector.extract %reduce_sum3A_1472[15] : i32 from vector<16xi32>
          %add3A_1474 = arith.addi %add3A_1435, %reduce_sum3A_1473 : i32
          %scan3A_1475 = arith.constant 7 : i32
          %scan3A_1476 = arith.addi %scan3A_1208, %scan3A_1475 : i32
          %mul3A_1477 = arith.constant 16 : i32
          %mul3A_1478 = arith.muli %scan3A_1476, %mul3A_1477 : i32
          %get3A_1479 = arith.index_cast %mul3A_1478 : i32 to index
          %get3A_1480 = tpu.vector_load %arg5[%get3A_1479] {strides = array<i32>} : memref<8192xi32, #tpu.memory_space<vmem>>, vector<16xi32>,
          %lt3A_1481 = vector.broadcast %add3A_1163 : i32 to vector<16xi32>
          %lt3A_1482 = arith.cmpi slt, %get3A_1480, %lt3A_1481 : vector<16xi32>
          %eq3A_1483 = vector.broadcast %add3A_1163 : i32 to vector<16xi32>
          %eq3A_1484 = arith.cmpi eq, %get3A_1480, %eq3A_1483 : vector<16xi32>
          %jit3A_1485 = arith.constant 1 : i32
          %jit3A_1486 = arith.constant 0 : i32
          %broadcast_in_dim3A_1487 = vector.broadcast %jit3A_1485 : i32 to vector<16xi32>
          %broadcast_in_dim3A_1488 = vector.broadcast %jit3A_1486 : i32 to vector<16xi32>
          %select_n3A_1489 = arith.select %eq3A_1484, %broadcast_in_dim3A_1487, %broadcast_in_dim3A_1488 : vector<16xi1>, vector<16xi32>
          %broadcast_in_dim3A_1490 = arith.constant true
          %broadcast_in_dim3A_1491 = vector.broadcast %broadcast_in_dim3A_1490 : i1 to vector<16xi1>
          %masked_cumsum3A_1492 = tpu.scan <sum>, %select_n3A_1489 masked %broadcast_in_dim3A_1491 : vector<16xi32>, vector<16xi1> -> vector<16xi32>
          %add3A_1493 = vector.broadcast %add3A_1474 : i32 to vector<16xi32>
          %add3A_1494 = arith.addi %masked_cumsum3A_1492, %add3A_1493 : vector<16xi32>
          %le3A_1495 = vector.broadcast %add3A_1165 : i32 to vector<16xi32>
          %le3A_1496 = arith.cmpi sle, %add3A_1494, %le3A_1495 : vector<16xi32>
          %and3A_1497 = arith.andi %eq3A_1484, %le3A_1496 : vector<16xi1>
          %or3A_1498 = arith.ori %lt3A_1482, %and3A_1497 : vector<16xi1>
          %jit3A_1499 = arith.constant 1 : i32
          %jit3A_1500 = arith.constant 0 : i32
          %broadcast_in_dim3A_1501 = vector.broadcast %jit3A_1499 : i32 to vector<16xi32>
          %broadcast_in_dim3A_1502 = vector.broadcast %jit3A_1500 : i32 to vector<16xi32>
          %select_n3A_1503 = arith.select %or3A_1498, %broadcast_in_dim3A_1501, %broadcast_in_dim3A_1502 : vector<16xi1>, vector<16xi32>
          %mul3A_1504 = arith.constant 16 : i32
          %mul3A_1505 = arith.muli %scan3A_1476, %mul3A_1504 : i32
          %add3A_1506 = arith.addi %mul3A_1084, %mul3A_1505 : i32
          %swap3A_1507 = arith.index_cast %add3A_1506 : i32 to index
          %swap3A_1508 = tpu.vector_load %arg6[%swap3A_1507] {strides = array<i32>} : memref<16384xi32, #tpu.memory_space<vmem>>, vector<16xi32>,
          tpu.vector_store %arg6[%swap3A_1507], %select_n3A_1503 {strides = array<i32>} : memref<16384xi32, #tpu.memory_space<vmem>>, vector<16xi32>,
          %reduce_sum3A_1509 = arith.constant true
          %reduce_sum3A_1510 = vector.broadcast %reduce_sum3A_1509 : i1 to vector<16xi1>
          %reduce_sum3A_1511 = tpu.scan <sum>, %select_n3A_1489 masked %reduce_sum3A_1510 : vector<16xi32>, vector<16xi1> -> vector<16xi32>
          %reduce_sum3A_1512 = vector.extract %reduce_sum3A_1511[15] : i32 from vector<16xi32>
          %add3A_1513 = arith.addi %add3A_1474, %reduce_sum3A_1512 : i32
          scf.yield %add3A_1513 : i32
        }
        %scan3A_1207 = arith.constant 512 : i32
        scf.yield %scan3A_1206 : i32
      }
      %eq3A_1186 = arith.constant 0 : i32
      %eq3A_1187 = arith.cmpi eq, %and3A_1076, %eq3A_1186 : i32
      %convert_element_type3A_1188 = arith.extui %eq3A_1187 : i1 to i32
      %cond3A_1189 = arith.constant 0 : i32
      %cond3A_1190 = arith.cmpi ne, %convert_element_type3A_1188, %cond3A_1189 : i32
      scf.if %cond3A_1190 {
        %dma_start3A = arith.constant 0 : i32
        %dma_start3A_1201 = tpu.memref_slice %arg6[%dma_start3A] : memref<16384xi32, #tpu.memory_space<vmem>> -> memref<8192xi32, #tpu.memory_space<vmem>>
        %dma_start3A_1202 = arith.constant 0 : i32
        %dma_start3A_1203 = tpu.memref_slice %arg3[%add3A_1075, %dma_start3A_1202] : memref<256x8192xi32, #tpu.memory_space<hbm>> -> memref<1x8192xi32, #tpu.memory_space<hbm>>
        %dma_start3A_1204 = tpu.memref_squeeze %dma_start3A_1203 : memref<1x8192xi32, #tpu.memory_space<hbm>> -> memref<8192xi32, #tpu.memory_space<hbm>>
        %dma_start3A_1205 = arith.constant 0 : i32
        %dma_start3A_1206 = tpu.memref_slice %arg3[%add3A_1075, %dma_start3A_1205] : memref<256x8192xi32, #tpu.memory_space<hbm>> -> memref<1x8192xi32, #tpu.memory_space<hbm>>
        %dma_start3A_1207 = tpu.memref_squeeze %dma_start3A_1206 : memref<1x8192xi32, #tpu.memory_space<hbm>> -> memref<8192xi32, #tpu.memory_space<hbm>>
        %dma_start3A_1208 = arith.constant 0 : i32
        %dma_start3A_1209 = tpu.memref_slice %arg6[%dma_start3A_1208] : memref<16384xi32, #tpu.memory_space<vmem>> -> memref<8192xi32, #tpu.memory_space<vmem>>
        tpu.enqueue_dma source(%dma_start3A_1209 : memref<8192xi32, #tpu.memory_space<vmem>>) target(%dma_start3A_1207 : memref<8192xi32, #tpu.memory_space<hbm>>) target_semaphore(%arg10 : memref<!tpu.dma_semaphore, #tpu.memory_space<semaphore_mem>>)
      } else {
      }
      %eq3A_1191 = arith.constant 1 : i32
      %eq3A_1192 = arith.cmpi eq, %and3A_1076, %eq3A_1191 : i32
      %convert_element_type3A_1193 = arith.extui %eq3A_1192 : i1 to i32
      %cond3A_1194 = arith.constant 0 : i32
      %cond3A_1195 = arith.cmpi ne, %convert_element_type3A_1193, %cond3A_1194 : i32
      scf.if %cond3A_1195 {
        %dma_start3A = arith.constant 8192 : i32
        %dma_start3A_1201 = tpu.memref_slice %arg6[%dma_start3A] : memref<16384xi32, #tpu.memory_space<vmem>> -> memref<8192xi32, #tpu.memory_space<vmem>>
        %dma_start3A_1202 = arith.constant 0 : i32
        %dma_start3A_1203 = tpu.memref_slice %arg3[%add3A_1075, %dma_start3A_1202] : memref<256x8192xi32, #tpu.memory_space<hbm>> -> memref<1x8192xi32, #tpu.memory_space<hbm>>
        %dma_start3A_1204 = tpu.memref_squeeze %dma_start3A_1203 : memref<1x8192xi32, #tpu.memory_space<hbm>> -> memref<8192xi32, #tpu.memory_space<hbm>>
        %dma_start3A_1205 = arith.constant 0 : i32
        %dma_start3A_1206 = tpu.memref_slice %arg3[%add3A_1075, %dma_start3A_1205] : memref<256x8192xi32, #tpu.memory_space<hbm>> -> memref<1x8192xi32, #tpu.memory_space<hbm>>
        %dma_start3A_1207 = tpu.memref_squeeze %dma_start3A_1206 : memref<1x8192xi32, #tpu.memory_space<hbm>> -> memref<8192xi32, #tpu.memory_space<hbm>>
        %dma_start3A_1208 = arith.constant 8192 : i32
        %dma_start3A_1209 = tpu.memref_slice %arg6[%dma_start3A_1208] : memref<16384xi32, #tpu.memory_space<vmem>> -> memref<8192xi32, #tpu.memory_space<vmem>>
        tpu.enqueue_dma source(%dma_start3A_1209 : memref<8192xi32, #tpu.memory_space<vmem>>) target(%dma_start3A_1207 : memref<8192xi32, #tpu.memory_space<hbm>>) target_semaphore(%arg11 : memref<!tpu.dma_semaphore, #tpu.memory_space<semaphore_mem>>)
      } else {
      }
      %lt3A_1196 = arith.constant 7 : i32
      %lt3A_1197 = arith.cmpi slt, %scan3A_1072, %lt3A_1196 : i32
      %convert_element_type3A_1198 = arith.extui %lt3A_1197 : i1 to i32
      %cond3A_1199 = arith.constant 0 : i32
      %cond3A_1200 = arith.cmpi ne, %convert_element_type3A_1198, %cond3A_1199 : i32
      scf.if %cond3A_1200 {
        %add3A_1201 = arith.constant 1 : i32
        %add3A_1202 = arith.addi %add3A_1075, %add3A_1201 : i32
        %dma_wait3A_1203 = tpu.memref_slice %arg4[%mul3A_1082] : memref<49152xf32, #tpu.memory_space<vmem>> -> memref<24576xf32, #tpu.memory_space<vmem>>
        %dma_wait3A_1204 = arith.constant 0 : i32
        %dma_wait3A_1205 = tpu.memref_slice %arg2[%add3A_1202, %dma_wait3A_1204] : memref<256x24576xf32, #tpu.memory_space<hbm>> -> memref<1x24576xf32, #tpu.memory_space<hbm>>
        %dma_wait3A_1206 = tpu.memref_squeeze %dma_wait3A_1205 : memref<1x24576xf32, #tpu.memory_space<hbm>> -> memref<24576xf32, #tpu.memory_space<hbm>>
        %dma_wait3A_1207 = tpu.memref_slice %arg4[%mul3A_1082] : memref<49152xf32, #tpu.memory_space<vmem>> -> memref<24576xf32, #tpu.memory_space<vmem>>
        %dma_wait3A_1208 = arith.constant 0 : i32
        %dma_wait3A_1209 = tpu.memref_slice %arg2[%add3A_1202, %dma_wait3A_1208] : memref<256x24576xf32, #tpu.memory_space<hbm>> -> memref<1x24576xf32, #tpu.memory_space<hbm>>
        %dma_wait3A_1210 = tpu.memref_squeeze %dma_wait3A_1209 : memref<1x24576xf32, #tpu.memory_space<hbm>> -> memref<24576xf32, #tpu.memory_space<hbm>>
        tpu.wait_dma2 semaphore(%arg9 : memref<!tpu.dma_semaphore, #tpu.memory_space<semaphore_mem>>) src(%dma_wait3A_1210 : memref<24576xf32, #tpu.memory_space<hbm>>) dst(%dma_wait3A_1207 : memref<24576xf32, #tpu.memory_space<vmem>>)
      } else {
      }
    }
    %scan3A_1041 = arith.constant 8 : i32
    %mul3A_1042 = arith.constant 8 : i32
    %mul3A_1043 = arith.muli %add3A, %mul3A_1042 : i32
    %add3A_1044 = arith.constant 8 : i32
    %add3A_1045 = arith.addi %mul3A_1043, %add3A_1044 : i32
    %sub3A = arith.constant 2 : i32
    %sub3A_1046 = arith.subi %add3A_1045, %sub3A : i32
    %dma_wait3A = arith.constant 0 : i32
    %dma_wait3A_1047 = tpu.memref_slice %arg6[%dma_wait3A] : memref<16384xi32, #tpu.memory_space<vmem>> -> memref<8192xi32, #tpu.memory_space<vmem>>
    %dma_wait3A_1048 = arith.constant 0 : i32
    %dma_wait3A_1049 = tpu.memref_slice %arg3[%sub3A_1046, %dma_wait3A_1048] : memref<256x8192xi32, #tpu.memory_space<hbm>> -> memref<1x8192xi32, #tpu.memory_space<hbm>>
    %dma_wait3A_1050 = tpu.memref_squeeze %dma_wait3A_1049 : memref<1x8192xi32, #tpu.memory_space<hbm>> -> memref<8192xi32, #tpu.memory_space<hbm>>
    %dma_wait3A_1051 = arith.constant 0 : i32
    %dma_wait3A_1052 = tpu.memref_slice %arg3[%sub3A_1046, %dma_wait3A_1051] : memref<256x8192xi32, #tpu.memory_space<hbm>> -> memref<1x8192xi32, #tpu.memory_space<hbm>>
    %dma_wait3A_1053 = tpu.memref_squeeze %dma_wait3A_1052 : memref<1x8192xi32, #tpu.memory_space<hbm>> -> memref<8192xi32, #tpu.memory_space<hbm>>
    %dma_wait3A_1054 = arith.constant 0 : i32
    %dma_wait3A_1055 = tpu.memref_slice %arg6[%dma_wait3A_1054] : memref<16384xi32, #tpu.memory_space<vmem>> -> memref<8192xi32, #tpu.memory_space<vmem>>
    tpu.wait_dma2 semaphore(%arg10 : memref<!tpu.dma_semaphore, #tpu.memory_space<semaphore_mem>>) src(%dma_wait3A_1055 : memref<8192xi32, #tpu.memory_space<vmem>>) dst(%dma_wait3A_1053 : memref<8192xi32, #tpu.memory_space<hbm>>)
    %mul3A_1056 = arith.constant 8 : i32
    %mul3A_1057 = arith.muli %add3A, %mul3A_1056 : i32
    %add3A_1058 = arith.constant 8 : i32
    %add3A_1059 = arith.addi %mul3A_1057, %add3A_1058 : i32
    %sub3A_1060 = arith.constant 1 : i32
    %sub3A_1061 = arith.subi %add3A_1059, %sub3A_1060 : i32
    %dma_wait3A_1062 = arith.constant 8192 : i32
    %dma_wait3A_1063 = tpu.memref_slice %arg6[%dma_wait3A_1062] : memref<16384xi32, #tpu.memory_space<vmem>> -> memref<8192xi32, #tpu.memory_space<vmem>>
    %dma_wait3A_1064 = arith.constant 0 : i32
    %dma_wait3A_1065 = tpu.memref_slice %arg3[%sub3A_1061, %dma_wait3A_1064] : memref<256x8192xi32, #tpu.memory_space<hbm>> -> memref<1x8192xi32, #tpu.memory_space<hbm>>
    %dma_wait3A_1066 = tpu.memref_squeeze %dma_wait3A_1065 : memref<1x8192xi32, #tpu.memory_space<hbm>> -> memref<8192xi32, #tpu.memory_space<hbm>>
    %dma_wait3A_1067 = arith.constant 0 : i32
    %dma_wait3A_1068 = tpu.memref_slice %arg3[%sub3A_1061, %dma_wait3A_1067] : memref<256x8192xi32, #tpu.memory_space<hbm>> -> memref<1x8192xi32, #tpu.memory_space<hbm>>
    %dma_wait3A_1069 = tpu.memref_squeeze %dma_wait3A_1068 : memref<1x8192xi32, #tpu.memory_space<hbm>> -> memref<8192xi32, #tpu.memory_space<hbm>>
    %dma_wait3A_1070 = arith.constant 8192 : i32
    %dma_wait3A_1071 = tpu.memref_slice %arg6[%dma_wait3A_1070] : memref<16384xi32, #tpu.memory_space<vmem>> -> memref<8192xi32, #tpu.memory_space<vmem>>
    tpu.wait_dma2 semaphore(%arg11 : memref<!tpu.dma_semaphore, #tpu.memory_space<semaphore_mem>>) src(%dma_wait3A_1071 : memref<8192xi32, #tpu.memory_space<vmem>>) dst(%dma_wait3A_1069 : memref<8192xi32, #tpu.memory_space<hbm>>)
    return
  }
}

</mosaic_0001>

<sc_bundles>
// kernel: kernel.3.cloned.1.call-start
scs
__scs_entry_jumppad:
0x0: {  	(pc) =	sbr.rel $0x88, $3  }
0x1: {  	(tag) =	ssettag $0x0;
	lr =	simm.s32 $0x1  }
0x2: {  	[smem:$0x3FA0] =	sst lr;
	_ =	strace $0xD0000000  }
0x3: {  	_ = 	snop  }
0x4: {  	_ = 	snop  }
0x5: {  	_ = 	snop  }
0x6: {  	_ = 	snop  }
0x7: {  	_ = 	snop  }
__scs_overlays_trampoline_lowered:
0x8: {  	[smem:$0x3FAF] =	sst s0  }
0x9: {  	[smem:$0x3FB0] =	sst s1  }
0xa: {  	[smem:$0x3FB1] =	sst s2  }
0xb: {  	[smem:$0x3FB2] =	sst s3  }
0xc: {  	[smem:$0x3FB3] =	sst s4  }
0xd: {  	[smem:$0x3FB4] =	sst s5  }
0xe: {  	[smem:$0x3FB5] =	sst s6  }
0xf: {  	[smem:$0x3FB6] =	sst s7  }
0x10: {  	[smem:$0x3FB7] =	sst s8  }
0x11: {  	[smem:$0x3FB8] =	sst s9;
	s0 =	simm.s32 @!p0 $0x0  }
0x12: {  	s1 =	sld [smem:$0x3F9E];
	s0 =	simm.s32 @p0 $0x1  }
0x13: {  	[smem:$0x3FB9] =	sst s0;
	s0 =	simm.s32 @!p1 $0x0  }
0x14: {  	s2 =	sld [smem:$0x3F9D];
	s0 =	simm.s32 @p1 $0x1  }
0x15: {  	[smem:$0x3FBA] =	sst s0;
	s0 =	simm.s32 @!p2 $0x0  }
0x16: {  	s3 =	sld [smem:$0x3FDB];
	s0 =	simm.s32 @p2 $0x1  }
0x17: {  	s4 =	simm.s32 $0x1BF5;
	[smem:$0x3FBC] =	sst s0  }
0x18: {  	s0 =	sld [smem:$0x3F9F];
	_ =	swait.ge [sflag:s4], $0x0  }
0x19: {  	s7 =	sld [smem:$0x3FA0]  }
0x1a: {  	s8 =	sadd.s32 $0xFFFFE003, lr  }
0x1b: {  	s9 =	sadd.s32 $0xFFFFFEF7, lr;
	s5 =	simm.s32 $0xFFFFFFFF;
	p2 =	slt.u32 s8, $0xFFFFF086  }
0x1c: {  	p1 =	slt.u32 s9, $0xF7A;
	s5 =	simm.s32 @!p2 $0x0  }
0x1d: {  	s5 =	simm.s32 @p1 $0x1;
	p0 =	seq.s32 s7, s2  }
0x1e: {  	s7 =	smul.u32 @!p0 $0xF7A, s2;
	p2 =	seq.s32 @!p0 s5, $0x0  }
0x1f: {  	s9 =	smul.u32 $0xF7A, s1;
	s8 =	simm.s32 @!p0 $0x1BF5;
	p2 =	por !p2, p0  }
0x20: {  	[sflag:s8] =	ssyncset.s32 @!p0 $0xFFFFF086;
	s6 =	sadd.s32 @!p0 s3, s7;
	s7 =	simm.s32 @!p0 $0x108  }
0x21: {  	s3 =	sadd.s32 s3, s9;
	s6 =	sadd.s32 @!p0 $0x88, s6;
	s7 =	simm.s32 @p2 $0x1082  }
0x22: {  	[simem:s7], [sflag:s8] =	dma.local @!p0 [hbm:s6], $0xF7A  }
0x23: {  	s9 =	sor.u32 $0xD0000000, s2;
	s6 =	simm.s32 $0x108;
	_ =	swait.ge @!p0 [sflag:s8], $0x0  }
0x24: {  	s3 =	sadd.s32 $0x88, s3;
	s6 =	simm.s32 @!p1 $0x1082;
	[sflag:s4] =	ssyncset.s32 $0xFFFFF086  }
0x25: {  	[simem:s6], [sflag:s4] =	dma.local [hbm:s3], $0xF7A  }
0x26: {  	[smem:$0x3FA0] =	sst s1;
	(tag) =	ssettag s2;
	_ =	strace s9  }
0x27: {  	s1 =	sld [smem:$0x3FB0]  }
0x28: {  	s2 =	sld [smem:$0x3FB1]  }
0x29: {  	s4 =	sld [smem:$0x3FB3]  }
0x2a: {  	p0 =	seq.s32 s5, $0x0;
	s5 =	sld [smem:$0x3FB4]  }
0x2b: {  	s6 =	sld [smem:$0x3FB5]  }
0x2c: {  	s7 =	sld [smem:$0x3FB6]  }
0x2d: {  	s3 =	simm.s32 $0x108;
	s8 =	sld [smem:$0x3FB7]  }
0x2e: {  	s3 =	simm.s32 @!p0 $0x1082;
	s9 =	sld [smem:$0x3FB8]  }
0x2f: {  	lr =	sadd.s32 s0, s3;
	s0 =	sld [smem:$0x3FAF]  }
0x30: {  	s3 =	sld [smem:$0x3FB2]  }
0x31: {  	[smem:$0x3FBB] =	sst s10  }
0x32: {  	s10 =	sld [smem:$0x3FB9];
	_ =	sdelay $0x3  }
0x33: {  	p0 =	seq.s32 s10, $0x1;
	s10 =	sld [smem:$0x3FBB];
	_ =	sdelay $0x3  }
0x34: {  	[smem:$0x3FBB] =	sst s10  }
0x35: {  	s10 =	sld [smem:$0x3FBA];
	_ =	sdelay $0x3  }
0x36: {  	p1 =	seq.s32 s10, $0x1;
	s10 =	sld [smem:$0x3FBB];
	_ =	sdelay $0x3  }
0x37: {  	[smem:$0x3FBB] =	sst s10  }
0x38: {  	s10 =	sld [smem:$0x3FBC]  }
0x39: {  	_ = 	snop;
	(pc) =	sbr.ind lr, $3  }
0x3a: {  	_ = 	snop  }
0x3b: {  	_ = 	snop  }
0x3c: {  	p2 =	seq.s32 s10, $0x1;
	s10 =	sld [smem:$0x3FBB]  }
0x3d: {  	_ =	shalt  }
0x3e: {  	_ =	shalt  }
0x3f: {  	_ =	shalt  }
0x40: {  	_ =	shalt  }
0x41: {  	_ =	shalt  }
0x42: {  	_ =	shalt  }
0x43: {  	_ =	shalt  }
0x44: {  	_ =	shalt  }
0x45: {  	_ =	shalt  }
0x46: {  	_ =	shalt  }
0x47: {  	_ =	shalt  }
0x48: {  	_ =	shalt  }
0x49: {  	_ =	shalt  }
0x4a: {  	_ =	shalt  }
0x4b: {  	_ =	shalt  }
0x4c: {  	_ =	shalt  }
0x4d: {  	_ =	shalt  }
0x4e: {  	_ =	shalt  }
0x4f: {  	_ =	shalt  }
0x50: {  	_ =	shalt  }
0x51: {  	_ =	shalt  }
0x52: {  	_ =	shalt  }
0x53: {  	_ =	shalt  }
0x54: {  	_ =	shalt  }
0x55: {  	_ =	shalt  }
0x56: {  	_ =	shalt  }
0x57: {  	_ =	shalt  }
0x58: {  	_ =	shalt  }
0x59: {  	_ =	shalt  }
0x5a: {  	_ =	shalt  }
0x5b: {  	_ =	shalt  }
0x5c: {  	_ =	shalt  }
0x5d: {  	_ =	shalt  }
0x5e: {  	_ =	shalt  }
0x5f: {  	_ =	shalt  }
0x60: {  	_ =	shalt  }
0x61: {  	_ =	shalt  }
0x62: {  	_ =	shalt  }
0x63: {  	_ =	shalt  }
0x64: {  	_ =	shalt  }
0x65: {  	_ =	shalt  }
0x66: {  	_ =	shalt  }
0x67: {  	_ =	shalt  }
0x68: {  	_ =	shalt  }
0x69: {  	_ =	shalt  }
0x6a: {  	_ =	shalt  }
0x6b: {  	_ =	shalt  }
0x6c: {  	_ =	shalt  }
0x6d: {  	_ =	shalt  }
0x6e: {  	_ =	shalt  }
0x6f: {  	_ =	shalt  }
0x70: {  	_ =	shalt  }
0x71: {  	_ =	shalt  }
0x72: {  	_ =	shalt  }
0x73: {  	_ =	shalt  }
0x74: {  	_ =	shalt  }
0x75: {  	_ =	shalt  }
0x76: {  	_ =	shalt  }
0x77: {  	_ =	shalt  }
0x78: {  	_ =	shalt  }
0x79: {  	_ =	shalt  }
0x7a: {  	_ =	shalt  }
0x7b: {  	_ =	shalt  }
0x7c: {  	_ =	shalt  }
0x7d: {  	_ =	shalt  }
0x7e: {  	_ =	shalt  }
0x7f: {  	_ =	shalt  }
0x80: {  	_ =	shalt  }
0x81: {  	_ =	shalt  }
0x82: {  	_ =	shalt  }
0x83: {  	_ =	shalt  }
0x84: {  	_ =	shalt  }
0x85: {  	_ =	shalt  }
0x86: {  	_ =	shalt  }
0x87: {  	_ =	shalt  }
.Lfunc_end0:
.L_simem_size_0:
called_computation_lowered:
.L_overlay_start_0:
0x88: {  	s2 =	sld [smem:$0x3FD9]  }
0x89: {  	s3 =	sld [smem:$0x3FFE];
	_ =	sdelay $0x1  }
0x8a: {  	s1 =	srdreg.scid  }
0x8b: {  	s0 =	sand.u32 $0x1, s1  }
0x8c: {  	s16 =	sshll.u32 s0, $0xA;
	s2 =	sadd.s32 s3, s2  }
0x8d: {  	s2 =	sadd.s32 s2, s16  }
0x8e: {  	[smem:$0x3FC7] =	sst s2  }
0x8f: {  	_ = 	snop  }
0x90: {  	(tm) =	ssettm $0x1  }
0x91: {  	s17 =	sld [smem:$0x3FFB];
	_ =	sdelay $0x3  }
0x92: {  	_ =	strace s17  }
0x93: {  	s2 =	sld [smem:$0x3FFC];
	_ =	sdelay $0x3  }
0x94: {  	_ =	strace s2  }
0x95: {  	s2 =	sld [smem:$0x3FFD];
	_ =	sdelay $0x3  }
0x96: {  	_ =	strace s2  }
0x97: {  	_ =	strace $0x8FFFFFFF  }
0x98: {  	s18 =	sld [smem:$0x3FDB];
	_ =	sdelay $0x1  }
0x99: {  	s19 =	simm.s32 $_scs_section_size  }
0x9a: {  	s4 =	simm.s32 $_size__tile_overlayer_lowered;
	s5 =	simm.s32 $_tile_overlayer_lowered  }
0x9b: {  	s22 =	simm.s32 $0x1BFF;
	s21 =	sshll.u32 s5, $0x1;
	s2 =	sadd.s32 s19, s18  }
0x9c: {  	s6 =	simm.s32 $0x0;
	s20 =	sshll.u32 s4, $0x1;
	s4 =	sadd.s32 s21, s2  }
0x9d: {  	[timem:s6], [sflag:s22] =	dma.local [hbm:s4], s20  }
0x9e: {  	_ =	swait.ge [sflag:s22], s20  }
0x9f: {  	s3 =	ssub.s32 $0x0, s20;
	[sflag:s22] =	ssyncset.done $0x0  }
0xa0: {  	[sflag:s22] =	ssyncadd.s32 s3;
	_ =	sdelay $0x1  }
0xa1: {  	s23 =	simm.s32 $0x1B8B  }
0xa2: {  	_ =	swait.ge [sflag:s23], $0x1  }
0xa3: {  	[sflag:s23] =	ssyncset.done $0x0  }
0xa4: {  	s25 =	simm.s32 $0x1B8E;
	s24 =	sld [smem:$0x3FFE];
	[sflag:s23] =	ssyncadd.s32 $0xFFFFFFFF  }
0xa5: {  	s26 =	simm.s32 $execute0_lowered;
	[smem:$0x3FD2] =	sst s25  }
0xa6: {  	s4 =	sshll.u32 s26, $0x1;
	_ =	strace $0x80000046;
	[dreg:$0x1] =	wrdreg $0xFFFFFFFF  }
0xa7: {  	s28 =	simm.s32 $_size_execute0_lowered;
	s2 =	sadd.s32 s2, s4;
	[dreg:$0x0] =	wrdreg $0x0  }
0xa8: {  	s4 =	sshll.u32 s28, $0x1;
	[dreg:$0x2] =	wrdreg s2  }
0xa9: {  	[dreg:$0x3] =	wrdreg s4  }
0xaa: {  	[dreg:$0x4] =	wrdreg $0xC0  }
0xab: {  	_ =	task [dreg:s6], $0x5FFFF  }
0xac: {  	[dreg:$0x1] =	wrdreg $0xFFFFFFFF  }
0xad: {  	[dreg:$0x0] =	wrdreg $0x60  }
0xae: {  	[dreg:$0x2] =	wrdreg s24  }
0xaf: {  	[dreg:$0x3] =	wrdreg $0x9  }
0xb0: {  	_ =	task.clear_ibuf [dreg:s6], $0x4FFFF;
	_ =	strace $0x90000046  }
0xb1: {  	s29 =	simm.s32 $0x9;
	_ =	strace $0x80000048  }
0xb2: {  	_ =	swait.ge [sflag:s29], $0x1  }
0xb3: {  	[sflag:s29] =	ssyncadd.s32 $0xFFFFFFFF  }
0xb4: {  	_ =	strace $0x90000048  }
0xb5: {  	_ =	sfence  }
0xb6: {  	s30 =	sld [smem:$0x0];
	_ =	sdelay $0x2  }
0xb7: {  	s31 =	sshll.u32 s1, $0xD;
	s1 =	sshrl.u32 s1, $0x2  }
0xb8: {  	s3 =	sand.u32 $0x4000, s31;
	s1 =	sadd.s32 s1, s30  }
0xb9: {  	s0 =	sor.u32 s3, s0;
	s1 =	sshll.u32 s1, $0x11  }
0xba: {  	s0 =	sor.u32 s1, s0  }
0xbb: {  	s0 =	sadd.s32 $0x8F2B, s0  }
0xbc: {  	[sflag:s0] =	ssyncadd.remote.s32 $0x1  }
0xbd: {  	_ =	sfence.sel $0xFFFF  }
0xbe: {  	[dreg:$0x0] =	wrdreg $0xFFFFFFFF;
	(pc) =	sbr.abs _section_cstart, $3  }
0xbf: {  	[dreg:$0x1] =	wrdreg $0xFFFFFFFF  }
0xc0: {  	_ =	task.clear_ibuf [dreg:s6], $0x2FFFF;
	_ =	strace $0x9FFFFFFF  }
0xc1: {  	(tm) =	ssettm $0x7FFFFFFF  }
tec
execute0_lowered:
.L_overlay_start_1:
0x0: {  	(tag) =	ssettag $0x1  }
0x1: {  	s0 =	srdreg.scid  }
0x2: {  	s1 =	rddreg [dreg:$0x0];
	s2 =	stileid.u32;
	v0 =	vimm.s32 $0xB9BEBBB8;
	v1 =	vimm.s32 $0xBDBABFBC  }
0x3: {  	s29 =	simm.s32 $0x0;
	v5 =	vlaneseq.u32;
	vm0 =	vcmask $0x1F10;
	v6 =	vimm.s32 $0x52741630;
	s8 =	simm.s32 $0x12000;
	s12 =	simm.s32 $0x0  }
0x4: {  	v7 =	vimm.s32 $0x63052741;
	v8 =	vimm.s32 $0x74163052;
	s0 =	sand.u32 $0x1, s0;
	s3 =	sshll.u32 s2, $0x4;
	[smem:$0x7FF] =	sst s29;
	v2 =	vunpack.c.0.s8.s32 v0  }
0x5: {  	s30 =	sadd.s32 $0xC0400, s1;
	v3 =	vunpack.c.0.s8.s32 v1;
	v0 =	vmul.u32 $0x3, v5;
	v1 =	vimm.s32 $0x0;
	s4 =	sshll.u32 s0, $0x3;
	s0 =	ssub.s32 $0x2, s0  }
.Ltmp0:
0x6: {  	v9 =	vunpack.c.l.s4.s8 v6;
	v6 =	vimm.s32 $0xDAFC9EB8;
	v10 =	vunpack.c.l.s4.s8 v7;
	s3 =	sor.u32 s4, s3;
	s5 =	sshrl.u32 s0, $0x1;
	(pc) =	sbr.rel .LBB2_1-.Ltmp0, $4  }
0x7: {  	v11 =	vunpack.c.l.s4.s8 v8;
	v5 =	vmul.u32 $0x100, v5;
	v12 =	vunpack.c.l.s4.s8 v6;
	[dreg:$0x2] =	wrdreg s3;
	s6 =	smul.u32 $0xC00, s3;
	s0 =	ssub.s32 s0, s5  }
0x8: {  	v6 =	vimm.s32 $0x1;
	v2 =	vsel vm0, v3, v2;
	v3 =	vadd.s32 $0x1, v0;
	_ =	strace $0x80000047;
	[dreg:$0x3] =	wrdreg s30;
	s0 =	smax.u32 s0, $0x1  }
0x9: {  	v4 =	vadd.s32 $0x2, v0;
	v7 =	vunpack.c.0.s8.s32 v9;
	v8 =	vunpack.c.0.s8.s32 v10;
	s5 =	sadd.s32 $0x400, s1;
	s31 =	sadd.s32 s30, s6;
	[dreg:$0x5] =	wrdreg s0  }
0xa: {  	v9 =	vunpack.c.0.s8.s32 v11;
	v2 =	vcombine.low v2, v2;
	s1 =	simm.s32 $0x1;
	v10 =	vunpack.c.0.s8.s32 v12;
	s3 =	simm.s32 $0x0;
	[dreg:$0x4] =	wrdreg s31  }
.LBB2_29:
0xb: {  	s0 =	simm.s32 $0x2  }
0xc: {  	_ =	swait.ge [sflag:s0], $0x2000  }
0xd: {  	[sflag:s0] =	ssyncset.done $0x0  }
0xe: {  	s2 =	simm.s32 $0x3;
	[sflag:s0] =	ssyncadd.s32 $0xFFFFE000  }
0xf: {  	_ =	swait.ge [sflag:s2], $0x2000  }
0x10: {  	s3 =	rddreg [dreg:$0x6]  }
0x11: {  	s31 =	rddreg [dreg:$0x5];
	s3 =	sadd.s32 $0x1, s3  }
0x12: {  	p0 =	sne.s32 s3, s31  }
.Ltmp1:
0x13: {  	_ = 	snop;
	(pc) =	sbr.rel @!p0 .LBB2_30-.Ltmp1, $3  }
0x14: {  	_ =	sdelay $0x1  }
0x15: {  	[sflag:s2] =	ssyncset.done $0x0  }
0x16: {  	[sflag:s2] =	ssyncadd.s32 $0xFFFFE000  }
.LBB2_1:
0x17: {  	[dreg:$0x6] =	wrdreg s3;
	s0 =	simm.s32 $0x3E4C  }
0x18: {  	s9 =	simm.s32 $0x3036;
	[smem:$0x0] =	sst s0  }
0x19: {  	s10 =	simm.s32 $0xE25;
	[smem:$0x1] =	sst s9  }
0x1a: {  	s11 =	simm.s32 $0x5643;
	[smem:$0x2] =	sst s10  }
0x1b: {  	s13 =	simm.s32 $0x7A7;
	[smem:$0x3] =	sst s11  }
0x1c: {  	s14 =	simm.s32 $0x5841;
	[smem:$0x4] =	sst s13  }
0x1d: {  	s15 =	simm.s32 $0x1C83;
	[smem:$0x5] =	sst s14  }
0x1e: {  	s16 =	simm.s32 $0x1B75;
	[smem:$0x6] =	sst s15  }
0x1f: {  	s17 =	simm.s32 $0x4812;
	[smem:$0x7] =	sst s16  }
0x20: {  	s18 =	simm.s32 $0x3F06;
	[smem:$0x8] =	sst s17  }
0x21: {  	s19 =	simm.s32 $0x678;
	[smem:$0x9] =	sst s18  }
0x22: {  	s20 =	simm.s32 $0x47D6;
	[smem:$0xA] =	sst s19  }
0x23: {  	s21 =	simm.s32 $0x58CB;
	[smem:$0xB] =	sst s20  }
0x24: {  	s22 =	simm.s32 $0x591;
	[smem:$0xC] =	sst s21  }
0x25: {  	s23 =	simm.s32 $0x5F64;
	[smem:$0xD] =	sst s22  }
0x26: {  	s24 =	simm.s32 $0x1536;
	[smem:$0xE] =	sst s23  }
0x27: {  	s25 =	simm.s32 $0x42E1;
	[smem:$0xF] =	sst s24  }
0x28: {  	s26 =	simm.s32 $0x3A86;
	[smem:$0x10] =	sst s25  }
0x29: {  	s28 =	simm.s32 $0x21C9;
	[smem:$0x11] =	sst s26  }
0x2a: {  	s29 =	simm.s32 $0x615;
	[smem:$0x12] =	sst s28  }
0x2b: {  	s30 =	simm.s32 $0x2AA2;
	[smem:$0x13] =	sst s29  }
0x2c: {  	s31 =	simm.s32 $0x7A1;
	[smem:$0x14] =	sst s30  }
0x2d: {  	s2 =	simm.s32 $0x1B24;
	[smem:$0x15] =	sst s31  }
0x2e: {  	s3 =	simm.s32 $0x5C49;
	[smem:$0x16] =	sst s2  }
0x2f: {  	s4 =	simm.s32 $0x2544;
	[smem:$0x17] =	sst s3  }
0x30: {  	s6 =	simm.s32 $0x1233;
	[smem:$0x18] =	sst s4  }
0x31: {  	s7 =	simm.s32 $0x53D0;
	[smem:$0x19] =	sst s6  }
0x32: {  	s9 =	simm.s32 $0x651;
	[smem:$0x1A] =	sst s7  }
0x33: {  	s10 =	simm.s32 $0x4B54;
	[smem:$0x1B] =	sst s9  }
0x34: {  	s11 =	simm.s32 $0x27A5;
	[smem:$0x1C] =	sst s10  }
0x35: {  	s13 =	simm.s32 $0x4B0F;
	[smem:$0x1D] =	sst s11  }
0x36: {  	s14 =	simm.s32 $0x7EC;
	[smem:$0x1E] =	sst s13  }
0x37: {  	s15 =	simm.s32 $0x117F;
	[smem:$0x1F] =	sst s14  }
0x38: {  	s16 =	simm.s32 $0x188A;
	[smem:$0x20] =	sst s15  }
0x39: {  	s17 =	simm.s32 $0x2499;
	[smem:$0x21] =	sst s16  }
0x3a: {  	s18 =	simm.s32 $0x183C;
	[smem:$0x22] =	sst s17  }
0x3b: {  	s19 =	simm.s32 $0x398A;
	[smem:$0x23] =	sst s18  }
0x3c: {  	s20 =	simm.s32 $0x4716;
	[smem:$0x24] =	sst s19  }
0x3d: {  	s21 =	simm.s32 $0x2DF3;
	[smem:$0x25] =	sst s20  }
0x3e: {  	s22 =	simm.s32 $0x47C7;
	[smem:$0x26] =	sst s21  }
0x3f: {  	s23 =	simm.s32 $0x4515;
	[smem:$0x27] =	sst s22  }
0x40: {  	s24 =	simm.s32 $0x42CC;
	[smem:$0x28] =	sst s23  }
0x41: {  	s25 =	simm.s32 $0x2BC5;
	[smem:$0x29] =	sst s24  }
0x42: {  	s26 =	simm.s32 $0x477;
	[smem:$0x2A] =	sst s25  }
0x43: {  	s28 =	simm.s32 $0x526B;
	[smem:$0x2B] =	sst s26  }
0x44: {  	s29 =	simm.s32 $0x3240;
	[smem:$0x2C] =	sst s28  }
0x45: {  	s30 =	simm.s32 $0x27B4;
	[smem:$0x2D] =	sst s29  }
0x46: {  	s31 =	simm.s32 $0x4FEC;
	[smem:$0x2E] =	sst s30  }
0x47: {  	s2 =	simm.s32 $0x3969;
	[smem:$0x2F] =	sst s31  }
0x48: {  	s3 =	simm.s32 $0x4227;
	[smem:$0x30] =	sst s2  }
0x49: {  	s4 =	simm.s32 $0x43BC;
	[smem:$0x31] =	sst s3  }
0x4a: {  	s6 =	simm.s32 $0x5C91;
	[smem:$0x32] =	sst s4  }
0x4b: {  	s7 =	simm.s32 $0xB76;
	[smem:$0x33] =	sst s6  }
0x4c: {  	s9 =	simm.s32 $0x459;
	[smem:$0x34] =	sst s7  }
0x4d: {  	s10 =	simm.s32 $0x17E8;
	[smem:$0x35] =	sst s9  }
0x4e: {  	s11 =	simm.s32 $0x525;
	[smem:$0x36] =	sst s10  }
0x4f: {  	s13 =	simm.s32 $0x1821;
	[smem:$0x37] =	sst s11  }
0x50: {  	s14 =	simm.s32 $0x3FF6;
	[smem:$0x38] =	sst s13  }
0x51: {  	s15 =	simm.s32 $0x1611;
	[smem:$0x39] =	sst s14  }
0x52: {  	s16 =	simm.s32 $0x232B;
	[smem:$0x3A] =	sst s15  }
0x53: {  	s17 =	simm.s32 $0x514B;
	[smem:$0x3B] =	sst s16  }
0x54: {  	s18 =	simm.s32 $0x5D12;
	[smem:$0x3C] =	sst s17  }
0x55: {  	s19 =	simm.s32 $0x1560;
	[smem:$0x3D] =	sst s18  }
0x56: {  	s20 =	simm.s32 $0x2B98;
	[smem:$0x3E] =	sst s19  }
0x57: {  	s0 =	simm.s32 $0x1389;
	[smem:$0x3F] =	sst s20  }
0x58: {  	s2 =	simm.s32 $0x4C6B;
	[smem:$0x40] =	sst s0  }
0x59: {  	s21 =	simm.s32 $0x339C;
	[smem:$0x41] =	sst s2  }
0x5a: {  	s22 =	simm.s32 $0x3720;
	[smem:$0x42] =	sst s21  }
0x5b: {  	s23 =	simm.s32 $0x6C6;
	[smem:$0x43] =	sst s22  }
0x5c: {  	s24 =	simm.s32 $0x262B;
	[smem:$0x44] =	sst s23  }
0x5d: {  	s25 =	simm.s32 $0x2604;
	[smem:$0x45] =	sst s24  }
0x5e: {  	s26 =	simm.s32 $0x2DCF;
	[smem:$0x46] =	sst s25  }
0x5f: {  	s28 =	simm.s32 $0x53D9;
	[smem:$0x47] =	sst s26  }
0x60: {  	s29 =	simm.s32 $0x4887;
	[smem:$0x48] =	sst s28  }
0x61: {  	s30 =	simm.s32 $0x2BEC;
	[smem:$0x49] =	sst s29  }
0x62: {  	s31 =	simm.s32 $0x5F4;
	[smem:$0x4A] =	sst s30  }
0x63: {  	s3 =	simm.s32 $0x278A;
	[smem:$0x4B] =	sst s31  }
0x64: {  	s4 =	simm.s32 $0x3AFE;
	[smem:$0x4C] =	sst s3  }
0x65: {  	s6 =	simm.s32 $0x1293;
	[smem:$0x4D] =	sst s4  }
0x66: {  	s7 =	simm.s32 $0x3D23;
	[smem:$0x4E] =	sst s6  }
0x67: {  	s9 =	simm.s32 $0x4245;
	[smem:$0x4F] =	sst s7  }
0x68: {  	s10 =	simm.s32 $0x1470;
	[smem:$0x50] =	sst s9  }
0x69: {  	s11 =	simm.s32 $0x591F;
	[smem:$0x51] =	sst s10  }
0x6a: {  	s13 =	simm.s32 $0x4584;
	[smem:$0x52] =	sst s11  }
0x6b: {  	s2 =	simm.s32 $0x5913;
	[smem:$0x53] =	sst s13  }
0x6c: {  	s14 =	simm.s32 $0x15A8;
	[smem:$0x54] =	sst s2  }
0x6d: {  	s15 =	simm.s32 $0x3A08;
	[smem:$0x55] =	sst s14  }
0x6e: {  	s16 =	simm.s32 $0x18A8;
	[smem:$0x56] =	sst s15  }
0x6f: {  	s17 =	simm.s32 $0x40F8;
	[smem:$0x57] =	sst s16  }
0x70: {  	s18 =	simm.s32 $0x53FA;
	[smem:$0x58] =	sst s17  }
0x71: {  	s19 =	simm.s32 $0x3D1D;
	[smem:$0x59] =	sst s18  }
0x72: {  	s20 =	simm.s32 $0x2BBF;
	[smem:$0x5A] =	sst s19  }
0x73: {  	s21 =	simm.s32 $0x21BA;
	[smem:$0x5B] =	sst s20  }
0x74: {  	s22 =	simm.s32 $0x5028;
	[smem:$0x5C] =	sst s21  }
0x75: {  	s23 =	simm.s32 $0xDB9;
	[smem:$0x5D] =	sst s22  }
0x76: {  	s24 =	simm.s32 $0x538B;
	[smem:$0x5E] =	sst s23  }
0x77: {  	s25 =	simm.s32 $0x23E5;
	[smem:$0x5F] =	sst s24  }
0x78: {  	s26 =	simm.s32 $0x119D;
	[smem:$0x60] =	sst s25  }
0x79: {  	s28 =	simm.s32 $0x562E;
	[smem:$0x61] =	sst s26  }
0x7a: {  	s29 =	simm.s32 $0x3BA3;
	[smem:$0x62] =	sst s28  }
0x7b: {  	s30 =	simm.s32 $0x3993;
	[smem:$0x63] =	sst s29  }
0x7c: {  	s31 =	simm.s32 $0x2814;
	[smem:$0x64] =	sst s30  }
0x7d: {  	s4 =	simm.s32 $0x336F;
	[smem:$0x65] =	sst s31  }
0x7e: {  	s6 =	simm.s32 $0x426C;
	[smem:$0x66] =	sst s4  }
0x7f: {  	s7 =	simm.s32 $0x3D7D;
	[smem:$0x67] =	sst s6  }
0x80: {  	s9 =	simm.s32 $0x4D64;
	[smem:$0x68] =	sst s7  }
0x81: {  	s10 =	simm.s32 $0x1EBA;
	[smem:$0x69] =	sst s9  }
0x82: {  	s11 =	simm.s32 $0x3666;
	[smem:$0x6A] =	sst s10  }
0x83: {  	s13 =	simm.s32 $0x37CB;
	[smem:$0x6B] =	sst s11  }
0x84: {  	s14 =	simm.s32 $0x25CB;
	[smem:$0x6C] =	sst s13  }
0x85: {  	s15 =	simm.s32 $0x4671;
	[smem:$0x6D] =	sst s14  }
0x86: {  	s16 =	simm.s32 $0x3BFD;
	[smem:$0x6E] =	sst s15  }
0x87: {  	s17 =	simm.s32 $0xF69;
	[smem:$0x6F] =	sst s16  }
0x88: {  	s18 =	simm.s32 $0x5C34;
	[smem:$0x70] =	sst s17  }
0x89: {  	s19 =	simm.s32 $0x27C3;
	[smem:$0x71] =	sst s18  }
0x8a: {  	s20 =	simm.s32 $0x2B29;
	[smem:$0x72] =	sst s19  }
0x8b: {  	s21 =	simm.s32 $0x588F;
	[smem:$0x73] =	sst s20  }
0x8c: {  	s22 =	simm.s32 $0x4B18;
	[smem:$0x74] =	sst s21  }
0x8d: {  	s23 =	simm.s32 $0x2E1A;
	[smem:$0x75] =	sst s22  }
0x8e: {  	s24 =	simm.s32 $0x4329;
	[smem:$0x76] =	sst s23  }
0x8f: {  	[smem:$0x77] =	sst s24  }
0x90: {  	s25 =	simm.s32 $0x9C0;
	[smem:$0x78] =	sst s0  }
0x91: {  	s26 =	simm.s32 $0x2706;
	[smem:$0x79] =	sst s25  }
0x92: {  	s28 =	simm.s32 $0xCC9;
	[smem:$0x7A] =	sst s26  }
0x93: {  	s29 =	simm.s32 $0x4026;
	[smem:$0x7B] =	sst s28  }
0x94: {  	s30 =	simm.s32 $0x267C;
	[smem:$0x7C] =	sst s29  }
0x95: {  	s31 =	simm.s32 $0x266A;
	[smem:$0x7D] =	sst s30  }
0x96: {  	s3 =	simm.s32 $0x3A92;
	[smem:$0x7E] =	sst s31  }
0x97: {  	s4 =	simm.s32 $0x6F3;
	[smem:$0x7F] =	sst s3  }
0x98: {  	s6 =	simm.s32 $0x1314;
	[smem:$0x80] =	sst s4  }
0x99: {  	s7 =	simm.s32 $0x2745;
	[smem:$0x81] =	sst s6  }
0x9a: {  	s9 =	simm.s32 $0x1FE6;
	[smem:$0x82] =	sst s7  }
0x9b: {  	[smem:$0x83] =	sst s9  }
0x9c: {  	s10 =	simm.s32 $0x117;
	[smem:$0x84] =	sst s9  }
0x9d: {  	s11 =	simm.s32 $0x1ACD;
	[smem:$0x85] =	sst s10  }
0x9e: {  	s13 =	simm.s32 $0x50B2;
	[smem:$0x86] =	sst s11  }
0x9f: {  	s14 =	simm.s32 $0xA0B;
	[smem:$0x87] =	sst s13  }
0xa0: {  	s15 =	simm.s32 $0xA3E;
	[smem:$0x88] =	sst s14  }
0xa1: {  	s16 =	simm.s32 $0x1A73;
	[smem:$0x89] =	sst s15  }
0xa2: {  	s17 =	simm.s32 $0x21C3;
	[smem:$0x8A] =	sst s16  }
0xa3: {  	s18 =	simm.s32 $0x4A55;
	[smem:$0x8B] =	sst s17  }
0xa4: {  	s19 =	simm.s32 $0x5AE4;
	[smem:$0x8C] =	sst s18  }
0xa5: {  	s20 =	simm.s32 $0x5BD1;
	[smem:$0x8D] =	sst s19  }
0xa6: {  	s21 =	simm.s32 $0x2E14;
	[smem:$0x8E] =	sst s20  }
0xa7: {  	s22 =	simm.s32 $0x4CB6;
	[smem:$0x8F] =	sst s21  }
0xa8: {  	s23 =	simm.s32 $0x58F2;
	[smem:$0x90] =	sst s22  }
0xa9: {  	s24 =	simm.s32 $0x5781;
	[smem:$0x91] =	sst s23  }
0xaa: {  	s25 =	simm.s32 $0x4509;
	[smem:$0x92] =	sst s24  }
0xab: {  	s26 =	simm.s32 $0x753;
	[smem:$0x93] =	sst s25  }
0xac: {  	s28 =	simm.s32 $0x1E63;
	[smem:$0x94] =	sst s26  }
0xad: {  	s29 =	simm.s32 $0x2355;
	[smem:$0x95] =	sst s28  }
0xae: {  	s30 =	simm.s32 $0x1296;
	[smem:$0x96] =	sst s29  }
0xaf: {  	s31 =	simm.s32 $0x1341;
	[smem:$0x97] =	sst s30  }
0xb0: {  	s3 =	simm.s32 $0x4B90;
	[smem:$0x98] =	sst s31  }
0xb1: {  	s4 =	simm.s32 $0x5EE0;
	[smem:$0x99] =	sst s3  }
0xb2: {  	s6 =	simm.s32 $0x12F9;
	[smem:$0x9A] =	sst s4  }
0xb3: {  	s7 =	simm.s32 $0x2C0A;
	[smem:$0x9B] =	sst s6  }
0xb4: {  	s9 =	simm.s32 $0xDB3;
	[smem:$0x9C] =	sst s7  }
0xb5: {  	s10 =	simm.s32 $0x58A1;
	[smem:$0x9D] =	sst s9  }
0xb6: {  	s11 =	simm.s32 $0x10CE;
	[smem:$0x9E] =	sst s10  }
0xb7: {  	s13 =	simm.s32 $0x3C8A;
	[smem:$0x9F] =	sst s11  }
0xb8: {  	s14 =	simm.s32 $0x12FC;
	[smem:$0xA0] =	sst s13  }
0xb9: {  	s15 =	simm.s32 $0x4542;
	[smem:$0xA1] =	sst s14  }
0xba: {  	s16 =	simm.s32 $0x1EF9;
	[smem:$0xA2] =	sst s15  }
0xbb: {  	s17 =	simm.s32 $0x2BAA;
	[smem:$0xA3] =	sst s16  }
0xbc: {  	s18 =	simm.s32 $0x1491;
	[smem:$0xA4] =	sst s17  }
0xbd: {  	s19 =	simm.s32 $0xFED;
	[smem:$0xA5] =	sst s18  }
0xbe: {  	s20 =	simm.s32 $0x365D;
	[smem:$0xA6] =	sst s19  }
0xbf: {  	s21 =	simm.s32 $0x4C8;
	[smem:$0xA7] =	sst s20  }
0xc0: {  	s22 =	simm.s32 $0x578D;
	[smem:$0xA8] =	sst s21  }
0xc1: {  	s23 =	simm.s32 $0x2D75;
	[smem:$0xA9] =	sst s22  }
0xc2: {  	s24 =	simm.s32 $0x345C;
	[smem:$0xAA] =	sst s23  }
0xc3: {  	s25 =	simm.s32 $0x20AC;
	[smem:$0xAB] =	sst s24  }
0xc4: {  	s26 =	simm.s32 $0x56A3;
	[smem:$0xAC] =	sst s25  }
0xc5: {  	s28 =	simm.s32 $0xF42;
	[smem:$0xAD] =	sst s26  }
0xc6: {  	s29 =	simm.s32 $0x1E2D;
	[smem:$0xAE] =	sst s28  }
0xc7: {  	s30 =	simm.s32 $0x164A;
	[smem:$0xAF] =	sst s29  }
0xc8: {  	s31 =	simm.s32 $0x558;
	[smem:$0xB0] =	sst s30  }
0xc9: {  	s3 =	simm.s32 $0x1866;
	[smem:$0xB1] =	sst s31  }
0xca: {  	s4 =	simm.s32 $0x5499;
	[smem:$0xB2] =	sst s3  }
0xcb: {  	s6 =	simm.s32 $0x510C;
	[smem:$0xB3] =	sst s4  }
0xcc: {  	s7 =	simm.s32 $0x3D2F;
	[smem:$0xB4] =	sst s6  }
0xcd: {  	s9 =	simm.s32 $0x20E2;
	[smem:$0xB5] =	sst s7  }
0xce: {  	s10 =	simm.s32 $0x2A15;
	[smem:$0xB6] =	sst s9  }
0xcf: {  	s11 =	simm.s32 $0x4C7D;
	[smem:$0xB7] =	sst s10  }
0xd0: {  	s13 =	simm.s32 $0x5592;
	[smem:$0xB8] =	sst s11  }
0xd1: {  	s14 =	simm.s32 $0x594F;
	[smem:$0xB9] =	sst s13  }
0xd2: {  	s15 =	simm.s32 $0x4968;
	[smem:$0xBA] =	sst s14  }
0xd3: {  	s16 =	simm.s32 $0x2C04;
	[smem:$0xBB] =	sst s15  }
0xd4: {  	s17 =	simm.s32 $0x19BF;
	[smem:$0xBC] =	sst s16  }
0xd5: {  	s18 =	simm.s32 $0x4C47;
	[smem:$0xBD] =	sst s17  }
0xd6: {  	s19 =	simm.s32 $0x3207;
	[smem:$0xBE] =	sst s18  }
0xd7: {  	s20 =	simm.s32 $0x441C;
	[smem:$0xBF] =	sst s19  }
0xd8: {  	s21 =	simm.s32 $0x10A7;
	[smem:$0xC0] =	sst s20  }
0xd9: {  	s22 =	simm.s32 $0x5505;
	[smem:$0xC1] =	sst s21  }
0xda: {  	s23 =	simm.s32 $0x4D79;
	[smem:$0xC2] =	sst s22  }
0xdb: {  	s24 =	simm.s32 $0x2DC0;
	[smem:$0xC3] =	sst s23  }
0xdc: {  	s25 =	simm.s32 $0x4D61;
	[smem:$0xC4] =	sst s24  }
0xdd: {  	s26 =	simm.s32 $0x1422;
	[smem:$0xC5] =	sst s25  }
0xde: {  	s28 =	simm.s32 $0x413A;
	[smem:$0xC6] =	sst s26  }
0xdf: {  	s29 =	simm.s32 $0x41BB;
	[smem:$0xC7] =	sst s28  }
0xe0: {  	s30 =	simm.s32 $0x187B;
	[smem:$0xC8] =	sst s29  }
0xe1: {  	[smem:$0xC9] =	sst s30  }
0xe2: {  	s31 =	simm.s32 $0x462F;
	[smem:$0xCA] =	sst s2  }
0xe3: {  	s2 =	simm.s32 $0xE9D;
	[smem:$0xCB] =	sst s31  }
0xe4: {  	s3 =	simm.s32 $0x1B90;
	[smem:$0xCC] =	sst s2  }
0xe5: {  	s4 =	simm.s32 $0x5C46;
	[smem:$0xCD] =	sst s3  }
0xe6: {  	s6 =	simm.s32 $0x426;
	[smem:$0xCE] =	sst s4  }
0xe7: {  	s7 =	simm.s32 $0x4DCD;
	[smem:$0xCF] =	sst s6  }
0xe8: {  	s9 =	simm.s32 $0x723;
	[smem:$0xD0] =	sst s7  }
0xe9: {  	s10 =	simm.s32 $0x4F3B;
	[smem:$0xD1] =	sst s9  }
0xea: {  	s11 =	simm.s32 $0x6ED;
	[smem:$0xD2] =	sst s10  }
0xeb: {  	s13 =	simm.s32 $0x184B;
	[smem:$0xD3] =	sst s11  }
0xec: {  	s14 =	simm.s32 $0x471C;
	[smem:$0xD4] =	sst s13  }
0xed: {  	s15 =	simm.s32 $0x4905;
	[smem:$0xD5] =	sst s14  }
0xee: {  	s16 =	simm.s32 $0x5C19;
	[smem:$0xD6] =	sst s15  }
0xef: {  	s17 =	simm.s32 $0x3BF7;
	[smem:$0xD7] =	sst s16  }
0xf0: {  	s18 =	simm.s32 $0x3156;
	[smem:$0xD8] =	sst s17  }
0xf1: {  	s19 =	simm.s32 $0x2F61;
	[smem:$0xD9] =	sst s18  }
0xf2: {  	s20 =	simm.s32 $0x2EB;
	[smem:$0xDA] =	sst s19  }
0xf3: {  	s21 =	simm.s32 $0x4C8C;
	[smem:$0xDB] =	sst s20  }
0xf4: {  	s22 =	simm.s32 $0x4764;
	[smem:$0xDC] =	sst s21  }
0xf5: {  	s23 =	simm.s32 $0x5D3;
	[smem:$0xDD] =	sst s22  }
0xf6: {  	s24 =	simm.s32 $0x1A01;
	[smem:$0xDE] =	sst s23  }
0xf7: {  	s25 =	simm.s32 $0x32D0;
	[smem:$0xDF] =	sst s24  }
0xf8: {  	s26 =	simm.s32 $0x5847;
	[smem:$0xE0] =	sst s25  }
0xf9: {  	s28 =	simm.s32 $0x1260;
	[smem:$0xE1] =	sst s26  }
0xfa: {  	s29 =	simm.s32 $0x93C;
	[smem:$0xE2] =	sst s28  }
0xfb: {  	s30 =	simm.s32 $0x4014;
	[smem:$0xE3] =	sst s29  }
0xfc: {  	s31 =	simm.s32 $0x429C;
	[smem:$0xE4] =	sst s30  }
0xfd: {  	s3 =	simm.s32 $0xD77;
	[smem:$0xE5] =	sst s31  }
0xfe: {  	s4 =	simm.s32 $0x1A5B;
	[smem:$0xE6] =	sst s3  }
0xff: {  	s6 =	simm.s32 $0x1CDD;
	[smem:$0xE7] =	sst s4  }
0x100: {  	s7 =	simm.s32 $0x148B;
	[smem:$0xE8] =	sst s6  }
0x101: {  	s9 =	simm.s32 $0x522;
	[smem:$0xE9] =	sst s7  }
0x102: {  	s10 =	simm.s32 $0x2C01;
	[smem:$0xEA] =	sst s9  }
0x103: {  	s11 =	simm.s32 $0x1AB8;
	[smem:$0xEB] =	sst s10  }
0x104: {  	s13 =	simm.s32 $0x477C;
	[smem:$0xEC] =	sst s11  }
0x105: {  	s14 =	simm.s32 $0x2C25;
	[smem:$0xED] =	sst s13  }
0x106: {  	s15 =	simm.s32 $0x582F;
	[smem:$0xEE] =	sst s14  }
0x107: {  	s16 =	simm.s32 $0x11DF;
	[smem:$0xEF] =	sst s15  }
0x108: {  	s17 =	simm.s32 $0x4140;
	[smem:$0xF0] =	sst s16  }
0x109: {  	[smem:$0xF1] =	sst s17  }
0x10a: {  	s18 =	simm.s32 $0x3BEE;
	[smem:$0xF2] =	sst s28  }
0x10b: {  	s19 =	simm.s32 $0x49B3;
	[smem:$0xF3] =	sst s18  }
0x10c: {  	s20 =	simm.s32 $0xA6B;
	[smem:$0xF4] =	sst s19  }
0x10d: {  	s21 =	simm.s32 $0x573F;
	[smem:$0xF5] =	sst s20  }
0x10e: {  	s22 =	simm.s32 $0x1D88;
	[smem:$0xF6] =	sst s21  }
0x10f: {  	s23 =	simm.s32 $0x2AC0;
	[smem:$0xF7] =	sst s22  }
0x110: {  	s0 =	simm.s32 $0x12040;
	s24 =	simm.s32 $0x43FE;
	[smem:$0xF8] =	sst s23  }
0x111: {  	[tilespmem:s0+$0xFFFFFFC0] =	vst v1;
	s25 =	simm.s32 $0x52E6;
	[smem:$0xF9] =	sst s24  }
0x112: {  	[tilespmem:s0+$0x30] =	vst v1;
	s26 =	simm.s32 $0x2A3;
	[smem:$0xFA] =	sst s25  }
0x113: {  	[tilespmem:s0+$0x20] =	vst v1;
	s28 =	simm.s32 $0x5CF4;
	[smem:$0xFB] =	sst s26  }
0x114: {  	[tilespmem:s0+$0x10] =	vst v1;
	s29 =	simm.s32 $0x11B5;
	[smem:$0xFC] =	sst s28  }
0x115: {  	[tilespmem:s0+$0x0] =	vst v1;
	s30 =	simm.s32 $0x3EEE;
	[smem:$0xFD] =	sst s29  }
0x116: {  	[tilespmem:s0+$0xFFFFFFF0] =	vst v1;
	s31 =	simm.s32 $0x2130;
	[smem:$0xFE] =	sst s30  }
0x117: {  	[tilespmem:s0+$0xFFFFFFE0] =	vst v1;
	s6 =	simm.s32 $0x0;
	[smem:$0xFF] =	sst s31  }
.LBB2_2:
0x118: {  	s6 =	sadd.s32 $0x8, s6;
	[tilespmem:s0+$0xFFFFFFD0] =	vst v1;
	s0 =	sadd.s32 $0x80, s0  }
0x119: {  	[tilespmem:s0+$0xFFFFFFC0] =	vst v1;
	p0 =	slt.u32 s6, $0xF8  }
0x11a: {  	[tilespmem:s0+$0x30] =	vst v1  }
.Ltmp2:
0x11b: {  	[tilespmem:s0+$0x20] =	vst v1;
	(pc) =	sbr.rel @p0 .LBB2_2-.Ltmp2, $4  }
0x11c: {  	[tilespmem:s0+$0x10] =	vst v1  }
0x11d: {  	[tilespmem:s0+$0x0] =	vst v1  }
0x11e: {  	[tilespmem:s0+$0xFFFFFFF0] =	vst v1  }
0x11f: {  	[tilespmem:s0+$0xFFFFFFE0] =	vst v1  }
0x120: {  	[tilespmem:s0+$0xFFFFFFD0] =	vst v1  }
0x121: {  	s31 =	simm.s32 $0x4;
	s0 =	rddreg [dreg:$0x4]  }
0x122: {  	[tilespmem:s12], [sflag:$0x4] =	stream.linear.gather [hbm4b:s0+s12], $0x6000, $0x38;
	[tilespmem:$0x13000] =	vst v63  }
0x123: {  	_ =	swait.ge [sflag:s31], $0x6000  }
0x124: {  	[sflag:s31] =	ssyncset.done $0x0  }
0x125: {  	p0 =	por $0x0, $0x0;
	s13 =	simm.s32 $0x0;
	[sflag:s31] =	ssyncadd.s32 $0xFFFFA000  }
.LBB2_4:
0x126: {  	s0 =	rddreg [dreg:$0x2]  }
0x127: {  	s15 =	sand.u32 $0x1, s13;
	s18 =	simm.s32 $0x1;
	s14 =	sor.u32 s0, s13  }
0x128: {  	s6 =	smul.u32 $0x6000, s15;
	s18 =	simm.s32 @!p0 $0x0;
	s0 =	sld [smem:s14+$0x0]  }
0x129: {  	s7 =	smul.u32 $0x6000, s18  }
0x12a: {  	p1 =	seq.s32 s13, $0x7;
	s2 =	rddreg [dreg:$0x3];
	s28 =	simm.s32 $0x0  }
0x12b: {  	s9 =	smul.u32 @!p1 $0x6000, s14;
	s19 =	sor.u32 $0x150, s7;
	s0 =	sadd.s32 s6, s0  }
0x12c: {  	s16 =	sxor.u32 @!p1 $0x1, s15;
	s25 =	sadd.s32 $0xFFFFFEE0, s19;
	v14 =	vadd.s32 s19, v0;
	v15 =	vadd.s32 s19, v3;
	s29 =	sadd.s32 $0xFFFFFEB0, s19;
	v11 =	vmov s0  }
0x12d: {  	s16 =	smul.u32 @!p1 $0x18000, s16;
	s9 =	sshrl.u32 @!p1 s9, $0x3;
	s7 =	sadd.s32 $0xFFFFFFD0, s19;
	v16 =	vadd.s32 s19, v4;
	v17 =	vadd.s32 s25, v0;
	v30 =	vor.u32 s29, v3  }
0x12e: {  	s26 =	sadd.s32 $0xFFFFFF10, s19;
	s9 =	sadd.s32 @!p1 s2, s9;
	s30 =	sadd.s32 $0xFFFFFF70, s19;
	v19 =	vadd.s32 s7, v0;
	v21 =	vadd.s32 s7, v3;
	v12 =	vadd.s32 $0x1, v11  }
0x12f: {  	v24 =	vadd.s32 s7, v4;
	s7 =	sshrl.u32 @!p1 s16, $0x2;
	s9 =	sadd.s32 @!p1 $0xC00, s9;
	s16 =	simm.s32 @!p1 $0x0;
	v28 =	vor.u32 s29, v0;
	v13 =	vadd.s32 $0x2, v11  }
0x130: {  	v18 =	vadd.s32 s25, v3;
	v29 =	vor.u32 s30, v0;
	[tilespmem:s7], [sflag:$0x1] =	stream.linear.gather @!p1 [hbm4b:s9+s16], $0x6000, $0x38;
	v28 =	vand.u32 v2, v28;
	[tilespmem:$0x13000] =	vst v63  }
0x131: {  	v20 =	vadd.s32 s26, v0;
	v14 =	vand.u32 $0x7FFFFFF8, v14;
	v29 =	vand.u32 v10, v29;
	v11 =	vld.idx.msk [tilespmem:v11+s28+$0x0], $0xffff  }
0x132: {  	s17 =	sadd.s32 $0xFFFFFF40, s19;
	v22 =	vadd.s32 s26, v3;
	v15 =	vand.u32 $0x7FFFFFF8, v15;
	v14 =	vor.u32 v7, v14;
	v30 =	vld.idx.msk [tilespmem:v30+s12+$0x0], $0xffff  }
0x133: {  	v23 =	vadd.s32 s17, v0;
	v16 =	vand.u32 $0x7FFFFFF8, v16;
	v15 =	vor.u32 v8, v15;
	v12 =	vld.idx.msk [tilespmem:v12+s28+$0x0], $0xffff  }
0x134: {  	s20 =	sadd.s32 $0xFFFFFFA0, s19;
	v25 =	vadd.s32 s17, v3;
	v19 =	vand.u32 $0x7FFFFFF8, v19;
	v16 =	vor.u32 v9, v16;
	v13 =	vld.idx.msk [tilespmem:v13+s28+$0x0], $0xffff  }
0x135: {  	v26 =	vadd.s32 s20, v0;
	v21 =	vand.u32 $0x7FFFFFF8, v21;
	v19 =	vor.u32 v7, v19;
	v28 =	vld.idx.msk [tilespmem:v28+s12+$0x0], $0xffff  }
0x136: {  	v27 =	vadd.s32 s20, v3;
	v24 =	vand.u32 $0x7FFFFFF8, v24;
	v21 =	vor.u32 v8, v21;
	v29 =	vld.idx.msk [tilespmem:v29+s12+$0x0], $0xffff  }
0x137: {  	v31 =	vadd.s32 s25, v4;
	v17 =	vand.u32 $0x7FFFFFF8, v17;
	v24 =	vor.u32 v9, v24;
	v14 =	vld.idx.msk [tilespmem:v14+s12+$0x0], $0xffff  }
0x138: {  	v32 =	vadd.s32 s26, v4;
	v18 =	vand.u32 $0x7FFFFFF8, v18;
	v17 =	vor.u32 v7, v17;
	v15 =	vld.idx.msk [tilespmem:v15+s12+$0x0], $0xffff  }
0x139: {  	v33 =	vadd.s32 s17, v4;
	v20 =	vand.u32 $0x7FFFFFF8, v20;
	v18 =	vor.u32 v8, v18;
	v16 =	vld.idx.msk [tilespmem:v16+s12+$0x0], $0xffff  }
0x13a: {  	v34 =	vor.u32 s30, v3;
	v22 =	vand.u32 $0x7FFFFFF8, v22;
	v20 =	vor.u32 v7, v20;
	v19 =	vld.idx.msk [tilespmem:v19+s12+$0x0], $0xffff  }
0x13b: {  	v35 =	vadd.s32 s20, v4;
	v23 =	vand.u32 $0x7FFFFFF8, v23;
	v22 =	vor.u32 v8, v22;
	v21 =	vld.idx.msk [tilespmem:v21+s12+$0x0], $0xffff  }
0x13c: {  	v47 =	vor.u32 s30, v4;
	v25 =	vand.u32 $0x7FFFFFF8, v25;
	v23 =	vor.u32 v7, v23;
	v24 =	vld.idx.msk [tilespmem:v24+s12+$0x0], $0xffff  }
0x13d: {  	v26 =	vand.u32 $0x7FFFFFF8, v26;
	v27 =	vand.u32 $0x7FFFFFF8, v27;
	v25 =	vor.u32 v8, v25;
	v17 =	vld.idx.msk [tilespmem:v17+s12+$0x0], $0xffff  }
0x13e: {  	v31 =	vand.u32 $0x7FFFFFF8, v31;
	v32 =	vand.u32 $0x7FFFFFF8, v32;
	v26 =	vor.u32 v7, v26;
	v18 =	vld.idx.msk [tilespmem:v18+s12+$0x0], $0xffff  }
0x13f: {  	v33 =	vand.u32 $0x7FFFFFF8, v33;
	v27 =	vor.u32 v8, v27;
	v20 =	vld.idx.msk [tilespmem:v20+s12+$0x0], $0xffff;
	v28 =	vsub.f32 v28, v11  }
0x140: {  	v32 =	vor.u32 v9, v32;
	v22 =	vld.idx.msk [tilespmem:v22+s12+$0x0], $0xffff;
	v29 =	vsub.f32 v29, v11;
	v14 =	vsub.f32 v14, v11  }
0x141: {  	v33 =	vor.u32 v9, v33;
	v23 =	vld.idx.msk [tilespmem:v23+s12+$0x0], $0xffff;
	v15 =	vsub.f32 v15, v12;
	v30 =	vsub.f32 v30, v12  }
0x142: {  	v46 =	vand.u32 $0x7FFFFFF8, v35;
	v25 =	vld.idx.msk [tilespmem:v25+s12+$0x0], $0xffff;
	v16 =	vsub.f32 v16, v13;
	v19 =	vsub.f32 v19, v11  }
0x143: {  	v45 =	vor.u32 v9, v31;
	v26 =	vld.idx.msk [tilespmem:v26+s12+$0x0], $0xffff;
	v21 =	vsub.f32 v21, v12;
	v24 =	vsub.f32 v24, v13  }
0x144: {  	v31 =	vor.u32 v9, v46;
	v27 =	vld.idx.msk [tilespmem:v27+s12+$0x0], $0xffff;
	v17 =	vsub.f32 v17, v11;
	v18 =	vsub.f32 v18, v12  }
0x145: {  	v32 =	vld.idx.msk [tilespmem:v32+s12+$0x0], $0xffff;
	v20 =	vsub.f32 v20, v11;
	v22 =	vsub.f32 v22, v12;
	v28 =	vmul.f32 v28, v28  }
0x146: {  	v33 =	vld.idx.msk [tilespmem:v33+s12+$0x0], $0xffff;
	v23 =	vsub.f32 v23, v11;
	v29 =	vmul.f32 v29, v29;
	v14 =	vmul.f32 v14, v14  }
0x147: {  	v25 =	vsub.f32 v25, v12;
	v15 =	vmul.f32 v15, v15;
	v30 =	vmul.f32 v30, v30  }
0x148: {  	v26 =	vsub.f32 v26, v11;
	v16 =	vmul.f32 v16, v16;
	v19 =	vmul.f32 v19, v19  }
0x149: {  	v34 =	vld.idx.msk [tilespmem:v34+s12+$0x0], $0xffff;
	v27 =	vsub.f32 v27, v12;
	v21 =	vmul.f32 v21, v21;
	v17 =	vmul.f32 v17, v17  }
0x14a: {  	v48 =	vsub.f32 v32, v13;
	v18 =	vmul.f32 v18, v18;
	v20 =	vmul.f32 v20, v20  }
0x14b: {  	v50 =	vsub.f32 v33, v13;
	v22 =	vmul.f32 v22, v22;
	v23 =	vmul.f32 v23, v23  }
0x14c: {  	v25 =	vmul.f32 v25, v25;
	v26 =	vmul.f32 v26, v26;
	v28 =	vadd.f32 v30, v28  }
0x14d: {  	v27 =	vmul.f32 v27, v27;
	v14 =	vadd.f32 v15, v14;
	v19 =	vadd.f32 v21, v19  }
0x14e: {  	v49 =	vld.idx.msk [tilespmem:v47+s12+$0x0], $0xffff;
	v21 =	vmul.f32 v24, v24;
	v20 =	vadd.f32 v22, v20;
	v22 =	vsub.f32 v34, v12  }
0x14f: {  	v15 =	vmul.f32 v48, v48;
	v24 =	vld.idx.msk [tilespmem:v45+s12+$0x0], $0xffff;
	v17 =	vadd.f32 v18, v17;
	v23 =	vadd.f32 v25, v23  }
0x150: {  	v18 =	vld.idx.msk [tilespmem:v31+s12+$0x0], $0xffff;
	v19 =	vadd.f32 v21, v19;
	v21 =	vor.u32 s29, v4;
	v22 =	vmul.f32 v22, v22  }
0x151: {  	v26 =	vadd.f32 v27, v26;
	v15 =	vadd.f32 v15, v20;
	v20 =	vmul.f32 v50, v50  }
0x152: {  	v16 =	vadd.f32 v16, v14;
	v36 =	vshrl.u32 v19, $0x17;
	v22 =	vadd.f32 v22, v29  }
0x153: {  	v20 =	vadd.f32 v20, v23;
	v23 =	vsub.f32 v49, v13;
	v52 =	vshrl.u32 v15, $0x17  }
0x154: {  	v37 =	vadd.s32 v5, v36;
	v36 =	vand.u32 $0x7, v36;
	v24 =	vsub.f32 v24, v13  }
0x155: {  	v18 =	vsub.f32 v18, v13;
	v55 =	vadd.s32 v5, v52;
	v61 =	vand.u32 $0x7, v52;
	v21 =	vld.idx.msk [tilespmem:v21+s12+$0x0], $0xffff  }
0x156: {  	v37 =	vand.u32 $0x1FF8, v37;
	v53 =	vshrl.u32 v20, $0x17;
	v23 =	vmul.f32 v23, v23  }
0x157: {  	v24 =	vmul.f32 v24, v24;
	v51 =	vor.u32 v36, v37;
	v18 =	vmul.f32 v18, v18  }
0x158: {  	v56 =	vadd.s32 v5, v53;
	v62 =	vand.u32 $0x7, v53;
	v22 =	vadd.f32 v23, v22  }
0x159: {  	v23 =	vshrl.u32 v16, $0x17;
	v30 =	vand.u32 $0x1FF8, v56;
	v17 =	vadd.f32 v24, v17  }
0x15a: {  	s20 =	simm.s32 $0xC040;
	v18 =	vadd.f32 v18, v26;
	v60 =	vadd.s32 v5, v23;
	v21 =	vsub.f32 v21, v13  }
0x15b: {  	[tilespmem:s20+$0xFFFFFFE0] =	vst v15;
	v15 =	vand.u32 $0x7, v23;
	v59 =	vshrl.u32 v22, $0x17;
	v24 =	vshrl.u32 v17, $0x17  }
0x15c: {  	[tilespmem:s20+$0x30] =	vst v16;
	v54 =	vshrl.u32 v18, $0x17;
	v32 =	vand.u32 $0x7, v59;
	v21 =	vmul.f32 v21, v21  }
0x15d: {  	[tilespmem:s20+$0x10] =	vst v18;
	v18 =	vor.u32 v62, v30;
	v14 =	vadd.s32 v5, v24;
	v57 =	vadd.s32 v5, v54  }
0x15e: {  	[tilespmem:s20+$0xFFFFFFF0] =	vst v20;
	v20 =	vand.u32 $0x7, v24;
	v27 =	vand.u32 $0x7, v54;
	v21 =	vadd.f32 v21, v28  }
0x15f: {  	[tilespmem:s20+$0xFFFFFFD0] =	vst v17;
	v17 =	vand.u32 $0x1FF8, v14;
	v14 =	vadd.s32 v5, v59;
	v31 =	vand.u32 $0x1FF8, v57  }
0x160: {  	[tilespmem:s20+$0x20] =	vst v19;
	v63 =	vand.u32 $0x1FF8, v14;
	v14 =	vand.u32 $0x1FF8, v60;
	v19 =	vshrl.u32 v21, $0x17  }
0x161: {  	v28 =	vand.u32 $0x1FF8, v55;
	[tilespmem:s20+$0xFFFFFFC0] =	vst v21;
	v21 =	vor.u32 v20, v17;
	v58 =	vadd.s32 v5, v19  }
0x162: {  	s31 =	sshll.u32 s18, $0xD;
	[tilespmem:v51+s8+$0x0] =	vst.idx.add.s32.msk $0xffff, v6;
	v20 =	vor.u32 v61, v28;
	v19 =	vand.u32 $0x7, v19;
	v29 =	vand.u32 $0x1FF8, v58  }
0x163: {  	s21 =	simm.s32 $0x0;
	s18 =	sadd.s32 $0xE040, s31;
	s24 =	sadd.s32 $0x180, s19;
	[tilespmem:s20+$0x0] =	vst v22;
	v17 =	vor.u32 v32, v63;
	v16 =	vor.u32 v19, v29;
	v19 =	vor.u32 v27, v31  }
.LBB2_5:
0x164: {  	s16 =	sadd.s32 $0xFFFFFEE0, s24;
	s9 =	sadd.s32 $0xFFFFFF10, s24;
	s19 =	sadd.s32 $0xFFFFFFD0, s24;
	v22 =	vadd.s32 s24, v0;
	v23 =	vadd.s32 s24, v3;
	v24 =	vadd.s32 s24, v4  }
0x165: {  	s17 =	sadd.s32 $0xFFFFFF40, s24;
	s0 =	sadd.s32 $0xFFFFFFA0, s24;
	s21 =	sadd.s32 $0x8, s21;
	v25 =	vadd.s32 s16, v0;
	v26 =	vadd.s32 s16, v3;
	v27 =	vadd.s32 s19, v0  }
0x166: {  	s7 =	sadd.s32 $0xFFFFFEB0, s24;
	s6 =	sadd.s32 $0xFFFFFF70, s24;
	v28 =	vadd.s32 s9, v0;
	v29 =	vadd.s32 s19, v3;
	p2 =	slt.u32 s21, $0x1F8;
	v27 =	vand.u32 $0x7FFFFFF8, v27  }
0x167: {  	v30 =	vadd.s32 s9, v3;
	v29 =	vand.u32 $0x7FFFFFF8, v29;
	v27 =	vor.u32 v7, v27;
	[tilespmem:v21+s8+$0x0] =	vst.idx.add.s32.msk $0xffff, v6  }
0x168: {  	v31 =	vadd.s32 s19, v4;
	v21 =	vadd.s32 s17, v0;
	v29 =	vor.u32 v8, v29;
	[tilespmem:v20+s8+$0x0] =	vst.idx.add.s32.msk $0xffff, v6  }
0x169: {  	v32 =	vadd.s32 s0, v0;
	v31 =	vand.u32 $0x7FFFFFF8, v31;
	v20 =	vadd.s32 s17, v3;
	[tilespmem:v18+s8+$0x0] =	vst.idx.add.s32.msk $0xffff, v6  }
0x16a: {  	v31 =	vor.u32 v9, v31;
	v18 =	vand.u32 $0x7FFFFFF8, v25;
	v25 =	vadd.s32 s0, v3;
	[tilespmem:v19+s8+$0x0] =	vst.idx.add.s32.msk $0xffff, v6  }
0x16b: {  	s19 =	simm.s32 $0x0;
	v19 =	vand.u32 $0x7FFFFFF8, v26;
	v26 =	vand.u32 $0x7FFFFFF8, v28;
	v28 =	vand.u32 $0x7FFFFFF8, v30;
	[tilespmem:v17+s8+$0x0] =	vst.idx.add.s32.msk $0xffff, v6  }
0x16c: {  	v20 =	vand.u32 $0x7FFFFFF8, v20;
	v17 =	vand.u32 $0x7FFFFFF8, v21;
	v21 =	vand.u32 $0x7FFFFFF8, v32;
	v27 =	vld.idx.msk [tilespmem:v27+s19+$0x0], $0xffff  }
0x16d: {  	v30 =	vor.u32 s7, v0;
	v25 =	vand.u32 $0x7FFFFFF8, v25;
	v32 =	vor.u32 s6, v0;
	v29 =	vld.idx.msk [tilespmem:v29+s19+$0x0], $0xffff  }
0x16e: {  	v22 =	vand.u32 $0x7FFFFFF8, v22;
	v23 =	vand.u32 $0x7FFFFFF8, v23;
	v18 =	vor.u32 v7, v18;
	[tilespmem:v16+s8+$0x0] =	vst.idx.add.s32.msk $0xffff, v6  }
0x16f: {  	v16 =	vor.u32 v8, v19;
	v19 =	vor.u32 v7, v26;
	v26 =	vor.u32 v8, v28;
	v28 =	vld.idx.msk [tilespmem:v31+s19+$0x0], $0xffff  }
0x170: {  	v20 =	vor.u32 v8, v20;
	v17 =	vor.u32 v7, v17;
	v21 =	vor.u32 v7, v21  }
0x171: {  	v30 =	vand.u32 v2, v30;
	v25 =	vor.u32 v8, v25;
	v31 =	vand.u32 v10, v32  }
0x172: {  	v22 =	vor.u32 v7, v22;
	v23 =	vor.u32 v8, v23;
	v32 =	vor.u32 s7, v3  }
0x173: {  	v33 =	vadd.s32 s16, v4;
	v27 =	vsub.f32 v27, v11;
	v29 =	vsub.f32 v29, v12;
	v18 =	vld.idx.msk [tilespmem:v18+s19+$0x0], $0xffff  }
0x174: {  	v34 =	vadd.s32 s9, v4;
	v35 =	vadd.s32 s17, v4;
	v36 =	vor.u32 s6, v3;
	v16 =	vld.idx.msk [tilespmem:v16+s19+$0x0], $0xffff  }
0x175: {  	v27 =	vmul.f32 v27, v27;
	v28 =	vsub.f32 v28, v13;
	v29 =	vmul.f32 v29, v29;
	v19 =	vld.idx.msk [tilespmem:v19+s19+$0x0], $0xffff  }
0x176: {  	v37 =	vadd.s32 s0, v4;
	v33 =	vand.u32 $0x7FFFFFF8, v33;
	v34 =	vand.u32 $0x7FFFFFF8, v34;
	v26 =	vld.idx.msk [tilespmem:v26+s19+$0x0], $0xffff  }
0x177: {  	v35 =	vand.u32 $0x7FFFFFF8, v35;
	v27 =	vadd.f32 v29, v27;
	v28 =	vmul.f32 v28, v28;
	v17 =	vld.idx.msk [tilespmem:v17+s19+$0x0], $0xffff  }
0x178: {  	v24 =	vand.u32 $0x7FFFFFF8, v24;
	v29 =	vor.u32 v9, v33;
	v33 =	vand.u32 $0x7FFFFFF8, v37;
	v20 =	vld.idx.msk [tilespmem:v20+s19+$0x0], $0xffff  }
0x179: {  	v34 =	vor.u32 v9, v34;
	v35 =	vor.u32 v9, v35;
	v27 =	vadd.f32 v28, v27;
	v21 =	vld.idx.msk [tilespmem:v21+s19+$0x0], $0xffff  }
0x17a: {  	v24 =	vor.u32 v9, v24;
	v33 =	vor.u32 v9, v33;
	v28 =	vor.u32 s7, v4;
	v25 =	vld.idx.msk [tilespmem:v25+s19+$0x0], $0xffff  }
0x17b: {  	v37 =	vor.u32 s6, v4;
	v18 =	vsub.f32 v18, v11;
	v38 =	vshrl.u32 v27, $0x17;
	v30 =	vld.idx.msk [tilespmem:v30+s19+$0x0], $0xffff  }
0x17c: {  	v16 =	vsub.f32 v16, v12;
	v19 =	vsub.f32 v19, v11;
	v39 =	vadd.s32 v5, v38;
	v31 =	vld.idx.msk [tilespmem:v31+s19+$0x0], $0xffff  }
0x17d: {  	v26 =	vsub.f32 v26, v12;
	v38 =	vand.u32 $0x7, v38;
	v39 =	vand.u32 $0x1FF8, v39;
	v22 =	vld.idx.msk [tilespmem:v22+s19+$0x0], $0xffff  }
0x17e: {  	v17 =	vsub.f32 v17, v11;
	v20 =	vsub.f32 v20, v12;
	v38 =	vor.u32 v38, v39;
	v23 =	vld.idx.msk [tilespmem:v23+s19+$0x0], $0xffff  }
0x17f: {  	v18 =	vmul.f32 v18, v18;
	v16 =	vmul.f32 v16, v16;
	v21 =	vsub.f32 v21, v11;
	v32 =	vld.idx.msk [tilespmem:v32+s19+$0x0], $0xffff  }
0x180: {  	v19 =	vmul.f32 v19, v19;
	v26 =	vmul.f32 v26, v26;
	v25 =	vsub.f32 v25, v12;
	v36 =	vld.idx.msk [tilespmem:v36+s19+$0x0], $0xffff  }
0x181: {  	s20 =	sadd.s32 $0x80, s20;
	v17 =	vmul.f32 v17, v17;
	v20 =	vmul.f32 v20, v20;
	v30 =	vsub.f32 v30, v11;
	v29 =	vld.idx.msk [tilespmem:v29+s19+$0x0], $0xffff  }
0x182: {  	v21 =	vmul.f32 v21, v21;
	v31 =	vsub.f32 v31, v11;
	v34 =	vld.idx.msk [tilespmem:v34+s19+$0x0], $0xffff;
	[tilespmem:s20+$0x20] =	vst v27  }
0x183: {  	v25 =	vmul.f32 v25, v25;
	v22 =	vsub.f32 v22, v11;
	[tilespmem:v38+s8+$0x0] =	vst.idx.add.s32.msk $0xffff, v6  }
0x184: {  	v27 =	vmul.f32 v30, v30;
	v31 =	vmul.f32 v31, v31;
	v23 =	vsub.f32 v23, v12;
	v30 =	vld.idx.msk [tilespmem:v35+s19+$0x0], $0xffff  }
0x185: {  	v16 =	vadd.f32 v16, v18;
	v32 =	vsub.f32 v32, v12;
	v22 =	vmul.f32 v22, v22;
	v18 =	vld.idx.msk [tilespmem:v33+s19+$0x0], $0xffff  }
0x186: {  	v19 =	vadd.f32 v26, v19;
	v26 =	vsub.f32 v36, v12;
	v23 =	vmul.f32 v23, v23;
	v24 =	vld.idx.msk [tilespmem:v24+s19+$0x0], $0xffff  }
0x187: {  	v17 =	vadd.f32 v20, v17;
	v32 =	vmul.f32 v32, v32;
	v29 =	vsub.f32 v29, v13;
	v28 =	vld.idx.msk [tilespmem:v28+s19+$0x0], $0xffff  }
0x188: {  	v21 =	vadd.f32 v25, v21;
	v20 =	vsub.f32 v34, v13;
	v26 =	vmul.f32 v26, v26;
	v33 =	vld.idx.msk [tilespmem:v37+s19+$0x0], $0xffff  }
0x189: {  	v22 =	vadd.f32 v23, v22;
	v25 =	vadd.f32 v32, v27;
	v27 =	vmul.f32 v29, v29  }
0x18a: {  	v20 =	vmul.f32 v20, v20;
	v23 =	vsub.f32 v30, v13;
	v26 =	vadd.f32 v26, v31  }
0x18b: {  	v14 =	vor.u32 v15, v14;
	v16 =	vadd.f32 v27, v16;
	v18 =	vsub.f32 v18, v13  }
0x18c: {  	v15 =	vadd.f32 v20, v19;
	v19 =	vmul.f32 v23, v23;
	v20 =	vsub.f32 v24, v13  }
0x18d: {  	v23 =	vsub.f32 v28, v13;
	v18 =	vmul.f32 v18, v18;
	[tilespmem:s20+$0xFFFFFFD0] =	vst v16;
	v16 =	vshrl.u32 v16, $0x17  }
0x18e: {  	v17 =	vadd.f32 v19, v17;
	v19 =	vsub.f32 v33, v13;
	v20 =	vmul.f32 v20, v20;
	[tilespmem:s20+$0xFFFFFFE0] =	vst v15  }
0x18f: {  	v23 =	vmul.f32 v23, v23;
	v15 =	vshrl.u32 v15, $0x17;
	v18 =	vadd.f32 v18, v21  }
0x190: {  	v21 =	vshrl.u32 v17, $0x17;
	v19 =	vmul.f32 v19, v19;
	v20 =	vadd.f32 v20, v22;
	[tilespmem:v14+s8+$0x0] =	vst.idx.add.s32.msk $0xffff, v6  }
0x191: {  	v22 =	vadd.s32 v5, v16;
	v14 =	vadd.f32 v23, v25;
	[tilespmem:s20+$0xFFFFFFF0] =	vst v17;
	v17 =	vshrl.u32 v18, $0x17  }
0x192: {  	v23 =	vadd.s32 v5, v15;
	v19 =	vadd.f32 v19, v26;
	[tilespmem:s20+$0x10] =	vst v18;
	v18 =	vshrl.u32 v20, $0x17  }
0x193: {  	v24 =	vshrl.u32 v14, $0x17;
	v25 =	vadd.s32 v5, v17;
	[tilespmem:s20+$0xFFFFFFC0] =	vst v14;
	v14 =	vadd.s32 v5, v21  }
0x194: {  	v26 =	vadd.s32 v5, v24;
	v27 =	vadd.s32 v5, v18;
	[tilespmem:s20+$0x0] =	vst v19;
	v19 =	vshrl.u32 v19, $0x17  }
0x195: {  	v22 =	vand.u32 $0x1FF8, v22;
	v23 =	vand.u32 $0x1FF8, v23;
	v28 =	vadd.s32 v5, v19;
	[tilespmem:s20+$0x30] =	vst v20  }
0x196: {  	v25 =	vand.u32 $0x1FF8, v25;
	v26 =	vand.u32 $0x1FF8, v26;
	v29 =	vand.u32 $0x1FF8, v14  }
.Ltmp3:
0x197: {  	v16 =	vand.u32 $0x7, v16;
	v30 =	vand.u32 $0x7, v21;
	v20 =	vand.u32 $0x7, v15;
	(pc) =	sbr.rel @p2 .LBB2_5-.Ltmp3, $4  }
0x198: {  	v31 =	vand.u32 $0x7, v17;
	v14 =	vand.u32 $0x1FF8, v27;
	v28 =	vand.u32 $0x1FF8, v28  }
0x199: {  	v17 =	vand.u32 $0x7, v24;
	v19 =	vand.u32 $0x7, v19;
	v15 =	vand.u32 $0x7, v18  }
0x19a: {  	v21 =	vor.u32 v16, v22;
	v18 =	vor.u32 v30, v29;
	v20 =	vor.u32 v20, v23  }
0x19b: {  	s24 =	sadd.s32 $0x180, s24;
	v16 =	vor.u32 v17, v26;
	v17 =	vor.u32 v19, v28;
	v19 =	vor.u32 v31, v25  }
0x19c: {  	_ =	sdelay $0x3  }
0x19d: {  	[tilespmem:v21+s8+$0x0] =	vst.idx.add.s32.msk $0xffff, v6  }
0x19e: {  	[tilespmem:v20+s8+$0x0] =	vst.idx.add.s32.msk $0xffff, v6;
	v11 =	vor.u32 v15, v14  }
0x19f: {  	[tilespmem:v18+s8+$0x0] =	vst.idx.add.s32.msk $0xffff, v6  }
0x1a0: {  	[tilespmem:v19+s8+$0x0] =	vst.idx.add.s32.msk $0xffff, v6  }
0x1a1: {  	[tilespmem:v17+s8+$0x0] =	vst.idx.add.s32.msk $0xffff, v6  }
0x1a2: {  	[tilespmem:v16+s8+$0x0] =	vst.idx.add.s32.msk $0xffff, v6  }
0x1a3: {  	s0 =	simm.s32 $0xFFFFFF00;
	[tilespmem:v11+s8+$0x0] =	vst.idx.add.s32.msk $0xffff, v6  }
0x1a4: {  	v11 =	vld [tilespmem:s0+$0x12100];
	[tilespmem:s0+$0x12100] =	vst v1  }
0x1a5: {  	v12 =	vld [tilespmem:s0+$0x12200];
	[tilespmem:s0+$0x12200] =	vst v1  }
0x1a6: {  	v13 =	vld [tilespmem:s0+$0x12300];
	[tilespmem:s0+$0x12300] =	vst v1  }
0x1a7: {  	v14 =	vld [tilespmem:s0+$0x12400];
	[tilespmem:s0+$0x12400] =	vst v1  }
0x1a8: {  	v15 =	vld [tilespmem:s0+$0x12500];
	[tilespmem:s0+$0x12500] =	vst v1  }
0x1a9: {  	v16 =	vld [tilespmem:s0+$0x12600];
	[tilespmem:s0+$0x12600] =	vst v1  }
0x1aa: {  	v17 =	vld [tilespmem:s0+$0x12700];
	[tilespmem:s0+$0x12700] =	vst v1  }
0x1ab: {  	v18 =	vld [tilespmem:s0+$0x12800];
	[tilespmem:s0+$0x12800] =	vst v1  }
0x1ac: {  	v19 =	vld [tilespmem:s0+$0x12900];
	[tilespmem:s0+$0x12900] =	vst v1  }
0x1ad: {  	v20 =	vld [tilespmem:s0+$0x12A00];
	[tilespmem:s0+$0x12A00] =	vst v1  }
0x1ae: {  	v21 =	vld [tilespmem:s0+$0x12B00];
	[tilespmem:s0+$0x12B00] =	vst v1;
	v11 =	vadd.s32 v11, v12  }
0x1af: {  	v22 =	vld [tilespmem:s0+$0x12C00];
	[tilespmem:s0+$0x12C00] =	vst v1;
	v11 =	vadd.s32 v13, v11  }
0x1b0: {  	v23 =	vld [tilespmem:s0+$0x12D00];
	[tilespmem:s0+$0x12D00] =	vst v1;
	v11 =	vadd.s32 v14, v11  }
0x1b1: {  	v24 =	vld [tilespmem:s0+$0x12E00];
	[tilespmem:s0+$0x12E00] =	vst v1;
	v11 =	vadd.s32 v15, v11  }
0x1b2: {  	v25 =	vld [tilespmem:s0+$0x12F00];
	[tilespmem:s0+$0x12F00] =	vst v1;
	v11 =	vadd.s32 v16, v11  }
0x1b3: {  	s6 =	simm.s32 $0xFFFFFF10;
	v26 =	vld [tilespmem:s0+$0x13000];
	[tilespmem:s0+$0x13000] =	vst v1;
	v11 =	vadd.s32 v17, v11  }
0x1b4: {  	v27 =	vld [tilespmem:s6+$0x12100];
	v11 =	vadd.s32 v18, v11  }
0x1b5: {  	v28 =	vld [tilespmem:s6+$0x12200];
	v11 =	vadd.s32 v19, v11  }
0x1b6: {  	v29 =	vld [tilespmem:s6+$0x12300];
	v11 =	vadd.s32 v20, v11  }
0x1b7: {  	v54 =	vld [tilespmem:s6+$0x12C00];
	v11 =	vadd.s32 v21, v11  }
0x1b8: {  	[tilespmem:s6+$0x12100] =	vst v1;
	v55 =	vld [tilespmem:s6+$0x12D00];
	v11 =	vadd.s32 v22, v11  }
0x1b9: {  	[tilespmem:s6+$0x12200] =	vst v1;
	v56 =	vld [tilespmem:s6+$0x12E00];
	v11 =	vadd.s32 v23, v11  }
0x1ba: {  	[tilespmem:s6+$0x12300] =	vst v1;
	v57 =	vld [tilespmem:s6+$0x12F00];
	v11 =	vadd.s32 v24, v11  }
0x1bb: {  	[tilespmem:s6+$0x12C00] =	vst v1;
	v58 =	vld [tilespmem:s6+$0x13000];
	v11 =	vadd.s32 v25, v11  }
0x1bc: {  	[tilespmem:s6+$0x12D00] =	vst v1;
	v12 =	vld [tilespmem:s6+$0x12400];
	v11 =	vadd.s32 v26, v11  }
0x1bd: {  	[tilespmem:s6+$0x12E00] =	vst v1;
	v13 =	vld [tilespmem:s6+$0x12500];
	(xrf0) =	vadd.scan.msk.s32 $0xffff, v11  }
0x1be: {  	[tilespmem:s6+$0x12F00] =	vst v1;
	v14 =	vld [tilespmem:s6+$0x12600]  }
0x1bf: {  	[tilespmem:s6+$0x13000] =	vst v1;
	v27 =	vadd.s32 v27, v28;
	v15 =	vld [tilespmem:s6+$0x12700]  }
0x1c0: {  	[tilespmem:s6+$0x12400] =	vst v1;
	v27 =	vadd.s32 v29, v27;
	v16 =	vld [tilespmem:s6+$0x12800]  }
0x1c1: {  	[tilespmem:s6+$0x12500] =	vst v1;
	v17 =	vld [tilespmem:s6+$0x12900];
	v12 =	vadd.s32 v12, v27  }
0x1c2: {  	[tilespmem:s6+$0x12600] =	vst v1;
	v18 =	vld [tilespmem:s6+$0x12A00];
	v12 =	vadd.s32 v13, v12  }
0x1c3: {  	[tilespmem:s6+$0x12700] =	vst v1;
	v19 =	vld [tilespmem:s6+$0x12B00];
	v12 =	vadd.s32 v14, v12;
	v63, _, _ =	vpop (xrf0)  }
0x1c4: {  	[tilespmem:s6+$0x12800] =	vst v1;
	v12 =	vadd.s32 v15, v12;
	v13 =	vadd.s32 s19, v63  }
0x1c5: {  	[tilespmem:s6+$0x12900] =	vst v1;
	(v2sf) =	vpush v63, $0xF;
	vm0 =	vlt.s32 v13, $0x1333;
	v13 =	vadd.s32 v16, v12  }
0x1c6: {  	[tilespmem:s6+$0x12A00] =	vst v1;
	v14 =	vsel vm0, $0x1, v1;
	v13 =	vadd.s32 v17, v13  }
0x1c7: {  	s7 =	simm.s32 $0xFFFFFF20;
	[tilespmem:s6+$0x12B00] =	vst v1;
	v11 =	vnsel vm0, $0x0, v11;
	(xrf0) =	vadd.scan.msk.s32 $0xffff, v14;
	v14 =	vadd.s32 v18, v13  }
0x1c8: {  	v59 =	vld [tilespmem:s7+$0x12100];
	(xrf0) =	vadd.scan.msk.s32 $0xffff, v11;
	v11 =	vadd.s32 v19, v14  }
0x1c9: {  	[tilespmem:s7+$0x12100] =	vst v1;
	v60 =	vld [tilespmem:s7+$0x12200];
	v11 =	vadd.s32 v54, v11  }
0x1ca: {  	[tilespmem:s7+$0x12200] =	vst v1;
	v61 =	vld [tilespmem:s7+$0x12300];
	v11 =	vadd.s32 v55, v11  }
0x1cb: {  	[tilespmem:s7+$0x12300] =	vst v1;
	v62 =	vld [tilespmem:s7+$0x12400];
	v11 =	vadd.s32 v56, v11  }
0x1cc: {  	[tilespmem:s7+$0x12400] =	vst v1;
	v30 =	vld [tilespmem:s7+$0x12500];
	v11 =	vadd.s32 v57, v11  }
0x1cd: {  	[tilespmem:s7+$0x12500] =	vst v1;
	v15 =	vld [tilespmem:s7+$0x12900];
	v11 =	vadd.s32 v58, v11  }
0x1ce: {  	[tilespmem:s7+$0x12900] =	vst v1;
	v12 =	vld [tilespmem:s7+$0x12600];
	v17, _, _ =	vpop (xrf0);
	(xrf0) =	vadd.scan.msk.s32 $0xffff, v11  }
0x1cf: {  	[tilespmem:s7+$0x12600] =	vst v1;
	v16 =	vadd.s32 v59, v60;
	v13 =	vld [tilespmem:s7+$0x12700]  }
0x1d0: {  	v16 =	vadd.s32 v61, v16;
	[tilespmem:s7+$0x12700] =	vst v1;
	v14 =	vld [tilespmem:s7+$0x12800];
	(v2sf) =	vpush v17, $0xF;
	v17, _, _ =	vpop (xrf0)  }
0x1d1: {  	s16 =	simm.s32 $0xFFFFFCC0;
	s24 =	simm.s32 $0xFFFFFD40;
	s17 =	simm.s32 $0xFFFFFD80;
	v18 =	vadd.s32 v62, v16;
	v16 =	vld [tilespmem:s7+$0x12A00];
	[tilespmem:s7+$0x12A00] =	vst v1;
	(v2sf) =	vpush v17, $0xF  }
0x1d2: {  	s21 =	simm.s32 $0x0;
	s20 =	simm.s32 $0x0;
	s6 =	simm.s32 $0xFFFFFD00;
	[tilespmem:s7+$0x12800] =	vst v1;
	v17 =	vadd.s32 v30, v18  }
.LBB2_7:
0x1d3: {  	p2 =	sne.s32 s17, $0xFFFFFFC0;
	v12 =	vadd.s32 v12, v17;
	v17 =	vld [tilespmem:s7+$0x12B00];
	[tilespmem:s7+$0x12B00] =	vst v1  }
0x1d4: {  	v12 =	vadd.s32 v13, v12;
	v13 =	vld [tilespmem:s7+$0x12C00];
	[tilespmem:s7+$0x12C00] =	vst v1;
	v18, _, _ =	vpop (xrf0);
	s0 =	spop (v2sf)  }
0x1d5: {  	v12 =	vadd.s32 v14, v12;
	v14 =	vld [tilespmem:s7+$0x12D00];
	[tilespmem:s7+$0x12D00] =	vst v1;
	(v2sf) =	vpush v18, $0xF;
	s19 =	sadd.s32 s19, s0  }
0x1d6: {  	v12 =	vadd.s32 v15, v12;
	v15 =	vld [tilespmem:s7+$0x12E00];
	[tilespmem:s7+$0x12E00] =	vst v1;
	v18 =	vadd.s32 s19, v18  }
0x1d7: {  	v12 =	vadd.s32 v16, v12;
	v16 =	vld [tilespmem:s7+$0x12F00];
	[tilespmem:s7+$0x12F00] =	vst v1;
	vm0 =	vlt.s32 v18, $0x1333  }
0x1d8: {  	v12 =	vadd.s32 v17, v12;
	v17 =	vld [tilespmem:s7+$0x13000];
	[tilespmem:s7+$0x13000] =	vst v1;
	s7 =	sshra.s32 s16, $0x2;
	v18 =	vsel vm0, $0x1, v1;
	v11 =	vnsel vm0, $0x0, v11;
	s16 =	smov.u32 s6;
	s6 =	smov.u32 s24  }
0x1d9: {  	s24 =	smov.u32 s17;
	v19 =	vld [tilespmem:s7+$0x12100];
	[tilespmem:s7+$0x12100] =	vst v1;
	v12 =	vadd.s32 v13, v12;
	(xrf0) =	vadd.scan.msk.s32 $0xffff, v18  }
0x1da: {  	v13 =	vld [tilespmem:s7+$0x12200];
	[tilespmem:s7+$0x12200] =	vst v1;
	v12 =	vadd.s32 v14, v12;
	(xrf0) =	vadd.scan.msk.s32 $0xffff, v11  }
0x1db: {  	v14 =	vld [tilespmem:s7+$0x12300];
	[tilespmem:s7+$0x12300] =	vst v1;
	v11 =	vadd.s32 v15, v12  }
0x1dc: {  	v15 =	vld [tilespmem:s7+$0x12400];
	[tilespmem:s7+$0x12400] =	vst v1;
	v11 =	vadd.s32 v16, v11  }
0x1dd: {  	v16 =	vld [tilespmem:s7+$0x12500];
	[tilespmem:s7+$0x12500] =	vst v1;
	v11 =	vadd.s32 v17, v11  }
.Ltmp4:
0x1de: {  	v12 =	vld [tilespmem:s7+$0x12600];
	[tilespmem:s7+$0x12600] =	vst v1;
	(xrf0) =	vadd.scan.msk.s32 $0xffff, v11;
	(pc) =	sbr.rel @p2 .LBB2_7-.Ltmp4, $4  }
0x1df: {  	v17 =	vadd.s32 v19, v13;
	v13 =	vld [tilespmem:s7+$0x12700];
	[tilespmem:s7+$0x12700] =	vst v1;
	v18, _, _ =	vpop (xrf0);
	s0 =	spop (v2sf)  }
0x1e0: {  	v17 =	vadd.s32 v14, v17;
	v14 =	vld [tilespmem:s7+$0x12800];
	[tilespmem:s7+$0x12800] =	vst v1;
	(v2sf) =	vpush v18, $0xF;
	v18, _, _ =	vpop (xrf0);
	s21 =	sadd.s32 s21, s0;
	s0 =	spop (v2sf)  }
0x1e1: {  	v17 =	vadd.s32 v15, v17;
	v15 =	vld [tilespmem:s7+$0x12900];
	[tilespmem:s7+$0x12900] =	vst v1;
	(v2sf) =	vpush v18, $0xF;
	s20 =	sadd.s32 s20, s0  }
0x1e2: {  	s17 =	sadd.s32 $0x40, s17;
	v17 =	vadd.s32 v16, v17;
	v16 =	vld [tilespmem:s7+$0x12A00];
	[tilespmem:s7+$0x12A00] =	vst v1  }
0x1e3: {  	v18 =	vld [tilespmem:s7+$0x12B00];
	[tilespmem:s7+$0x12B00] =	vst v1  }
0x1e4: {  	v19 =	vld [tilespmem:s7+$0x12C00];
	[tilespmem:s7+$0x12C00] =	vst v1  }
0x1e5: {  	v20 =	vld [tilespmem:s7+$0x12D00];
	[tilespmem:s7+$0x12D00] =	vst v1  }
0x1e6: {  	v21 =	vld [tilespmem:s7+$0x12E00];
	[tilespmem:s7+$0x12E00] =	vst v1  }
0x1e7: {  	v22 =	vld [tilespmem:s7+$0x12F00];
	[tilespmem:s7+$0x12F00] =	vst v1;
	v12 =	vadd.s32 v12, v17  }
0x1e8: {  	v17 =	vld [tilespmem:s7+$0x13000];
	s9 =	sshra.s32 s16, $0x2;
	[tilespmem:s7+$0x13000] =	vst v1;
	v12 =	vadd.s32 v13, v12  }
0x1e9: {  	v13 =	vld [tilespmem:s9+$0x12100];
	[tilespmem:s9+$0x12100] =	vst v1;
	v12 =	vadd.s32 v14, v12  }
0x1ea: {  	v58 =	vld [tilespmem:s9+$0x12700];
	[tilespmem:s9+$0x12700] =	vst v1;
	v12 =	vadd.s32 v15, v12  }
0x1eb: {  	s0 =	spop (v2sf);
	v59 =	vld [tilespmem:s9+$0x12B00];
	[tilespmem:s9+$0x12B00] =	vst v1;
	v15, _, _ =	vpop (xrf0);
	v12 =	vadd.s32 v16, v12  }
0x1ec: {  	v61 =	vld [tilespmem:s9+$0x13000];
	[tilespmem:s9+$0x13000] =	vst v1;
	s25 =	sadd.s32 s19, s0;
	(v2sf) =	vpush v15, $0xF;
	v12 =	vadd.s32 v18, v12  }
0x1ed: {  	v14 =	vld [tilespmem:s9+$0x12200];
	[tilespmem:s9+$0x12200] =	vst v1;
	v15 =	vadd.s32 s25, v15;
	v12 =	vadd.s32 v19, v12  }
0x1ee: {  	v16 =	vld [tilespmem:s9+$0x12300];
	[tilespmem:s9+$0x12300] =	vst v1;
	vm0 =	vlt.s32 v15, $0x1333;
	v12 =	vadd.s32 v20, v12  }
0x1ef: {  	v18 =	vld [tilespmem:s9+$0x12400];
	[tilespmem:s9+$0x12400] =	vst v1;
	v20 =	vsel vm0, $0x1, v1;
	v12 =	vadd.s32 v21, v12  }
0x1f0: {  	v15 =	vld [tilespmem:s9+$0x12600];
	[tilespmem:s9+$0x12600] =	vst v1;
	v11 =	vnsel vm0, $0x0, v11;
	(xrf0) =	vadd.scan.msk.s32 $0xffff, v20;
	v12 =	vadd.s32 v22, v12  }
0x1f1: {  	v19 =	vld [tilespmem:s9+$0x12500];
	[tilespmem:s9+$0x12500] =	vst v1;
	(xrf0) =	vadd.scan.msk.s32 $0xffff, v11;
	v11 =	vadd.s32 v17, v12  }
0x1f2: {  	v13 =	vadd.s32 v13, v14;
	v14 =	vld [tilespmem:s9+$0x12C00];
	[tilespmem:s9+$0x12C00] =	vst v1;
	(xrf0) =	vadd.scan.msk.s32 $0xffff, v11  }
0x1f3: {  	v20 =	vld [tilespmem:s9+$0x12800];
	[tilespmem:s9+$0x12800] =	vst v1  }
0x1f4: {  	v13 =	vadd.s32 v16, v13;
	v16 =	vld [tilespmem:s9+$0x12D00];
	[tilespmem:s9+$0x12D00] =	vst v1  }
0x1f5: {  	v12 =	vld [tilespmem:s9+$0x12900];
	[tilespmem:s9+$0x12900] =	vst v1  }
0x1f6: {  	v17 =	vld [tilespmem:s9+$0x12A00];
	[tilespmem:s9+$0x12A00] =	vst v1;
	v13 =	vadd.s32 v18, v13;
	v23, _, _ =	vpop (xrf0)  }
0x1f7: {  	v18 =	vld [tilespmem:s9+$0x12E00];
	[tilespmem:s9+$0x12E00] =	vst v1;
	v13 =	vadd.s32 v19, v13;
	(v2sf) =	vpush v23, $0xF;
	v60, _, _ =	vpop (xrf0)  }
0x1f8: {  	s28 =	sshra.s32 s6, $0x2;
	v19 =	vld [tilespmem:s9+$0x12F00];
	[tilespmem:s9+$0x12F00] =	vst v1;
	v13 =	vadd.s32 v15, v13;
	(v2sf) =	vpush v60, $0xF;
	v15, _, _ =	vpop (xrf0)  }
0x1f9: {  	s26 =	spop (v2sf);
	v62 =	vld [tilespmem:s28+$0x12400];
	v13 =	vadd.s32 v58, v13;
	(v2sf) =	vpush v15, $0xF  }
0x1fa: {  	s29 =	spop (v2sf);
	v13 =	vadd.s32 v20, v13;
	v20 =	vld [tilespmem:s28+$0x12100]  }
0x1fb: {  	[tilespmem:s28+$0x12400] =	vst v1;
	v12 =	vadd.s32 v12, v13;
	v13 =	vld [tilespmem:s28+$0x12200];
	s30 =	spop (v2sf)  }
0x1fc: {  	[tilespmem:s28+$0x12100] =	vst v1;
	v12 =	vadd.s32 v17, v12;
	v17 =	vld [tilespmem:s28+$0x12300];
	s9 =	sadd.s32 s25, s30  }
0x1fd: {  	[tilespmem:s28+$0x12200] =	vst v1;
	v12 =	vadd.s32 v59, v12;
	v15 =	vadd.s32 s9, v15  }
0x1fe: {  	[tilespmem:s28+$0x12300] =	vst v1;
	v12 =	vadd.s32 v14, v12;
	v14 =	vld [tilespmem:s28+$0x12500];
	vm0 =	vlt.s32 v15, $0x1333  }
0x1ff: {  	[tilespmem:s28+$0x12500] =	vst v1;
	v12 =	vadd.s32 v16, v12;
	v16 =	vld [tilespmem:s28+$0x12600];
	v15 =	vsel vm0, $0x1, v1  }
0x200: {  	[tilespmem:s28+$0x12600] =	vst v1;
	v12 =	vadd.s32 v18, v12;
	v13 =	vadd.s32 v20, v13;
	(xrf0) =	vadd.scan.msk.s32 $0xffff, v15;
	v15 =	vld [tilespmem:s28+$0x12700]  }
0x201: {  	v12 =	vadd.s32 v19, v12;
	v13 =	vadd.s32 v17, v13;
	v17 =	vld [tilespmem:s28+$0x12800];
	[tilespmem:s28+$0x12800] =	vst v1;
	v11 =	vnsel vm0, $0x0, v11  }
0x202: {  	[tilespmem:s28+$0x12700] =	vst v1;
	(xrf0) =	vadd.scan.msk.s32 $0xffff, v11;
	v11 =	vadd.s32 v61, v12;
	v12 =	vadd.s32 v62, v13;
	v13 =	vld [tilespmem:s28+$0x12900]  }
0x203: {  	[tilespmem:s28+$0x12900] =	vst v1;
	(xrf0) =	vadd.scan.msk.s32 $0xffff, v11;
	v12 =	vadd.s32 v14, v12;
	v14 =	vld [tilespmem:s28+$0x12A00]  }
0x204: {  	[tilespmem:s28+$0x12A00] =	vst v1;
	v12 =	vadd.s32 v16, v12;
	v16 =	vld [tilespmem:s28+$0x12B00]  }
0x205: {  	[tilespmem:s28+$0x12B00] =	vst v1;
	v12 =	vadd.s32 v15, v12;
	v15 =	vld [tilespmem:s28+$0x12C00]  }
0x206: {  	[tilespmem:s28+$0x12C00] =	vst v1;
	s31 =	spop (v2sf);
	v12 =	vadd.s32 v17, v12;
	v17 =	vld [tilespmem:s28+$0x12D00]  }
0x207: {  	v18, _, _ =	vpop (xrf0);
	[tilespmem:s28+$0x12D00] =	vst v1;
	s17 =	spop (v2sf);
	v12 =	vadd.s32 v13, v12;
	v13 =	vld [tilespmem:s28+$0x12E00]  }
0x208: {  	(v2sf) =	vpush v18, $0xF;
	v18, _, _ =	vpop (xrf0);
	[tilespmem:s28+$0x12E00] =	vst v1;
	v12 =	vadd.s32 v14, v12;
	v14 =	vld [tilespmem:s28+$0x12F00];
	s2 =	spop (v2sf)  }
0x209: {  	(v2sf) =	vpush v18, $0xF;
	v18, _, _ =	vpop (xrf0);
	[tilespmem:s28+$0x12F00] =	vst v1;
	v12 =	vadd.s32 v16, v12;
	v16 =	vld [tilespmem:s28+$0x13000];
	s9 =	sadd.s32 s9, s2  }
0x20a: {  	s3 =	sshra.s32 s24, $0x2;
	(v2sf) =	vpush v18, $0xF;
	[tilespmem:s28+$0x13000] =	vst v1;
	v12 =	vadd.s32 v15, v12;
	v18 =	vadd.s32 s9, v18  }
0x20b: {  	v15 =	vld [tilespmem:s3+$0x12100];
	v12 =	vadd.s32 v17, v12;
	vm0 =	vlt.s32 v18, $0x1333  }
0x20c: {  	v18 =	vld [tilespmem:s3+$0x12200];
	v12 =	vadd.s32 v13, v12;
	v17 =	vsel vm0, $0x1, v1  }
0x20d: {  	v13 =	vld [tilespmem:s3+$0x12300];
	v11 =	vnsel vm0, $0x0, v11;
	v12 =	vadd.s32 v14, v12;
	(xrf0) =	vadd.scan.msk.s32 $0xffff, v17  }
0x20e: {  	v12 =	vadd.s32 v16, v12;
	(xrf0) =	vadd.scan.msk.s32 $0xffff, v11;
	v11 =	vld [tilespmem:s3+$0x12400]  }
0x20f: {  	v14 =	vld [tilespmem:s3+$0x12500];
	(xrf0) =	vadd.scan.msk.s32 $0xffff, v12  }
0x210: {  	v16 =	vld [tilespmem:s3+$0x12600]  }
0x211: {  	v17 =	vld [tilespmem:s3+$0x12700];
	v15 =	vadd.s32 v15, v18  }
0x212: {  	v13 =	vadd.s32 v13, v15;
	v15 =	vld [tilespmem:s3+$0x12800]  }
0x213: {  	v18, _, _ =	vpop (xrf0);
	v11 =	vadd.s32 v11, v13;
	v13 =	vld [tilespmem:s3+$0x12900]  }
0x214: {  	(v2sf) =	vpush v18, $0xF;
	v18, _, _ =	vpop (xrf0);
	v11 =	vadd.s32 v14, v11;
	v14 =	vld [tilespmem:s3+$0x12A00]  }
0x215: {  	(v2sf) =	vpush v18, $0xF;
	v11 =	vadd.s32 v16, v11;
	v16 =	vld [tilespmem:s3+$0x12B00];
	v18, _, _ =	vpop (xrf0)  }
0x216: {  	v11 =	vadd.s32 v17, v11;
	v17 =	vld [tilespmem:s3+$0x12C00];
	(v2sf) =	vpush v18, $0xF  }
0x217: {  	s4 =	spop (v2sf);
	v11 =	vadd.s32 v15, v11;
	v15 =	vld [tilespmem:s3+$0x12D00]  }
0x218: {  	s22 =	spop (v2sf);
	v11 =	vadd.s32 v13, v11;
	v13 =	vld [tilespmem:s3+$0x12E00]  }
0x219: {  	s23 =	spop (v2sf);
	v11 =	vadd.s32 v14, v11;
	v14 =	vld [tilespmem:s3+$0x12F00]  }
0x21a: {  	s9 =	sadd.s32 s9, s23;
	v11 =	vadd.s32 v16, v11;
	v16 =	vld [tilespmem:s3+$0x13000]  }
0x21b: {  	v18 =	vadd.s32 s9, v18;
	v11 =	vadd.s32 v17, v11  }
0x21c: {  	vm0 =	vlt.s32 v18, $0x1333;
	v11 =	vadd.s32 v15, v11  }
0x21d: {  	v15 =	vsel vm0, $0x1, v1;
	v11 =	vadd.s32 v13, v11  }
0x21e: {  	v12 =	vnsel vm0, $0x0, v12;
	(xrf0) =	vadd.scan.msk.s32 $0xffff, v15;
	v11 =	vadd.s32 v14, v11  }
0x21f: {  	(xrf0) =	vadd.scan.msk.s32 $0xffff, v12;
	v11 =	vadd.s32 v16, v11  }
0x220: {  	(xrf0) =	vadd.scan.msk.s32 $0xffff, v11;
	_ =	sdelay $0x2  }
0x221: {  	s10 =	spop (v2sf)  }
0x222: {  	v12, _, _ =	vpop (xrf0);
	s11 =	spop (v2sf)  }
0x223: {  	v13, _, _ =	vpop (xrf0);
	s25 =	spop (v2sf)  }
0x224: {  	s9 =	sadd.s32 s9, s25;
	v14, _, _ =	vpop (xrf0)  }
0x225: {  	v15 =	vadd.s32 s9, v14  }
0x226: {  	vm0 =	vlt.s32 v15, $0x1333  }
0x227: {  	v15 =	vsel vm0, $0x1, v1  }
0x228: {  	(xrf0) =	vadd.scan.msk.s32 $0xffff, v15;
	_ =	sdelay $0x1  }
0x229: {  	[tilespmem:s3+$0x12100] =	vst v1  }
0x22a: {  	[tilespmem:s3+$0x12200] =	vst v1;
	v11 =	vnsel vm0, $0x0, v11  }
0x22b: {  	[tilespmem:s3+$0x12300] =	vst v1;
	(v2sf) =	vpush v12, $0xF  }
0x22c: {  	[tilespmem:s3+$0x12500] =	vst v1;
	(v2sf) =	vpush v13, $0xF  }
0x22d: {  	[tilespmem:s3+$0x12600] =	vst v1;
	(v2sf) =	vpush v14, $0xF;
	(xrf0) =	vadd.scan.msk.s32 $0xffff, v11;
	v11, _, _ =	vpop (xrf0)  }
0x22e: {  	[tilespmem:s3+$0x12700] =	vst v1;
	(v2sf) =	vpush v11, $0xF  }
0x22f: {  	[tilespmem:s3+$0x12400] =	vst v1  }
0x230: {  	[tilespmem:s3+$0x12800] =	vst v1  }
0x231: {  	[tilespmem:s3+$0x12900] =	vst v1  }
0x232: {  	[tilespmem:s3+$0x12A00] =	vst v1  }
0x233: {  	[tilespmem:s3+$0x12B00] =	vst v1  }
0x234: {  	[tilespmem:s3+$0x12C00] =	vst v1  }
0x235: {  	[tilespmem:s3+$0x12D00] =	vst v1;
	v11, _, _ =	vpop (xrf0)  }
0x236: {  	[tilespmem:s3+$0x12E00] =	vst v1;
	(v2sf) =	vpush v11, $0xF  }
0x237: {  	s7 =	sadd.s32 s21, s26;
	[tilespmem:s3+$0x12F00] =	vst v1  }
0x238: {  	s7 =	sadd.s32 s7, s31;
	s31 =	simm.s32 $0xC040;
	[tilespmem:s3+$0x13000] =	vst v1  }
0x239: {  	v12 =	vld [tilespmem:s31+$0xFFFFFFC0]  }
0x23a: {  	s25 =	spop (v2sf)  }
0x23b: {  	s0 =	sadd.s32 s7, s4;
	v13 =	vld [tilespmem:s31+$0xFFFFFFF0];
	s26 =	spop (v2sf)  }
0x23c: {  	s0 =	sadd.s32 s0, s10;
	v14 =	vld [tilespmem:s31+$0x30];
	s28 =	spop (v2sf)  }
0x23d: {  	s6 =	sadd.s32 s20, s29;
	s0 =	sadd.s32 s0, s25;
	s29 =	spop (v2sf)  }
0x23e: {  	v15 =	vshrl.u32 v12, $0x17;
	v12 =	vshrl.u32 v12, $0xF;
	s20 =	sadd.s32 s0, s29  }
0x23f: {  	v18 =	vld [tilespmem:s31+$0xFFFFFFE0];
	v12 =	vand.u32 $0xFF, v12;
	v11 =	vmov s20  }
0x240: {  	v16 =	vld [tilespmem:s31+$0x0];
	v19 =	vor.u32 v5, v12;
	vm0 =	veq.s32 v15, v11  }
0x241: {  	v17 =	vshrl.u32 v14, $0xF;
	v15 =	vshrl.u32 v13, $0xF;
	v13 =	vshrl.u32 v13, $0x17  }
0x242: {  	s6 =	sadd.s32 s6, s17;
	v12 =	vld [tilespmem:s31+$0x20];
	v14 =	vshrl.u32 v14, $0x17;
	v15 =	vand.u32 $0xFF, v15;
	vm1 =	veq.s32 v13, v11  }
0x243: {  	s6 =	sadd.s32 s6, s22;
	v20 =	vand.u32 $0xFF, v17;
	vm2 =	veq.s32 v14, v11;
	v13 =	vld [tilespmem:s31+$0xFFFFFFD0];
	v15 =	vor.u32 v5, v15  }
0x244: {  	s6 =	sadd.s32 s6, s11;
	v14 =	vor.u32 v5, v20  }
0x245: {  	v63 =	vshrl.u32 v16, $0xF;
	v17 =	vshrl.u32 v18, $0xF;
	s6 =	sadd.s32 s6, s26;
	s30 =	spop (v2sf);
	v20 =	vshrl.u32 v16, $0x17;
	v16 =	vld [tilespmem:s31+$0x10]  }
0x246: {  	s7 =	simm.s32 $0xC0C0;
	v18 =	vshrl.u32 v18, $0x17;
	s0 =	simm.s32 $0x0;
	s6 =	sadd.s32 s6, s30;
	[tilespmem:v19+s8+$0x0] =	vst.idx.add.s32.msk vm0, v6;
	vm0 =	veq.s32 v20, v11;
	v19 =	vand.u32 $0xFF, v63  }
.LBB2_9:
0x247: {  	v20 =	vld [tilespmem:s7+$0xFFFFFFF0];
	s0 =	sadd.s32 $0x8, s0;
	vm5 =	veq.s32 v18, v11;
	v17 =	vand.u32 $0xFF, v17;
	v18 =	vor.u32 v5, v19  }
0x248: {  	v19 =	vshrl.u32 v13, $0x17;
	p2 =	slt.u32 s0, $0x1F8;
	v17 =	vor.u32 v5, v17;
	[tilespmem:v15+s8+$0x0] =	vst.idx.add.s32.msk vm1, v6;
	v15 =	vshrl.u32 v12, $0x17  }
0x249: {  	vm4 =	veq.s32 v19, v11;
	v12 =	vshrl.u32 v12, $0xF;
	vm3 =	veq.s32 v15, v11;
	[tilespmem:v14+s8+$0x0] =	vst.idx.add.s32.msk vm2, v6  }
0x24a: {  	v13 =	vshrl.u32 v13, $0xF;
	v12 =	vand.u32 $0xFF, v12;
	v14 =	vld [tilespmem:s7+$0xFFFFFFC0];
	v15 =	vshrl.u32 v16, $0xF  }
0x24b: {  	v13 =	vand.u32 $0xFF, v13;
	v16 =	vshrl.u32 v16, $0x17;
	v21 =	vor.u32 v5, v12;
	v19 =	vld [tilespmem:s7+$0x30]  }
0x24c: {  	vm6 =	veq.s32 v16, v11;
	v15 =	vand.u32 $0xFF, v15;
	v22 =	vshrl.u32 v20, $0xF;
	v12 =	vld [tilespmem:s7+$0x20]  }
0x24d: {  	v23 =	vor.u32 v5, v13;
	v24 =	vor.u32 v5, v15;
	v16 =	vld [tilespmem:s7+$0xFFFFFFE0]  }
0x24e: {  	[tilespmem:v17+s8+$0x0] =	vst.idx.add.s32.msk vm5, v6  }
0x24f: {  	v13 =	vshrl.u32 v14, $0x17;
	v14 =	vshrl.u32 v14, $0xF;
	[tilespmem:v18+s8+$0x0] =	vst.idx.add.s32.msk vm0, v6  }
0x250: {  	vm0 =	veq.s32 v13, v11;
	v13 =	vand.u32 $0xFF, v14;
	v14 =	vshrl.u32 v20, $0x17;
	v20 =	vld [tilespmem:s7+$0x0]  }
0x251: {  	v15 =	vand.u32 $0xFF, v22;
	v17 =	vshrl.u32 v19, $0xF;
	v25 =	vor.u32 v5, v13;
	v13 =	vld [tilespmem:s7+$0xFFFFFFD0]  }
.Ltmp5:
0x252: {  	vm1 =	veq.s32 v14, v11;
	v14 =	vshrl.u32 v19, $0x17;
	v18 =	vand.u32 $0xFF, v17;
	[tilespmem:v23+s8+$0x0] =	vst.idx.add.s32.msk vm4, v6;
	(pc) =	sbr.rel @p2 .LBB2_9-.Ltmp5, $4  }
0x253: {  	v15 =	vor.u32 v5, v15;
	vm2 =	veq.s32 v14, v11;
	[tilespmem:v21+s8+$0x0] =	vst.idx.add.s32.msk vm3, v6  }
0x254: {  	v17 =	vshrl.u32 v16, $0xF;
	v14 =	vor.u32 v5, v18;
	[tilespmem:v24+s8+$0x0] =	vst.idx.add.s32.msk vm6, v6  }
0x255: {  	v18 =	vshrl.u32 v16, $0x17;
	v19 =	vshrl.u32 v20, $0x17;
	v20 =	vshrl.u32 v20, $0xF;
	v16 =	vld [tilespmem:s7+$0x10]  }
0x256: {  	s7 =	sadd.s32 $0x80, s7;
	[tilespmem:v25+s8+$0x0] =	vst.idx.add.s32.msk vm0, v6;
	vm0 =	veq.s32 v19, v11;
	v19 =	vand.u32 $0xFF, v20  }
0x257: {  	vm3 =	veq.s32 v18, v11;
	v17 =	vand.u32 $0xFF, v17;
	v18 =	vshrl.u32 v13, $0x17  }
0x258: {  	v19 =	vor.u32 v5, v19;
	v13 =	vshrl.u32 v13, $0xF;
	vm4 =	veq.s32 v18, v11  }
0x259: {  	v18 =	vshrl.u32 v12, $0x17;
	v17 =	vor.u32 v5, v17;
	v12 =	vshrl.u32 v12, $0xF  }
0x25a: {  	v13 =	vand.u32 $0xFF, v13;
	vm5 =	veq.s32 v18, v11;
	v12 =	vand.u32 $0xFF, v12  }
0x25b: {  	v13 =	vor.u32 v5, v13;
	v18 =	vshrl.u32 v16, $0xF;
	v16 =	vshrl.u32 v16, $0x17  }
0x25c: {  	[tilespmem:v15+s8+$0x0] =	vst.idx.add.s32.msk vm1, v6;
	v12 =	vor.u32 v5, v12;
	vm14 =	veq.s32 v16, v11;
	v11 =	vand.u32 $0xFF, v18  }
0x25d: {  	[tilespmem:v14+s8+$0x0] =	vst.idx.add.s32.msk vm2, v6;
	v11 =	vor.u32 v5, v11  }
0x25e: {  	[tilespmem:v19+s8+$0x0] =	vst.idx.add.s32.msk vm0, v6  }
0x25f: {  	[tilespmem:v17+s8+$0x0] =	vst.idx.add.s32.msk vm3, v6  }
0x260: {  	[tilespmem:v13+s8+$0x0] =	vst.idx.add.s32.msk vm4, v6  }
0x261: {  	[tilespmem:v12+s8+$0x0] =	vst.idx.add.s32.msk vm5, v6  }
0x262: {  	s0 =	simm.s32 $0xFFFFFF00;
	[tilespmem:v11+s8+$0x0] =	vst.idx.add.s32.msk vm14, v6  }
0x263: {  	v12 =	vld [tilespmem:s0+$0x12100];
	[tilespmem:s0+$0x12100] =	vst v1  }
0x264: {  	v13 =	vld [tilespmem:s0+$0x12200];
	[tilespmem:s0+$0x12200] =	vst v1  }
0x265: {  	v14 =	vld [tilespmem:s0+$0x12300];
	[tilespmem:s0+$0x12300] =	vst v1  }
0x266: {  	v15 =	vld [tilespmem:s0+$0x12400];
	[tilespmem:s0+$0x12400] =	vst v1  }
0x267: {  	v16 =	vld [tilespmem:s0+$0x12500];
	[tilespmem:s0+$0x12500] =	vst v1  }
0x268: {  	v17 =	vld [tilespmem:s0+$0x12600];
	[tilespmem:s0+$0x12600] =	vst v1  }
0x269: {  	v18 =	vld [tilespmem:s0+$0x12700];
	[tilespmem:s0+$0x12700] =	vst v1  }
0x26a: {  	v19 =	vld [tilespmem:s0+$0x12800];
	[tilespmem:s0+$0x12800] =	vst v1  }
0x26b: {  	v20 =	vld [tilespmem:s0+$0x12900];
	[tilespmem:s0+$0x12900] =	vst v1  }
0x26c: {  	v21 =	vld [tilespmem:s0+$0x12A00];
	[tilespmem:s0+$0x12A00] =	vst v1  }
0x26d: {  	v22 =	vld [tilespmem:s0+$0x12B00];
	[tilespmem:s0+$0x12B00] =	vst v1;
	v12 =	vadd.s32 v12, v13  }
0x26e: {  	v23 =	vld [tilespmem:s0+$0x12C00];
	[tilespmem:s0+$0x12C00] =	vst v1;
	v12 =	vadd.s32 v14, v12  }
0x26f: {  	v24 =	vld [tilespmem:s0+$0x12D00];
	[tilespmem:s0+$0x12D00] =	vst v1;
	v12 =	vadd.s32 v15, v12  }
0x270: {  	v25 =	vld [tilespmem:s0+$0x12E00];
	[tilespmem:s0+$0x12E00] =	vst v1;
	v12 =	vadd.s32 v16, v12  }
0x271: {  	v26 =	vld [tilespmem:s0+$0x12F00];
	[tilespmem:s0+$0x12F00] =	vst v1;
	v12 =	vadd.s32 v17, v12  }
0x272: {  	s31 =	simm.s32 $0xFFFFFF10;
	v27 =	vld [tilespmem:s0+$0x13000];
	[tilespmem:s0+$0x13000] =	vst v1;
	v12 =	vadd.s32 v18, v12  }
0x273: {  	v28 =	vld [tilespmem:s31+$0x12100];
	v12 =	vadd.s32 v19, v12  }
0x274: {  	v29 =	vld [tilespmem:s31+$0x12200];
	v12 =	vadd.s32 v20, v12  }
0x275: {  	v30 =	vld [tilespmem:s31+$0x12300];
	v12 =	vadd.s32 v21, v12  }
0x276: {  	v54 =	vld [tilespmem:s31+$0x12C00];
	v12 =	vadd.s32 v22, v12  }
0x277: {  	[tilespmem:s31+$0x12100] =	vst v1;
	v55 =	vld [tilespmem:s31+$0x12D00];
	v12 =	vadd.s32 v23, v12  }
0x278: {  	[tilespmem:s31+$0x12200] =	vst v1;
	v56 =	vld [tilespmem:s31+$0x12E00];
	v12 =	vadd.s32 v24, v12  }
0x279: {  	[tilespmem:s31+$0x12300] =	vst v1;
	v57 =	vld [tilespmem:s31+$0x12F00];
	v12 =	vadd.s32 v25, v12  }
0x27a: {  	[tilespmem:s31+$0x12C00] =	vst v1;
	v58 =	vld [tilespmem:s31+$0x13000];
	v12 =	vadd.s32 v26, v12  }
0x27b: {  	[tilespmem:s31+$0x12D00] =	vst v1;
	v13 =	vld [tilespmem:s31+$0x12400];
	v12 =	vadd.s32 v27, v12  }
0x27c: {  	[tilespmem:s31+$0x12E00] =	vst v1;
	v14 =	vld [tilespmem:s31+$0x12500];
	(xrf0) =	vadd.scan.msk.s32 $0xffff, v12  }
0x27d: {  	[tilespmem:s31+$0x12F00] =	vst v1;
	v15 =	vld [tilespmem:s31+$0x12600]  }
0x27e: {  	[tilespmem:s31+$0x13000] =	vst v1;
	v28 =	vadd.s32 v28, v29;
	v16 =	vld [tilespmem:s31+$0x12700]  }
0x27f: {  	[tilespmem:s31+$0x12400] =	vst v1;
	v28 =	vadd.s32 v30, v28;
	v17 =	vld [tilespmem:s31+$0x12800]  }
0x280: {  	[tilespmem:s31+$0x12500] =	vst v1;
	v18 =	vld [tilespmem:s31+$0x12900];
	v13 =	vadd.s32 v13, v28  }
0x281: {  	[tilespmem:s31+$0x12600] =	vst v1;
	v19 =	vld [tilespmem:s31+$0x12A00];
	v13 =	vadd.s32 v14, v13  }
0x282: {  	s19 =	ssub.s32 $0x1332, s6;
	s25 =	simm.s32 $0x0;
	[tilespmem:s31+$0x12700] =	vst v1;
	v20 =	vld [tilespmem:s31+$0x12B00];
	v13 =	vadd.s32 v15, v13;
	v63, _, _ =	vpop (xrf0)  }
0x283: {  	v11 =	vmov s19;
	[tilespmem:s31+$0x12800] =	vst v1;
	v13 =	vadd.s32 v16, v13;
	v14 =	vadd.s32 s25, v63  }
0x284: {  	[tilespmem:s31+$0x12900] =	vst v1;
	(v2sf) =	vpush v63, $0xF;
	vm15 =	vle.s32 v14, v11;
	v14 =	vadd.s32 v17, v13  }
0x285: {  	[tilespmem:s31+$0x12A00] =	vst v1;
	v15 =	vsel vm15, $0x1, v1;
	v14 =	vadd.s32 v18, v14  }
0x286: {  	s7 =	simm.s32 $0xFFFFFF20;
	[tilespmem:s31+$0x12B00] =	vst v1;
	v12 =	vnsel vm15, $0x0, v12;
	(xrf0) =	vadd.scan.msk.s32 $0xffff, v15;
	v15 =	vadd.s32 v19, v14  }
0x287: {  	v59 =	vld [tilespmem:s7+$0x12100];
	(xrf0) =	vadd.scan.msk.s32 $0xffff, v12;
	v12 =	vadd.s32 v20, v15  }
0x288: {  	[tilespmem:s7+$0x12100] =	vst v1;
	v60 =	vld [tilespmem:s7+$0x12200];
	v12 =	vadd.s32 v54, v12  }
0x289: {  	[tilespmem:s7+$0x12200] =	vst v1;
	v61 =	vld [tilespmem:s7+$0x12300];
	v12 =	vadd.s32 v55, v12  }
0x28a: {  	[tilespmem:s7+$0x12300] =	vst v1;
	v62 =	vld [tilespmem:s7+$0x12400];
	v12 =	vadd.s32 v56, v12  }
0x28b: {  	[tilespmem:s7+$0x12400] =	vst v1;
	v31 =	vld [tilespmem:s7+$0x12500];
	v12 =	vadd.s32 v57, v12  }
0x28c: {  	[tilespmem:s7+$0x12500] =	vst v1;
	v16 =	vld [tilespmem:s7+$0x12900];
	v12 =	vadd.s32 v58, v12  }
0x28d: {  	[tilespmem:s7+$0x12900] =	vst v1;
	v13 =	vld [tilespmem:s7+$0x12600];
	v18, _, _ =	vpop (xrf0);
	(xrf0) =	vadd.scan.msk.s32 $0xffff, v12  }
0x28e: {  	[tilespmem:s7+$0x12600] =	vst v1;
	v17 =	vadd.s32 v59, v60;
	v14 =	vld [tilespmem:s7+$0x12700]  }
0x28f: {  	v17 =	vadd.s32 v61, v17;
	[tilespmem:s7+$0x12700] =	vst v1;
	v15 =	vld [tilespmem:s7+$0x12800];
	(v2sf) =	vpush v18, $0xF;
	v18, _, _ =	vpop (xrf0)  }
0x290: {  	s16 =	simm.s32 $0xFFFFFCC0;
	s6 =	simm.s32 $0xFFFFFD00;
	s26 =	simm.s32 $0xFFFFFD40;
	v19 =	vadd.s32 v62, v17;
	v17 =	vld [tilespmem:s7+$0x12A00];
	[tilespmem:s7+$0x12A00] =	vst v1;
	(v2sf) =	vpush v18, $0xF  }
0x291: {  	s17 =	simm.s32 $0xFFFFFD80;
	s24 =	simm.s32 $0x0;
	s21 =	simm.s32 $0x0;
	[tilespmem:s7+$0x12800] =	vst v1;
	v18 =	vadd.s32 v31, v19  }
.LBB2_11:
0x292: {  	p2 =	sne.s32 s17, $0xFFFFFFC0;
	v13 =	vadd.s32 v13, v18;
	v18 =	vld [tilespmem:s7+$0x12B00];
	[tilespmem:s7+$0x12B00] =	vst v1  }
0x293: {  	v13 =	vadd.s32 v14, v13;
	v14 =	vld [tilespmem:s7+$0x12C00];
	[tilespmem:s7+$0x12C00] =	vst v1;
	v19, _, _ =	vpop (xrf0);
	s0 =	spop (v2sf)  }
0x294: {  	v13 =	vadd.s32 v15, v13;
	v15 =	vld [tilespmem:s7+$0x12D00];
	[tilespmem:s7+$0x12D00] =	vst v1;
	(v2sf) =	vpush v19, $0xF;
	s25 =	sadd.s32 s25, s0  }
0x295: {  	v13 =	vadd.s32 v16, v13;
	v16 =	vld [tilespmem:s7+$0x12E00];
	[tilespmem:s7+$0x12E00] =	vst v1;
	v19 =	vadd.s32 s25, v19  }
0x296: {  	v13 =	vadd.s32 v17, v13;
	v17 =	vld [tilespmem:s7+$0x12F00];
	[tilespmem:s7+$0x12F00] =	vst v1;
	vm0 =	vle.s32 v19, v11  }
0x297: {  	v13 =	vadd.s32 v18, v13;
	v18 =	vld [tilespmem:s7+$0x13000];
	[tilespmem:s7+$0x13000] =	vst v1;
	s7 =	sshra.s32 s16, $0x2;
	v19 =	vsel vm0, $0x1, v1;
	v12 =	vnsel vm0, $0x0, v12;
	s16 =	smov.u32 s6;
	s6 =	smov.u32 s26  }
0x298: {  	s26 =	smov.u32 s17;
	v20 =	vld [tilespmem:s7+$0x12100];
	[tilespmem:s7+$0x12100] =	vst v1;
	v13 =	vadd.s32 v14, v13;
	(xrf0) =	vadd.scan.msk.s32 $0xffff, v19  }
0x299: {  	v14 =	vld [tilespmem:s7+$0x12200];
	[tilespmem:s7+$0x12200] =	vst v1;
	v13 =	vadd.s32 v15, v13;
	(xrf0) =	vadd.scan.msk.s32 $0xffff, v12  }
0x29a: {  	v15 =	vld [tilespmem:s7+$0x12300];
	[tilespmem:s7+$0x12300] =	vst v1;
	v12 =	vadd.s32 v16, v13  }
0x29b: {  	v16 =	vld [tilespmem:s7+$0x12400];
	[tilespmem:s7+$0x12400] =	vst v1;
	v12 =	vadd.s32 v17, v12  }
0x29c: {  	v17 =	vld [tilespmem:s7+$0x12500];
	[tilespmem:s7+$0x12500] =	vst v1;
	v12 =	vadd.s32 v18, v12  }
.Ltmp6:
0x29d: {  	v13 =	vld [tilespmem:s7+$0x12600];
	[tilespmem:s7+$0x12600] =	vst v1;
	(xrf0) =	vadd.scan.msk.s32 $0xffff, v12;
	(pc) =	sbr.rel @p2 .LBB2_11-.Ltmp6, $4  }
0x29e: {  	v18 =	vadd.s32 v20, v14;
	v14 =	vld [tilespmem:s7+$0x12700];
	[tilespmem:s7+$0x12700] =	vst v1;
	v19, _, _ =	vpop (xrf0);
	s0 =	spop (v2sf)  }
0x29f: {  	v18 =	vadd.s32 v15, v18;
	v15 =	vld [tilespmem:s7+$0x12800];
	[tilespmem:s7+$0x12800] =	vst v1;
	(v2sf) =	vpush v19, $0xF;
	v19, _, _ =	vpop (xrf0);
	s24 =	sadd.s32 s24, s0;
	s0 =	spop (v2sf)  }
0x2a0: {  	v18 =	vadd.s32 v16, v18;
	v16 =	vld [tilespmem:s7+$0x12900];
	[tilespmem:s7+$0x12900] =	vst v1;
	(v2sf) =	vpush v19, $0xF;
	s21 =	sadd.s32 s21, s0  }
0x2a1: {  	s17 =	sadd.s32 $0x40, s17;
	v18 =	vadd.s32 v17, v18;
	v17 =	vld [tilespmem:s7+$0x12A00];
	[tilespmem:s7+$0x12A00] =	vst v1  }
0x2a2: {  	v19 =	vld [tilespmem:s7+$0x12B00];
	[tilespmem:s7+$0x12B00] =	vst v1  }
0x2a3: {  	v20 =	vld [tilespmem:s7+$0x12C00];
	[tilespmem:s7+$0x12C00] =	vst v1  }
0x2a4: {  	v21 =	vld [tilespmem:s7+$0x12D00];
	[tilespmem:s7+$0x12D00] =	vst v1  }
0x2a5: {  	v22 =	vld [tilespmem:s7+$0x12E00];
	[tilespmem:s7+$0x12E00] =	vst v1  }
0x2a6: {  	v23 =	vld [tilespmem:s7+$0x12F00];
	[tilespmem:s7+$0x12F00] =	vst v1;
	v13 =	vadd.s32 v13, v18  }
0x2a7: {  	v18 =	vld [tilespmem:s7+$0x13000];
	s9 =	sshra.s32 s16, $0x2;
	[tilespmem:s7+$0x13000] =	vst v1;
	v13 =	vadd.s32 v14, v13  }
0x2a8: {  	v14 =	vld [tilespmem:s9+$0x12100];
	[tilespmem:s9+$0x12100] =	vst v1;
	v13 =	vadd.s32 v15, v13  }
0x2a9: {  	v56 =	vld [tilespmem:s9+$0x12700];
	[tilespmem:s9+$0x12700] =	vst v1;
	v13 =	vadd.s32 v16, v13  }
0x2aa: {  	s0 =	spop (v2sf);
	v57 =	vld [tilespmem:s9+$0x12800];
	[tilespmem:s9+$0x12800] =	vst v1;
	v16, _, _ =	vpop (xrf0);
	v13 =	vadd.s32 v17, v13  }
0x2ab: {  	v58 =	vld [tilespmem:s9+$0x12B00];
	[tilespmem:s9+$0x12B00] =	vst v1;
	s25 =	sadd.s32 s25, s0;
	(v2sf) =	vpush v16, $0xF;
	v13 =	vadd.s32 v19, v13  }
0x2ac: {  	v60 =	vld [tilespmem:s9+$0x13000];
	[tilespmem:s9+$0x13000] =	vst v1;
	v16 =	vadd.s32 s25, v16;
	v13 =	vadd.s32 v20, v13  }
0x2ad: {  	v15 =	vld [tilespmem:s9+$0x12200];
	[tilespmem:s9+$0x12200] =	vst v1;
	vm0 =	vle.s32 v16, v11;
	v13 =	vadd.s32 v21, v13  }
0x2ae: {  	v17 =	vld [tilespmem:s9+$0x12300];
	[tilespmem:s9+$0x12300] =	vst v1;
	v55 =	vsel vm0, $0x1, v1;
	v13 =	vadd.s32 v22, v13  }
0x2af: {  	v19 =	vld [tilespmem:s9+$0x12400];
	[tilespmem:s9+$0x12400] =	vst v1;
	v12 =	vnsel vm0, $0x0, v12;
	(xrf0) =	vadd.scan.msk.s32 $0xffff, v55;
	v13 =	vadd.s32 v23, v13  }
0x2b0: {  	v16 =	vld [tilespmem:s9+$0x12600];
	[tilespmem:s9+$0x12600] =	vst v1;
	(xrf0) =	vadd.scan.msk.s32 $0xffff, v12;
	v12 =	vadd.s32 v18, v13  }
0x2b1: {  	v20 =	vld [tilespmem:s9+$0x12500];
	[tilespmem:s9+$0x12500] =	vst v1;
	(xrf0) =	vadd.scan.msk.s32 $0xffff, v12  }
0x2b2: {  	v14 =	vadd.s32 v14, v15;
	v15 =	vld [tilespmem:s9+$0x12C00];
	[tilespmem:s9+$0x12C00] =	vst v1  }
0x2b3: {  	v14 =	vadd.s32 v17, v14;
	v17 =	vld [tilespmem:s9+$0x12D00];
	[tilespmem:s9+$0x12D00] =	vst v1  }
0x2b4: {  	v13 =	vld [tilespmem:s9+$0x12900];
	[tilespmem:s9+$0x12900] =	vst v1  }
0x2b5: {  	v18 =	vld [tilespmem:s9+$0x12A00];
	[tilespmem:s9+$0x12A00] =	vst v1;
	v14 =	vadd.s32 v19, v14;
	v24, _, _ =	vpop (xrf0)  }
0x2b6: {  	v19 =	vld [tilespmem:s9+$0x12E00];
	[tilespmem:s9+$0x12E00] =	vst v1;
	v14 =	vadd.s32 v20, v14;
	(v2sf) =	vpush v24, $0xF;
	v59, _, _ =	vpop (xrf0)  }
0x2b7: {  	s28 =	sshra.s32 s6, $0x2;
	v20 =	vld [tilespmem:s9+$0x12F00];
	[tilespmem:s9+$0x12F00] =	vst v1;
	v14 =	vadd.s32 v16, v14;
	(v2sf) =	vpush v59, $0xF;
	v16, _, _ =	vpop (xrf0)  }
0x2b8: {  	s7 =	spop (v2sf);
	v61 =	vld [tilespmem:s28+$0x12100];
	v14 =	vadd.s32 v56, v14;
	(v2sf) =	vpush v16, $0xF  }
0x2b9: {  	v62 =	vld [tilespmem:s28+$0x12400];
	s29 =	spop (v2sf);
	v14 =	vadd.s32 v57, v14  }
0x2ba: {  	[tilespmem:s28+$0x12100] =	vst v1;
	v13 =	vadd.s32 v13, v14;
	v14 =	vld [tilespmem:s28+$0x12200];
	s30 =	spop (v2sf)  }
0x2bb: {  	[tilespmem:s28+$0x12400] =	vst v1;
	v13 =	vadd.s32 v18, v13;
	v18 =	vld [tilespmem:s28+$0x12300];
	s9 =	sadd.s32 s25, s30  }
0x2bc: {  	[tilespmem:s28+$0x12200] =	vst v1;
	v13 =	vadd.s32 v58, v13;
	v16 =	vadd.s32 s9, v16  }
0x2bd: {  	[tilespmem:s28+$0x12300] =	vst v1;
	v13 =	vadd.s32 v15, v13;
	v15 =	vld [tilespmem:s28+$0x12500];
	vm0 =	vle.s32 v16, v11  }
0x2be: {  	[tilespmem:s28+$0x12500] =	vst v1;
	v13 =	vadd.s32 v17, v13;
	v17 =	vld [tilespmem:s28+$0x12600];
	v16 =	vsel vm0, $0x1, v1  }
0x2bf: {  	[tilespmem:s28+$0x12600] =	vst v1;
	v13 =	vadd.s32 v19, v13;
	v14 =	vadd.s32 v61, v14;
	(xrf0) =	vadd.scan.msk.s32 $0xffff, v16;
	v16 =	vld [tilespmem:s28+$0x12700]  }
0x2c0: {  	v13 =	vadd.s32 v20, v13;
	v14 =	vadd.s32 v18, v14;
	v18 =	vld [tilespmem:s28+$0x12800];
	[tilespmem:s28+$0x12800] =	vst v1;
	v12 =	vnsel vm0, $0x0, v12  }
0x2c1: {  	[tilespmem:s28+$0x12700] =	vst v1;
	(xrf0) =	vadd.scan.msk.s32 $0xffff, v12;
	v12 =	vadd.s32 v60, v13;
	v13 =	vadd.s32 v62, v14;
	v14 =	vld [tilespmem:s28+$0x12900]  }
0x2c2: {  	[tilespmem:s28+$0x12900] =	vst v1;
	(xrf0) =	vadd.scan.msk.s32 $0xffff, v12;
	v13 =	vadd.s32 v15, v13;
	v15 =	vld [tilespmem:s28+$0x12A00]  }
0x2c3: {  	[tilespmem:s28+$0x12A00] =	vst v1;
	v13 =	vadd.s32 v17, v13;
	v17 =	vld [tilespmem:s28+$0x12B00]  }
0x2c4: {  	[tilespmem:s28+$0x12B00] =	vst v1;
	v13 =	vadd.s32 v16, v13;
	v16 =	vld [tilespmem:s28+$0x12C00]  }
0x2c5: {  	s22 =	spop (v2sf);
	[tilespmem:s28+$0x12C00] =	vst v1;
	v13 =	vadd.s32 v18, v13;
	v18 =	vld [tilespmem:s28+$0x12D00]  }
0x2c6: {  	v19, _, _ =	vpop (xrf0);
	s31 =	spop (v2sf);
	[tilespmem:s28+$0x12D00] =	vst v1;
	v13 =	vadd.s32 v14, v13;
	v14 =	vld [tilespmem:s28+$0x12E00]  }
0x2c7: {  	(v2sf) =	vpush v19, $0xF;
	v19, _, _ =	vpop (xrf0);
	[tilespmem:s28+$0x12E00] =	vst v1;
	v13 =	vadd.s32 v15, v13;
	v15 =	vld [tilespmem:s28+$0x12F00];
	s17 =	spop (v2sf)  }
0x2c8: {  	(v2sf) =	vpush v19, $0xF;
	v19, _, _ =	vpop (xrf0);
	[tilespmem:s28+$0x12F00] =	vst v1;
	v13 =	vadd.s32 v17, v13;
	v17 =	vld [tilespmem:s28+$0x13000];
	s9 =	sadd.s32 s9, s17  }
0x2c9: {  	s2 =	sshra.s32 s26, $0x2;
	(v2sf) =	vpush v19, $0xF;
	[tilespmem:s28+$0x13000] =	vst v1;
	v13 =	vadd.s32 v16, v13;
	v19 =	vadd.s32 s9, v19  }
0x2ca: {  	v16 =	vld [tilespmem:s2+$0x12100];
	v13 =	vadd.s32 v18, v13;
	vm0 =	vle.s32 v19, v11  }
0x2cb: {  	v19 =	vld [tilespmem:s2+$0x12200];
	v13 =	vadd.s32 v14, v13;
	v18 =	vsel vm0, $0x1, v1  }
0x2cc: {  	v14 =	vld [tilespmem:s2+$0x12300];
	v12 =	vnsel vm0, $0x0, v12;
	v13 =	vadd.s32 v15, v13;
	(xrf0) =	vadd.scan.msk.s32 $0xffff, v18  }
0x2cd: {  	v13 =	vadd.s32 v17, v13;
	(xrf0) =	vadd.scan.msk.s32 $0xffff, v12;
	v12 =	vld [tilespmem:s2+$0x12400]  }
0x2ce: {  	v15 =	vld [tilespmem:s2+$0x12500];
	(xrf0) =	vadd.scan.msk.s32 $0xffff, v13  }
0x2cf: {  	v17 =	vld [tilespmem:s2+$0x12600]  }
0x2d0: {  	v18 =	vld [tilespmem:s2+$0x12700];
	v16 =	vadd.s32 v16, v19  }
0x2d1: {  	v14 =	vadd.s32 v14, v16;
	v16 =	vld [tilespmem:s2+$0x12800]  }
0x2d2: {  	v19, _, _ =	vpop (xrf0);
	v12 =	vadd.s32 v12, v14;
	v14 =	vld [tilespmem:s2+$0x12900]  }
0x2d3: {  	(v2sf) =	vpush v19, $0xF;
	v19, _, _ =	vpop (xrf0);
	v12 =	vadd.s32 v15, v12;
	v15 =	vld [tilespmem:s2+$0x12A00]  }
0x2d4: {  	(v2sf) =	vpush v19, $0xF;
	v12 =	vadd.s32 v17, v12;
	v17 =	vld [tilespmem:s2+$0x12B00];
	v19, _, _ =	vpop (xrf0)  }
0x2d5: {  	v12 =	vadd.s32 v18, v12;
	v18 =	vld [tilespmem:s2+$0x12C00];
	(v2sf) =	vpush v19, $0xF  }
0x2d6: {  	s3 =	spop (v2sf);
	v12 =	vadd.s32 v16, v12;
	v16 =	vld [tilespmem:s2+$0x12D00]  }
0x2d7: {  	s23 =	spop (v2sf);
	v12 =	vadd.s32 v14, v12;
	v14 =	vld [tilespmem:s2+$0x12E00]  }
0x2d8: {  	s4 =	spop (v2sf);
	v12 =	vadd.s32 v15, v12;
	v15 =	vld [tilespmem:s2+$0x12F00]  }
0x2d9: {  	s9 =	sadd.s32 s9, s4;
	v12 =	vadd.s32 v17, v12;
	v17 =	vld [tilespmem:s2+$0x13000]  }
0x2da: {  	v19 =	vadd.s32 s9, v19;
	v12 =	vadd.s32 v18, v12  }
0x2db: {  	vm0 =	vle.s32 v19, v11;
	v12 =	vadd.s32 v16, v12  }
0x2dc: {  	v16 =	vsel vm0, $0x1, v1;
	v12 =	vadd.s32 v14, v12  }
0x2dd: {  	v13 =	vnsel vm0, $0x0, v13;
	(xrf0) =	vadd.scan.msk.s32 $0xffff, v16;
	v12 =	vadd.s32 v15, v12  }
0x2de: {  	(xrf0) =	vadd.scan.msk.s32 $0xffff, v13;
	v12 =	vadd.s32 v17, v12  }
0x2df: {  	(xrf0) =	vadd.scan.msk.s32 $0xffff, v12;
	_ =	sdelay $0x2  }
0x2e0: {  	s10 =	spop (v2sf)  }
0x2e1: {  	v13, _, _ =	vpop (xrf0);
	s11 =	spop (v2sf)  }
0x2e2: {  	v14, _, _ =	vpop (xrf0);
	s28 =	spop (v2sf)  }
0x2e3: {  	s9 =	sadd.s32 s9, s28;
	v15, _, _ =	vpop (xrf0)  }
0x2e4: {  	v16 =	vadd.s32 s9, v15  }
0x2e5: {  	vm0 =	vle.s32 v16, v11  }
0x2e6: {  	v11 =	vsel vm0, $0x1, v1  }
0x2e7: {  	(xrf0) =	vadd.scan.msk.s32 $0xffff, v11;
	_ =	sdelay $0x2  }
0x2e8: {  	v11 =	vnsel vm0, $0x0, v12  }
0x2e9: {  	[tilespmem:s2+$0x12100] =	vst v1;
	(v2sf) =	vpush v13, $0xF  }
0x2ea: {  	[tilespmem:s2+$0x12200] =	vst v1;
	(v2sf) =	vpush v14, $0xF  }
0x2eb: {  	[tilespmem:s2+$0x12300] =	vst v1;
	(v2sf) =	vpush v15, $0xF;
	(xrf0) =	vadd.scan.msk.s32 $0xffff, v11;
	v11, _, _ =	vpop (xrf0)  }
0x2ec: {  	[tilespmem:s2+$0x12500] =	vst v1;
	(v2sf) =	vpush v11, $0xF  }
0x2ed: {  	[tilespmem:s2+$0x12600] =	vst v1  }
0x2ee: {  	[tilespmem:s2+$0x12700] =	vst v1  }
0x2ef: {  	[tilespmem:s2+$0x12400] =	vst v1  }
0x2f0: {  	[tilespmem:s2+$0x12800] =	vst v1  }
0x2f1: {  	[tilespmem:s2+$0x12900] =	vst v1  }
0x2f2: {  	[tilespmem:s2+$0x12A00] =	vst v1  }
0x2f3: {  	[tilespmem:s2+$0x12B00] =	vst v1  }
0x2f4: {  	[tilespmem:s2+$0x12C00] =	vst v1;
	v11, _, _ =	vpop (xrf0)  }
0x2f5: {  	[tilespmem:s2+$0x12D00] =	vst v1;
	(v2sf) =	vpush v11, $0xF  }
0x2f6: {  	s7 =	sadd.s32 s24, s7;
	[tilespmem:s2+$0x12E00] =	vst v1  }
0x2f7: {  	s6 =	sadd.s32 s21, s29;
	s7 =	sadd.s32 s7, s22;
	[tilespmem:s2+$0x12F00] =	vst v1  }
0x2f8: {  	s6 =	sadd.s32 s6, s31;
	s31 =	simm.s32 $0xC040;
	[tilespmem:s2+$0x13000] =	vst v1;
	s22 =	spop (v2sf)  }
0x2f9: {  	s0 =	sadd.s32 s7, s3;
	v12 =	vld [tilespmem:s31+$0xFFFFFFC0];
	s24 =	spop (v2sf)  }
0x2fa: {  	s0 =	sadd.s32 s0, s10;
	v14 =	vld [tilespmem:s31+$0x30];
	s25 =	spop (v2sf)  }
0x2fb: {  	v13 =	vld [tilespmem:s31+$0xFFFFFFF0];
	s0 =	sadd.s32 s0, s22;
	s28 =	spop (v2sf)  }
0x2fc: {  	s29 =	sshll.u32 s20, $0x8;
	s0 =	sadd.s32 s0, s28  }
0x2fd: {  	s20 =	sadd.s32 s29, s0  }
0x2fe: {  	v18 =	vld [tilespmem:s31+$0xFFFFFFE0];
	v15 =	vshrl.u32 v12, $0xF;
	v12 =	vshrl.u32 v12, $0x7;
	v11 =	vmov s20  }
0x2ff: {  	v16 =	vld [tilespmem:s31+$0x0];
	v17 =	vshrl.u32 v14, $0x7;
	v12 =	vand.u32 $0xFF, v12;
	vm0 =	veq.s32 v15, v11  }
0x300: {  	v19 =	vor.u32 v5, v12;
	v15 =	vshrl.u32 v13, $0x7;
	v13 =	vshrl.u32 v13, $0xF  }
0x301: {  	v14 =	vshrl.u32 v14, $0xF;
	v12 =	vld [tilespmem:s31+$0x20];
	v15 =	vand.u32 $0xFF, v15;
	vm1 =	veq.s32 v13, v11  }
0x302: {  	s6 =	sadd.s32 s6, s23;
	v20 =	vand.u32 $0xFF, v17;
	vm2 =	veq.s32 v14, v11;
	v13 =	vld [tilespmem:s31+$0xFFFFFFD0];
	v15 =	vor.u32 v5, v15  }
0x303: {  	s6 =	sadd.s32 s6, s11;
	v14 =	vor.u32 v5, v20  }
0x304: {  	v17 =	vshrl.u32 v18, $0x7;
	v63 =	vshrl.u32 v16, $0x7;
	s6 =	sadd.s32 s6, s24;
	s30 =	spop (v2sf);
	v20 =	vshrl.u32 v16, $0xF;
	v16 =	vld [tilespmem:s31+$0x10]  }
0x305: {  	s7 =	simm.s32 $0xC0C0;
	v18 =	vshrl.u32 v18, $0xF;
	s6 =	sadd.s32 s6, s30;
	s0 =	simm.s32 $0x0;
	[tilespmem:v19+s8+$0x0] =	vst.idx.add.s32.msk vm0, v6;
	vm0 =	veq.s32 v20, v11;
	v19 =	vand.u32 $0xFF, v63  }
.LBB2_13:
0x306: {  	v20 =	vld [tilespmem:s7+$0xFFFFFFF0];
	s0 =	sadd.s32 $0x8, s0;
	vm5 =	veq.s32 v18, v11;
	v17 =	vand.u32 $0xFF, v17;
	v18 =	vor.u32 v5, v19  }
0x307: {  	v19 =	vshrl.u32 v13, $0xF;
	p2 =	slt.u32 s0, $0x1F8;
	v17 =	vor.u32 v5, v17;
	[tilespmem:v15+s8+$0x0] =	vst.idx.add.s32.msk vm1, v6;
	v15 =	vshrl.u32 v12, $0xF  }
0x308: {  	vm4 =	veq.s32 v19, v11;
	v12 =	vshrl.u32 v12, $0x7;
	vm3 =	veq.s32 v15, v11;
	[tilespmem:v14+s8+$0x0] =	vst.idx.add.s32.msk vm2, v6  }
0x309: {  	v13 =	vshrl.u32 v13, $0x7;
	v12 =	vand.u32 $0xFF, v12;
	v14 =	vld [tilespmem:s7+$0xFFFFFFC0];
	v15 =	vshrl.u32 v16, $0x7  }
0x30a: {  	v13 =	vand.u32 $0xFF, v13;
	v16 =	vshrl.u32 v16, $0xF;
	v21 =	vor.u32 v5, v12;
	v19 =	vld [tilespmem:s7+$0x30]  }
0x30b: {  	vm6 =	veq.s32 v16, v11;
	v15 =	vand.u32 $0xFF, v15;
	v22 =	vshrl.u32 v20, $0x7;
	v12 =	vld [tilespmem:s7+$0x20]  }
0x30c: {  	v23 =	vor.u32 v5, v13;
	v24 =	vor.u32 v5, v15;
	v16 =	vld [tilespmem:s7+$0xFFFFFFE0]  }
0x30d: {  	[tilespmem:v17+s8+$0x0] =	vst.idx.add.s32.msk vm5, v6  }
0x30e: {  	v13 =	vshrl.u32 v14, $0xF;
	v14 =	vshrl.u32 v14, $0x7;
	[tilespmem:v18+s8+$0x0] =	vst.idx.add.s32.msk vm0, v6  }
0x30f: {  	vm0 =	veq.s32 v13, v11;
	v13 =	vand.u32 $0xFF, v14;
	v14 =	vshrl.u32 v20, $0xF;
	v20 =	vld [tilespmem:s7+$0x0]  }
0x310: {  	v15 =	vand.u32 $0xFF, v22;
	v17 =	vshrl.u32 v19, $0x7;
	v25 =	vor.u32 v5, v13;
	v13 =	vld [tilespmem:s7+$0xFFFFFFD0]  }
.Ltmp7:
0x311: {  	vm1 =	veq.s32 v14, v11;
	v14 =	vshrl.u32 v19, $0xF;
	v18 =	vand.u32 $0xFF, v17;
	[tilespmem:v23+s8+$0x0] =	vst.idx.add.s32.msk vm4, v6;
	(pc) =	sbr.rel @p2 .LBB2_13-.Ltmp7, $4  }
0x312: {  	v15 =	vor.u32 v5, v15;
	vm2 =	veq.s32 v14, v11;
	[tilespmem:v21+s8+$0x0] =	vst.idx.add.s32.msk vm3, v6  }
0x313: {  	v17 =	vshrl.u32 v16, $0x7;
	v14 =	vor.u32 v5, v18;
	[tilespmem:v24+s8+$0x0] =	vst.idx.add.s32.msk vm6, v6  }
0x314: {  	v18 =	vshrl.u32 v16, $0xF;
	v19 =	vshrl.u32 v20, $0xF;
	v20 =	vshrl.u32 v20, $0x7;
	v16 =	vld [tilespmem:s7+$0x10]  }
0x315: {  	s7 =	sadd.s32 $0x80, s7;
	[tilespmem:v25+s8+$0x0] =	vst.idx.add.s32.msk vm0, v6;
	vm0 =	veq.s32 v19, v11;
	v19 =	vand.u32 $0xFF, v20  }
0x316: {  	vm3 =	veq.s32 v18, v11;
	v17 =	vand.u32 $0xFF, v17;
	v18 =	vshrl.u32 v13, $0xF  }
0x317: {  	v19 =	vor.u32 v5, v19;
	v13 =	vshrl.u32 v13, $0x7;
	vm4 =	veq.s32 v18, v11  }
0x318: {  	v18 =	vshrl.u32 v12, $0xF;
	v17 =	vor.u32 v5, v17;
	v12 =	vshrl.u32 v12, $0x7  }
0x319: {  	v13 =	vand.u32 $0xFF, v13;
	vm5 =	veq.s32 v18, v11;
	v12 =	vand.u32 $0xFF, v12  }
0x31a: {  	v13 =	vor.u32 v5, v13;
	v18 =	vshrl.u32 v16, $0x7;
	v16 =	vshrl.u32 v16, $0xF  }
0x31b: {  	[tilespmem:v15+s8+$0x0] =	vst.idx.add.s32.msk vm1, v6;
	v12 =	vor.u32 v5, v12;
	vm14 =	veq.s32 v16, v11;
	v11 =	vand.u32 $0xFF, v18  }
0x31c: {  	[tilespmem:v14+s8+$0x0] =	vst.idx.add.s32.msk vm2, v6;
	v11 =	vor.u32 v5, v11  }
0x31d: {  	[tilespmem:v19+s8+$0x0] =	vst.idx.add.s32.msk vm0, v6  }
0x31e: {  	[tilespmem:v17+s8+$0x0] =	vst.idx.add.s32.msk vm3, v6  }
0x31f: {  	[tilespmem:v13+s8+$0x0] =	vst.idx.add.s32.msk vm4, v6  }
0x320: {  	[tilespmem:v12+s8+$0x0] =	vst.idx.add.s32.msk vm5, v6  }
0x321: {  	s0 =	simm.s32 $0xFFFFFF00;
	[tilespmem:v11+s8+$0x0] =	vst.idx.add.s32.msk vm14, v6  }
0x322: {  	v12 =	vld [tilespmem:s0+$0x12100];
	[tilespmem:s0+$0x12100] =	vst v1  }
0x323: {  	v13 =	vld [tilespmem:s0+$0x12200];
	[tilespmem:s0+$0x12200] =	vst v1  }
0x324: {  	v14 =	vld [tilespmem:s0+$0x12300];
	[tilespmem:s0+$0x12300] =	vst v1  }
0x325: {  	v15 =	vld [tilespmem:s0+$0x12400];
	[tilespmem:s0+$0x12400] =	vst v1  }
0x326: {  	v16 =	vld [tilespmem:s0+$0x12500];
	[tilespmem:s0+$0x12500] =	vst v1  }
0x327: {  	v17 =	vld [tilespmem:s0+$0x12600];
	[tilespmem:s0+$0x12600] =	vst v1  }
0x328: {  	v18 =	vld [tilespmem:s0+$0x12700];
	[tilespmem:s0+$0x12700] =	vst v1  }
0x329: {  	v19 =	vld [tilespmem:s0+$0x12800];
	[tilespmem:s0+$0x12800] =	vst v1  }
0x32a: {  	v20 =	vld [tilespmem:s0+$0x12900];
	[tilespmem:s0+$0x12900] =	vst v1  }
0x32b: {  	v21 =	vld [tilespmem:s0+$0x12A00];
	[tilespmem:s0+$0x12A00] =	vst v1  }
0x32c: {  	v22 =	vld [tilespmem:s0+$0x12B00];
	[tilespmem:s0+$0x12B00] =	vst v1;
	v12 =	vadd.s32 v12, v13  }
0x32d: {  	v23 =	vld [tilespmem:s0+$0x12C00];
	[tilespmem:s0+$0x12C00] =	vst v1;
	v12 =	vadd.s32 v14, v12  }
0x32e: {  	v24 =	vld [tilespmem:s0+$0x12D00];
	[tilespmem:s0+$0x12D00] =	vst v1;
	v12 =	vadd.s32 v15, v12  }
0x32f: {  	v25 =	vld [tilespmem:s0+$0x12E00];
	[tilespmem:s0+$0x12E00] =	vst v1;
	v12 =	vadd.s32 v16, v12  }
0x330: {  	v26 =	vld [tilespmem:s0+$0x12F00];
	[tilespmem:s0+$0x12F00] =	vst v1;
	v12 =	vadd.s32 v17, v12  }
0x331: {  	s31 =	simm.s32 $0xFFFFFF10;
	v27 =	vld [tilespmem:s0+$0x13000];
	[tilespmem:s0+$0x13000] =	vst v1;
	v12 =	vadd.s32 v18, v12  }
0x332: {  	v28 =	vld [tilespmem:s31+$0x12100];
	v12 =	vadd.s32 v19, v12  }
0x333: {  	v29 =	vld [tilespmem:s31+$0x12200];
	v12 =	vadd.s32 v20, v12  }
0x334: {  	v30 =	vld [tilespmem:s31+$0x12300];
	v12 =	vadd.s32 v21, v12  }
0x335: {  	v54 =	vld [tilespmem:s31+$0x12C00];
	v12 =	vadd.s32 v22, v12  }
0x336: {  	[tilespmem:s31+$0x12100] =	vst v1;
	v55 =	vld [tilespmem:s31+$0x12D00];
	v12 =	vadd.s32 v23, v12  }
0x337: {  	[tilespmem:s31+$0x12200] =	vst v1;
	v56 =	vld [tilespmem:s31+$0x12E00];
	v12 =	vadd.s32 v24, v12  }
0x338: {  	[tilespmem:s31+$0x12300] =	vst v1;
	v57 =	vld [tilespmem:s31+$0x12F00];
	v12 =	vadd.s32 v25, v12  }
0x339: {  	[tilespmem:s31+$0x12C00] =	vst v1;
	v58 =	vld [tilespmem:s31+$0x13000];
	v12 =	vadd.s32 v26, v12  }
0x33a: {  	[tilespmem:s31+$0x12D00] =	vst v1;
	v13 =	vld [tilespmem:s31+$0x12400];
	v12 =	vadd.s32 v27, v12  }
0x33b: {  	[tilespmem:s31+$0x12E00] =	vst v1;
	v14 =	vld [tilespmem:s31+$0x12500];
	(xrf0) =	vadd.scan.msk.s32 $0xffff, v12  }
0x33c: {  	[tilespmem:s31+$0x12F00] =	vst v1;
	v15 =	vld [tilespmem:s31+$0x12600]  }
0x33d: {  	[tilespmem:s31+$0x13000] =	vst v1;
	v28 =	vadd.s32 v28, v29;
	v16 =	vld [tilespmem:s31+$0x12700]  }
0x33e: {  	[tilespmem:s31+$0x12400] =	vst v1;
	v28 =	vadd.s32 v30, v28;
	v17 =	vld [tilespmem:s31+$0x12800]  }
0x33f: {  	[tilespmem:s31+$0x12500] =	vst v1;
	v18 =	vld [tilespmem:s31+$0x12900];
	v13 =	vadd.s32 v13, v28  }
0x340: {  	[tilespmem:s31+$0x12600] =	vst v1;
	v19 =	vld [tilespmem:s31+$0x12A00];
	v13 =	vadd.s32 v14, v13  }
0x341: {  	s21 =	ssub.s32 s19, s6;
	s25 =	simm.s32 $0x0;
	[tilespmem:s31+$0x12700] =	vst v1;
	v20 =	vld [tilespmem:s31+$0x12B00];
	v13 =	vadd.s32 v15, v13;
	v63, _, _ =	vpop (xrf0)  }
0x342: {  	v11 =	vmov s21;
	[tilespmem:s31+$0x12800] =	vst v1;
	v13 =	vadd.s32 v16, v13;
	v14 =	vadd.s32 s25, v63  }
0x343: {  	[tilespmem:s31+$0x12900] =	vst v1;
	(v2sf) =	vpush v63, $0xF;
	vm15 =	vle.s32 v14, v11;
	v14 =	vadd.s32 v17, v13  }
0x344: {  	[tilespmem:s31+$0x12A00] =	vst v1;
	v15 =	vsel vm15, $0x1, v1;
	v14 =	vadd.s32 v18, v14  }
0x345: {  	s7 =	simm.s32 $0xFFFFFF20;
	[tilespmem:s31+$0x12B00] =	vst v1;
	v12 =	vnsel vm15, $0x0, v12;
	(xrf0) =	vadd.scan.msk.s32 $0xffff, v15;
	v15 =	vadd.s32 v19, v14  }
0x346: {  	v59 =	vld [tilespmem:s7+$0x12100];
	(xrf0) =	vadd.scan.msk.s32 $0xffff, v12;
	v12 =	vadd.s32 v20, v15  }
0x347: {  	[tilespmem:s7+$0x12100] =	vst v1;
	v60 =	vld [tilespmem:s7+$0x12200];
	v12 =	vadd.s32 v54, v12  }
0x348: {  	[tilespmem:s7+$0x12200] =	vst v1;
	v61 =	vld [tilespmem:s7+$0x12300];
	v12 =	vadd.s32 v55, v12  }
0x349: {  	[tilespmem:s7+$0x12300] =	vst v1;
	v62 =	vld [tilespmem:s7+$0x12400];
	v12 =	vadd.s32 v56, v12  }
0x34a: {  	[tilespmem:s7+$0x12400] =	vst v1;
	v31 =	vld [tilespmem:s7+$0x12500];
	v12 =	vadd.s32 v57, v12  }
0x34b: {  	[tilespmem:s7+$0x12500] =	vst v1;
	v16 =	vld [tilespmem:s7+$0x12900];
	v12 =	vadd.s32 v58, v12  }
0x34c: {  	[tilespmem:s7+$0x12900] =	vst v1;
	v13 =	vld [tilespmem:s7+$0x12600];
	v18, _, _ =	vpop (xrf0);
	(xrf0) =	vadd.scan.msk.s32 $0xffff, v12  }
0x34d: {  	[tilespmem:s7+$0x12600] =	vst v1;
	v17 =	vadd.s32 v59, v60;
	v14 =	vld [tilespmem:s7+$0x12700]  }
0x34e: {  	v17 =	vadd.s32 v61, v17;
	[tilespmem:s7+$0x12700] =	vst v1;
	v15 =	vld [tilespmem:s7+$0x12800];
	(v2sf) =	vpush v18, $0xF;
	v18, _, _ =	vpop (xrf0)  }
0x34f: {  	s16 =	simm.s32 $0xFFFFFCC0;
	s6 =	simm.s32 $0xFFFFFD00;
	s26 =	simm.s32 $0xFFFFFD40;
	v19 =	vadd.s32 v62, v17;
	v17 =	vld [tilespmem:s7+$0x12A00];
	[tilespmem:s7+$0x12A00] =	vst v1;
	(v2sf) =	vpush v18, $0xF  }
0x350: {  	s17 =	simm.s32 $0xFFFFFD80;
	s24 =	simm.s32 $0x0;
	s19 =	simm.s32 $0x0;
	[tilespmem:s7+$0x12800] =	vst v1;
	v18 =	vadd.s32 v31, v19  }
.LBB2_15:
0x351: {  	p2 =	sne.s32 s17, $0xFFFFFFC0;
	v13 =	vadd.s32 v13, v18;
	v18 =	vld [tilespmem:s7+$0x12B00];
	[tilespmem:s7+$0x12B00] =	vst v1  }
0x352: {  	v13 =	vadd.s32 v14, v13;
	v14 =	vld [tilespmem:s7+$0x12C00];
	[tilespmem:s7+$0x12C00] =	vst v1;
	v19, _, _ =	vpop (xrf0);
	s0 =	spop (v2sf)  }
0x353: {  	v13 =	vadd.s32 v15, v13;
	v15 =	vld [tilespmem:s7+$0x12D00];
	[tilespmem:s7+$0x12D00] =	vst v1;
	(v2sf) =	vpush v19, $0xF;
	s25 =	sadd.s32 s25, s0  }
0x354: {  	v13 =	vadd.s32 v16, v13;
	v16 =	vld [tilespmem:s7+$0x12E00];
	[tilespmem:s7+$0x12E00] =	vst v1;
	v19 =	vadd.s32 s25, v19  }
0x355: {  	v13 =	vadd.s32 v17, v13;
	v17 =	vld [tilespmem:s7+$0x12F00];
	[tilespmem:s7+$0x12F00] =	vst v1;
	vm0 =	vle.s32 v19, v11  }
0x356: {  	v13 =	vadd.s32 v18, v13;
	v18 =	vld [tilespmem:s7+$0x13000];
	[tilespmem:s7+$0x13000] =	vst v1;
	s7 =	sshra.s32 s16, $0x2;
	v19 =	vsel vm0, $0x1, v1;
	v12 =	vnsel vm0, $0x0, v12;
	s16 =	smov.u32 s6;
	s6 =	smov.u32 s26  }
0x357: {  	s26 =	smov.u32 s17;
	v20 =	vld [tilespmem:s7+$0x12100];
	[tilespmem:s7+$0x12100] =	vst v1;
	v13 =	vadd.s32 v14, v13;
	(xrf0) =	vadd.scan.msk.s32 $0xffff, v19  }
0x358: {  	v14 =	vld [tilespmem:s7+$0x12200];
	[tilespmem:s7+$0x12200] =	vst v1;
	v13 =	vadd.s32 v15, v13;
	(xrf0) =	vadd.scan.msk.s32 $0xffff, v12  }
0x359: {  	v15 =	vld [tilespmem:s7+$0x12300];
	[tilespmem:s7+$0x12300] =	vst v1;
	v12 =	vadd.s32 v16, v13  }
0x35a: {  	v16 =	vld [tilespmem:s7+$0x12400];
	[tilespmem:s7+$0x12400] =	vst v1;
	v12 =	vadd.s32 v17, v12  }
0x35b: {  	v17 =	vld [tilespmem:s7+$0x12500];
	[tilespmem:s7+$0x12500] =	vst v1;
	v12 =	vadd.s32 v18, v12  }
.Ltmp8:
0x35c: {  	v13 =	vld [tilespmem:s7+$0x12600];
	[tilespmem:s7+$0x12600] =	vst v1;
	(xrf0) =	vadd.scan.msk.s32 $0xffff, v12;
	(pc) =	sbr.rel @p2 .LBB2_15-.Ltmp8, $4  }
0x35d: {  	v18 =	vadd.s32 v20, v14;
	v14 =	vld [tilespmem:s7+$0x12700];
	[tilespmem:s7+$0x12700] =	vst v1;
	v19, _, _ =	vpop (xrf0);
	s0 =	spop (v2sf)  }
0x35e: {  	v18 =	vadd.s32 v15, v18;
	v15 =	vld [tilespmem:s7+$0x12800];
	[tilespmem:s7+$0x12800] =	vst v1;
	(v2sf) =	vpush v19, $0xF;
	v19, _, _ =	vpop (xrf0);
	s24 =	sadd.s32 s24, s0;
	s0 =	spop (v2sf)  }
0x35f: {  	v18 =	vadd.s32 v16, v18;
	v16 =	vld [tilespmem:s7+$0x12900];
	[tilespmem:s7+$0x12900] =	vst v1;
	(v2sf) =	vpush v19, $0xF;
	s19 =	sadd.s32 s19, s0  }
0x360: {  	s17 =	sadd.s32 $0x40, s17;
	v18 =	vadd.s32 v17, v18;
	v17 =	vld [tilespmem:s7+$0x12A00];
	[tilespmem:s7+$0x12A00] =	vst v1  }
0x361: {  	v19 =	vld [tilespmem:s7+$0x12B00];
	[tilespmem:s7+$0x12B00] =	vst v1  }
0x362: {  	v20 =	vld [tilespmem:s7+$0x12C00];
	[tilespmem:s7+$0x12C00] =	vst v1  }
0x363: {  	v21 =	vld [tilespmem:s7+$0x12D00];
	[tilespmem:s7+$0x12D00] =	vst v1  }
0x364: {  	v22 =	vld [tilespmem:s7+$0x12E00];
	[tilespmem:s7+$0x12E00] =	vst v1  }
0x365: {  	v23 =	vld [tilespmem:s7+$0x12F00];
	[tilespmem:s7+$0x12F00] =	vst v1;
	v13 =	vadd.s32 v13, v18  }
0x366: {  	v18 =	vld [tilespmem:s7+$0x13000];
	s9 =	sshra.s32 s16, $0x2;
	[tilespmem:s7+$0x13000] =	vst v1;
	v13 =	vadd.s32 v14, v13  }
0x367: {  	v14 =	vld [tilespmem:s9+$0x12100];
	[tilespmem:s9+$0x12100] =	vst v1;
	v13 =	vadd.s32 v15, v13  }
0x368: {  	v56 =	vld [tilespmem:s9+$0x12700];
	[tilespmem:s9+$0x12700] =	vst v1;
	v13 =	vadd.s32 v16, v13  }
0x369: {  	s0 =	spop (v2sf);
	v57 =	vld [tilespmem:s9+$0x12800];
	[tilespmem:s9+$0x12800] =	vst v1;
	v16, _, _ =	vpop (xrf0);
	v13 =	vadd.s32 v17, v13  }
0x36a: {  	v58 =	vld [tilespmem:s9+$0x12B00];
	[tilespmem:s9+$0x12B00] =	vst v1;
	s25 =	sadd.s32 s25, s0;
	(v2sf) =	vpush v16, $0xF;
	v13 =	vadd.s32 v19, v13  }
0x36b: {  	v60 =	vld [tilespmem:s9+$0x13000];
	[tilespmem:s9+$0x13000] =	vst v1;
	v16 =	vadd.s32 s25, v16;
	v13 =	vadd.s32 v20, v13  }
0x36c: {  	v15 =	vld [tilespmem:s9+$0x12200];
	[tilespmem:s9+$0x12200] =	vst v1;
	vm0 =	vle.s32 v16, v11;
	v13 =	vadd.s32 v21, v13  }
0x36d: {  	v17 =	vld [tilespmem:s9+$0x12300];
	[tilespmem:s9+$0x12300] =	vst v1;
	v55 =	vsel vm0, $0x1, v1;
	v13 =	vadd.s32 v22, v13  }
0x36e: {  	v19 =	vld [tilespmem:s9+$0x12400];
	[tilespmem:s9+$0x12400] =	vst v1;
	v12 =	vnsel vm0, $0x0, v12;
	(xrf0) =	vadd.scan.msk.s32 $0xffff, v55;
	v13 =	vadd.s32 v23, v13  }
0x36f: {  	v16 =	vld [tilespmem:s9+$0x12600];
	[tilespmem:s9+$0x12600] =	vst v1;
	(xrf0) =	vadd.scan.msk.s32 $0xffff, v12;
	v12 =	vadd.s32 v18, v13  }
0x370: {  	v20 =	vld [tilespmem:s9+$0x12500];
	[tilespmem:s9+$0x12500] =	vst v1;
	(xrf0) =	vadd.scan.msk.s32 $0xffff, v12  }
0x371: {  	v14 =	vadd.s32 v14, v15;
	v15 =	vld [tilespmem:s9+$0x12C00];
	[tilespmem:s9+$0x12C00] =	vst v1  }
0x372: {  	v14 =	vadd.s32 v17, v14;
	v17 =	vld [tilespmem:s9+$0x12D00];
	[tilespmem:s9+$0x12D00] =	vst v1  }
0x373: {  	v13 =	vld [tilespmem:s9+$0x12900];
	[tilespmem:s9+$0x12900] =	vst v1  }
0x374: {  	v18 =	vld [tilespmem:s9+$0x12A00];
	[tilespmem:s9+$0x12A00] =	vst v1;
	v14 =	vadd.s32 v19, v14;
	v24, _, _ =	vpop (xrf0)  }
0x375: {  	v19 =	vld [tilespmem:s9+$0x12E00];
	[tilespmem:s9+$0x12E00] =	vst v1;
	v14 =	vadd.s32 v20, v14;
	(v2sf) =	vpush v24, $0xF;
	v59, _, _ =	vpop (xrf0)  }
0x376: {  	s28 =	sshra.s32 s6, $0x2;
	v20 =	vld [tilespmem:s9+$0x12F00];
	[tilespmem:s9+$0x12F00] =	vst v1;
	v14 =	vadd.s32 v16, v14;
	(v2sf) =	vpush v59, $0xF;
	v16, _, _ =	vpop (xrf0)  }
0x377: {  	s7 =	spop (v2sf);
	v61 =	vld [tilespmem:s28+$0x12100];
	v14 =	vadd.s32 v56, v14;
	(v2sf) =	vpush v16, $0xF  }
0x378: {  	v62 =	vld [tilespmem:s28+$0x12400];
	s29 =	spop (v2sf);
	v14 =	vadd.s32 v57, v14  }
0x379: {  	[tilespmem:s28+$0x12100] =	vst v1;
	v13 =	vadd.s32 v13, v14;
	v14 =	vld [tilespmem:s28+$0x12200];
	s30 =	spop (v2sf)  }
0x37a: {  	[tilespmem:s28+$0x12400] =	vst v1;
	v13 =	vadd.s32 v18, v13;
	v18 =	vld [tilespmem:s28+$0x12300];
	s9 =	sadd.s32 s25, s30  }
0x37b: {  	[tilespmem:s28+$0x12200] =	vst v1;
	v13 =	vadd.s32 v58, v13;
	v16 =	vadd.s32 s9, v16  }
0x37c: {  	[tilespmem:s28+$0x12300] =	vst v1;
	v13 =	vadd.s32 v15, v13;
	v15 =	vld [tilespmem:s28+$0x12500];
	vm0 =	vle.s32 v16, v11  }
0x37d: {  	[tilespmem:s28+$0x12500] =	vst v1;
	v13 =	vadd.s32 v17, v13;
	v17 =	vld [tilespmem:s28+$0x12600];
	v16 =	vsel vm0, $0x1, v1  }
0x37e: {  	[tilespmem:s28+$0x12600] =	vst v1;
	v13 =	vadd.s32 v19, v13;
	v14 =	vadd.s32 v61, v14;
	(xrf0) =	vadd.scan.msk.s32 $0xffff, v16;
	v16 =	vld [tilespmem:s28+$0x12700]  }
0x37f: {  	v13 =	vadd.s32 v20, v13;
	v14 =	vadd.s32 v18, v14;
	v18 =	vld [tilespmem:s28+$0x12800];
	[tilespmem:s28+$0x12800] =	vst v1;
	v12 =	vnsel vm0, $0x0, v12  }
0x380: {  	[tilespmem:s28+$0x12700] =	vst v1;
	(xrf0) =	vadd.scan.msk.s32 $0xffff, v12;
	v12 =	vadd.s32 v60, v13;
	v13 =	vadd.s32 v62, v14;
	v14 =	vld [tilespmem:s28+$0x12900]  }
0x381: {  	[tilespmem:s28+$0x12900] =	vst v1;
	(xrf0) =	vadd.scan.msk.s32 $0xffff, v12;
	v13 =	vadd.s32 v15, v13;
	v15 =	vld [tilespmem:s28+$0x12A00]  }
0x382: {  	[tilespmem:s28+$0x12A00] =	vst v1;
	v13 =	vadd.s32 v17, v13;
	v17 =	vld [tilespmem:s28+$0x12B00]  }
0x383: {  	[tilespmem:s28+$0x12B00] =	vst v1;
	v13 =	vadd.s32 v16, v13;
	v16 =	vld [tilespmem:s28+$0x12C00]  }
0x384: {  	s22 =	spop (v2sf);
	[tilespmem:s28+$0x12C00] =	vst v1;
	v13 =	vadd.s32 v18, v13;
	v18 =	vld [tilespmem:s28+$0x12D00]  }
0x385: {  	v19, _, _ =	vpop (xrf0);
	s31 =	spop (v2sf);
	[tilespmem:s28+$0x12D00] =	vst v1;
	v13 =	vadd.s32 v14, v13;
	v14 =	vld [tilespmem:s28+$0x12E00]  }
0x386: {  	(v2sf) =	vpush v19, $0xF;
	v19, _, _ =	vpop (xrf0);
	[tilespmem:s28+$0x12E00] =	vst v1;
	v13 =	vadd.s32 v15, v13;
	v15 =	vld [tilespmem:s28+$0x12F00];
	s17 =	spop (v2sf)  }
0x387: {  	(v2sf) =	vpush v19, $0xF;
	v19, _, _ =	vpop (xrf0);
	[tilespmem:s28+$0x12F00] =	vst v1;
	v13 =	vadd.s32 v17, v13;
	v17 =	vld [tilespmem:s28+$0x13000];
	s9 =	sadd.s32 s9, s17  }
0x388: {  	s2 =	sshra.s32 s26, $0x2;
	(v2sf) =	vpush v19, $0xF;
	[tilespmem:s28+$0x13000] =	vst v1;
	v13 =	vadd.s32 v16, v13;
	v19 =	vadd.s32 s9, v19  }
0x389: {  	v16 =	vld [tilespmem:s2+$0x12100];
	v13 =	vadd.s32 v18, v13;
	vm0 =	vle.s32 v19, v11  }
0x38a: {  	v19 =	vld [tilespmem:s2+$0x12200];
	v13 =	vadd.s32 v14, v13;
	v18 =	vsel vm0, $0x1, v1  }
0x38b: {  	v14 =	vld [tilespmem:s2+$0x12300];
	v12 =	vnsel vm0, $0x0, v12;
	v13 =	vadd.s32 v15, v13;
	(xrf0) =	vadd.scan.msk.s32 $0xffff, v18  }
0x38c: {  	v13 =	vadd.s32 v17, v13;
	(xrf0) =	vadd.scan.msk.s32 $0xffff, v12;
	v12 =	vld [tilespmem:s2+$0x12400]  }
0x38d: {  	v15 =	vld [tilespmem:s2+$0x12500];
	(xrf0) =	vadd.scan.msk.s32 $0xffff, v13  }
0x38e: {  	v17 =	vld [tilespmem:s2+$0x12600]  }
0x38f: {  	v18 =	vld [tilespmem:s2+$0x12700];
	v16 =	vadd.s32 v16, v19  }
0x390: {  	v14 =	vadd.s32 v14, v16;
	v16 =	vld [tilespmem:s2+$0x12800]  }
0x391: {  	v19, _, _ =	vpop (xrf0);
	v12 =	vadd.s32 v12, v14;
	v14 =	vld [tilespmem:s2+$0x12900]  }
0x392: {  	(v2sf) =	vpush v19, $0xF;
	v19, _, _ =	vpop (xrf0);
	v12 =	vadd.s32 v15, v12;
	v15 =	vld [tilespmem:s2+$0x12A00]  }
0x393: {  	(v2sf) =	vpush v19, $0xF;
	v12 =	vadd.s32 v17, v12;
	v17 =	vld [tilespmem:s2+$0x12B00];
	v19, _, _ =	vpop (xrf0)  }
0x394: {  	v12 =	vadd.s32 v18, v12;
	v18 =	vld [tilespmem:s2+$0x12C00];
	(v2sf) =	vpush v19, $0xF  }
0x395: {  	s3 =	spop (v2sf);
	v12 =	vadd.s32 v16, v12;
	v16 =	vld [tilespmem:s2+$0x12D00]  }
0x396: {  	s23 =	spop (v2sf);
	v12 =	vadd.s32 v14, v12;
	v14 =	vld [tilespmem:s2+$0x12E00]  }
0x397: {  	s4 =	spop (v2sf);
	v12 =	vadd.s32 v15, v12;
	v15 =	vld [tilespmem:s2+$0x12F00]  }
0x398: {  	s9 =	sadd.s32 s9, s4;
	v12 =	vadd.s32 v17, v12;
	v17 =	vld [tilespmem:s2+$0x13000]  }
0x399: {  	v19 =	vadd.s32 s9, v19;
	v12 =	vadd.s32 v18, v12  }
0x39a: {  	vm0 =	vle.s32 v19, v11;
	v12 =	vadd.s32 v16, v12  }
0x39b: {  	v16 =	vsel vm0, $0x1, v1;
	v12 =	vadd.s32 v14, v12  }
0x39c: {  	v13 =	vnsel vm0, $0x0, v13;
	(xrf0) =	vadd.scan.msk.s32 $0xffff, v16;
	v12 =	vadd.s32 v15, v12  }
0x39d: {  	(xrf0) =	vadd.scan.msk.s32 $0xffff, v13;
	v12 =	vadd.s32 v17, v12  }
0x39e: {  	(xrf0) =	vadd.scan.msk.s32 $0xffff, v12;
	_ =	sdelay $0x2  }
0x39f: {  	s10 =	spop (v2sf)  }
0x3a0: {  	v13, _, _ =	vpop (xrf0);
	s11 =	spop (v2sf)  }
0x3a1: {  	v14, _, _ =	vpop (xrf0);
	s28 =	spop (v2sf)  }
0x3a2: {  	s9 =	sadd.s32 s9, s28;
	v15, _, _ =	vpop (xrf0)  }
0x3a3: {  	v16 =	vadd.s32 s9, v15  }
0x3a4: {  	vm0 =	vle.s32 v16, v11  }
0x3a5: {  	v11 =	vsel vm0, $0x1, v1  }
0x3a6: {  	(xrf0) =	vadd.scan.msk.s32 $0xffff, v11;
	_ =	sdelay $0x2  }
0x3a7: {  	v11 =	vnsel vm0, $0x0, v12  }
0x3a8: {  	[tilespmem:s2+$0x12100] =	vst v1;
	(v2sf) =	vpush v13, $0xF  }
0x3a9: {  	[tilespmem:s2+$0x12200] =	vst v1;
	(v2sf) =	vpush v14, $0xF  }
0x3aa: {  	[tilespmem:s2+$0x12300] =	vst v1;
	(v2sf) =	vpush v15, $0xF;
	(xrf0) =	vadd.scan.msk.s32 $0xffff, v11;
	v11, _, _ =	vpop (xrf0)  }
0x3ab: {  	[tilespmem:s2+$0x12500] =	vst v1;
	(v2sf) =	vpush v11, $0xF  }
0x3ac: {  	[tilespmem:s2+$0x12600] =	vst v1  }
0x3ad: {  	[tilespmem:s2+$0x12700] =	vst v1  }
0x3ae: {  	[tilespmem:s2+$0x12400] =	vst v1  }
0x3af: {  	[tilespmem:s2+$0x12800] =	vst v1  }
0x3b0: {  	[tilespmem:s2+$0x12900] =	vst v1  }
0x3b1: {  	[tilespmem:s2+$0x12A00] =	vst v1  }
0x3b2: {  	[tilespmem:s2+$0x12B00] =	vst v1  }
0x3b3: {  	[tilespmem:s2+$0x12C00] =	vst v1;
	v11, _, _ =	vpop (xrf0)  }
0x3b4: {  	[tilespmem:s2+$0x12D00] =	vst v1;
	(v2sf) =	vpush v11, $0xF  }
0x3b5: {  	s7 =	sadd.s32 s24, s7;
	[tilespmem:s2+$0x12E00] =	vst v1  }
0x3b6: {  	s6 =	sadd.s32 s19, s29;
	s7 =	sadd.s32 s7, s22;
	[tilespmem:s2+$0x12F00] =	vst v1  }
0x3b7: {  	s6 =	sadd.s32 s6, s31;
	s31 =	simm.s32 $0xC040;
	[tilespmem:s2+$0x13000] =	vst v1;
	s22 =	spop (v2sf)  }
0x3b8: {  	s0 =	sadd.s32 s7, s3;
	v12 =	vld [tilespmem:s31+$0xFFFFFFC0];
	s24 =	spop (v2sf)  }
0x3b9: {  	s0 =	sadd.s32 s0, s10;
	v14 =	vld [tilespmem:s31+$0xFFFFFFE0];
	s25 =	spop (v2sf)  }
0x3ba: {  	s0 =	sadd.s32 s0, s22;
	s28 =	spop (v2sf)  }
0x3bb: {  	s29 =	sshll.u32 s20, $0x8;
	s0 =	sadd.s32 s0, s28  }
0x3bc: {  	v18 =	vld [tilespmem:s31+$0x20];
	s19 =	sadd.s32 s29, s0  }
0x3bd: {  	v16 =	vld [tilespmem:s31+$0xFFFFFFF0];
	v13 =	vshrl.u32 v12, $0x7;
	v11 =	vmov s19  }
0x3be: {  	v15 =	vshrl.u32 v14, $0x7;
	v12 =	vand.u32 $0x7F, v12;
	vm3 =	veq.s32 v13, v11  }
0x3bf: {  	v20 =	vld [tilespmem:s31+$0x30];
	v14 =	vand.u32 $0x7F, v14;
	v19 =	vor.u32 v5, v12;
	vm2 =	veq.s32 v15, v11  }
0x3c0: {  	v12 =	vld [tilespmem:s31+$0xFFFFFFD0];
	v15 =	vor.u32 v5, v14  }
0x3c1: {  	s6 =	sadd.s32 s6, s23  }
0x3c2: {  	v63 =	vshrl.u32 v18, $0x7;
	s6 =	sadd.s32 s6, s11;
	v13 =	vand.u32 $0x7F, v16;
	v14 =	vshrl.u32 v16, $0x7;
	v16 =	vld [tilespmem:s31+$0x10]  }
0x3c3: {  	v17 =	vld [tilespmem:s31+$0x0];
	s6 =	sadd.s32 s6, s24;
	s30 =	spop (v2sf);
	vm1 =	veq.s32 v63, v11;
	vm0 =	veq.s32 v14, v11;
	v14 =	vand.u32 $0x7F, v18  }
0x3c4: {  	s7 =	simm.s32 $0xC0C0;
	s6 =	sadd.s32 s6, s30;
	s0 =	simm.s32 $0x0;
	v18 =	vand.u32 $0x7F, v20;
	v14 =	vor.u32 v5, v14;
	[tilespmem:v19+s8+$0x0] =	vst.idx.add.s32.msk vm3, v6;
	v19 =	vshrl.u32 v20, $0x7  }
.LBB2_17:
0x3c5: {  	s0 =	sadd.s32 $0x8, s0;
	v20 =	vshrl.u32 v12, $0x7;
	[tilespmem:v15+s8+$0x0] =	vst.idx.add.s32.msk vm2, v6;
	vm3 =	veq.s32 v19, v11  }
0x3c6: {  	v12 =	vand.u32 $0x7F, v12;
	v15 =	vor.u32 v5, v13;
	v19 =	vld [tilespmem:s7+$0xFFFFFFF0];
	p2 =	slt.u32 s0, $0x1F8;
	vm4 =	veq.s32 v20, v11  }
0x3c7: {  	v18 =	vor.u32 v5, v18;
	v21 =	vor.u32 v5, v12;
	v20 =	vld [tilespmem:s7+$0xFFFFFFE0];
	v12 =	vshrl.u32 v16, $0x7  }
0x3c8: {  	v22 =	vld [tilespmem:s7+$0xFFFFFFC0];
	v13 =	vshrl.u32 v17, $0x7;
	vm5 =	veq.s32 v12, v11;
	v12 =	vand.u32 $0x7F, v16  }
0x3c9: {  	v23 =	vld [tilespmem:s7+$0x30];
	vm6 =	veq.s32 v13, v11;
	v13 =	vand.u32 $0x7F, v17;
	v16 =	vor.u32 v5, v12  }
0x3ca: {  	v24 =	vld [tilespmem:s7+$0x20];
	v17 =	vor.u32 v5, v13  }
0x3cb: {  	v12 =	vld [tilespmem:s7+$0xFFFFFFD0];
	v13 =	vand.u32 $0x7F, v19  }
0x3cc: {  	[tilespmem:v15+s8+$0x0] =	vst.idx.add.s32.msk vm0, v6  }
0x3cd: {  	v25 =	vshrl.u32 v20, $0x7;
	v20 =	vand.u32 $0x7F, v20;
	v15 =	vshrl.u32 v22, $0x7;
	[tilespmem:v14+s8+$0x0] =	vst.idx.add.s32.msk vm1, v6  }
0x3ce: {  	v14 =	vand.u32 $0x7F, v22;
	vm2 =	veq.s32 v25, v11;
	vm7 =	veq.s32 v15, v11;
	[tilespmem:v16+s8+$0x0] =	vst.idx.add.s32.msk vm5, v6  }
0x3cf: {  	v14 =	vor.u32 v5, v14;
	v15 =	vor.u32 v5, v20;
	[tilespmem:v17+s8+$0x0] =	vst.idx.add.s32.msk vm6, v6  }
.Ltmp9:
0x3d0: {  	v16 =	vshrl.u32 v19, $0x7;
	[tilespmem:v18+s8+$0x0] =	vst.idx.add.s32.msk vm3, v6;
	(pc) =	sbr.rel @p2 .LBB2_17-.Ltmp9, $4  }
0x3d1: {  	vm0 =	veq.s32 v16, v11;
	[tilespmem:v21+s8+$0x0] =	vst.idx.add.s32.msk vm4, v6  }
0x3d2: {  	v18 =	vshrl.u32 v24, $0x7;
	v16 =	vld [tilespmem:s7+$0x10]  }
0x3d3: {  	vm1 =	veq.s32 v18, v11;
	v18 =	vand.u32 $0x7F, v24;
	v17 =	vld [tilespmem:s7+$0x0]  }
0x3d4: {  	v19 =	vshrl.u32 v23, $0x7;
	s7 =	sadd.s32 $0x80, s7;
	[tilespmem:v14+s8+$0x0] =	vst.idx.add.s32.msk vm7, v6;
	v14 =	vor.u32 v5, v18;
	v18 =	vand.u32 $0x7F, v23  }
0x3d5: {  	_ =	sdelay $0x1  }
0x3d6: {  	v13 =	vor.u32 v5, v13;
	v20 =	vshrl.u32 v16, $0x7  }
0x3d7: {  	v16 =	vand.u32 $0x7F, v16;
	vm3 =	veq.s32 v20, v11;
	v20 =	vshrl.u32 v17, $0x7  }
0x3d8: {  	v17 =	vand.u32 $0x7F, v17;
	v16 =	vor.u32 v5, v16;
	vm4 =	veq.s32 v20, v11  }
0x3d9: {  	vm5 =	veq.s32 v19, v11;
	v20 =	vshrl.u32 v12, $0x7;
	v17 =	vor.u32 v5, v17  }
0x3da: {  	[tilespmem:v15+s8+$0x0] =	vst.idx.add.s32.msk vm2, v6;
	vm7 =	veq.s32 v20, v11;
	v11 =	vand.u32 $0x7F, v12;
	v12 =	vor.u32 v5, v18  }
0x3db: {  	[tilespmem:v14+s8+$0x0] =	vst.idx.add.s32.msk vm1, v6;
	v11 =	vor.u32 v5, v11  }
0x3dc: {  	[tilespmem:v13+s8+$0x0] =	vst.idx.add.s32.msk vm0, v6  }
0x3dd: {  	[tilespmem:v16+s8+$0x0] =	vst.idx.add.s32.msk vm3, v6  }
0x3de: {  	[tilespmem:v17+s8+$0x0] =	vst.idx.add.s32.msk vm4, v6  }
0x3df: {  	[tilespmem:v12+s8+$0x0] =	vst.idx.add.s32.msk vm5, v6  }
0x3e0: {  	s0 =	simm.s32 $0xFFFFFF00;
	[tilespmem:v11+s8+$0x0] =	vst.idx.add.s32.msk vm7, v6  }
0x3e1: {  	v12 =	vld [tilespmem:s0+$0x12100];
	[tilespmem:s0+$0x12100] =	vst v1  }
0x3e2: {  	v13 =	vld [tilespmem:s0+$0x12200];
	[tilespmem:s0+$0x12200] =	vst v1  }
0x3e3: {  	v14 =	vld [tilespmem:s0+$0x12300];
	[tilespmem:s0+$0x12300] =	vst v1  }
0x3e4: {  	v15 =	vld [tilespmem:s0+$0x12400];
	[tilespmem:s0+$0x12400] =	vst v1  }
0x3e5: {  	v16 =	vld [tilespmem:s0+$0x12500];
	[tilespmem:s0+$0x12500] =	vst v1  }
0x3e6: {  	v17 =	vld [tilespmem:s0+$0x12600];
	[tilespmem:s0+$0x12600] =	vst v1  }
0x3e7: {  	v18 =	vld [tilespmem:s0+$0x12700];
	[tilespmem:s0+$0x12700] =	vst v1  }
0x3e8: {  	v19 =	vld [tilespmem:s0+$0x12800];
	[tilespmem:s0+$0x12800] =	vst v1  }
0x3e9: {  	v20 =	vld [tilespmem:s0+$0x12900];
	[tilespmem:s0+$0x12900] =	vst v1  }
0x3ea: {  	v21 =	vld [tilespmem:s0+$0x12A00];
	[tilespmem:s0+$0x12A00] =	vst v1  }
0x3eb: {  	v22 =	vld [tilespmem:s0+$0x12B00];
	[tilespmem:s0+$0x12B00] =	vst v1  }
0x3ec: {  	v23 =	vld [tilespmem:s0+$0x12C00];
	[tilespmem:s0+$0x12C00] =	vst v1;
	v12 =	vadd.s32 v12, v13  }
0x3ed: {  	v24 =	vld [tilespmem:s0+$0x12D00];
	[tilespmem:s0+$0x12D00] =	vst v1;
	v12 =	vadd.s32 v14, v12  }
0x3ee: {  	v25 =	vld [tilespmem:s0+$0x12E00];
	[tilespmem:s0+$0x12E00] =	vst v1;
	v12 =	vadd.s32 v15, v12  }
0x3ef: {  	v26 =	vld [tilespmem:s0+$0x12F00];
	[tilespmem:s0+$0x12F00] =	vst v1;
	v12 =	vadd.s32 v16, v12  }
0x3f0: {  	s28 =	simm.s32 $0xFFFFFF10;
	v27 =	vld [tilespmem:s0+$0x13000];
	[tilespmem:s0+$0x13000] =	vst v1;
	v12 =	vadd.s32 v17, v12  }
0x3f1: {  	v28 =	vld [tilespmem:s28+$0x12100];
	v12 =	vadd.s32 v18, v12  }
0x3f2: {  	v29 =	vld [tilespmem:s28+$0x12200];
	v12 =	vadd.s32 v19, v12  }
0x3f3: {  	v30 =	vld [tilespmem:s28+$0x12300];
	v12 =	vadd.s32 v20, v12  }
0x3f4: {  	[tilespmem:s28+$0x12100] =	vst v1;
	v42 =	vld [tilespmem:s28+$0x12C00];
	v12 =	vadd.s32 v21, v12  }
0x3f5: {  	[tilespmem:s28+$0x12200] =	vst v1;
	v43 =	vld [tilespmem:s28+$0x12D00];
	v12 =	vadd.s32 v22, v12  }
0x3f6: {  	[tilespmem:s28+$0x12300] =	vst v1;
	v44 =	vld [tilespmem:s28+$0x12E00];
	v12 =	vadd.s32 v23, v12  }
0x3f7: {  	[tilespmem:s28+$0x12C00] =	vst v1;
	v45 =	vld [tilespmem:s28+$0x12F00];
	v12 =	vadd.s32 v24, v12  }
0x3f8: {  	[tilespmem:s28+$0x12D00] =	vst v1;
	v46 =	vld [tilespmem:s28+$0x13000];
	v12 =	vadd.s32 v25, v12  }
0x3f9: {  	[tilespmem:s28+$0x12E00] =	vst v1;
	v13 =	vld [tilespmem:s28+$0x12400];
	v12 =	vadd.s32 v26, v12  }
0x3fa: {  	[tilespmem:s28+$0x12F00] =	vst v1;
	v14 =	vld [tilespmem:s28+$0x12500];
	v12 =	vadd.s32 v27, v12  }
0x3fb: {  	[tilespmem:s28+$0x13000] =	vst v1;
	v15 =	vld [tilespmem:s28+$0x12600];
	(xrf0) =	vadd.scan.msk.s32 $0xffff, v12  }
0x3fc: {  	[tilespmem:s28+$0x12400] =	vst v1;
	v28 =	vadd.s32 v28, v29;
	v16 =	vld [tilespmem:s28+$0x12700]  }
0x3fd: {  	[tilespmem:s28+$0x12500] =	vst v1;
	v28 =	vadd.s32 v30, v28  }
0x3fe: {  	[tilespmem:s28+$0x12600] =	vst v1;
	v17 =	vld [tilespmem:s28+$0x12800];
	v13 =	vadd.s32 v13, v28  }
0x3ff: {  	[tilespmem:s28+$0x12700] =	vst v1;
	v18 =	vld [tilespmem:s28+$0x12900];
	v13 =	vadd.s32 v14, v13  }
0x400: {  	[tilespmem:s28+$0x12800] =	vst v1;
	v19 =	vld [tilespmem:s28+$0x12A00];
	v13 =	vadd.s32 v15, v13  }
0x401: {  	[tilespmem:s28+$0x12900] =	vst v1;
	v20 =	vld [tilespmem:s28+$0x12B00];
	v13 =	vadd.s32 v16, v13;
	v16, _, _ =	vpop (xrf0)  }
0x402: {  	[tilespmem:s28+$0x12A00] =	vst v1;
	(v2sf) =	vpush v16, $0xF  }
0x403: {  	s29 =	simm.s32 $0xFFFFFF20;
	[tilespmem:s28+$0x12B00] =	vst v1;
	v13 =	vadd.s32 v17, v13  }
0x404: {  	v47 =	vld [tilespmem:s29+$0x12100];
	v13 =	vadd.s32 v18, v13  }
0x405: {  	v48 =	vld [tilespmem:s29+$0x12200];
	v13 =	vadd.s32 v19, v13  }
0x406: {  	s20 =	ssub.s32 s21, s6;
	s21 =	simm.s32 $0x0;
	[tilespmem:s29+$0x12100] =	vst v1;
	v49 =	vld [tilespmem:s29+$0x12300];
	v13 =	vadd.s32 v20, v13  }
0x407: {  	v11 =	vmov s20;
	[tilespmem:s29+$0x12200] =	vst v1;
	v50 =	vld [tilespmem:s29+$0x12400];
	v13 =	vadd.s32 v42, v13;
	v16 =	vadd.s32 s21, v16  }
0x408: {  	[tilespmem:s29+$0x12300] =	vst v1;
	v51 =	vld [tilespmem:s29+$0x12500];
	v13 =	vadd.s32 v43, v13;
	v32 =	vsub.s32 v16, v12;
	vm9 =	vle.s32 v16, v11  }
0x409: {  	[tilespmem:s29+$0x12400] =	vst v1;
	v14 =	vld [tilespmem:s29+$0x12600];
	vm8 =	vgt.s32 v16, v11;
	vm10 =	vle.s32 v32, v11;
	v53 =	vsel vm9, $0x1, v1  }
0x40a: {  	v15 =	vld [tilespmem:s29+$0x12700];
	v13 =	vadd.s32 v44, v13;
	v55 =	vsel vm8, $0x0, v12;
	vm11 =	vmand vm8, vm10;
	(xrf0) =	vadd.scan.msk.s32 $0xffff, v53  }
0x40b: {  	[tilespmem:s29+$0x12500] =	vst v1;
	v31 =	vld [tilespmem:s29+$0x12800];
	v13 =	vadd.s32 v45, v13;
	(xrf0) =	vadd.scan.msk.s32 $0xffff, v55;
	v12 =	vnsel vm11, $0x0, v12  }
0x40c: {  	[tilespmem:s29+$0x12600] =	vst v1;
	v52 =	vld [tilespmem:s29+$0x12D00];
	v24 =	vadd.s32 v46, v13;
	(xrf0) =	vadd.scan.msk.s32 $0xffff, v12  }
0x40d: {  	[tilespmem:s29+$0x12700] =	vst v1;
	v54 =	vld [tilespmem:s29+$0x12F00];
	v12 =	vadd.s32 v47, v48;
	(xrf0) =	vadd.scan.msk.s32 $0xffff, v24  }
0x40e: {  	[tilespmem:s29+$0x12800] =	vst v1;
	v56 =	vld [tilespmem:s29+$0x13000];
	v12 =	vadd.s32 v49, v12  }
0x40f: {  	[tilespmem:s29+$0x12D00] =	vst v1;
	v17 =	vld [tilespmem:s29+$0x12900];
	v12 =	vadd.s32 v50, v12  }
0x410: {  	[tilespmem:s29+$0x12F00] =	vst v1;
	v18 =	vld [tilespmem:s29+$0x12A00];
	v12 =	vadd.s32 v51, v12;
	v59, _, _ =	vpop (xrf0)  }
0x411: {  	[tilespmem:s29+$0x13000] =	vst v1;
	v19 =	vld [tilespmem:s29+$0x12B00];
	v12 =	vadd.s32 v14, v12;
	v61, _, _ =	vpop (xrf0);
	s30 =	spop (v2sf);
	(v2sf) =	vpush v59, $0xF  }
0x412: {  	[tilespmem:s29+$0x12900] =	vst v1;
	v20 =	vld [tilespmem:s29+$0x12C00];
	v12 =	vadd.s32 v15, v12;
	v62, _, _ =	vpop (xrf0);
	(v2sf) =	vpush v61, $0xF  }
0x413: {  	[tilespmem:s29+$0x12A00] =	vst v1;
	v12 =	vadd.s32 v31, v12;
	v63, _, _ =	vpop (xrf0);
	(v2sf) =	vpush v62, $0xF  }
0x414: {  	[tilespmem:s29+$0x12B00] =	vst v1;
	v12 =	vadd.s32 v17, v12;
	(v2sf) =	vpush v63, $0xF  }
0x415: {  	[tilespmem:s29+$0x12C00] =	vst v1;
	v16 =	vld [tilespmem:s29+$0x12E00];
	v12 =	vadd.s32 v18, v12  }
0x416: {  	s6 =	simm.s32 $0xFFFFFF30;
	[tilespmem:s29+$0x12E00] =	vst v1;
	v12 =	vadd.s32 v19, v12;
	s7 =	sadd.s32 $0x0, s30  }
0x417: {  	v57 =	vld [tilespmem:s6+$0x12100];
	[tilespmem:s6+$0x12100] =	vst v1;
	v12 =	vadd.s32 v20, v12;
	v15 =	vadd.s32 s7, v63  }
0x418: {  	v58 =	vld [tilespmem:s6+$0x12200];
	[tilespmem:s6+$0x12200] =	vst v1;
	v12 =	vadd.s32 v52, v12;
	vm13 =	vle.s32 v15, v11;
	v17 =	vsub.s32 v15, v24  }
0x419: {  	v60 =	vld [tilespmem:s6+$0x12300];
	[tilespmem:s6+$0x12300] =	vst v1;
	vm12 =	vgt.s32 v15, v11;
	vm14 =	vle.s32 v17, v11;
	v17 =	vsel vm13, $0x1, v1  }
0x41a: {  	v13 =	vld [tilespmem:s6+$0x12400];
	v12 =	vadd.s32 v16, v12;
	v18 =	vsel vm12, $0x0, v24;
	vm15 =	vmand vm12, vm14;
	(xrf0) =	vadd.scan.msk.s32 $0xffff, v17  }
0x41b: {  	[tilespmem:s6+$0x12400] =	vst v1;
	v14 =	vld [tilespmem:s6+$0x12500];
	v12 =	vadd.s32 v54, v12;
	(xrf0) =	vadd.scan.msk.s32 $0xffff, v18;
	v17 =	vnsel vm15, $0x0, v24  }
0x41c: {  	[tilespmem:s6+$0x12500] =	vst v1;
	v16 =	vld [tilespmem:s6+$0x12700];
	v12 =	vadd.s32 v56, v12;
	(xrf0) =	vadd.scan.msk.s32 $0xffff, v17  }
0x41d: {  	[tilespmem:s6+$0x12700] =	vst v1;
	v15 =	vld [tilespmem:s6+$0x12600];
	(xrf0) =	vadd.scan.msk.s32 $0xffff, v12  }
0x41e: {  	s16 =	simm.s32 $0xFFFFFD00;
	s31 =	simm.s32 $0xFFFFFD40;
	s26 =	simm.s32 $0xFFFFFD80;
	[tilespmem:s6+$0x12600] =	vst v1;
	v18 =	vadd.s32 v57, v58  }
0x41f: {  	s17 =	simm.s32 $0xFFFFFDC0;
	s24 =	simm.s32 $0x0;
	s25 =	simm.s32 $0x0;
	v17 =	vld [tilespmem:s6+$0x12800];
	v18 =	vadd.s32 v60, v18;
	[tilespmem:s6+$0x12800] =	vst v1  }
.LBB2_19:
0x420: {  	p2 =	sne.s32 s17, $0xFFFFFFC0;
	v13 =	vadd.s32 v13, v18;
	v18 =	vld [tilespmem:s6+$0x12900];
	[tilespmem:s6+$0x12900] =	vst v1;
	v19, _, _ =	vpop (xrf0);
	s0 =	spop (v2sf)  }
0x421: {  	v13 =	vadd.s32 v14, v13;
	v14 =	vld [tilespmem:s6+$0x12A00];
	[tilespmem:s6+$0x12A00] =	vst v1;
	(v2sf) =	vpush v19, $0xF;
	v19, _, _ =	vpop (xrf0);
	s21 =	sadd.s32 s21, s0;
	s0 =	spop (v2sf)  }
0x422: {  	v13 =	vadd.s32 v15, v13;
	v15 =	vld [tilespmem:s6+$0x12B00];
	[tilespmem:s6+$0x12B00] =	vst v1;
	(v2sf) =	vpush v19, $0xF;
	v19, _, _ =	vpop (xrf0);
	s24 =	sadd.s32 s24, s0;
	s0 =	spop (v2sf)  }
0x423: {  	v13 =	vadd.s32 v16, v13;
	v16 =	vld [tilespmem:s6+$0x12C00];
	[tilespmem:s6+$0x12C00] =	vst v1;
	v20, _, _ =	vpop (xrf0);
	(v2sf) =	vpush v19, $0xF;
	s9 =	spop (v2sf);
	s25 =	sadd.s32 s25, s0  }
0x424: {  	v13 =	vadd.s32 v17, v13;
	v17 =	vld [tilespmem:s6+$0x12D00];
	[tilespmem:s6+$0x12D00] =	vst v1;
	(v2sf) =	vpush v20, $0xF;
	s7 =	sadd.s32 s7, s9  }
0x425: {  	v13 =	vadd.s32 v18, v13;
	v18 =	vld [tilespmem:s6+$0x12E00];
	[tilespmem:s6+$0x12E00] =	vst v1;
	v19 =	vadd.s32 s7, v20  }
0x426: {  	v13 =	vadd.s32 v14, v13;
	v14 =	vld [tilespmem:s6+$0x12F00];
	[tilespmem:s6+$0x12F00] =	vst v1;
	vm0 =	vgt.s32 v19, v11;
	v20 =	vsub.s32 v19, v12  }
0x427: {  	vm1 =	vle.s32 v19, v11;
	v13 =	vadd.s32 v15, v13;
	v15 =	vld [tilespmem:s6+$0x13000];
	[tilespmem:s6+$0x13000] =	vst v1;
	s6 =	sshra.s32 s16, $0x2;
	vm2 =	vle.s32 v20, v11;
	s16 =	smov.u32 s31;
	s31 =	smov.u32 s26  }
0x428: {  	s26 =	smov.u32 s17;
	v19 =	vld [tilespmem:s6+$0x12100];
	[tilespmem:s6+$0x12100] =	vst v1;
	v13 =	vadd.s32 v16, v13;
	vm2 =	vmand vm0, vm2;
	v16 =	vsel vm1, $0x1, v1  }
0x429: {  	v20 =	vld [tilespmem:s6+$0x12200];
	[tilespmem:s6+$0x12200] =	vst v1;
	v13 =	vadd.s32 v17, v13;
	v17 =	vsel vm0, $0x0, v12;
	v21 =	vnsel vm2, $0x0, v12  }
0x42a: {  	v22 =	vld [tilespmem:s6+$0x12300];
	[tilespmem:s6+$0x12300] =	vst v1;
	v12 =	vadd.s32 v18, v13;
	(xrf0) =	vadd.scan.msk.s32 $0xffff, v16  }
.Ltmp10:
0x42b: {  	v13 =	vld [tilespmem:s6+$0x12400];
	[tilespmem:s6+$0x12400] =	vst v1;
	v12 =	vadd.s32 v14, v12;
	(xrf0) =	vadd.scan.msk.s32 $0xffff, v17;
	(pc) =	sbr.rel @p2 .LBB2_19-.Ltmp10, $4  }
0x42c: {  	v14 =	vld [tilespmem:s6+$0x12500];
	[tilespmem:s6+$0x12500] =	vst v1;
	v12 =	vadd.s32 v15, v12;
	(xrf0) =	vadd.scan.msk.s32 $0xffff, v21  }
0x42d: {  	v15 =	vld [tilespmem:s6+$0x12600];
	[tilespmem:s6+$0x12600] =	vst v1;
	(xrf0) =	vadd.scan.msk.s32 $0xffff, v12  }
0x42e: {  	v17 =	vadd.s32 v19, v20;
	v16 =	vld [tilespmem:s6+$0x12700];
	[tilespmem:s6+$0x12700] =	vst v1  }
0x42f: {  	s17 =	sadd.s32 $0x40, s17;
	v18 =	vadd.s32 v22, v17;
	v17 =	vld [tilespmem:s6+$0x12800];
	[tilespmem:s6+$0x12800] =	vst v1  }
0x430: {  	v19 =	vld [tilespmem:s6+$0x12900];
	[tilespmem:s6+$0x12900] =	vst v1  }
0x431: {  	v20 =	vld [tilespmem:s6+$0x12A00];
	[tilespmem:s6+$0x12A00] =	vst v1  }
0x432: {  	v21 =	vld [tilespmem:s6+$0x12B00];
	[tilespmem:s6+$0x12B00] =	vst v1  }
0x433: {  	v22 =	vld [tilespmem:s6+$0x12C00];
	[tilespmem:s6+$0x12C00] =	vst v1  }
0x434: {  	v23 =	vld [tilespmem:s6+$0x12D00];
	[tilespmem:s6+$0x12D00] =	vst v1  }
0x435: {  	v13 =	vadd.s32 v13, v18;
	v59 =	vld [tilespmem:s6+$0x12E00];
	[tilespmem:s6+$0x12E00] =	vst v1  }
0x436: {  	s28 =	spop (v2sf);
	v61 =	vld [tilespmem:s6+$0x12F00];
	[tilespmem:s6+$0x12F00] =	vst v1;
	v13 =	vadd.s32 v14, v13  }
0x437: {  	v60, _, _ =	vpop (xrf0);
	v24 =	vld [tilespmem:s6+$0x13000];
	s9 =	sshra.s32 s16, $0x2;
	[tilespmem:s6+$0x13000] =	vst v1;
	s29 =	spop (v2sf);
	v13 =	vadd.s32 v15, v13  }
0x438: {  	(v2sf) =	vpush v60, $0xF;
	v62, _, _ =	vpop (xrf0);
	v26 =	vld [tilespmem:s9+$0x12100];
	[tilespmem:s9+$0x12100] =	vst v1;
	s30 =	spop (v2sf);
	v13 =	vadd.s32 v16, v13  }
0x439: {  	v27 =	vld [tilespmem:s9+$0x12200];
	[tilespmem:s9+$0x12200] =	vst v1;
	(v2sf) =	vpush v62, $0xF;
	v63, _, _ =	vpop (xrf0);
	s0 =	spop (v2sf);
	v13 =	vadd.s32 v17, v13  }
0x43a: {  	v29 =	vld [tilespmem:s9+$0x12300];
	[tilespmem:s9+$0x12300] =	vst v1;
	(v2sf) =	vpush v63, $0xF;
	v25, _, _ =	vpop (xrf0);
	s0 =	sadd.s32 s7, s0;
	v13 =	vadd.s32 v19, v13  }
0x43b: {  	v31 =	vld [tilespmem:s9+$0x12400];
	[tilespmem:s9+$0x12400] =	vst v1;
	(v2sf) =	vpush v25, $0xF;
	v15 =	vadd.s32 s0, v25;
	v13 =	vadd.s32 v20, v13  }
0x43c: {  	v33 =	vld [tilespmem:s9+$0x12500];
	[tilespmem:s9+$0x12500] =	vst v1;
	vm0 =	vgt.s32 v15, v11;
	v13 =	vadd.s32 v21, v13  }
0x43d: {  	v35 =	vld [tilespmem:s9+$0x12600];
	[tilespmem:s9+$0x12600] =	vst v1;
	v28 =	vsub.s32 v15, v12;
	vm1 =	vle.s32 v15, v11;
	v13 =	vadd.s32 v22, v13  }
0x43e: {  	v36 =	vld [tilespmem:s9+$0x12700];
	[tilespmem:s9+$0x12700] =	vst v1;
	vm2 =	vle.s32 v28, v11;
	v30 =	vsel vm1, $0x1, v1;
	v13 =	vadd.s32 v23, v13  }
0x43f: {  	v32 =	vsel vm0, $0x0, v12;
	vm11 =	vmand vm0, vm2;
	(xrf0) =	vadd.scan.msk.s32 $0xffff, v30;
	v13 =	vadd.s32 v59, v13  }
0x440: {  	v37 =	vld [tilespmem:s9+$0x12800];
	[tilespmem:s9+$0x12800] =	vst v1;
	v34 =	vnsel vm11, $0x0, v12;
	(xrf0) =	vadd.scan.msk.s32 $0xffff, v32;
	v13 =	vadd.s32 v61, v13  }
0x441: {  	v38 =	vld [tilespmem:s9+$0x12900];
	[tilespmem:s9+$0x12900] =	vst v1;
	(xrf0) =	vadd.scan.msk.s32 $0xffff, v34;
	v13 =	vadd.s32 v24, v13  }
0x442: {  	v39 =	vld [tilespmem:s9+$0x12A00];
	[tilespmem:s9+$0x12A00] =	vst v1;
	(xrf0) =	vadd.scan.msk.s32 $0xffff, v13  }
0x443: {  	v41 =	vld [tilespmem:s9+$0x12B00];
	[tilespmem:s9+$0x12B00] =	vst v1;
	v18 =	vadd.s32 v26, v27  }
0x444: {  	v43 =	vld [tilespmem:s9+$0x12C00];
	[tilespmem:s9+$0x12C00] =	vst v1;
	v15 =	vadd.s32 v29, v18  }
0x445: {  	v45 =	vld [tilespmem:s9+$0x12D00];
	[tilespmem:s9+$0x12D00] =	vst v1;
	v14 =	vadd.s32 v31, v15;
	v40, _, _ =	vpop (xrf0)  }
0x446: {  	v47 =	vld [tilespmem:s9+$0x12E00];
	[tilespmem:s9+$0x12E00] =	vst v1;
	v14 =	vadd.s32 v33, v14;
	(v2sf) =	vpush v40, $0xF;
	v42, _, _ =	vpop (xrf0)  }
0x447: {  	v48 =	vld [tilespmem:s9+$0x12F00];
	[tilespmem:s9+$0x12F00] =	vst v1;
	v14 =	vadd.s32 v35, v14;
	s22 =	spop (v2sf);
	(v2sf) =	vpush v42, $0xF;
	v44, _, _ =	vpop (xrf0)  }
0x448: {  	s4 =	sshra.s32 s31, $0x2;
	v49 =	vld [tilespmem:s9+$0x13000];
	[tilespmem:s9+$0x13000] =	vst v1;
	v12 =	vadd.s32 v36, v14;
	s6 =	spop (v2sf);
	(v2sf) =	vpush v44, $0xF;
	v46, _, _ =	vpop (xrf0)  }
0x449: {  	v50 =	vld [tilespmem:s4+$0x12100];
	[tilespmem:s4+$0x12100] =	vst v1;
	v12 =	vadd.s32 v37, v12;
	s7 =	spop (v2sf);
	(v2sf) =	vpush v46, $0xF  }
0x44a: {  	v51 =	vld [tilespmem:s4+$0x12200];
	[tilespmem:s4+$0x12200] =	vst v1;
	v12 =	vadd.s32 v38, v12;
	s3 =	spop (v2sf)  }
0x44b: {  	v53 =	vld [tilespmem:s4+$0x12300];
	[tilespmem:s4+$0x12300] =	vst v1;
	v12 =	vadd.s32 v39, v12;
	s23 =	sadd.s32 s0, s3  }
0x44c: {  	v55 =	vld [tilespmem:s4+$0x12400];
	[tilespmem:s4+$0x12400] =	vst v1;
	v12 =	vadd.s32 v41, v12;
	v14 =	vadd.s32 s23, v46  }
0x44d: {  	v57 =	vld [tilespmem:s4+$0x12500];
	[tilespmem:s4+$0x12500] =	vst v1;
	v12 =	vadd.s32 v43, v12;
	v52 =	vsub.s32 v14, v13;
	vm13 =	vle.s32 v14, v11  }
0x44e: {  	v58 =	vld [tilespmem:s4+$0x12600];
	[tilespmem:s4+$0x12600] =	vst v1;
	vm12 =	vgt.s32 v14, v11;
	vm14 =	vle.s32 v52, v11;
	v54 =	vsel vm13, $0x1, v1  }
0x44f: {  	v12 =	vadd.s32 v45, v12;
	v56 =	vsel vm12, $0x0, v13;
	vm15 =	vmand vm12, vm14;
	(xrf0) =	vadd.scan.msk.s32 $0xffff, v54  }
0x450: {  	v60 =	vld [tilespmem:s4+$0x12700];
	v59 =	vadd.s32 v50, v51;
	v12 =	vadd.s32 v47, v12;
	v13 =	vnsel vm15, $0x0, v13;
	(xrf0) =	vadd.scan.msk.s32 $0xffff, v56  }
0x451: {  	[tilespmem:s4+$0x12700] =	vst v1;
	v61 =	vld [tilespmem:s4+$0x12800];
	v12 =	vadd.s32 v48, v12;
	(xrf0) =	vadd.scan.msk.s32 $0xffff, v13;
	v13 =	vadd.s32 v53, v59  }
0x452: {  	v62 =	vld [tilespmem:s4+$0x12900];
	[tilespmem:s4+$0x12900] =	vst v1;
	v12 =	vadd.s32 v49, v12;
	v13 =	vadd.s32 v55, v13  }
0x453: {  	v63 =	vld [tilespmem:s4+$0x12A00];
	[tilespmem:s4+$0x12A00] =	vst v1;
	(xrf0) =	vadd.scan.msk.s32 $0xffff, v12;
	v13 =	vadd.s32 v57, v13  }
0x454: {  	v25 =	vld [tilespmem:s4+$0x12B00];
	[tilespmem:s4+$0x12B00] =	vst v1;
	v13 =	vadd.s32 v58, v13  }
0x455: {  	v27 =	vld [tilespmem:s4+$0x12C00];
	[tilespmem:s4+$0x12C00] =	vst v1;
	s31 =	spop (v2sf);
	v24, _, _ =	vpop (xrf0);
	v13 =	vadd.s32 v60, v13  }
0x456: {  	v29 =	vld [tilespmem:s4+$0x12D00];
	[tilespmem:s4+$0x12D00] =	vst v1;
	s17 =	spop (v2sf);
	(v2sf) =	vpush v24, $0xF;
	v26, _, _ =	vpop (xrf0);
	v13 =	vadd.s32 v61, v13  }
0x457: {  	v31 =	vld [tilespmem:s4+$0x12E00];
	[tilespmem:s4+$0x12E00] =	vst v1;
	s16 =	spop (v2sf);
	(v2sf) =	vpush v26, $0xF;
	v28, _, _ =	vpop (xrf0);
	v13 =	vadd.s32 v62, v13  }
0x458: {  	v33 =	vld [tilespmem:s4+$0x12F00];
	[tilespmem:s4+$0x12F00] =	vst v1;
	v13 =	vadd.s32 v63, v13;
	s11 =	spop (v2sf);
	(v2sf) =	vpush v28, $0xF  }
0x459: {  	v34 =	vld [tilespmem:s4+$0x13000];
	[tilespmem:s4+$0x13000] =	vst v1;
	v30, _, _ =	vpop (xrf0);
	v13 =	vadd.s32 v25, v13;
	s10 =	sadd.s32 s23, s11  }
0x45a: {  	s26 =	sshra.s32 s26, $0x2;
	[tilespmem:s4+$0x12800] =	vst v1;
	v13 =	vadd.s32 v27, v13;
	(v2sf) =	vpush v30, $0xF;
	v32 =	vadd.s32 s10, v30  }
0x45b: {  	v35 =	vld [tilespmem:s26+$0x12100];
	v13 =	vadd.s32 v29, v13;
	v20 =	vsub.s32 v32, v12;
	vm5 =	vle.s32 v32, v11  }
0x45c: {  	v36 =	vld [tilespmem:s26+$0x12200];
	vm4 =	vgt.s32 v32, v11;
	vm6 =	vle.s32 v20, v11;
	v19 =	vsel vm5, $0x1, v1  }
0x45d: {  	v38 =	vld [tilespmem:s26+$0x12300];
	v13 =	vadd.s32 v31, v13;
	v37 =	vsel vm4, $0x0, v12;
	vm7 =	vmand vm4, vm6;
	(xrf0) =	vadd.scan.msk.s32 $0xffff, v19  }
0x45e: {  	v39 =	vld [tilespmem:s26+$0x12400];
	v13 =	vadd.s32 v33, v13;
	v12 =	vnsel vm7, $0x0, v12;
	(xrf0) =	vadd.scan.msk.s32 $0xffff, v37  }
0x45f: {  	v40 =	vld [tilespmem:s26+$0x12500];
	v13 =	vadd.s32 v34, v13;
	(xrf0) =	vadd.scan.msk.s32 $0xffff, v12  }
0x460: {  	v41 =	vld [tilespmem:s26+$0x12600];
	(xrf0) =	vadd.scan.msk.s32 $0xffff, v13  }
0x461: {  	v42 =	vld [tilespmem:s26+$0x12700];
	v14 =	vadd.s32 v35, v36  }
0x462: {  	v43 =	vld [tilespmem:s26+$0x12800];
	v14 =	vadd.s32 v38, v14  }
0x463: {  	v44 =	vld [tilespmem:s26+$0x12900];
	v14 =	vadd.s32 v39, v14;
	v19, _, _ =	vpop (xrf0)  }
0x464: {  	v46 =	vld [tilespmem:s26+$0x12A00];
	v12 =	vadd.s32 v40, v14;
	(v2sf) =	vpush v19, $0xF;
	v45, _, _ =	vpop (xrf0)  }
0x465: {  	v48 =	vld [tilespmem:s26+$0x12B00];
	v12 =	vadd.s32 v41, v12;
	s23 =	spop (v2sf);
	(v2sf) =	vpush v45, $0xF;
	v47, _, _ =	vpop (xrf0)  }
0x466: {  	v50 =	vld [tilespmem:s26+$0x12C00];
	v12 =	vadd.s32 v42, v12;
	s0 =	spop (v2sf);
	v49, _, _ =	vpop (xrf0);
	(v2sf) =	vpush v47, $0xF  }
0x467: {  	v51 =	vld [tilespmem:s26+$0x12D00];
	v12 =	vadd.s32 v43, v12;
	s9 =	spop (v2sf);
	(v2sf) =	vpush v49, $0xF  }
0x468: {  	v12 =	vadd.s32 v44, v12  }
0x469: {  	v52 =	vld [tilespmem:s26+$0x12E00];
	v12 =	vadd.s32 v46, v12;
	s11 =	spop (v2sf)  }
0x46a: {  	v54 =	vld [tilespmem:s26+$0x12F00];
	v12 =	vadd.s32 v48, v12;
	s10 =	sadd.s32 s10, s11  }
0x46b: {  	v55 =	vld [tilespmem:s26+$0x13000];
	v12 =	vadd.s32 v50, v12;
	v53 =	vadd.s32 s10, v49  }
0x46c: {  	v12 =	vadd.s32 v51, v12;
	v20 =	vsub.s32 v53, v13;
	vm9 =	vle.s32 v53, v11  }
0x46d: {  	vm8 =	vgt.s32 v53, v11;
	vm10 =	vle.s32 v20, v11;
	v56 =	vsel vm9, $0x1, v1  }
0x46e: {  	v12 =	vadd.s32 v52, v12;
	v57 =	vsel vm8, $0x0, v13;
	vm11 =	vmand vm8, vm10;
	(xrf0) =	vadd.scan.msk.s32 $0xffff, v56  }
0x46f: {  	v12 =	vadd.s32 v54, v12;
	v13 =	vnsel vm11, $0x0, v13;
	(xrf0) =	vadd.scan.msk.s32 $0xffff, v57  }
0x470: {  	v12 =	vadd.s32 v55, v12;
	(xrf0) =	vadd.scan.msk.s32 $0xffff, v13  }
0x471: {  	(xrf0) =	vadd.scan.msk.s32 $0xffff, v12;
	_ =	sdelay $0x1  }
0x472: {  	s11 =	spop (v2sf)  }
0x473: {  	v58, _, _ =	vpop (xrf0);
	s3 =	spop (v2sf)  }
0x474: {  	v59, _, _ =	vpop (xrf0);
	s4 =	spop (v2sf)  }
0x475: {  	v60, _, _ =	vpop (xrf0);
	s2 =	spop (v2sf)  }
0x476: {  	v61, _, _ =	vpop (xrf0);
	s2 =	sadd.s32 s10, s2  }
0x477: {  	v62 =	vadd.s32 s2, v61  }
0x478: {  	v63 =	vsub.s32 v62, v12;
	vm12 =	vle.s32 v62, v11  }
0x479: {  	vm13 =	vgt.s32 v62, v11;
	vm14 =	vle.s32 v63, v11;
	v11 =	vsel vm12, $0x1, v1  }
0x47a: {  	v17 =	vsel vm13, $0x0, v12;
	vm15 =	vmand vm13, vm14;
	(xrf0) =	vadd.scan.msk.s32 $0xffff, v11  }
0x47b: {  	v11 =	vnsel vm15, $0x0, v12;
	(xrf0) =	vadd.scan.msk.s32 $0xffff, v17  }
0x47c: {  	(xrf0) =	vadd.scan.msk.s32 $0xffff, v11  }
0x47d: {  	(v2sf) =	vpush v58, $0xF  }
0x47e: {  	(v2sf) =	vpush v59, $0xF  }
0x47f: {  	(v2sf) =	vpush v60, $0xF  }
0x480: {  	(v2sf) =	vpush v61, $0xF;
	v11, _, _ =	vpop (xrf0)  }
0x481: {  	(v2sf) =	vpush v11, $0xF;
	v11, _, _ =	vpop (xrf0)  }
0x482: {  	(v2sf) =	vpush v11, $0xF;
	v11, _, _ =	vpop (xrf0)  }
0x483: {  	[tilespmem:s26+$0x12100] =	vst v1;
	(v2sf) =	vpush v11, $0xF  }
0x484: {  	[tilespmem:s26+$0x12200] =	vst v1  }
0x485: {  	[tilespmem:s26+$0x12C00] =	vst v1  }
0x486: {  	[tilespmem:s26+$0x12D00] =	vst v1  }
0x487: {  	[tilespmem:s26+$0x12300] =	vst v1  }
0x488: {  	[tilespmem:s26+$0x12400] =	vst v1  }
0x489: {  	p3 =	slt.u32 s13, $0x2;
	[tilespmem:s26+$0x12500] =	vst v1  }
0x48a: {  	s28 =	sadd.s32 s21, s28;
	p2 =	sne.s32 @!p3 s15, $0x0;
	s29 =	sadd.s32 s24, s29;
	[tilespmem:s26+$0x12600] =	vst v1  }
0x48b: {  	p4 =	por p2, p3;
	s30 =	sadd.s32 s25, s30;
	[tilespmem:s26+$0x12700] =	vst v1;
	s6 =	sadd.s32 s29, s6  }
0x48c: {  	[tilespmem:s26+$0x12800] =	vst v1;
	s7 =	sadd.s32 s30, s7;
	s6 =	sadd.s32 s6, s17;
	s21 =	spop (v2sf)  }
0x48d: {  	[tilespmem:s26+$0x12900] =	vst v1;
	s7 =	sadd.s32 s7, s16;
	s2 =	sadd.s32 s28, s22;
	s22 =	spop (v2sf)  }
0x48e: {  	[tilespmem:s26+$0x12B00] =	vst v1;
	s0 =	sadd.s32 s6, s0;
	s2 =	sadd.s32 s2, s31;
	s24 =	spop (v2sf)  }
0x48f: {  	[tilespmem:s26+$0x12A00] =	vst v1;
	s2 =	sadd.s32 s2, s23;
	s23 =	sadd.s32 s7, s9;
	s28 =	spop (v2sf)  }
0x490: {  	[tilespmem:s26+$0x12E00] =	vst v1;
	s0 =	sadd.s32 s0, s3;
	s25 =	sadd.s32 s23, s4;
	s4 =	spop (v2sf)  }
0x491: {  	p2 =	seq.s32 s15, $0x1;
	[tilespmem:s26+$0x12F00] =	vst v1;
	s0 =	sadd.s32 s0, s22;
	s29 =	spop (v2sf)  }
0x492: {  	[tilespmem:s26+$0x13000] =	vst v1;
	s7 =	simm.s32 @!p4 $0x2;
	s30 =	spop (v2sf);
	s0 =	sadd.s32 s0, s29  }
0x493: {  	s3 =	sadd.s32 s25, s24;
	_ =	swait.ge @!p4 [sflag:s7], $0x2000;
	s0 =	ssub.s32 s20, s0  }
0x494: {  	s3 =	sadd.s32 s3, s30;
	[sflag:s7] =	ssyncset.done @!p4 $0x0;
	s0 =	sadd.s32 $0x1, s0  }
0x495: {  	s2 =	sadd.s32 s2, s11;
	[sflag:s7] =	ssyncadd.s32 @!p4 $0xFFFFE000;
	p4 =	seq.s32 s3, s0  }
.Ltmp11:
0x496: {  	p3 =	por !p2, p3;
	s2 =	sadd.s32 s2, s21;
	(pc) =	sbr.rel @!p4 .LBB2_24-.Ltmp11, $4  }
0x497: {  	s2 =	sadd.s32 s2, s4;
	s4 =	simm.s32 @!p3 $0x3  }
0x498: {  	s31 =	sshll.u32 s19, $0x7;
	_ =	swait.ge @!p3 [sflag:s4], $0x2000  }
0x499: {  	s2 =	sadd.s32 s31, s2;
	[sflag:s4] =	ssyncset.done @!p3 $0x0  }
0x49a: {  	v11 =	vmov s2;
	[sflag:s4] =	ssyncadd.s32 @!p3 $0xFFFFE000  }
0x49b: {  	s6 =	simm.s32 $0xC040  }
0x49c: {  	v13 =	vld [tilespmem:s6+$0x30]  }
0x49d: {  	v16 =	vld [tilespmem:s6+$0xFFFFFFD0]  }
0x49e: {  	v18 =	vld [tilespmem:s6+$0xFFFFFFE0]  }
0x49f: {  	v15 =	vld [tilespmem:s6+$0xFFFFFFF0]  }
0x4a0: {  	v14 =	vld [tilespmem:s6+$0x0]  }
0x4a1: {  	v12 =	vld [tilespmem:s6+$0x10];
	vm0 =	vle.s32 v13, v11  }
0x4a2: {  	vm1 =	vle.s32 v16, v11;
	v13 =	vld [tilespmem:s6+$0x20];
	v19 =	vsel vm0, $0x1, v1  }
0x4a3: {  	s0 =	simm.s32 $0x0;
	v16 =	vld [tilespmem:s6+$0xFFFFFFC0];
	s6 =	simm.s32 $0xC0C0;
	v17 =	vsel vm1, $0x1, v1;
	vm0 =	vle.s32 v18, v11;
	[tilespmem:s18+$0x30] =	vst v19  }
.LBB2_22:
0x4a4: {  	v18 =	vld [tilespmem:s6+$0x30];
	s0 =	sadd.s32 $0x8, s0;
	[tilespmem:s18+$0xFFFFFFD0] =	vst v17;
	v17 =	vsel vm0, $0x1, v1;
	vm0 =	vle.s32 v15, v11  }
0x4a5: {  	v19 =	vld [tilespmem:s6+$0xFFFFFFD0];
	p3 =	slt.u32 s0, $0x1F8;
	[tilespmem:s18+$0xFFFFFFE0] =	vst v17;
	v15 =	vsel vm0, $0x1, v1;
	vm0 =	vle.s32 v14, v11  }
0x4a6: {  	v20 =	vld [tilespmem:s6+$0xFFFFFFE0];
	[tilespmem:s18+$0xFFFFFFF0] =	vst v15;
	v14 =	vsel vm0, $0x1, v1;
	vm0 =	vle.s32 v12, v11  }
.Ltmp12:
0x4a7: {  	v15 =	vld [tilespmem:s6+$0xFFFFFFF0];
	[tilespmem:s18+$0x0] =	vst v14;
	v12 =	vsel vm0, $0x1, v1;
	vm0 =	vle.s32 v13, v11;
	(pc) =	sbr.rel @p3 .LBB2_22-.Ltmp12, $4  }
0x4a8: {  	v14 =	vld [tilespmem:s6+$0x0];
	vm1 =	vle.s32 v16, v11;
	[tilespmem:s18+$0x10] =	vst v12;
	v13 =	vsel vm0, $0x1, v1  }
0x4a9: {  	v12 =	vld [tilespmem:s6+$0x10];
	vm0 =	vle.s32 v18, v11;
	v16 =	vsel vm1, $0x1, v1;
	[tilespmem:s18+$0x20] =	vst v13  }
0x4aa: {  	vm1 =	vle.s32 v19, v11;
	v13 =	vld [tilespmem:s6+$0x20];
	v18 =	vsel vm0, $0x1, v1;
	[tilespmem:s18+$0xFFFFFFC0] =	vst v16;
	s18 =	sadd.s32 $0x80, s18  }
0x4ab: {  	v16 =	vld [tilespmem:s6+$0xFFFFFFC0];
	v17 =	vsel vm1, $0x1, v1;
	vm0 =	vle.s32 v20, v11;
	[tilespmem:s18+$0x30] =	vst v18;
	s6 =	sadd.s32 $0x80, s6  }
0x4ac: {  	[tilespmem:s18+$0xFFFFFFD0] =	vst v17;
	v62 =	vsel vm0, $0x1, v1;
	vm12 =	vle.s32 v15, v11  }
0x4ad: {  	[tilespmem:s18+$0xFFFFFFE0] =	vst v62;
	v15 =	vsel vm12, $0x1, v1;
	vm13 =	vle.s32 v14, v11  }
.Ltmp13:
0x4ae: {  	[tilespmem:s18+$0xFFFFFFF0] =	vst v15;
	v14 =	vsel vm13, $0x1, v1;
	vm14 =	vle.s32 v12, v11;
	(pc) =	sbr.rel .LBB2_27-.Ltmp13, $4  }
0x4af: {  	[tilespmem:s18+$0x0] =	vst v14;
	v12 =	vsel vm14, $0x1, v1;
	vm15 =	vle.s32 v13, v11  }
0x4b0: {  	vm1 =	vle.s32 v16, v11;
	[tilespmem:s18+$0x10] =	vst v12;
	v11 =	vsel vm15, $0x1, v1  }
0x4b1: {  	v63 =	vsel vm1, $0x1, v1;
	[tilespmem:s18+$0x20] =	vst v11  }
0x4b2: {  	[tilespmem:s18+$0xFFFFFFC0] =	vst v63  }
.LBB2_24:
0x4b3: {  	s6 =	simm.s32 $0xC040  }
0x4b4: {  	v13 =	vld [tilespmem:s6+$0xFFFFFFC0];
	_ =	sdelay $0x4  }
0x4b5: {  	vm0 =	veq.s32 v13, v11  }
0x4b6: {  	v14 =	vsel vm0, $0x1, v1  }
0x4b7: {  	(xrf0) =	vadd.scan.msk.s32 $0xffff, v14;
	_ =	sdelay $0x5  }
0x4b8: {  	s24 =	simm.s32 $0x0;
	v14, _, _ =	vpop (xrf0)  }
0x4b9: {  	v12 =	vmov s0;
	v15 =	vadd.s32 s24, v14  }
0x4ba: {  	vm1 =	vle.s32 v15, v12  }
0x4bb: {  	vm2 =	vlt.s32 v13, v11;
	vm0 =	vmand vm0, vm1  }
0x4bc: {  	(v2sf) =	vpush v14, $0xF;
	vm0 =	vmor vm2, vm0  }
0x4bd: {  	v13 =	vsel vm0, $0x1, v1  }
0x4be: {  	[tilespmem:s18+$0xFFFFFFC0] =	vst v13  }
0x4bf: {  	v13 =	vld [tilespmem:s6+$0xFFFFFFD0];
	_ =	sdelay $0x4  }
0x4c0: {  	vm0 =	veq.s32 v13, v11  }
0x4c1: {  	v14 =	vsel vm0, $0x1, v1  }
0x4c2: {  	(xrf0) =	vadd.scan.msk.s32 $0xffff, v14;
	_ =	sdelay $0x4  }
0x4c3: {  	s25 =	spop (v2sf)  }
0x4c4: {  	s0 =	sadd.s32 $0x0, s25;
	v14, _, _ =	vpop (xrf0)  }
0x4c5: {  	v15 =	vadd.s32 s0, v14  }
0x4c6: {  	vm1 =	vle.s32 v15, v12  }
0x4c7: {  	vm2 =	vlt.s32 v13, v11;
	vm0 =	vmand vm0, vm1  }
0x4c8: {  	(v2sf) =	vpush v14, $0xF;
	vm0 =	vmor vm2, vm0  }
0x4c9: {  	v13 =	vsel vm0, $0x1, v1  }
0x4ca: {  	[tilespmem:s18+$0xFFFFFFD0] =	vst v13  }
0x4cb: {  	v13 =	vld [tilespmem:s6+$0xFFFFFFE0];
	_ =	sdelay $0x4  }
0x4cc: {  	vm0 =	veq.s32 v13, v11  }
0x4cd: {  	v14 =	vsel vm0, $0x1, v1  }
0x4ce: {  	(xrf0) =	vadd.scan.msk.s32 $0xffff, v14;
	_ =	sdelay $0x4  }
0x4cf: {  	s2 =	spop (v2sf)  }
0x4d0: {  	s0 =	sadd.s32 s0, s2;
	v14, _, _ =	vpop (xrf0)  }
0x4d1: {  	v15 =	vadd.s32 s0, v14  }
0x4d2: {  	vm1 =	vle.s32 v15, v12  }
0x4d3: {  	vm2 =	vlt.s32 v13, v11;
	vm0 =	vmand vm0, vm1  }
0x4d4: {  	(v2sf) =	vpush v14, $0xF;
	vm0 =	vmor vm2, vm0  }
0x4d5: {  	v13 =	vsel vm0, $0x1, v1  }
0x4d6: {  	[tilespmem:s18+$0xFFFFFFE0] =	vst v13  }
0x4d7: {  	v13 =	vld [tilespmem:s6+$0xFFFFFFF0];
	_ =	sdelay $0x4  }
0x4d8: {  	vm0 =	veq.s32 v13, v11  }
0x4d9: {  	v14 =	vsel vm0, $0x1, v1  }
0x4da: {  	(xrf0) =	vadd.scan.msk.s32 $0xffff, v14;
	_ =	sdelay $0x4  }
0x4db: {  	s26 =	spop (v2sf)  }
0x4dc: {  	s0 =	sadd.s32 s0, s26;
	v14, _, _ =	vpop (xrf0)  }
0x4dd: {  	v15 =	vadd.s32 s0, v14  }
0x4de: {  	vm1 =	vle.s32 v15, v12  }
0x4df: {  	vm2 =	vlt.s32 v13, v11;
	vm0 =	vmand vm0, vm1  }
0x4e0: {  	(v2sf) =	vpush v14, $0xF;
	vm0 =	vmor vm2, vm0  }
0x4e1: {  	v13 =	vsel vm0, $0x1, v1  }
0x4e2: {  	[tilespmem:s18+$0xFFFFFFF0] =	vst v13  }
0x4e3: {  	v13 =	vld [tilespmem:s6+$0x0];
	_ =	sdelay $0x4  }
0x4e4: {  	vm0 =	veq.s32 v13, v11  }
0x4e5: {  	v14 =	vsel vm0, $0x1, v1  }
0x4e6: {  	(xrf0) =	vadd.scan.msk.s32 $0xffff, v14;
	_ =	sdelay $0x4  }
0x4e7: {  	s28 =	spop (v2sf)  }
0x4e8: {  	s0 =	sadd.s32 s0, s28;
	v14, _, _ =	vpop (xrf0)  }
0x4e9: {  	v15 =	vadd.s32 s0, v14  }
0x4ea: {  	vm1 =	vle.s32 v15, v12  }
0x4eb: {  	vm2 =	vlt.s32 v13, v11;
	vm0 =	vmand vm0, vm1  }
0x4ec: {  	(v2sf) =	vpush v14, $0xF;
	vm0 =	vmor vm2, vm0  }
0x4ed: {  	v13 =	vsel vm0, $0x1, v1  }
0x4ee: {  	[tilespmem:s18+$0x0] =	vst v13  }
0x4ef: {  	v13 =	vld [tilespmem:s6+$0x10];
	_ =	sdelay $0x4  }
0x4f0: {  	vm0 =	veq.s32 v13, v11  }
0x4f1: {  	v14 =	vsel vm0, $0x1, v1  }
0x4f2: {  	(xrf0) =	vadd.scan.msk.s32 $0xffff, v14;
	_ =	sdelay $0x4  }
0x4f3: {  	s29 =	spop (v2sf)  }
0x4f4: {  	s0 =	sadd.s32 s0, s29;
	v14, _, _ =	vpop (xrf0)  }
0x4f5: {  	v15 =	vadd.s32 s0, v14  }
0x4f6: {  	vm1 =	vle.s32 v15, v12  }
0x4f7: {  	vm2 =	vlt.s32 v13, v11;
	vm0 =	vmand vm0, vm1  }
0x4f8: {  	(v2sf) =	vpush v14, $0xF;
	vm0 =	vmor vm2, vm0  }
0x4f9: {  	v13 =	vsel vm0, $0x1, v1  }
0x4fa: {  	[tilespmem:s18+$0x10] =	vst v13  }
0x4fb: {  	v13 =	vld [tilespmem:s6+$0x20];
	_ =	sdelay $0x4  }
0x4fc: {  	vm0 =	veq.s32 v13, v11  }
0x4fd: {  	v14 =	vsel vm0, $0x1, v1  }
0x4fe: {  	(xrf0) =	vadd.scan.msk.s32 $0xffff, v14;
	_ =	sdelay $0x4  }
0x4ff: {  	s30 =	spop (v2sf)  }
0x500: {  	s0 =	sadd.s32 s0, s30;
	v14, _, _ =	vpop (xrf0)  }
0x501: {  	v15 =	vadd.s32 s0, v14  }
0x502: {  	vm1 =	vle.s32 v15, v12  }
0x503: {  	vm2 =	vlt.s32 v13, v11;
	vm0 =	vmand vm0, vm1  }
0x504: {  	(v2sf) =	vpush v14, $0xF;
	vm0 =	vmor vm2, vm0  }
0x505: {  	v13 =	vsel vm0, $0x1, v1  }
0x506: {  	[tilespmem:s18+$0x20] =	vst v13  }
0x507: {  	v13 =	vld [tilespmem:s6+$0x30];
	_ =	sdelay $0x4  }
0x508: {  	vm0 =	veq.s32 v13, v11  }
0x509: {  	v14 =	vsel vm0, $0x1, v1  }
0x50a: {  	(xrf0) =	vadd.scan.msk.s32 $0xffff, v14;
	_ =	sdelay $0x4  }
0x50b: {  	s31 =	spop (v2sf)  }
0x50c: {  	s0 =	sadd.s32 s0, s31;
	v14, _, _ =	vpop (xrf0)  }
0x50d: {  	(v2sf) =	vpush v14, $0xF;
	v14 =	vadd.s32 s0, v14  }
0x50e: {  	vm1 =	vle.s32 v14, v12  }
0x50f: {  	vm2 =	vlt.s32 v13, v11;
	vm0 =	vmand vm0, vm1  }
0x510: {  	vm0 =	vmor vm2, vm0  }
0x511: {  	v13 =	vsel vm0, $0x1, v1  }
0x512: {  	s19 =	simm.s32 $0xC0C0;
	[tilespmem:s18+$0x30] =	vst v13  }
0x513: {  	v13 =	vld [tilespmem:s19+$0xFFFFFFC0];
	_ =	sdelay $0x4  }
0x514: {  	vm0 =	veq.s32 v13, v11  }
0x515: {  	v14 =	vsel vm0, $0x1, v1  }
0x516: {  	(xrf0) =	vadd.scan.msk.s32 $0xffff, v14;
	_ =	sdelay $0x1  }
0x517: {  	s20 =	simm.s32 $0x8;
	s6 =	spop (v2sf)  }
.LBB2_25:
0x518: {  	s20 =	sadd.s32 $0x8, s20;
	s0 =	sadd.s32 s0, s6;
	s18 =	sadd.s32 $0x80, s18  }
0x519: {  	p3 =	slt.u32 s20, $0x1F8;
	_ =	sdelay $0x1  }
0x51a: {  	v14, _, _ =	vpop (xrf0)  }
0x51b: {  	v15 =	vadd.s32 s0, v14;
	(v2sf) =	vpush v14, $0xF  }
0x51c: {  	vm1 =	vle.s32 v15, v12  }
0x51d: {  	vm2 =	vlt.s32 v13, v11;
	vm0 =	vmand vm0, vm1  }
0x51e: {  	vm0 =	vmor vm2, vm0  }
0x51f: {  	v13 =	vsel vm0, $0x1, v1  }
0x520: {  	[tilespmem:s18+$0xFFFFFFC0] =	vst v13  }
0x521: {  	v13 =	vld [tilespmem:s19+$0xFFFFFFD0];
	_ =	sdelay $0x4  }
0x522: {  	vm0 =	veq.s32 v13, v11  }
0x523: {  	v14 =	vsel vm0, $0x1, v1  }
0x524: {  	(xrf0) =	vadd.scan.msk.s32 $0xffff, v14;
	_ =	sdelay $0x1  }
0x525: {  	s2 =	spop (v2sf);
	_ =	sdelay $0x3  }
0x526: {  	s0 =	sadd.s32 s0, s2;
	v14, _, _ =	vpop (xrf0)  }
0x527: {  	v15 =	vadd.s32 s0, v14;
	(v2sf) =	vpush v14, $0xF  }
0x528: {  	vm1 =	vle.s32 v15, v12  }
0x529: {  	vm2 =	vlt.s32 v13, v11;
	vm0 =	vmand vm0, vm1  }
0x52a: {  	vm0 =	vmor vm2, vm0  }
0x52b: {  	v13 =	vsel vm0, $0x1, v1  }
0x52c: {  	[tilespmem:s18+$0xFFFFFFD0] =	vst v13  }
0x52d: {  	v13 =	vld [tilespmem:s19+$0xFFFFFFE0];
	_ =	sdelay $0x4  }
0x52e: {  	vm0 =	veq.s32 v13, v11  }
0x52f: {  	v14 =	vsel vm0, $0x1, v1  }
0x530: {  	(xrf0) =	vadd.scan.msk.s32 $0xffff, v14;
	_ =	sdelay $0x1  }
0x531: {  	s2 =	spop (v2sf)  }
0x532: {  	s0 =	sadd.s32 s0, s2;
	_ =	sdelay $0x2  }
0x533: {  	v14, _, _ =	vpop (xrf0)  }
0x534: {  	v15 =	vadd.s32 s0, v14;
	(v2sf) =	vpush v14, $0xF  }
0x535: {  	vm1 =	vle.s32 v15, v12  }
0x536: {  	vm2 =	vlt.s32 v13, v11;
	vm0 =	vmand vm0, vm1  }
0x537: {  	vm0 =	vmor vm2, vm0  }
0x538: {  	v13 =	vsel vm0, $0x1, v1  }
0x539: {  	[tilespmem:s18+$0xFFFFFFE0] =	vst v13  }
0x53a: {  	v13 =	vld [tilespmem:s19+$0xFFFFFFF0];
	_ =	sdelay $0x4  }
0x53b: {  	vm0 =	veq.s32 v13, v11  }
0x53c: {  	v14 =	vsel vm0, $0x1, v1  }
0x53d: {  	(xrf0) =	vadd.scan.msk.s32 $0xffff, v14;
	_ =	sdelay $0x1  }
0x53e: {  	s2 =	spop (v2sf)  }
0x53f: {  	s0 =	sadd.s32 s0, s2;
	_ =	sdelay $0x2  }
0x540: {  	v14, _, _ =	vpop (xrf0)  }
0x541: {  	v15 =	vadd.s32 s0, v14;
	(v2sf) =	vpush v14, $0xF  }
0x542: {  	vm1 =	vle.s32 v15, v12  }
0x543: {  	vm2 =	vlt.s32 v13, v11;
	vm0 =	vmand vm0, vm1  }
0x544: {  	vm0 =	vmor vm2, vm0  }
0x545: {  	v13 =	vsel vm0, $0x1, v1  }
0x546: {  	[tilespmem:s18+$0xFFFFFFF0] =	vst v13  }
0x547: {  	v13 =	vld [tilespmem:s19+$0x0];
	_ =	sdelay $0x4  }
0x548: {  	vm0 =	veq.s32 v13, v11  }
0x549: {  	v14 =	vsel vm0, $0x1, v1  }
0x54a: {  	(xrf0) =	vadd.scan.msk.s32 $0xffff, v14;
	_ =	sdelay $0x1  }
0x54b: {  	s2 =	spop (v2sf)  }
0x54c: {  	s0 =	sadd.s32 s0, s2;
	_ =	sdelay $0x2  }
0x54d: {  	v14, _, _ =	vpop (xrf0)  }
0x54e: {  	v15 =	vadd.s32 s0, v14;
	(v2sf) =	vpush v14, $0xF  }
0x54f: {  	vm1 =	vle.s32 v15, v12  }
0x550: {  	vm2 =	vlt.s32 v13, v11;
	vm0 =	vmand vm0, vm1  }
0x551: {  	vm0 =	vmor vm2, vm0  }
0x552: {  	v13 =	vsel vm0, $0x1, v1  }
0x553: {  	[tilespmem:s18+$0x0] =	vst v13  }
0x554: {  	v13 =	vld [tilespmem:s19+$0x10];
	_ =	sdelay $0x4  }
0x555: {  	vm0 =	veq.s32 v13, v11  }
0x556: {  	v14 =	vsel vm0, $0x1, v1  }
0x557: {  	(xrf0) =	vadd.scan.msk.s32 $0xffff, v14;
	_ =	sdelay $0x1  }
0x558: {  	s2 =	spop (v2sf)  }
0x559: {  	s0 =	sadd.s32 s0, s2;
	_ =	sdelay $0x2  }
0x55a: {  	v14, _, _ =	vpop (xrf0)  }
0x55b: {  	v15 =	vadd.s32 s0, v14;
	(v2sf) =	vpush v14, $0xF  }
0x55c: {  	vm1 =	vle.s32 v15, v12  }
0x55d: {  	vm2 =	vlt.s32 v13, v11;
	vm0 =	vmand vm0, vm1  }
0x55e: {  	vm0 =	vmor vm2, vm0  }
0x55f: {  	v13 =	vsel vm0, $0x1, v1  }
0x560: {  	[tilespmem:s18+$0x10] =	vst v13  }
0x561: {  	v13 =	vld [tilespmem:s19+$0x20];
	_ =	sdelay $0x4  }
0x562: {  	vm0 =	veq.s32 v13, v11  }
0x563: {  	v14 =	vsel vm0, $0x1, v1  }
0x564: {  	(xrf0) =	vadd.scan.msk.s32 $0xffff, v14;
	_ =	sdelay $0x1  }
0x565: {  	s2 =	spop (v2sf)  }
0x566: {  	s0 =	sadd.s32 s0, s2;
	_ =	sdelay $0x2  }
0x567: {  	v14, _, _ =	vpop (xrf0)  }
0x568: {  	v15 =	vadd.s32 s0, v14;
	(v2sf) =	vpush v14, $0xF  }
0x569: {  	vm1 =	vle.s32 v15, v12  }
0x56a: {  	vm2 =	vlt.s32 v13, v11;
	vm0 =	vmand vm0, vm1  }
0x56b: {  	vm0 =	vmor vm2, vm0  }
0x56c: {  	v13 =	vsel vm0, $0x1, v1  }
0x56d: {  	[tilespmem:s18+$0x20] =	vst v13  }
0x56e: {  	v13 =	vld [tilespmem:s19+$0x30];
	_ =	sdelay $0x4  }
0x56f: {  	vm0 =	veq.s32 v13, v11  }
0x570: {  	v14 =	vsel vm0, $0x1, v1  }
0x571: {  	(xrf0) =	vadd.scan.msk.s32 $0xffff, v14;
	_ =	sdelay $0x1  }
0x572: {  	s2 =	spop (v2sf);
	_ =	sdelay $0x3  }
0x573: {  	s0 =	sadd.s32 s0, s2;
	v14, _, _ =	vpop (xrf0)  }
0x574: {  	v15 =	vadd.s32 s0, v14;
	(v2sf) =	vpush v14, $0xF  }
0x575: {  	vm1 =	vle.s32 v15, v12  }
0x576: {  	vm2 =	vlt.s32 v13, v11;
	vm0 =	vmand vm0, vm1  }
0x577: {  	vm0 =	vmor vm2, vm0  }
0x578: {  	v13 =	vsel vm0, $0x1, v1  }
0x579: {  	s19 =	sadd.s32 $0x80, s19;
	[tilespmem:s18+$0x30] =	vst v13  }
0x57a: {  	v13 =	vld [tilespmem:s19+$0xFFFFFFC0];
	_ =	sdelay $0x4  }
.Ltmp14:
0x57b: {  	vm0 =	veq.s32 v13, v11;
	(pc) =	sbr.rel @p3 .LBB2_25-.Ltmp14, $3  }
0x57c: {  	v14 =	vsel vm0, $0x1, v1  }
0x57d: {  	(xrf0) =	vadd.scan.msk.s32 $0xffff, v14;
	_ =	sdelay $0x1  }
0x57e: {  	s6 =	spop (v2sf)  }
0x57f: {  	_ =	sdelay $0x2  }
0x580: {  	s0 =	sadd.s32 s0, s6;
	v14, _, _ =	vpop (xrf0)  }
0x581: {  	v15 =	vadd.s32 s0, v14  }
0x582: {  	vm1 =	vle.s32 v15, v12  }
0x583: {  	vm2 =	vlt.s32 v13, v11;
	vm0 =	vmand vm0, vm1  }
0x584: {  	(v2sf) =	vpush v14, $0xF;
	vm0 =	vmor vm2, vm0  }
0x585: {  	s23 =	sadd.s32 $0x80, s18;
	v43 =	vsel vm0, $0x1, v1  }
0x586: {  	[tilespmem:s23+$0xFFFFFFC0] =	vst v43  }
0x587: {  	v13 =	vld [tilespmem:s19+$0xFFFFFFD0];
	_ =	sdelay $0x4  }
0x588: {  	vm7 =	veq.s32 v13, v11  }
0x589: {  	v44 =	vsel vm7, $0x1, v1  }
0x58a: {  	(xrf0) =	vadd.scan.msk.s32 $0xffff, v44;
	_ =	sdelay $0x4  }
0x58b: {  	s2 =	spop (v2sf)  }
0x58c: {  	s0 =	sadd.s32 s0, s2;
	v14, _, _ =	vpop (xrf0)  }
0x58d: {  	v45 =	vadd.s32 s0, v14  }
0x58e: {  	vm8 =	vle.s32 v45, v12  }
0x58f: {  	vm9 =	vlt.s32 v13, v11;
	vm0 =	vmand vm7, vm8  }
0x590: {  	(v2sf) =	vpush v14, $0xF;
	vm0 =	vmor vm9, vm0  }
0x591: {  	v46 =	vsel vm0, $0x1, v1  }
0x592: {  	[tilespmem:s23+$0xFFFFFFD0] =	vst v46  }
0x593: {  	v13 =	vld [tilespmem:s19+$0xFFFFFFE0];
	_ =	sdelay $0x4  }
0x594: {  	vm10 =	veq.s32 v13, v11  }
0x595: {  	v47 =	vsel vm10, $0x1, v1  }
0x596: {  	(xrf0) =	vadd.scan.msk.s32 $0xffff, v47;
	_ =	sdelay $0x4  }
0x597: {  	s24 =	spop (v2sf)  }
0x598: {  	s0 =	sadd.s32 s0, s24;
	v14, _, _ =	vpop (xrf0)  }
0x599: {  	v48 =	vadd.s32 s0, v14  }
0x59a: {  	vm11 =	vle.s32 v48, v12  }
0x59b: {  	vm12 =	vlt.s32 v13, v11;
	vm0 =	vmand vm10, vm11  }
0x59c: {  	(v2sf) =	vpush v14, $0xF;
	vm0 =	vmor vm12, vm0  }
0x59d: {  	v49 =	vsel vm0, $0x1, v1  }
0x59e: {  	[tilespmem:s23+$0xFFFFFFE0] =	vst v49  }
0x59f: {  	v13 =	vld [tilespmem:s19+$0xFFFFFFF0];
	_ =	sdelay $0x4  }
0x5a0: {  	vm13 =	veq.s32 v13, v11  }
0x5a1: {  	v50 =	vsel vm13, $0x1, v1  }
0x5a2: {  	(xrf0) =	vadd.scan.msk.s32 $0xffff, v50;
	_ =	sdelay $0x4  }
0x5a3: {  	s25 =	spop (v2sf)  }
0x5a4: {  	s0 =	sadd.s32 s0, s25;
	v14, _, _ =	vpop (xrf0)  }
0x5a5: {  	v51 =	vadd.s32 s0, v14  }
0x5a6: {  	vm14 =	vle.s32 v51, v12  }
0x5a7: {  	vm15 =	vlt.s32 v13, v11;
	vm0 =	vmand vm13, vm14  }
0x5a8: {  	(v2sf) =	vpush v14, $0xF;
	vm0 =	vmor vm15, vm0  }
0x5a9: {  	v52 =	vsel vm0, $0x1, v1  }
0x5aa: {  	[tilespmem:s23+$0xFFFFFFF0] =	vst v52  }
0x5ab: {  	v13 =	vld [tilespmem:s19+$0x0];
	_ =	sdelay $0x4  }
0x5ac: {  	vm4 =	veq.s32 v13, v11  }
0x5ad: {  	v53 =	vsel vm4, $0x1, v1  }
0x5ae: {  	(xrf0) =	vadd.scan.msk.s32 $0xffff, v53;
	_ =	sdelay $0x4  }
0x5af: {  	s26 =	spop (v2sf)  }
0x5b0: {  	s0 =	sadd.s32 s0, s26;
	v14, _, _ =	vpop (xrf0)  }
0x5b1: {  	v54 =	vadd.s32 s0, v14  }
0x5b2: {  	vm5 =	vle.s32 v54, v12  }
0x5b3: {  	vm6 =	vlt.s32 v13, v11;
	vm0 =	vmand vm4, vm5  }
0x5b4: {  	(v2sf) =	vpush v14, $0xF;
	vm0 =	vmor vm6, vm0  }
0x5b5: {  	v55 =	vsel vm0, $0x1, v1  }
0x5b6: {  	[tilespmem:s23+$0x0] =	vst v55  }
0x5b7: {  	v13 =	vld [tilespmem:s19+$0x10];
	_ =	sdelay $0x4  }
0x5b8: {  	vm7 =	veq.s32 v13, v11  }
0x5b9: {  	v56 =	vsel vm7, $0x1, v1  }
0x5ba: {  	(xrf0) =	vadd.scan.msk.s32 $0xffff, v56;
	_ =	sdelay $0x4  }
0x5bb: {  	s28 =	spop (v2sf)  }
0x5bc: {  	s0 =	sadd.s32 s0, s28;
	v14, _, _ =	vpop (xrf0)  }
0x5bd: {  	v57 =	vadd.s32 s0, v14  }
0x5be: {  	vm8 =	vle.s32 v57, v12  }
0x5bf: {  	vm9 =	vlt.s32 v13, v11;
	vm0 =	vmand vm7, vm8  }
0x5c0: {  	(v2sf) =	vpush v14, $0xF;
	vm0 =	vmor vm9, vm0  }
0x5c1: {  	v58 =	vsel vm0, $0x1, v1  }
0x5c2: {  	[tilespmem:s23+$0x10] =	vst v58  }
0x5c3: {  	v13 =	vld [tilespmem:s19+$0x20];
	_ =	sdelay $0x4  }
0x5c4: {  	vm10 =	veq.s32 v13, v11  }
0x5c5: {  	v59 =	vsel vm10, $0x1, v1  }
0x5c6: {  	(xrf0) =	vadd.scan.msk.s32 $0xffff, v59;
	_ =	sdelay $0x4  }
0x5c7: {  	s29 =	spop (v2sf)  }
0x5c8: {  	s0 =	sadd.s32 s0, s29;
	v14, _, _ =	vpop (xrf0)  }
0x5c9: {  	v60 =	vadd.s32 s0, v14  }
0x5ca: {  	vm11 =	vle.s32 v60, v12  }
0x5cb: {  	vm12 =	vlt.s32 v13, v11;
	vm0 =	vmand vm10, vm11  }
0x5cc: {  	vm0 =	vmor vm12, vm0  }
0x5cd: {  	v61 =	vsel vm0, $0x1, v1  }
0x5ce: {  	[tilespmem:s23+$0x20] =	vst v61  }
0x5cf: {  	v13 =	vld [tilespmem:s19+$0x30];
	_ =	sdelay $0x4  }
0x5d0: {  	vm13 =	veq.s32 v13, v11  }
0x5d1: {  	v62 =	vsel vm13, $0x1, v1  }
0x5d2: {  	(v2sf) =	vpush v14, $0xF;
	(xrf0) =	vadd.scan.msk.s32 $0xffff, v62;
	_ =	sdelay $0x5  }
0x5d3: {  	v63, _, _ =	vpop (xrf0)  }
0x5d4: {  	(v2sf) =	vpush v63, $0xF;
	_ =	sdelay $0x7  }
0x5d5: {  	s30 =	spop (v2sf)  }
0x5d6: {  	s0 =	sadd.s32 s0, s30  }
0x5d7: {  	v14 =	vadd.s32 s0, v63  }
0x5d8: {  	vm14 =	vle.s32 v14, v12  }
0x5d9: {  	vm15 =	vlt.s32 v13, v11;
	vm0 =	vmand vm13, vm14  }
0x5da: {  	vm0 =	vmor vm15, vm0  }
0x5db: {  	v11 =	vsel vm0, $0x1, v1  }
0x5dc: {  	[tilespmem:s23+$0x30] =	vst v11;
	s31 =	spop (v2sf)  }
.LBB2_27:
0x5dd: {  	p3 =	sne.s32 s15, $0x0  }
0x5de: {  	s0 =	sshll.u32 @!p3 s14, $0xA;
	s2 =	simm.s32 @!p3 $0x0  }
.Ltmp15:
0x5df: {  	s3 =	simm.s32 @!p3 $0xE000;
	s0 =	sadd.s32 @!p3 s5, s0;
	(pc) =	sbr.rel @p1 .LBB2_29-.Ltmp15, $4  }
0x5e0: {  	[hbm4b:s0+s2] =	stream.linear.scatter @!p3 [tilespmem:s3], [sflag:$0x2], $0x2000, $0x38;
	[tilespmem:$0x13000] =	vst v63  }
0x5e1: {  	s0 =	sshll.u32 @p2 s14, $0xA  }
0x5e2: {  	s2 =	simm.s32 @p2 $0x0;
	s3 =	simm.s32 @p2 $0x10000;
	s0 =	sadd.s32 @p2 s5, s0  }
0x5e3: {  	[hbm4b:s0+s2] =	stream.linear.scatter @p2 [tilespmem:s3], [sflag:$0x3], $0x2000, $0x38;
	[tilespmem:$0x13000] =	vst v63  }
.Ltmp16:
0x5e4: {  	(pc) =	sbr.rel .LBB2_4-.Ltmp16, $4  }
0x5e5: {  	_ = 	snop  }
0x5e6: {  	_ =	swait.ge [sflag:s1], $0x6000  }
0x5e7: {  	[sflag:s1] =	ssyncset.done $0x0  }
0x5e8: {  	s13 =	sadd.s32 $0x1, s13;
	p0 =	por !p0, !p0;
	[sflag:s1] =	ssyncadd.s32 $0xFFFFA000  }
.LBB2_30:
0x5e9: {  	_ =	sfence.sel $0x180000  }
0x5ea: {  	[bflag:$0x0] =	sbarrier.arrive $0xFFFF  }
0x5eb: {  	_ =	strace $0x90000047  }
0x5ec: {  	s0 =	stileid.u32;
	[bflag:$0x2] =	sbarrier.arrive $0xFFFF  }
0x5ed: {  	p0 =	sne.s32 s0, $0x0;
	s0 =	rddreg [dreg:$0x1]  }
0x5ee: {  	s0 =	sadd.s32 @!p0 $0x100000, s0  }
0x5ef: {  	[sflag:s0] =	ssyncadd.tile.s32 @!p0 $0x1;
	_ =	shalt  }
.Lfunc_end2:
_tile_overlayer_lowered:
.L_overlay_start_2:
0x5f0: {  	(tag) =	ssettag $0x2  }
0x5f1: {  	s0 =	rddreg [dreg:$0x0];
	s2 =	stileid.u32  }
0x5f2: {  	s1 =	rddreg [dreg:$0x1];
	p0 =	sne.s32 s2, $0x0  }
0x5f3: {  	s3 =	rddreg [dreg:$0x2];
	[bflag:$0x3] =	sbarrier.arrive $0xFFFF;
	s2 =	simm.s32 @!p0 $0x1C04  }
0x5f4: {  	[timem:s3], [sflag:s2] =	dma.local @!p0 [hbm:s0], s1  }
0x5f5: {  	s0 =	simm.s32 @!p0 $0x4  }
0x5f6: {  	_ =	swait.ge @!p0 [sflag:s0], s1  }
0x5f7: {  	s1 =	ssub.s32 @!p0 $0x0, s1;
	[sflag:s0] =	ssyncset.done @!p0 $0x0  }
0x5f8: {  	[sflag:s0] =	ssyncadd.s32 @!p0 s1  }
0x5f9: {  	[bflag:$0x3] =	sbarrier.arrive $0xFFFF  }
0x5fa: {  	_ =	shalt  }

</sc_bundles>
